<compile_context>
chip_gen: v7x
topology: tpu7x:2x2x1
jax: 0.10.2.dev20260603
libtpu: 0.0.44.dev20260713+nightly
codegen_flags: <defaults>
</compile_context>

<pallas_src>
import functools

import jax
import jax.numpy as jnp
from jax import lax
from jax.experimental import pallas as pl
from jax.experimental.pallas import tpu as pltpu
from jax.experimental.pallas import tpu_sc as plsc

_N = 100000
_HIDDEN = 128
_NC = 2
_NS = 16
_NW = _NC * _NS
_CHUNK = 128
_BIG = 3128
_SMALL = 3120
_N_BIG = 20
_N_FULL = 24
_TAIL_BIG = _BIG - _N_FULL * _CHUNK
_TAIL_SMALL = _SMALL - _N_FULL * _CHUNK
_PBUF = 3
_REP = 8
_IDXBUF = 3136


def _pipeline(table_hbm, out_hbm, idx_v, rows, tailbuf, gsems, wsems, tsems, base, tail):
    n_pairs = _N_FULL // 2
    ga = [None] * _PBUF
    gb = [None] * _PBUF
    wc = [None] * _PBUF
    gt = pltpu.async_copy(
        table_hbm.at[idx_v.at[pl.ds(_N_FULL * _CHUNK, tail)]],
        tailbuf.at[pl.ds(0, tail)],
        tsems[0],
    )
    for p in range(n_pairs + _PBUF - 1):
        if p < n_pairs:
            b = p % _PBUF
            if p >= _PBUF:
                wc[b].wait()
            ga[b] = pltpu.async_copy(
                table_hbm.at[idx_v.at[pl.ds(2 * p * _CHUNK, _CHUNK)]],
                rows[b].at[pl.ds(0, _CHUNK)],
                gsems[b],
            )
            gb[b] = pltpu.async_copy(
                table_hbm.at[idx_v.at[pl.ds((2 * p + 1) * _CHUNK, _CHUNK)]],
                rows[b].at[pl.ds(_CHUNK, _CHUNK)],
                gsems[b],
            )
        q = p - (_PBUF - 1)
        if 0 <= q < n_pairs:
            b = q % _PBUF
            ga[b].wait()
            gb[b].wait()
            wc[b] = pltpu.async_copy(
                rows[b],
                out_hbm.at[pl.ds(base + q * 2 * _CHUNK, 2 * _CHUNK)],
                wsems[b],
            )
            if q == 0:
                gt.wait()
                wt = pltpu.async_copy(
                    tailbuf.at[pl.ds(0, tail)],
                    out_hbm.at[pl.ds(base + _N_FULL * _CHUNK, tail)],
                    tsems[1],
                )
    for q in range(max(0, n_pairs - _PBUF), n_pairs):
        wc[q % _PBUF].wait()
    wt.wait()


def _body(idx_hbm, table_hbm, out_hbm, idx_v, *bufs):
    rows = bufs[:_PBUF]
    tailbuf = bufs[_PBUF]
    gsems = bufs[_PBUF + 1 : 2 * _PBUF + 1]
    wsems = bufs[2 * _PBUF + 1 : 3 * _PBUF + 1]
    tsems = bufs[3 * _PBUF + 1 :]
    wid = lax.axis_index("s") * _NC + lax.axis_index("c")
    is_big = wid < _N_BIG
    base = jnp.where(is_big, wid * _BIG, _N_BIG * _BIG + (wid - _N_BIG) * _SMALL)
    base = pl.multiple_of(base, 8)

    @pl.when(is_big)
    def _():
        pltpu.sync_copy(idx_hbm.at[pl.ds(base, _BIG)], idx_v.at[pl.ds(0, _BIG)])

    @pl.when(jnp.logical_not(is_big))
    def _():
        pltpu.sync_copy(idx_hbm.at[pl.ds(base, _SMALL)], idx_v.at[pl.ds(0, _SMALL)])

    off = jnp.arange(16, dtype=jnp.int32) % _REP * 21 + wid * (_REP * 21)
    for s in range(_IDXBUF // 16):
        sl = pl.ds(s * 16, 16)
        idx_v[sl] = idx_v[sl] + off

    @pl.when(is_big)
    def _():
        _pipeline(
            table_hbm, out_hbm, idx_v, rows, tailbuf, gsems, wsems, tsems,
            base, _TAIL_BIG,
        )

    @pl.when(jnp.logical_not(is_big))
    def _():
        _pipeline(
            table_hbm, out_hbm, idx_v, rows, tailbuf, gsems, wsems, tsems,
            base, _TAIL_SMALL,
        )


@jax.jit
def _lookup(idx, table):
    mesh = plsc.VectorSubcoreMesh(
        core_axis_name="c", subcore_axis_name="s", num_cores=_NC, num_subcores=_NS
    )
    run = functools.partial(
        pl.kernel,
        out_type=jax.ShapeDtypeStruct((_N, _HIDDEN), jnp.float32),
        mesh=mesh,
        scratch_types=(
            [pltpu.VMEM((_IDXBUF,), jnp.int32)]
            + [pltpu.VMEM((2 * _CHUNK, _HIDDEN), jnp.float32)] * _PBUF
            + [pltpu.VMEM((_CHUNK, _HIDDEN), jnp.float32)]
            + [pltpu.SemaphoreType.DMA] * (2 * _PBUF + 2)
        ),
    )(_body)
    return run(idx, table)


def kernel(x, emb_weight):
    table_rep = jnp.tile(emb_weight.astype(jnp.float32), (_NW * _REP, 1))
    return _lookup(x.astype(jnp.int32), table_rep)

# --- scband reference (transcript-rebuilt; emitter-appended) ---
"""Pipeline reference for scband-zincatom-encoder-12386685681742 (READ-ONLY COPY).

The authoritative reference and input builder live on the scoring server;
editing this copy changes nothing except your own understanding.
"""

import jax, jax.numpy as jnp
import numpy as np

NUM_EMB = 21
HIDDEN = 128
N = 100000

def setup_inputs(seed: int = 0) -> dict:
    key = jax.random.key(seed)
    k_idx, k_emb = jax.random.split(key)
    x = jax.random.randint(k_idx, (N,), 0, NUM_EMB, dtype=jnp.int64) if jax.config.jax_enable_x64 else jax.random.randint(k_idx, (N,), 0, NUM_EMB, dtype=jnp.int32)
    # xavier_uniform init: limit = sqrt(6 / (fan_in + fan_out))
    limit = float(np.sqrt(6.0 / (NUM_EMB + HIDDEN)))
    emb_weight = jax.random.uniform(k_emb, (NUM_EMB, HIDDEN), minval=-limit, maxval=limit, dtype=jnp.float32)
    return {"x": x, "emb_weight": emb_weight}

def reference(x, emb_weight):
    # embedding lookup: out[i] = emb_weight[x[i]]
    return jnp.take(emb_weight, x, axis=0)

if __name__ == "__main__":
    import jax
    _d = setup_inputs()
    print(jax.jit(kernel)(*tuple(_d.values())))

</pallas_src>

<mosaic_0001>
#map = affine_map<(d0, d1) -> (0)>
#map1 = affine_map<(d0, d1) -> (0, 0)>
module attributes {stable_mosaic.version = 14 : i64} {
  func.func @_body(%arg0: i32, %arg1: i32, %arg2: memref<100000xi32, #tpu.memory_space<hbm>>, %arg3: memref<5376x128xf32, #tpu.memory_space<hbm>>, %arg4: memref<100000x128xf32, #tpu.memory_space<hbm>>, %arg5: memref<3136xi32, #tpu.memory_space<vmem>>, %arg6: memref<256x128xf32, #tpu.memory_space<vmem>>, %arg7: memref<256x128xf32, #tpu.memory_space<vmem>>, %arg8: memref<256x128xf32, #tpu.memory_space<vmem>>, %arg9: memref<128x128xf32, #tpu.memory_space<vmem>>, %arg10: memref<!tpu.dma_semaphore, #tpu.memory_space<semaphore_mem>>, %arg11: memref<!tpu.dma_semaphore, #tpu.memory_space<semaphore_mem>>, %arg12: memref<!tpu.dma_semaphore, #tpu.memory_space<semaphore_mem>>, %arg13: memref<!tpu.dma_semaphore, #tpu.memory_space<semaphore_mem>>, %arg14: memref<!tpu.dma_semaphore, #tpu.memory_space<semaphore_mem>>, %arg15: memref<!tpu.dma_semaphore, #tpu.memory_space<semaphore_mem>>, %arg16: memref<!tpu.dma_semaphore, #tpu.memory_space<semaphore_mem>>, %arg17: memref<!tpu.dma_semaphore, #tpu.memory_space<semaphore_mem>>) attributes {dimension_semantics = [#tpu.dimension_semantics<core_parallel>, #tpu.dimension_semantics<subcore_parallel>], iteration_bounds = array<i64: 2, 16>, scalar_prefetch = 0 : i64, scratch_operands = 13 : i64, tpu.core_type = #tpu.core_type<sc_vector_subcore>, window_params = [{transform_indices = #map}, {transform_indices = #map1}, {transform_indices = #map1}]} {
    %mul3A = arith.constant 2 : i32
    %mul3A_0 = arith.muli %arg1, %mul3A : i32
    %add3A = arith.addi %mul3A_0, %arg0 : i32
    %lt3A = arith.constant 20 : i32
    %lt3A_1 = arith.cmpi slt, %add3A, %lt3A : i32
    %mul3A_2 = arith.constant 3128 : i32
    %mul3A_3 = arith.muli %add3A, %mul3A_2 : i32
    %sub3A = arith.constant 20 : i32
    %sub3A_4 = arith.subi %add3A, %sub3A : i32
    %mul3A_5 = arith.constant 3120 : i32
    %mul3A_6 = arith.muli %sub3A_4, %mul3A_5 : i32
    %add3A_7 = arith.constant 62560 : i32
    %add3A_8 = arith.addi %add3A_7, %mul3A_6 : i32
    %select_n3A = arith.select %lt3A_1, %mul3A_3, %add3A_8 : i32
    %multiple_of3A = tpu.assume_multiple %select_n3A, 8 : i32
    %convert_element_type3A = arith.extui %lt3A_1 : i1 to i32
    %cond3A = arith.constant 0 : i32
    %cond3A_9 = arith.cmpi ne, %convert_element_type3A, %cond3A : i32
    scf.if %cond3A_9 {
      "tpu.region"() ({
        %run_scoped3A = tpu.sem_alloc : memref<!tpu.dma_semaphore, #tpu.memory_space<semaphore_mem>>
        %dma_start3A = arith.constant 0 : i32
        %dma_start3A_1612 = tpu.memref_slice %arg5[%dma_start3A] : memref<3136xi32, #tpu.memory_space<vmem>> -> memref<3128xi32, #tpu.memory_space<vmem>>
        %dma_start3A_1613 = tpu.memref_slice %arg2[%multiple_of3A] : memref<100000xi32, #tpu.memory_space<hbm>> -> memref<3128xi32, #tpu.memory_space<hbm>>
        %dma_start3A_1614 = arith.constant 0 : i32
        %dma_start3A_1615 = tpu.memref_slice %arg5[%dma_start3A_1614] : memref<3136xi32, #tpu.memory_space<vmem>> -> memref<3128xi32, #tpu.memory_space<vmem>>
        %dma_start3A_1616 = tpu.memref_slice %arg2[%multiple_of3A] : memref<100000xi32, #tpu.memory_space<hbm>> -> memref<3128xi32, #tpu.memory_space<hbm>>
        tpu.enqueue_dma source(%dma_start3A_1616 : memref<3128xi32, #tpu.memory_space<hbm>>) target(%dma_start3A_1615 : memref<3128xi32, #tpu.memory_space<vmem>>) target_semaphore(%run_scoped3A : memref<!tpu.dma_semaphore, #tpu.memory_space<semaphore_mem>>)
        %dma_wait3A = arith.constant 0 : i32
        %dma_wait3A_1617 = tpu.memref_slice %arg5[%dma_wait3A] : memref<3136xi32, #tpu.memory_space<vmem>> -> memref<3128xi32, #tpu.memory_space<vmem>>
        %dma_wait3A_1618 = tpu.memref_slice %arg2[%multiple_of3A] : memref<100000xi32, #tpu.memory_space<hbm>> -> memref<3128xi32, #tpu.memory_space<hbm>>
        %dma_wait3A_1619 = arith.constant 0 : i32
        %dma_wait3A_1620 = tpu.memref_slice %arg5[%dma_wait3A_1619] : memref<3136xi32, #tpu.memory_space<vmem>> -> memref<3128xi32, #tpu.memory_space<vmem>>
        %dma_wait3A_1621 = tpu.memref_slice %arg2[%multiple_of3A] : memref<100000xi32, #tpu.memory_space<hbm>> -> memref<3128xi32, #tpu.memory_space<hbm>>
        tpu.wait_dma2 semaphore(%run_scoped3A : memref<!tpu.dma_semaphore, #tpu.memory_space<semaphore_mem>>) src(%dma_wait3A_1621 : memref<3128xi32, #tpu.memory_space<hbm>>) dst(%dma_wait3A_1620 : memref<3128xi32, #tpu.memory_space<vmem>>)
        tpu.yield
      }) : () -> ()
    } else {
    }
    %not3A = arith.constant true
    %not3A_10 = arith.xori %lt3A_1, %not3A : i1
    %convert_element_type3A_11 = arith.extui %not3A_10 : i1 to i32
    %cond3A_12 = arith.constant 0 : i32
    %cond3A_13 = arith.cmpi ne, %convert_element_type3A_11, %cond3A_12 : i32
    scf.if %cond3A_13 {
      "tpu.region"() ({
        %run_scoped3A = tpu.sem_alloc : memref<!tpu.dma_semaphore, #tpu.memory_space<semaphore_mem>>
        %dma_start3A = arith.constant 0 : i32
        %dma_start3A_1612 = tpu.memref_slice %arg5[%dma_start3A] : memref<3136xi32, #tpu.memory_space<vmem>> -> memref<3120xi32, #tpu.memory_space<vmem>>
        %dma_start3A_1613 = tpu.memref_slice %arg2[%multiple_of3A] : memref<100000xi32, #tpu.memory_space<hbm>> -> memref<3120xi32, #tpu.memory_space<hbm>>
        %dma_start3A_1614 = arith.constant 0 : i32
        %dma_start3A_1615 = tpu.memref_slice %arg5[%dma_start3A_1614] : memref<3136xi32, #tpu.memory_space<vmem>> -> memref<3120xi32, #tpu.memory_space<vmem>>
        %dma_start3A_1616 = tpu.memref_slice %arg2[%multiple_of3A] : memref<100000xi32, #tpu.memory_space<hbm>> -> memref<3120xi32, #tpu.memory_space<hbm>>
        tpu.enqueue_dma source(%dma_start3A_1616 : memref<3120xi32, #tpu.memory_space<hbm>>) target(%dma_start3A_1615 : memref<3120xi32, #tpu.memory_space<vmem>>) target_semaphore(%run_scoped3A : memref<!tpu.dma_semaphore, #tpu.memory_space<semaphore_mem>>)
        %dma_wait3A = arith.constant 0 : i32
        %dma_wait3A_1617 = tpu.memref_slice %arg5[%dma_wait3A] : memref<3136xi32, #tpu.memory_space<vmem>> -> memref<3120xi32, #tpu.memory_space<vmem>>
        %dma_wait3A_1618 = tpu.memref_slice %arg2[%multiple_of3A] : memref<100000xi32, #tpu.memory_space<hbm>> -> memref<3120xi32, #tpu.memory_space<hbm>>
        %dma_wait3A_1619 = arith.constant 0 : i32
        %dma_wait3A_1620 = tpu.memref_slice %arg5[%dma_wait3A_1619] : memref<3136xi32, #tpu.memory_space<vmem>> -> memref<3120xi32, #tpu.memory_space<vmem>>
        %dma_wait3A_1621 = tpu.memref_slice %arg2[%multiple_of3A] : memref<100000xi32, #tpu.memory_space<hbm>> -> memref<3120xi32, #tpu.memory_space<hbm>>
        tpu.wait_dma2 semaphore(%run_scoped3A : memref<!tpu.dma_semaphore, #tpu.memory_space<semaphore_mem>>) src(%dma_wait3A_1621 : memref<3120xi32, #tpu.memory_space<hbm>>) dst(%dma_wait3A_1620 : memref<3120xi32, #tpu.memory_space<vmem>>)
        tpu.yield
      }) : () -> ()
    } else {
    }
    %iota3A = tpu.iota {dimensions = array<i32: 0>} : vector<16xi32>
    %jit3A = arith.constant 8 : i32
    %eq3A = arith.constant 0 : i32
    %eq3A_14 = arith.cmpi eq, %jit3A, %eq3A : i32
    %jit3A_15 = arith.constant 1 : i32
    %select_n3A_16 = arith.select %eq3A_14, %jit3A_15, %jit3A : i32
    %rem3A = vector.broadcast %select_n3A_16 : i32 to vector<16xi32>
    %rem3A_17 = arith.remsi %iota3A, %rem3A : vector<16xi32>
    %ne3A = arith.constant 0 : i32
    %ne3A_18 = vector.broadcast %ne3A : i32 to vector<16xi32>
    %ne3A_19 = arith.cmpi ne, %rem3A_17, %ne3A_18 : vector<16xi32>
    %lt3A_20 = arith.constant 0 : i32
    %lt3A_21 = vector.broadcast %lt3A_20 : i32 to vector<16xi32>
    %lt3A_22 = arith.cmpi slt, %rem3A_17, %lt3A_21 : vector<16xi32>
    %lt3A_23 = arith.constant 0 : i32
    %lt3A_24 = arith.cmpi slt, %select_n3A_16, %lt3A_23 : i32
    %ne3A_25 = vector.broadcast %lt3A_24 : i1 to vector<16xi1>
    %ne3A_26 = vector.broadcast %ne3A_25 : vector<16xi1> to vector<16xi1>
    %ne3A_27 = arith.xori %lt3A_22, %ne3A_26 : vector<16xi1>
    %and3A = arith.andi %ne3A_27, %ne3A_19 : vector<16xi1>
    %add3A_28 = vector.broadcast %select_n3A_16 : i32 to vector<16xi32>
    %add3A_29 = arith.addi %rem3A_17, %add3A_28 : vector<16xi32>
    %select_n3A_30 = arith.select %and3A, %add3A_29, %rem3A_17 : vector<16xi1>, vector<16xi32>
    %mul3A_31 = arith.constant 21 : i32
    %mul3A_32 = vector.broadcast %mul3A_31 : i32 to vector<16xi32>
    %mul3A_33 = arith.muli %select_n3A_30, %mul3A_32 : vector<16xi32>
    %mul3A_34 = arith.constant 168 : i32
    %mul3A_35 = arith.muli %add3A, %mul3A_34 : i32
    %add3A_36 = vector.broadcast %mul3A_35 : i32 to vector<16xi32>
    %add3A_37 = arith.addi %mul3A_33, %add3A_36 : vector<16xi32>
    %get3A = arith.constant 0 : index
    %get3A_38 = tpu.vector_load %arg5[%get3A] {strides = array<i32>} : memref<3136xi32, #tpu.memory_space<vmem>>, vector<16xi32>,
    %get3A_39 = vector.shape_cast %get3A_38 : vector<16xi32> to vector<16xi32>
    %add3A_40 = arith.addi %get3A_39, %add3A_37 : vector<16xi32>
    %swap3A = arith.constant 0 : index
    %swap3A_41 = tpu.vector_load %arg5[%swap3A] {strides = array<i32>} : memref<3136xi32, #tpu.memory_space<vmem>>, vector<16xi32>,
    %swap3A_42 = vector.shape_cast %swap3A_41 : vector<16xi32> to vector<16xi32>
    %swap3A_43 = vector.shape_cast %add3A_40 : vector<16xi32> to vector<16xi32>
    tpu.vector_store %arg5[%swap3A], %swap3A_43 {strides = array<i32>} : memref<3136xi32, #tpu.memory_space<vmem>>, vector<16xi32>,
    %get3A_44 = arith.constant 16 : index
    %get3A_45 = tpu.vector_load %arg5[%get3A_44] {strides = array<i32>} : memref<3136xi32, #tpu.memory_space<vmem>>, vector<16xi32>,
    %get3A_46 = vector.shape_cast %get3A_45 : vector<16xi32> to vector<16xi32>
    %add3A_47 = arith.addi %get3A_46, %add3A_37 : vector<16xi32>
    %swap3A_48 = arith.constant 16 : index
    %swap3A_49 = tpu.vector_load %arg5[%swap3A_48] {strides = array<i32>} : memref<3136xi32, #tpu.memory_space<vmem>>, vector<16xi32>,
    %swap3A_50 = vector.shape_cast %swap3A_49 : vector<16xi32> to vector<16xi32>
    %swap3A_51 = vector.shape_cast %add3A_47 : vector<16xi32> to vector<16xi32>
    tpu.vector_store %arg5[%swap3A_48], %swap3A_51 {strides = array<i32>} : memref<3136xi32, #tpu.memory_space<vmem>>, vector<16xi32>,
    %get3A_52 = arith.constant 32 : index
    %get3A_53 = tpu.vector_load %arg5[%get3A_52] {strides = array<i32>} : memref<3136xi32, #tpu.memory_space<vmem>>, vector<16xi32>,
    %get3A_54 = vector.shape_cast %get3A_53 : vector<16xi32> to vector<16xi32>
    %add3A_55 = arith.addi %get3A_54, %add3A_37 : vector<16xi32>
    %swap3A_56 = arith.constant 32 : index
    %swap3A_57 = tpu.vector_load %arg5[%swap3A_56] {strides = array<i32>} : memref<3136xi32, #tpu.memory_space<vmem>>, vector<16xi32>,
    %swap3A_58 = vector.shape_cast %swap3A_57 : vector<16xi32> to vector<16xi32>
    %swap3A_59 = vector.shape_cast %add3A_55 : vector<16xi32> to vector<16xi32>
    tpu.vector_store %arg5[%swap3A_56], %swap3A_59 {strides = array<i32>} : memref<3136xi32, #tpu.memory_space<vmem>>, vector<16xi32>,
    %get3A_60 = arith.constant 48 : index
    %get3A_61 = tpu.vector_load %arg5[%get3A_60] {strides = array<i32>} : memref<3136xi32, #tpu.memory_space<vmem>>, vector<16xi32>,
    %get3A_62 = vector.shape_cast %get3A_61 : vector<16xi32> to vector<16xi32>
    %add3A_63 = arith.addi %get3A_62, %add3A_37 : vector<16xi32>
    %swap3A_64 = arith.constant 48 : index
    %swap3A_65 = tpu.vector_load %arg5[%swap3A_64] {strides = array<i32>} : memref<3136xi32, #tpu.memory_space<vmem>>, vector<16xi32>,
    %swap3A_66 = vector.shape_cast %swap3A_65 : vector<16xi32> to vector<16xi32>
    %swap3A_67 = vector.shape_cast %add3A_63 : vector<16xi32> to vector<16xi32>
    tpu.vector_store %arg5[%swap3A_64], %swap3A_67 {strides = array<i32>} : memref<3136xi32, #tpu.memory_space<vmem>>, vector<16xi32>,
    %get3A_68 = arith.constant 64 : index
    %get3A_69 = tpu.vector_load %arg5[%get3A_68] {strides = array<i32>} : memref<3136xi32, #tpu.memory_space<vmem>>, vector<16xi32>,
    %get3A_70 = vector.shape_cast %get3A_69 : vector<16xi32> to vector<16xi32>
    %add3A_71 = arith.addi %get3A_70, %add3A_37 : vector<16xi32>
    %swap3A_72 = arith.constant 64 : index
    %swap3A_73 = tpu.vector_load %arg5[%swap3A_72] {strides = array<i32>} : memref<3136xi32, #tpu.memory_space<vmem>>, vector<16xi32>,
    %swap3A_74 = vector.shape_cast %swap3A_73 : vector<16xi32> to vector<16xi32>
    %swap3A_75 = vector.shape_cast %add3A_71 : vector<16xi32> to vector<16xi32>
    tpu.vector_store %arg5[%swap3A_72], %swap3A_75 {strides = array<i32>} : memref<3136xi32, #tpu.memory_space<vmem>>, vector<16xi32>,
    %get3A_76 = arith.constant 80 : index
    %get3A_77 = tpu.vector_load %arg5[%get3A_76] {strides = array<i32>} : memref<3136xi32, #tpu.memory_space<vmem>>, vector<16xi32>,
    %get3A_78 = vector.shape_cast %get3A_77 : vector<16xi32> to vector<16xi32>
    %add3A_79 = arith.addi %get3A_78, %add3A_37 : vector<16xi32>
    %swap3A_80 = arith.constant 80 : index
    %swap3A_81 = tpu.vector_load %arg5[%swap3A_80] {strides = array<i32>} : memref<3136xi32, #tpu.memory_space<vmem>>, vector<16xi32>,
    %swap3A_82 = vector.shape_cast %swap3A_81 : vector<16xi32> to vector<16xi32>
    %swap3A_83 = vector.shape_cast %add3A_79 : vector<16xi32> to vector<16xi32>
    tpu.vector_store %arg5[%swap3A_80], %swap3A_83 {strides = array<i32>} : memref<3136xi32, #tpu.memory_space<vmem>>, vector<16xi32>,
    %get3A_84 = arith.constant 96 : index
    %get3A_85 = tpu.vector_load %arg5[%get3A_84] {strides = array<i32>} : memref<3136xi32, #tpu.memory_space<vmem>>, vector<16xi32>,
    %get3A_86 = vector.shape_cast %get3A_85 : vector<16xi32> to vector<16xi32>
    %add3A_87 = arith.addi %get3A_86, %add3A_37 : vector<16xi32>
    %swap3A_88 = arith.constant 96 : index
    %swap3A_89 = tpu.vector_load %arg5[%swap3A_88] {strides = array<i32>} : memref<3136xi32, #tpu.memory_space<vmem>>, vector<16xi32>,
    %swap3A_90 = vector.shape_cast %swap3A_89 : vector<16xi32> to vector<16xi32>
    %swap3A_91 = vector.shape_cast %add3A_87 : vector<16xi32> to vector<16xi32>
    tpu.vector_store %arg5[%swap3A_88], %swap3A_91 {strides = array<i32>} : memref<3136xi32, #tpu.memory_space<vmem>>, vector<16xi32>,
    %get3A_92 = arith.constant 112 : index
    %get3A_93 = tpu.vector_load %arg5[%get3A_92] {strides = array<i32>} : memref<3136xi32, #tpu.memory_space<vmem>>, vector<16xi32>,
    %get3A_94 = vector.shape_cast %get3A_93 : vector<16xi32> to vector<16xi32>
    %add3A_95 = arith.addi %get3A_94, %add3A_37 : vector<16xi32>
    %swap3A_96 = arith.constant 112 : index
    %swap3A_97 = tpu.vector_load %arg5[%swap3A_96] {strides = array<i32>} : memref<3136xi32, #tpu.memory_space<vmem>>, vector<16xi32>,
    %swap3A_98 = vector.shape_cast %swap3A_97 : vector<16xi32> to vector<16xi32>
    %swap3A_99 = vector.shape_cast %add3A_95 : vector<16xi32> to vector<16xi32>
    tpu.vector_store %arg5[%swap3A_96], %swap3A_99 {strides = array<i32>} : memref<3136xi32, #tpu.memory_space<vmem>>, vector<16xi32>,
    %get3A_100 = arith.constant 128 : index
    %get3A_101 = tpu.vector_load %arg5[%get3A_100] {strides = array<i32>} : memref<3136xi32, #tpu.memory_space<vmem>>, vector<16xi32>,
    %get3A_102 = vector.shape_cast %get3A_101 : vector<16xi32> to vector<16xi32>
    %add3A_103 = arith.addi %get3A_102, %add3A_37 : vector<16xi32>
    %swap3A_104 = arith.constant 128 : index
    %swap3A_105 = tpu.vector_load %arg5[%swap3A_104] {strides = array<i32>} : memref<3136xi32, #tpu.memory_space<vmem>>, vector<16xi32>,
    %swap3A_106 = vector.shape_cast %swap3A_105 : vector<16xi32> to vector<16xi32>
    %swap3A_107 = vector.shape_cast %add3A_103 : vector<16xi32> to vector<16xi32>
    tpu.vector_store %arg5[%swap3A_104], %swap3A_107 {strides = array<i32>} : memref<3136xi32, #tpu.memory_space<vmem>>, vector<16xi32>,
    %get3A_108 = arith.constant 144 : index
    %get3A_109 = tpu.vector_load %arg5[%get3A_108] {strides = array<i32>} : memref<3136xi32, #tpu.memory_space<vmem>>, vector<16xi32>,
    %get3A_110 = vector.shape_cast %get3A_109 : vector<16xi32> to vector<16xi32>
    %add3A_111 = arith.addi %get3A_110, %add3A_37 : vector<16xi32>
    %swap3A_112 = arith.constant 144 : index
    %swap3A_113 = tpu.vector_load %arg5[%swap3A_112] {strides = array<i32>} : memref<3136xi32, #tpu.memory_space<vmem>>, vector<16xi32>,
    %swap3A_114 = vector.shape_cast %swap3A_113 : vector<16xi32> to vector<16xi32>
    %swap3A_115 = vector.shape_cast %add3A_111 : vector<16xi32> to vector<16xi32>
    tpu.vector_store %arg5[%swap3A_112], %swap3A_115 {strides = array<i32>} : memref<3136xi32, #tpu.memory_space<vmem>>, vector<16xi32>,
    %get3A_116 = arith.constant 160 : index
    %get3A_117 = tpu.vector_load %arg5[%get3A_116] {strides = array<i32>} : memref<3136xi32, #tpu.memory_space<vmem>>, vector<16xi32>,
    %get3A_118 = vector.shape_cast %get3A_117 : vector<16xi32> to vector<16xi32>
    %add3A_119 = arith.addi %get3A_118, %add3A_37 : vector<16xi32>
    %swap3A_120 = arith.constant 160 : index
    %swap3A_121 = tpu.vector_load %arg5[%swap3A_120] {strides = array<i32>} : memref<3136xi32, #tpu.memory_space<vmem>>, vector<16xi32>,
    %swap3A_122 = vector.shape_cast %swap3A_121 : vector<16xi32> to vector<16xi32>
    %swap3A_123 = vector.shape_cast %add3A_119 : vector<16xi32> to vector<16xi32>
    tpu.vector_store %arg5[%swap3A_120], %swap3A_123 {strides = array<i32>} : memref<3136xi32, #tpu.memory_space<vmem>>, vector<16xi32>,
    %get3A_124 = arith.constant 176 : index
    %get3A_125 = tpu.vector_load %arg5[%get3A_124] {strides = array<i32>} : memref<3136xi32, #tpu.memory_space<vmem>>, vector<16xi32>,
    %get3A_126 = vector.shape_cast %get3A_125 : vector<16xi32> to vector<16xi32>
    %add3A_127 = arith.addi %get3A_126, %add3A_37 : vector<16xi32>
    %swap3A_128 = arith.constant 176 : index
    %swap3A_129 = tpu.vector_load %arg5[%swap3A_128] {strides = array<i32>} : memref<3136xi32, #tpu.memory_space<vmem>>, vector<16xi32>,
    %swap3A_130 = vector.shape_cast %swap3A_129 : vector<16xi32> to vector<16xi32>
    %swap3A_131 = vector.shape_cast %add3A_127 : vector<16xi32> to vector<16xi32>
    tpu.vector_store %arg5[%swap3A_128], %swap3A_131 {strides = array<i32>} : memref<3136xi32, #tpu.memory_space<vmem>>, vector<16xi32>,
    %get3A_132 = arith.constant 192 : index
    %get3A_133 = tpu.vector_load %arg5[%get3A_132] {strides = array<i32>} : memref<3136xi32, #tpu.memory_space<vmem>>, vector<16xi32>,
    %get3A_134 = vector.shape_cast %get3A_133 : vector<16xi32> to vector<16xi32>
    %add3A_135 = arith.addi %get3A_134, %add3A_37 : vector<16xi32>
    %swap3A_136 = arith.constant 192 : index
    %swap3A_137 = tpu.vector_load %arg5[%swap3A_136] {strides = array<i32>} : memref<3136xi32, #tpu.memory_space<vmem>>, vector<16xi32>,
    %swap3A_138 = vector.shape_cast %swap3A_137 : vector<16xi32> to vector<16xi32>
    %swap3A_139 = vector.shape_cast %add3A_135 : vector<16xi32> to vector<16xi32>
    tpu.vector_store %arg5[%swap3A_136], %swap3A_139 {strides = array<i32>} : memref<3136xi32, #tpu.memory_space<vmem>>, vector<16xi32>,
    %get3A_140 = arith.constant 208 : index
    %get3A_141 = tpu.vector_load %arg5[%get3A_140] {strides = array<i32>} : memref<3136xi32, #tpu.memory_space<vmem>>, vector<16xi32>,
    %get3A_142 = vector.shape_cast %get3A_141 : vector<16xi32> to vector<16xi32>
    %add3A_143 = arith.addi %get3A_142, %add3A_37 : vector<16xi32>
    %swap3A_144 = arith.constant 208 : index
    %swap3A_145 = tpu.vector_load %arg5[%swap3A_144] {strides = array<i32>} : memref<3136xi32, #tpu.memory_space<vmem>>, vector<16xi32>,
    %swap3A_146 = vector.shape_cast %swap3A_145 : vector<16xi32> to vector<16xi32>
    %swap3A_147 = vector.shape_cast %add3A_143 : vector<16xi32> to vector<16xi32>
    tpu.vector_store %arg5[%swap3A_144], %swap3A_147 {strides = array<i32>} : memref<3136xi32, #tpu.memory_space<vmem>>, vector<16xi32>,
    %get3A_148 = arith.constant 224 : index
    %get3A_149 = tpu.vector_load %arg5[%get3A_148] {strides = array<i32>} : memref<3136xi32, #tpu.memory_space<vmem>>, vector<16xi32>,
    %get3A_150 = vector.shape_cast %get3A_149 : vector<16xi32> to vector<16xi32>
    %add3A_151 = arith.addi %get3A_150, %add3A_37 : vector<16xi32>
    %swap3A_152 = arith.constant 224 : index
    %swap3A_153 = tpu.vector_load %arg5[%swap3A_152] {strides = array<i32>} : memref<3136xi32, #tpu.memory_space<vmem>>, vector<16xi32>,
    %swap3A_154 = vector.shape_cast %swap3A_153 : vector<16xi32> to vector<16xi32>
    %swap3A_155 = vector.shape_cast %add3A_151 : vector<16xi32> to vector<16xi32>
    tpu.vector_store %arg5[%swap3A_152], %swap3A_155 {strides = array<i32>} : memref<3136xi32, #tpu.memory_space<vmem>>, vector<16xi32>,
    %get3A_156 = arith.constant 240 : index
    %get3A_157 = tpu.vector_load %arg5[%get3A_156] {strides = array<i32>} : memref<3136xi32, #tpu.memory_space<vmem>>, vector<16xi32>,
    %get3A_158 = vector.shape_cast %get3A_157 : vector<16xi32> to vector<16xi32>
    %add3A_159 = arith.addi %get3A_158, %add3A_37 : vector<16xi32>
    %swap3A_160 = arith.constant 240 : index
    %swap3A_161 = tpu.vector_load %arg5[%swap3A_160] {strides = array<i32>} : memref<3136xi32, #tpu.memory_space<vmem>>, vector<16xi32>,
    %swap3A_162 = vector.shape_cast %swap3A_161 : vector<16xi32> to vector<16xi32>
    %swap3A_163 = vector.shape_cast %add3A_159 : vector<16xi32> to vector<16xi32>
    tpu.vector_store %arg5[%swap3A_160], %swap3A_163 {strides = array<i32>} : memref<3136xi32, #tpu.memory_space<vmem>>, vector<16xi32>,
    %get3A_164 = arith.constant 256 : index
    %get3A_165 = tpu.vector_load %arg5[%get3A_164] {strides = array<i32>} : memref<3136xi32, #tpu.memory_space<vmem>>, vector<16xi32>,
    %get3A_166 = vector.shape_cast %get3A_165 : vector<16xi32> to vector<16xi32>
    %add3A_167 = arith.addi %get3A_166, %add3A_37 : vector<16xi32>
    %swap3A_168 = arith.constant 256 : index
    %swap3A_169 = tpu.vector_load %arg5[%swap3A_168] {strides = array<i32>} : memref<3136xi32, #tpu.memory_space<vmem>>, vector<16xi32>,
    %swap3A_170 = vector.shape_cast %swap3A_169 : vector<16xi32> to vector<16xi32>
    %swap3A_171 = vector.shape_cast %add3A_167 : vector<16xi32> to vector<16xi32>
    tpu.vector_store %arg5[%swap3A_168], %swap3A_171 {strides = array<i32>} : memref<3136xi32, #tpu.memory_space<vmem>>, vector<16xi32>,
    %get3A_172 = arith.constant 272 : index
    %get3A_173 = tpu.vector_load %arg5[%get3A_172] {strides = array<i32>} : memref<3136xi32, #tpu.memory_space<vmem>>, vector<16xi32>,
    %get3A_174 = vector.shape_cast %get3A_173 : vector<16xi32> to vector<16xi32>
    %add3A_175 = arith.addi %get3A_174, %add3A_37 : vector<16xi32>
    %swap3A_176 = arith.constant 272 : index
    %swap3A_177 = tpu.vector_load %arg5[%swap3A_176] {strides = array<i32>} : memref<3136xi32, #tpu.memory_space<vmem>>, vector<16xi32>,
    %swap3A_178 = vector.shape_cast %swap3A_177 : vector<16xi32> to vector<16xi32>
    %swap3A_179 = vector.shape_cast %add3A_175 : vector<16xi32> to vector<16xi32>
    tpu.vector_store %arg5[%swap3A_176], %swap3A_179 {strides = array<i32>} : memref<3136xi32, #tpu.memory_space<vmem>>, vector<16xi32>,
    %get3A_180 = arith.constant 288 : index
    %get3A_181 = tpu.vector_load %arg5[%get3A_180] {strides = array<i32>} : memref<3136xi32, #tpu.memory_space<vmem>>, vector<16xi32>,
    %get3A_182 = vector.shape_cast %get3A_181 : vector<16xi32> to vector<16xi32>
    %add3A_183 = arith.addi %get3A_182, %add3A_37 : vector<16xi32>
    %swap3A_184 = arith.constant 288 : index
    %swap3A_185 = tpu.vector_load %arg5[%swap3A_184] {strides = array<i32>} : memref<3136xi32, #tpu.memory_space<vmem>>, vector<16xi32>,
    %swap3A_186 = vector.shape_cast %swap3A_185 : vector<16xi32> to vector<16xi32>
    %swap3A_187 = vector.shape_cast %add3A_183 : vector<16xi32> to vector<16xi32>
    tpu.vector_store %arg5[%swap3A_184], %swap3A_187 {strides = array<i32>} : memref<3136xi32, #tpu.memory_space<vmem>>, vector<16xi32>,
    %get3A_188 = arith.constant 304 : index
    %get3A_189 = tpu.vector_load %arg5[%get3A_188] {strides = array<i32>} : memref<3136xi32, #tpu.memory_space<vmem>>, vector<16xi32>,
    %get3A_190 = vector.shape_cast %get3A_189 : vector<16xi32> to vector<16xi32>
    %add3A_191 = arith.addi %get3A_190, %add3A_37 : vector<16xi32>
    %swap3A_192 = arith.constant 304 : index
    %swap3A_193 = tpu.vector_load %arg5[%swap3A_192] {strides = array<i32>} : memref<3136xi32, #tpu.memory_space<vmem>>, vector<16xi32>,
    %swap3A_194 = vector.shape_cast %swap3A_193 : vector<16xi32> to vector<16xi32>
    %swap3A_195 = vector.shape_cast %add3A_191 : vector<16xi32> to vector<16xi32>
    tpu.vector_store %arg5[%swap3A_192], %swap3A_195 {strides = array<i32>} : memref<3136xi32, #tpu.memory_space<vmem>>, vector<16xi32>,
    %get3A_196 = arith.constant 320 : index
    %get3A_197 = tpu.vector_load %arg5[%get3A_196] {strides = array<i32>} : memref<3136xi32, #tpu.memory_space<vmem>>, vector<16xi32>,
    %get3A_198 = vector.shape_cast %get3A_197 : vector<16xi32> to vector<16xi32>
    %add3A_199 = arith.addi %get3A_198, %add3A_37 : vector<16xi32>
    %swap3A_200 = arith.constant 320 : index
    %swap3A_201 = tpu.vector_load %arg5[%swap3A_200] {strides = array<i32>} : memref<3136xi32, #tpu.memory_space<vmem>>, vector<16xi32>,
    %swap3A_202 = vector.shape_cast %swap3A_201 : vector<16xi32> to vector<16xi32>
    %swap3A_203 = vector.shape_cast %add3A_199 : vector<16xi32> to vector<16xi32>
    tpu.vector_store %arg5[%swap3A_200], %swap3A_203 {strides = array<i32>} : memref<3136xi32, #tpu.memory_space<vmem>>, vector<16xi32>,
    %get3A_204 = arith.constant 336 : index
    %get3A_205 = tpu.vector_load %arg5[%get3A_204] {strides = array<i32>} : memref<3136xi32, #tpu.memory_space<vmem>>, vector<16xi32>,
    %get3A_206 = vector.shape_cast %get3A_205 : vector<16xi32> to vector<16xi32>
    %add3A_207 = arith.addi %get3A_206, %add3A_37 : vector<16xi32>
    %swap3A_208 = arith.constant 336 : index
    %swap3A_209 = tpu.vector_load %arg5[%swap3A_208] {strides = array<i32>} : memref<3136xi32, #tpu.memory_space<vmem>>, vector<16xi32>,
    %swap3A_210 = vector.shape_cast %swap3A_209 : vector<16xi32> to vector<16xi32>
    %swap3A_211 = vector.shape_cast %add3A_207 : vector<16xi32> to vector<16xi32>
    tpu.vector_store %arg5[%swap3A_208], %swap3A_211 {strides = array<i32>} : memref<3136xi32, #tpu.memory_space<vmem>>, vector<16xi32>,
    %get3A_212 = arith.constant 352 : index
    %get3A_213 = tpu.vector_load %arg5[%get3A_212] {strides = array<i32>} : memref<3136xi32, #tpu.memory_space<vmem>>, vector<16xi32>,
    %get3A_214 = vector.shape_cast %get3A_213 : vector<16xi32> to vector<16xi32>
    %add3A_215 = arith.addi %get3A_214, %add3A_37 : vector<16xi32>
    %swap3A_216 = arith.constant 352 : index
    %swap3A_217 = tpu.vector_load %arg5[%swap3A_216] {strides = array<i32>} : memref<3136xi32, #tpu.memory_space<vmem>>, vector<16xi32>,
    %swap3A_218 = vector.shape_cast %swap3A_217 : vector<16xi32> to vector<16xi32>
    %swap3A_219 = vector.shape_cast %add3A_215 : vector<16xi32> to vector<16xi32>
    tpu.vector_store %arg5[%swap3A_216], %swap3A_219 {strides = array<i32>} : memref<3136xi32, #tpu.memory_space<vmem>>, vector<16xi32>,
    %get3A_220 = arith.constant 368 : index
    %get3A_221 = tpu.vector_load %arg5[%get3A_220] {strides = array<i32>} : memref<3136xi32, #tpu.memory_space<vmem>>, vector<16xi32>,
    %get3A_222 = vector.shape_cast %get3A_221 : vector<16xi32> to vector<16xi32>
    %add3A_223 = arith.addi %get3A_222, %add3A_37 : vector<16xi32>
    %swap3A_224 = arith.constant 368 : index
    %swap3A_225 = tpu.vector_load %arg5[%swap3A_224] {strides = array<i32>} : memref<3136xi32, #tpu.memory_space<vmem>>, vector<16xi32>,
    %swap3A_226 = vector.shape_cast %swap3A_225 : vector<16xi32> to vector<16xi32>
    %swap3A_227 = vector.shape_cast %add3A_223 : vector<16xi32> to vector<16xi32>
    tpu.vector_store %arg5[%swap3A_224], %swap3A_227 {strides = array<i32>} : memref<3136xi32, #tpu.memory_space<vmem>>, vector<16xi32>,
    %get3A_228 = arith.constant 384 : index
    %get3A_229 = tpu.vector_load %arg5[%get3A_228] {strides = array<i32>} : memref<3136xi32, #tpu.memory_space<vmem>>, vector<16xi32>,
    %get3A_230 = vector.shape_cast %get3A_229 : vector<16xi32> to vector<16xi32>
    %add3A_231 = arith.addi %get3A_230, %add3A_37 : vector<16xi32>
    %swap3A_232 = arith.constant 384 : index
    %swap3A_233 = tpu.vector_load %arg5[%swap3A_232] {strides = array<i32>} : memref<3136xi32, #tpu.memory_space<vmem>>, vector<16xi32>,
    %swap3A_234 = vector.shape_cast %swap3A_233 : vector<16xi32> to vector<16xi32>
    %swap3A_235 = vector.shape_cast %add3A_231 : vector<16xi32> to vector<16xi32>
    tpu.vector_store %arg5[%swap3A_232], %swap3A_235 {strides = array<i32>} : memref<3136xi32, #tpu.memory_space<vmem>>, vector<16xi32>,
    %get3A_236 = arith.constant 400 : index
    %get3A_237 = tpu.vector_load %arg5[%get3A_236] {strides = array<i32>} : memref<3136xi32, #tpu.memory_space<vmem>>, vector<16xi32>,
    %get3A_238 = vector.shape_cast %get3A_237 : vector<16xi32> to vector<16xi32>
    %add3A_239 = arith.addi %get3A_238, %add3A_37 : vector<16xi32>
    %swap3A_240 = arith.constant 400 : index
    %swap3A_241 = tpu.vector_load %arg5[%swap3A_240] {strides = array<i32>} : memref<3136xi32, #tpu.memory_space<vmem>>, vector<16xi32>,
    %swap3A_242 = vector.shape_cast %swap3A_241 : vector<16xi32> to vector<16xi32>
    %swap3A_243 = vector.shape_cast %add3A_239 : vector<16xi32> to vector<16xi32>
    tpu.vector_store %arg5[%swap3A_240], %swap3A_243 {strides = array<i32>} : memref<3136xi32, #tpu.memory_space<vmem>>, vector<16xi32>,
    %get3A_244 = arith.constant 416 : index
    %get3A_245 = tpu.vector_load %arg5[%get3A_244] {strides = array<i32>} : memref<3136xi32, #tpu.memory_space<vmem>>, vector<16xi32>,
    %get3A_246 = vector.shape_cast %get3A_245 : vector<16xi32> to vector<16xi32>
    %add3A_247 = arith.addi %get3A_246, %add3A_37 : vector<16xi32>
    %swap3A_248 = arith.constant 416 : index
    %swap3A_249 = tpu.vector_load %arg5[%swap3A_248] {strides = array<i32>} : memref<3136xi32, #tpu.memory_space<vmem>>, vector<16xi32>,
    %swap3A_250 = vector.shape_cast %swap3A_249 : vector<16xi32> to vector<16xi32>
    %swap3A_251 = vector.shape_cast %add3A_247 : vector<16xi32> to vector<16xi32>
    tpu.vector_store %arg5[%swap3A_248], %swap3A_251 {strides = array<i32>} : memref<3136xi32, #tpu.memory_space<vmem>>, vector<16xi32>,
    %get3A_252 = arith.constant 432 : index
    %get3A_253 = tpu.vector_load %arg5[%get3A_252] {strides = array<i32>} : memref<3136xi32, #tpu.memory_space<vmem>>, vector<16xi32>,
    %get3A_254 = vector.shape_cast %get3A_253 : vector<16xi32> to vector<16xi32>
    %add3A_255 = arith.addi %get3A_254, %add3A_37 : vector<16xi32>
    %swap3A_256 = arith.constant 432 : index
    %swap3A_257 = tpu.vector_load %arg5[%swap3A_256] {strides = array<i32>} : memref<3136xi32, #tpu.memory_space<vmem>>, vector<16xi32>,
    %swap3A_258 = vector.shape_cast %swap3A_257 : vector<16xi32> to vector<16xi32>
    %swap3A_259 = vector.shape_cast %add3A_255 : vector<16xi32> to vector<16xi32>
    tpu.vector_store %arg5[%swap3A_256], %swap3A_259 {strides = array<i32>} : memref<3136xi32, #tpu.memory_space<vmem>>, vector<16xi32>,
    %get3A_260 = arith.constant 448 : index
    %get3A_261 = tpu.vector_load %arg5[%get3A_260] {strides = array<i32>} : memref<3136xi32, #tpu.memory_space<vmem>>, vector<16xi32>,
    %get3A_262 = vector.shape_cast %get3A_261 : vector<16xi32> to vector<16xi32>
    %add3A_263 = arith.addi %get3A_262, %add3A_37 : vector<16xi32>
    %swap3A_264 = arith.constant 448 : index
    %swap3A_265 = tpu.vector_load %arg5[%swap3A_264] {strides = array<i32>} : memref<3136xi32, #tpu.memory_space<vmem>>, vector<16xi32>,
    %swap3A_266 = vector.shape_cast %swap3A_265 : vector<16xi32> to vector<16xi32>
    %swap3A_267 = vector.shape_cast %add3A_263 : vector<16xi32> to vector<16xi32>
    tpu.vector_store %arg5[%swap3A_264], %swap3A_267 {strides = array<i32>} : memref<3136xi32, #tpu.memory_space<vmem>>, vector<16xi32>,
    %get3A_268 = arith.constant 464 : index
    %get3A_269 = tpu.vector_load %arg5[%get3A_268] {strides = array<i32>} : memref<3136xi32, #tpu.memory_space<vmem>>, vector<16xi32>,
    %get3A_270 = vector.shape_cast %get3A_269 : vector<16xi32> to vector<16xi32>
    %add3A_271 = arith.addi %get3A_270, %add3A_37 : vector<16xi32>
    %swap3A_272 = arith.constant 464 : index
    %swap3A_273 = tpu.vector_load %arg5[%swap3A_272] {strides = array<i32>} : memref<3136xi32, #tpu.memory_space<vmem>>, vector<16xi32>,
    %swap3A_274 = vector.shape_cast %swap3A_273 : vector<16xi32> to vector<16xi32>
    %swap3A_275 = vector.shape_cast %add3A_271 : vector<16xi32> to vector<16xi32>
    tpu.vector_store %arg5[%swap3A_272], %swap3A_275 {strides = array<i32>} : memref<3136xi32, #tpu.memory_space<vmem>>, vector<16xi32>,
    %get3A_276 = arith.constant 480 : index
    %get3A_277 = tpu.vector_load %arg5[%get3A_276] {strides = array<i32>} : memref<3136xi32, #tpu.memory_space<vmem>>, vector<16xi32>,
    %get3A_278 = vector.shape_cast %get3A_277 : vector<16xi32> to vector<16xi32>
    %add3A_279 = arith.addi %get3A_278, %add3A_37 : vector<16xi32>
    %swap3A_280 = arith.constant 480 : index
    %swap3A_281 = tpu.vector_load %arg5[%swap3A_280] {strides = array<i32>} : memref<3136xi32, #tpu.memory_space<vmem>>, vector<16xi32>,
    %swap3A_282 = vector.shape_cast %swap3A_281 : vector<16xi32> to vector<16xi32>
    %swap3A_283 = vector.shape_cast %add3A_279 : vector<16xi32> to vector<16xi32>
    tpu.vector_store %arg5[%swap3A_280], %swap3A_283 {strides = array<i32>} : memref<3136xi32, #tpu.memory_space<vmem>>, vector<16xi32>,
    %get3A_284 = arith.constant 496 : index
    %get3A_285 = tpu.vector_load %arg5[%get3A_284] {strides = array<i32>} : memref<3136xi32, #tpu.memory_space<vmem>>, vector<16xi32>,
    %get3A_286 = vector.shape_cast %get3A_285 : vector<16xi32> to vector<16xi32>
    %add3A_287 = arith.addi %get3A_286, %add3A_37 : vector<16xi32>
    %swap3A_288 = arith.constant 496 : index
    %swap3A_289 = tpu.vector_load %arg5[%swap3A_288] {strides = array<i32>} : memref<3136xi32, #tpu.memory_space<vmem>>, vector<16xi32>,
    %swap3A_290 = vector.shape_cast %swap3A_289 : vector<16xi32> to vector<16xi32>
    %swap3A_291 = vector.shape_cast %add3A_287 : vector<16xi32> to vector<16xi32>
    tpu.vector_store %arg5[%swap3A_288], %swap3A_291 {strides = array<i32>} : memref<3136xi32, #tpu.memory_space<vmem>>, vector<16xi32>,
    %get3A_292 = arith.constant 512 : index
    %get3A_293 = tpu.vector_load %arg5[%get3A_292] {strides = array<i32>} : memref<3136xi32, #tpu.memory_space<vmem>>, vector<16xi32>,
    %get3A_294 = vector.shape_cast %get3A_293 : vector<16xi32> to vector<16xi32>
    %add3A_295 = arith.addi %get3A_294, %add3A_37 : vector<16xi32>
    %swap3A_296 = arith.constant 512 : index
    %swap3A_297 = tpu.vector_load %arg5[%swap3A_296] {strides = array<i32>} : memref<3136xi32, #tpu.memory_space<vmem>>, vector<16xi32>,
    %swap3A_298 = vector.shape_cast %swap3A_297 : vector<16xi32> to vector<16xi32>
    %swap3A_299 = vector.shape_cast %add3A_295 : vector<16xi32> to vector<16xi32>
    tpu.vector_store %arg5[%swap3A_296], %swap3A_299 {strides = array<i32>} : memref<3136xi32, #tpu.memory_space<vmem>>, vector<16xi32>,
    %get3A_300 = arith.constant 528 : index
    %get3A_301 = tpu.vector_load %arg5[%get3A_300] {strides = array<i32>} : memref<3136xi32, #tpu.memory_space<vmem>>, vector<16xi32>,
    %get3A_302 = vector.shape_cast %get3A_301 : vector<16xi32> to vector<16xi32>
    %add3A_303 = arith.addi %get3A_302, %add3A_37 : vector<16xi32>
    %swap3A_304 = arith.constant 528 : index
    %swap3A_305 = tpu.vector_load %arg5[%swap3A_304] {strides = array<i32>} : memref<3136xi32, #tpu.memory_space<vmem>>, vector<16xi32>,
    %swap3A_306 = vector.shape_cast %swap3A_305 : vector<16xi32> to vector<16xi32>
    %swap3A_307 = vector.shape_cast %add3A_303 : vector<16xi32> to vector<16xi32>
    tpu.vector_store %arg5[%swap3A_304], %swap3A_307 {strides = array<i32>} : memref<3136xi32, #tpu.memory_space<vmem>>, vector<16xi32>,
    %get3A_308 = arith.constant 544 : index
    %get3A_309 = tpu.vector_load %arg5[%get3A_308] {strides = array<i32>} : memref<3136xi32, #tpu.memory_space<vmem>>, vector<16xi32>,
    %get3A_310 = vector.shape_cast %get3A_309 : vector<16xi32> to vector<16xi32>
    %add3A_311 = arith.addi %get3A_310, %add3A_37 : vector<16xi32>
    %swap3A_312 = arith.constant 544 : index
    %swap3A_313 = tpu.vector_load %arg5[%swap3A_312] {strides = array<i32>} : memref<3136xi32, #tpu.memory_space<vmem>>, vector<16xi32>,
    %swap3A_314 = vector.shape_cast %swap3A_313 : vector<16xi32> to vector<16xi32>
    %swap3A_315 = vector.shape_cast %add3A_311 : vector<16xi32> to vector<16xi32>
    tpu.vector_store %arg5[%swap3A_312], %swap3A_315 {strides = array<i32>} : memref<3136xi32, #tpu.memory_space<vmem>>, vector<16xi32>,
    %get3A_316 = arith.constant 560 : index
    %get3A_317 = tpu.vector_load %arg5[%get3A_316] {strides = array<i32>} : memref<3136xi32, #tpu.memory_space<vmem>>, vector<16xi32>,
    %get3A_318 = vector.shape_cast %get3A_317 : vector<16xi32> to vector<16xi32>
    %add3A_319 = arith.addi %get3A_318, %add3A_37 : vector<16xi32>
    %swap3A_320 = arith.constant 560 : index
    %swap3A_321 = tpu.vector_load %arg5[%swap3A_320] {strides = array<i32>} : memref<3136xi32, #tpu.memory_space<vmem>>, vector<16xi32>,
    %swap3A_322 = vector.shape_cast %swap3A_321 : vector<16xi32> to vector<16xi32>
    %swap3A_323 = vector.shape_cast %add3A_319 : vector<16xi32> to vector<16xi32>
    tpu.vector_store %arg5[%swap3A_320], %swap3A_323 {strides = array<i32>} : memref<3136xi32, #tpu.memory_space<vmem>>, vector<16xi32>,
    %get3A_324 = arith.constant 576 : index
    %get3A_325 = tpu.vector_load %arg5[%get3A_324] {strides = array<i32>} : memref<3136xi32, #tpu.memory_space<vmem>>, vector<16xi32>,
    %get3A_326 = vector.shape_cast %get3A_325 : vector<16xi32> to vector<16xi32>
    %add3A_327 = arith.addi %get3A_326, %add3A_37 : vector<16xi32>
    %swap3A_328 = arith.constant 576 : index
    %swap3A_329 = tpu.vector_load %arg5[%swap3A_328] {strides = array<i32>} : memref<3136xi32, #tpu.memory_space<vmem>>, vector<16xi32>,
    %swap3A_330 = vector.shape_cast %swap3A_329 : vector<16xi32> to vector<16xi32>
    %swap3A_331 = vector.shape_cast %add3A_327 : vector<16xi32> to vector<16xi32>
    tpu.vector_store %arg5[%swap3A_328], %swap3A_331 {strides = array<i32>} : memref<3136xi32, #tpu.memory_space<vmem>>, vector<16xi32>,
    %get3A_332 = arith.constant 592 : index
    %get3A_333 = tpu.vector_load %arg5[%get3A_332] {strides = array<i32>} : memref<3136xi32, #tpu.memory_space<vmem>>, vector<16xi32>,
    %get3A_334 = vector.shape_cast %get3A_333 : vector<16xi32> to vector<16xi32>
    %add3A_335 = arith.addi %get3A_334, %add3A_37 : vector<16xi32>
    %swap3A_336 = arith.constant 592 : index
    %swap3A_337 = tpu.vector_load %arg5[%swap3A_336] {strides = array<i32>} : memref<3136xi32, #tpu.memory_space<vmem>>, vector<16xi32>,
    %swap3A_338 = vector.shape_cast %swap3A_337 : vector<16xi32> to vector<16xi32>
    %swap3A_339 = vector.shape_cast %add3A_335 : vector<16xi32> to vector<16xi32>
    tpu.vector_store %arg5[%swap3A_336], %swap3A_339 {strides = array<i32>} : memref<3136xi32, #tpu.memory_space<vmem>>, vector<16xi32>,
    %get3A_340 = arith.constant 608 : index
    %get3A_341 = tpu.vector_load %arg5[%get3A_340] {strides = array<i32>} : memref<3136xi32, #tpu.memory_space<vmem>>, vector<16xi32>,
    %get3A_342 = vector.shape_cast %get3A_341 : vector<16xi32> to vector<16xi32>
    %add3A_343 = arith.addi %get3A_342, %add3A_37 : vector<16xi32>
    %swap3A_344 = arith.constant 608 : index
    %swap3A_345 = tpu.vector_load %arg5[%swap3A_344] {strides = array<i32>} : memref<3136xi32, #tpu.memory_space<vmem>>, vector<16xi32>,
    %swap3A_346 = vector.shape_cast %swap3A_345 : vector<16xi32> to vector<16xi32>
    %swap3A_347 = vector.shape_cast %add3A_343 : vector<16xi32> to vector<16xi32>
    tpu.vector_store %arg5[%swap3A_344], %swap3A_347 {strides = array<i32>} : memref<3136xi32, #tpu.memory_space<vmem>>, vector<16xi32>,
    %get3A_348 = arith.constant 624 : index
    %get3A_349 = tpu.vector_load %arg5[%get3A_348] {strides = array<i32>} : memref<3136xi32, #tpu.memory_space<vmem>>, vector<16xi32>,
    %get3A_350 = vector.shape_cast %get3A_349 : vector<16xi32> to vector<16xi32>
    %add3A_351 = arith.addi %get3A_350, %add3A_37 : vector<16xi32>
    %swap3A_352 = arith.constant 624 : index
    %swap3A_353 = tpu.vector_load %arg5[%swap3A_352] {strides = array<i32>} : memref<3136xi32, #tpu.memory_space<vmem>>, vector<16xi32>,
    %swap3A_354 = vector.shape_cast %swap3A_353 : vector<16xi32> to vector<16xi32>
    %swap3A_355 = vector.shape_cast %add3A_351 : vector<16xi32> to vector<16xi32>
    tpu.vector_store %arg5[%swap3A_352], %swap3A_355 {strides = array<i32>} : memref<3136xi32, #tpu.memory_space<vmem>>, vector<16xi32>,
    %get3A_356 = arith.constant 640 : index
    %get3A_357 = tpu.vector_load %arg5[%get3A_356] {strides = array<i32>} : memref<3136xi32, #tpu.memory_space<vmem>>, vector<16xi32>,
    %get3A_358 = vector.shape_cast %get3A_357 : vector<16xi32> to vector<16xi32>
    %add3A_359 = arith.addi %get3A_358, %add3A_37 : vector<16xi32>
    %swap3A_360 = arith.constant 640 : index
    %swap3A_361 = tpu.vector_load %arg5[%swap3A_360] {strides = array<i32>} : memref<3136xi32, #tpu.memory_space<vmem>>, vector<16xi32>,
    %swap3A_362 = vector.shape_cast %swap3A_361 : vector<16xi32> to vector<16xi32>
    %swap3A_363 = vector.shape_cast %add3A_359 : vector<16xi32> to vector<16xi32>
    tpu.vector_store %arg5[%swap3A_360], %swap3A_363 {strides = array<i32>} : memref<3136xi32, #tpu.memory_space<vmem>>, vector<16xi32>,
    %get3A_364 = arith.constant 656 : index
    %get3A_365 = tpu.vector_load %arg5[%get3A_364] {strides = array<i32>} : memref<3136xi32, #tpu.memory_space<vmem>>, vector<16xi32>,
    %get3A_366 = vector.shape_cast %get3A_365 : vector<16xi32> to vector<16xi32>
    %add3A_367 = arith.addi %get3A_366, %add3A_37 : vector<16xi32>
    %swap3A_368 = arith.constant 656 : index
    %swap3A_369 = tpu.vector_load %arg5[%swap3A_368] {strides = array<i32>} : memref<3136xi32, #tpu.memory_space<vmem>>, vector<16xi32>,
    %swap3A_370 = vector.shape_cast %swap3A_369 : vector<16xi32> to vector<16xi32>
    %swap3A_371 = vector.shape_cast %add3A_367 : vector<16xi32> to vector<16xi32>
    tpu.vector_store %arg5[%swap3A_368], %swap3A_371 {strides = array<i32>} : memref<3136xi32, #tpu.memory_space<vmem>>, vector<16xi32>,
    %get3A_372 = arith.constant 672 : index
    %get3A_373 = tpu.vector_load %arg5[%get3A_372] {strides = array<i32>} : memref<3136xi32, #tpu.memory_space<vmem>>, vector<16xi32>,
    %get3A_374 = vector.shape_cast %get3A_373 : vector<16xi32> to vector<16xi32>
    %add3A_375 = arith.addi %get3A_374, %add3A_37 : vector<16xi32>
    %swap3A_376 = arith.constant 672 : index
    %swap3A_377 = tpu.vector_load %arg5[%swap3A_376] {strides = array<i32>} : memref<3136xi32, #tpu.memory_space<vmem>>, vector<16xi32>,
    %swap3A_378 = vector.shape_cast %swap3A_377 : vector<16xi32> to vector<16xi32>
    %swap3A_379 = vector.shape_cast %add3A_375 : vector<16xi32> to vector<16xi32>
    tpu.vector_store %arg5[%swap3A_376], %swap3A_379 {strides = array<i32>} : memref<3136xi32, #tpu.memory_space<vmem>>, vector<16xi32>,
    %get3A_380 = arith.constant 688 : index
    %get3A_381 = tpu.vector_load %arg5[%get3A_380] {strides = array<i32>} : memref<3136xi32, #tpu.memory_space<vmem>>, vector<16xi32>,
    %get3A_382 = vector.shape_cast %get3A_381 : vector<16xi32> to vector<16xi32>
    %add3A_383 = arith.addi %get3A_382, %add3A_37 : vector<16xi32>
    %swap3A_384 = arith.constant 688 : index
    %swap3A_385 = tpu.vector_load %arg5[%swap3A_384] {strides = array<i32>} : memref<3136xi32, #tpu.memory_space<vmem>>, vector<16xi32>,
    %swap3A_386 = vector.shape_cast %swap3A_385 : vector<16xi32> to vector<16xi32>
    %swap3A_387 = vector.shape_cast %add3A_383 : vector<16xi32> to vector<16xi32>
    tpu.vector_store %arg5[%swap3A_384], %swap3A_387 {strides = array<i32>} : memref<3136xi32, #tpu.memory_space<vmem>>, vector<16xi32>,
    %get3A_388 = arith.constant 704 : index
    %get3A_389 = tpu.vector_load %arg5[%get3A_388] {strides = array<i32>} : memref<3136xi32, #tpu.memory_space<vmem>>, vector<16xi32>,
    %get3A_390 = vector.shape_cast %get3A_389 : vector<16xi32> to vector<16xi32>
    %add3A_391 = arith.addi %get3A_390, %add3A_37 : vector<16xi32>
    %swap3A_392 = arith.constant 704 : index
    %swap3A_393 = tpu.vector_load %arg5[%swap3A_392] {strides = array<i32>} : memref<3136xi32, #tpu.memory_space<vmem>>, vector<16xi32>,
    %swap3A_394 = vector.shape_cast %swap3A_393 : vector<16xi32> to vector<16xi32>
    %swap3A_395 = vector.shape_cast %add3A_391 : vector<16xi32> to vector<16xi32>
    tpu.vector_store %arg5[%swap3A_392], %swap3A_395 {strides = array<i32>} : memref<3136xi32, #tpu.memory_space<vmem>>, vector<16xi32>,
    %get3A_396 = arith.constant 720 : index
    %get3A_397 = tpu.vector_load %arg5[%get3A_396] {strides = array<i32>} : memref<3136xi32, #tpu.memory_space<vmem>>, vector<16xi32>,
    %get3A_398 = vector.shape_cast %get3A_397 : vector<16xi32> to vector<16xi32>
    %add3A_399 = arith.addi %get3A_398, %add3A_37 : vector<16xi32>
    %swap3A_400 = arith.constant 720 : index
    %swap3A_401 = tpu.vector_load %arg5[%swap3A_400] {strides = array<i32>} : memref<3136xi32, #tpu.memory_space<vmem>>, vector<16xi32>,
    %swap3A_402 = vector.shape_cast %swap3A_401 : vector<16xi32> to vector<16xi32>
    %swap3A_403 = vector.shape_cast %add3A_399 : vector<16xi32> to vector<16xi32>
    tpu.vector_store %arg5[%swap3A_400], %swap3A_403 {strides = array<i32>} : memref<3136xi32, #tpu.memory_space<vmem>>, vector<16xi32>,
    %get3A_404 = arith.constant 736 : index
    %get3A_405 = tpu.vector_load %arg5[%get3A_404] {strides = array<i32>} : memref<3136xi32, #tpu.memory_space<vmem>>, vector<16xi32>,
    %get3A_406 = vector.shape_cast %get3A_405 : vector<16xi32> to vector<16xi32>
    %add3A_407 = arith.addi %get3A_406, %add3A_37 : vector<16xi32>
    %swap3A_408 = arith.constant 736 : index
    %swap3A_409 = tpu.vector_load %arg5[%swap3A_408] {strides = array<i32>} : memref<3136xi32, #tpu.memory_space<vmem>>, vector<16xi32>,
    %swap3A_410 = vector.shape_cast %swap3A_409 : vector<16xi32> to vector<16xi32>
    %swap3A_411 = vector.shape_cast %add3A_407 : vector<16xi32> to vector<16xi32>
    tpu.vector_store %arg5[%swap3A_408], %swap3A_411 {strides = array<i32>} : memref<3136xi32, #tpu.memory_space<vmem>>, vector<16xi32>,
    %get3A_412 = arith.constant 752 : index
    %get3A_413 = tpu.vector_load %arg5[%get3A_412] {strides = array<i32>} : memref<3136xi32, #tpu.memory_space<vmem>>, vector<16xi32>,
    %get3A_414 = vector.shape_cast %get3A_413 : vector<16xi32> to vector<16xi32>
    %add3A_415 = arith.addi %get3A_414, %add3A_37 : vector<16xi32>
    %swap3A_416 = arith.constant 752 : index
    %swap3A_417 = tpu.vector_load %arg5[%swap3A_416] {strides = array<i32>} : memref<3136xi32, #tpu.memory_space<vmem>>, vector<16xi32>,
    %swap3A_418 = vector.shape_cast %swap3A_417 : vector<16xi32> to vector<16xi32>
    %swap3A_419 = vector.shape_cast %add3A_415 : vector<16xi32> to vector<16xi32>
    tpu.vector_store %arg5[%swap3A_416], %swap3A_419 {strides = array<i32>} : memref<3136xi32, #tpu.memory_space<vmem>>, vector<16xi32>,
    %get3A_420 = arith.constant 768 : index
    %get3A_421 = tpu.vector_load %arg5[%get3A_420] {strides = array<i32>} : memref<3136xi32, #tpu.memory_space<vmem>>, vector<16xi32>,
    %get3A_422 = vector.shape_cast %get3A_421 : vector<16xi32> to vector<16xi32>
    %add3A_423 = arith.addi %get3A_422, %add3A_37 : vector<16xi32>
    %swap3A_424 = arith.constant 768 : index
    %swap3A_425 = tpu.vector_load %arg5[%swap3A_424] {strides = array<i32>} : memref<3136xi32, #tpu.memory_space<vmem>>, vector<16xi32>,
    %swap3A_426 = vector.shape_cast %swap3A_425 : vector<16xi32> to vector<16xi32>
    %swap3A_427 = vector.shape_cast %add3A_423 : vector<16xi32> to vector<16xi32>
    tpu.vector_store %arg5[%swap3A_424], %swap3A_427 {strides = array<i32>} : memref<3136xi32, #tpu.memory_space<vmem>>, vector<16xi32>,
    %get3A_428 = arith.constant 784 : index
    %get3A_429 = tpu.vector_load %arg5[%get3A_428] {strides = array<i32>} : memref<3136xi32, #tpu.memory_space<vmem>>, vector<16xi32>,
    %get3A_430 = vector.shape_cast %get3A_429 : vector<16xi32> to vector<16xi32>
    %add3A_431 = arith.addi %get3A_430, %add3A_37 : vector<16xi32>
    %swap3A_432 = arith.constant 784 : index
    %swap3A_433 = tpu.vector_load %arg5[%swap3A_432] {strides = array<i32>} : memref<3136xi32, #tpu.memory_space<vmem>>, vector<16xi32>,
    %swap3A_434 = vector.shape_cast %swap3A_433 : vector<16xi32> to vector<16xi32>
    %swap3A_435 = vector.shape_cast %add3A_431 : vector<16xi32> to vector<16xi32>
    tpu.vector_store %arg5[%swap3A_432], %swap3A_435 {strides = array<i32>} : memref<3136xi32, #tpu.memory_space<vmem>>, vector<16xi32>,
    %get3A_436 = arith.constant 800 : index
    %get3A_437 = tpu.vector_load %arg5[%get3A_436] {strides = array<i32>} : memref<3136xi32, #tpu.memory_space<vmem>>, vector<16xi32>,
    %get3A_438 = vector.shape_cast %get3A_437 : vector<16xi32> to vector<16xi32>
    %add3A_439 = arith.addi %get3A_438, %add3A_37 : vector<16xi32>
    %swap3A_440 = arith.constant 800 : index
    %swap3A_441 = tpu.vector_load %arg5[%swap3A_440] {strides = array<i32>} : memref<3136xi32, #tpu.memory_space<vmem>>, vector<16xi32>,
    %swap3A_442 = vector.shape_cast %swap3A_441 : vector<16xi32> to vector<16xi32>
    %swap3A_443 = vector.shape_cast %add3A_439 : vector<16xi32> to vector<16xi32>
    tpu.vector_store %arg5[%swap3A_440], %swap3A_443 {strides = array<i32>} : memref<3136xi32, #tpu.memory_space<vmem>>, vector<16xi32>,
    %get3A_444 = arith.constant 816 : index
    %get3A_445 = tpu.vector_load %arg5[%get3A_444] {strides = array<i32>} : memref<3136xi32, #tpu.memory_space<vmem>>, vector<16xi32>,
    %get3A_446 = vector.shape_cast %get3A_445 : vector<16xi32> to vector<16xi32>
    %add3A_447 = arith.addi %get3A_446, %add3A_37 : vector<16xi32>
    %swap3A_448 = arith.constant 816 : index
    %swap3A_449 = tpu.vector_load %arg5[%swap3A_448] {strides = array<i32>} : memref<3136xi32, #tpu.memory_space<vmem>>, vector<16xi32>,
    %swap3A_450 = vector.shape_cast %swap3A_449 : vector<16xi32> to vector<16xi32>
    %swap3A_451 = vector.shape_cast %add3A_447 : vector<16xi32> to vector<16xi32>
    tpu.vector_store %arg5[%swap3A_448], %swap3A_451 {strides = array<i32>} : memref<3136xi32, #tpu.memory_space<vmem>>, vector<16xi32>,
    %get3A_452 = arith.constant 832 : index
    %get3A_453 = tpu.vector_load %arg5[%get3A_452] {strides = array<i32>} : memref<3136xi32, #tpu.memory_space<vmem>>, vector<16xi32>,
    %get3A_454 = vector.shape_cast %get3A_453 : vector<16xi32> to vector<16xi32>
    %add3A_455 = arith.addi %get3A_454, %add3A_37 : vector<16xi32>
    %swap3A_456 = arith.constant 832 : index
    %swap3A_457 = tpu.vector_load %arg5[%swap3A_456] {strides = array<i32>} : memref<3136xi32, #tpu.memory_space<vmem>>, vector<16xi32>,
    %swap3A_458 = vector.shape_cast %swap3A_457 : vector<16xi32> to vector<16xi32>
    %swap3A_459 = vector.shape_cast %add3A_455 : vector<16xi32> to vector<16xi32>
    tpu.vector_store %arg5[%swap3A_456], %swap3A_459 {strides = array<i32>} : memref<3136xi32, #tpu.memory_space<vmem>>, vector<16xi32>,
    %get3A_460 = arith.constant 848 : index
    %get3A_461 = tpu.vector_load %arg5[%get3A_460] {strides = array<i32>} : memref<3136xi32, #tpu.memory_space<vmem>>, vector<16xi32>,
    %get3A_462 = vector.shape_cast %get3A_461 : vector<16xi32> to vector<16xi32>
    %add3A_463 = arith.addi %get3A_462, %add3A_37 : vector<16xi32>
    %swap3A_464 = arith.constant 848 : index
    %swap3A_465 = tpu.vector_load %arg5[%swap3A_464] {strides = array<i32>} : memref<3136xi32, #tpu.memory_space<vmem>>, vector<16xi32>,
    %swap3A_466 = vector.shape_cast %swap3A_465 : vector<16xi32> to vector<16xi32>
    %swap3A_467 = vector.shape_cast %add3A_463 : vector<16xi32> to vector<16xi32>
    tpu.vector_store %arg5[%swap3A_464], %swap3A_467 {strides = array<i32>} : memref<3136xi32, #tpu.memory_space<vmem>>, vector<16xi32>,
    %get3A_468 = arith.constant 864 : index
    %get3A_469 = tpu.vector_load %arg5[%get3A_468] {strides = array<i32>} : memref<3136xi32, #tpu.memory_space<vmem>>, vector<16xi32>,
    %get3A_470 = vector.shape_cast %get3A_469 : vector<16xi32> to vector<16xi32>
    %add3A_471 = arith.addi %get3A_470, %add3A_37 : vector<16xi32>
    %swap3A_472 = arith.constant 864 : index
    %swap3A_473 = tpu.vector_load %arg5[%swap3A_472] {strides = array<i32>} : memref<3136xi32, #tpu.memory_space<vmem>>, vector<16xi32>,
    %swap3A_474 = vector.shape_cast %swap3A_473 : vector<16xi32> to vector<16xi32>
    %swap3A_475 = vector.shape_cast %add3A_471 : vector<16xi32> to vector<16xi32>
    tpu.vector_store %arg5[%swap3A_472], %swap3A_475 {strides = array<i32>} : memref<3136xi32, #tpu.memory_space<vmem>>, vector<16xi32>,
    %get3A_476 = arith.constant 880 : index
    %get3A_477 = tpu.vector_load %arg5[%get3A_476] {strides = array<i32>} : memref<3136xi32, #tpu.memory_space<vmem>>, vector<16xi32>,
    %get3A_478 = vector.shape_cast %get3A_477 : vector<16xi32> to vector<16xi32>
    %add3A_479 = arith.addi %get3A_478, %add3A_37 : vector<16xi32>
    %swap3A_480 = arith.constant 880 : index
    %swap3A_481 = tpu.vector_load %arg5[%swap3A_480] {strides = array<i32>} : memref<3136xi32, #tpu.memory_space<vmem>>, vector<16xi32>,
    %swap3A_482 = vector.shape_cast %swap3A_481 : vector<16xi32> to vector<16xi32>
    %swap3A_483 = vector.shape_cast %add3A_479 : vector<16xi32> to vector<16xi32>
    tpu.vector_store %arg5[%swap3A_480], %swap3A_483 {strides = array<i32>} : memref<3136xi32, #tpu.memory_space<vmem>>, vector<16xi32>,
    %get3A_484 = arith.constant 896 : index
    %get3A_485 = tpu.vector_load %arg5[%get3A_484] {strides = array<i32>} : memref<3136xi32, #tpu.memory_space<vmem>>, vector<16xi32>,
    %get3A_486 = vector.shape_cast %get3A_485 : vector<16xi32> to vector<16xi32>
    %add3A_487 = arith.addi %get3A_486, %add3A_37 : vector<16xi32>
    %swap3A_488 = arith.constant 896 : index
    %swap3A_489 = tpu.vector_load %arg5[%swap3A_488] {strides = array<i32>} : memref<3136xi32, #tpu.memory_space<vmem>>, vector<16xi32>,
    %swap3A_490 = vector.shape_cast %swap3A_489 : vector<16xi32> to vector<16xi32>
    %swap3A_491 = vector.shape_cast %add3A_487 : vector<16xi32> to vector<16xi32>
    tpu.vector_store %arg5[%swap3A_488], %swap3A_491 {strides = array<i32>} : memref<3136xi32, #tpu.memory_space<vmem>>, vector<16xi32>,
    %get3A_492 = arith.constant 912 : index
    %get3A_493 = tpu.vector_load %arg5[%get3A_492] {strides = array<i32>} : memref<3136xi32, #tpu.memory_space<vmem>>, vector<16xi32>,
    %get3A_494 = vector.shape_cast %get3A_493 : vector<16xi32> to vector<16xi32>
    %add3A_495 = arith.addi %get3A_494, %add3A_37 : vector<16xi32>
    %swap3A_496 = arith.constant 912 : index
    %swap3A_497 = tpu.vector_load %arg5[%swap3A_496] {strides = array<i32>} : memref<3136xi32, #tpu.memory_space<vmem>>, vector<16xi32>,
    %swap3A_498 = vector.shape_cast %swap3A_497 : vector<16xi32> to vector<16xi32>
    %swap3A_499 = vector.shape_cast %add3A_495 : vector<16xi32> to vector<16xi32>
    tpu.vector_store %arg5[%swap3A_496], %swap3A_499 {strides = array<i32>} : memref<3136xi32, #tpu.memory_space<vmem>>, vector<16xi32>,
    %get3A_500 = arith.constant 928 : index
    %get3A_501 = tpu.vector_load %arg5[%get3A_500] {strides = array<i32>} : memref<3136xi32, #tpu.memory_space<vmem>>, vector<16xi32>,
    %get3A_502 = vector.shape_cast %get3A_501 : vector<16xi32> to vector<16xi32>
    %add3A_503 = arith.addi %get3A_502, %add3A_37 : vector<16xi32>
    %swap3A_504 = arith.constant 928 : index
    %swap3A_505 = tpu.vector_load %arg5[%swap3A_504] {strides = array<i32>} : memref<3136xi32, #tpu.memory_space<vmem>>, vector<16xi32>,
    %swap3A_506 = vector.shape_cast %swap3A_505 : vector<16xi32> to vector<16xi32>
    %swap3A_507 = vector.shape_cast %add3A_503 : vector<16xi32> to vector<16xi32>
    tpu.vector_store %arg5[%swap3A_504], %swap3A_507 {strides = array<i32>} : memref<3136xi32, #tpu.memory_space<vmem>>, vector<16xi32>,
    %get3A_508 = arith.constant 944 : index
    %get3A_509 = tpu.vector_load %arg5[%get3A_508] {strides = array<i32>} : memref<3136xi32, #tpu.memory_space<vmem>>, vector<16xi32>,
    %get3A_510 = vector.shape_cast %get3A_509 : vector<16xi32> to vector<16xi32>
    %add3A_511 = arith.addi %get3A_510, %add3A_37 : vector<16xi32>
    %swap3A_512 = arith.constant 944 : index
    %swap3A_513 = tpu.vector_load %arg5[%swap3A_512] {strides = array<i32>} : memref<3136xi32, #tpu.memory_space<vmem>>, vector<16xi32>,
    %swap3A_514 = vector.shape_cast %swap3A_513 : vector<16xi32> to vector<16xi32>
    %swap3A_515 = vector.shape_cast %add3A_511 : vector<16xi32> to vector<16xi32>
    tpu.vector_store %arg5[%swap3A_512], %swap3A_515 {strides = array<i32>} : memref<3136xi32, #tpu.memory_space<vmem>>, vector<16xi32>,
    %get3A_516 = arith.constant 960 : index
    %get3A_517 = tpu.vector_load %arg5[%get3A_516] {strides = array<i32>} : memref<3136xi32, #tpu.memory_space<vmem>>, vector<16xi32>,
    %get3A_518 = vector.shape_cast %get3A_517 : vector<16xi32> to vector<16xi32>
    %add3A_519 = arith.addi %get3A_518, %add3A_37 : vector<16xi32>
    %swap3A_520 = arith.constant 960 : index
    %swap3A_521 = tpu.vector_load %arg5[%swap3A_520] {strides = array<i32>} : memref<3136xi32, #tpu.memory_space<vmem>>, vector<16xi32>,
    %swap3A_522 = vector.shape_cast %swap3A_521 : vector<16xi32> to vector<16xi32>
    %swap3A_523 = vector.shape_cast %add3A_519 : vector<16xi32> to vector<16xi32>
    tpu.vector_store %arg5[%swap3A_520], %swap3A_523 {strides = array<i32>} : memref<3136xi32, #tpu.memory_space<vmem>>, vector<16xi32>,
    %get3A_524 = arith.constant 976 : index
    %get3A_525 = tpu.vector_load %arg5[%get3A_524] {strides = array<i32>} : memref<3136xi32, #tpu.memory_space<vmem>>, vector<16xi32>,
    %get3A_526 = vector.shape_cast %get3A_525 : vector<16xi32> to vector<16xi32>
    %add3A_527 = arith.addi %get3A_526, %add3A_37 : vector<16xi32>
    %swap3A_528 = arith.constant 976 : index
    %swap3A_529 = tpu.vector_load %arg5[%swap3A_528] {strides = array<i32>} : memref<3136xi32, #tpu.memory_space<vmem>>, vector<16xi32>,
    %swap3A_530 = vector.shape_cast %swap3A_529 : vector<16xi32> to vector<16xi32>
    %swap3A_531 = vector.shape_cast %add3A_527 : vector<16xi32> to vector<16xi32>
    tpu.vector_store %arg5[%swap3A_528], %swap3A_531 {strides = array<i32>} : memref<3136xi32, #tpu.memory_space<vmem>>, vector<16xi32>,
    %get3A_532 = arith.constant 992 : index
    %get3A_533 = tpu.vector_load %arg5[%get3A_532] {strides = array<i32>} : memref<3136xi32, #tpu.memory_space<vmem>>, vector<16xi32>,
    %get3A_534 = vector.shape_cast %get3A_533 : vector<16xi32> to vector<16xi32>
    %add3A_535 = arith.addi %get3A_534, %add3A_37 : vector<16xi32>
    %swap3A_536 = arith.constant 992 : index
    %swap3A_537 = tpu.vector_load %arg5[%swap3A_536] {strides = array<i32>} : memref<3136xi32, #tpu.memory_space<vmem>>, vector<16xi32>,
    %swap3A_538 = vector.shape_cast %swap3A_537 : vector<16xi32> to vector<16xi32>
    %swap3A_539 = vector.shape_cast %add3A_535 : vector<16xi32> to vector<16xi32>
    tpu.vector_store %arg5[%swap3A_536], %swap3A_539 {strides = array<i32>} : memref<3136xi32, #tpu.memory_space<vmem>>, vector<16xi32>,
    %get3A_540 = arith.constant 1008 : index
    %get3A_541 = tpu.vector_load %arg5[%get3A_540] {strides = array<i32>} : memref<3136xi32, #tpu.memory_space<vmem>>, vector<16xi32>,
    %get3A_542 = vector.shape_cast %get3A_541 : vector<16xi32> to vector<16xi32>
    %add3A_543 = arith.addi %get3A_542, %add3A_37 : vector<16xi32>
    %swap3A_544 = arith.constant 1008 : index
    %swap3A_545 = tpu.vector_load %arg5[%swap3A_544] {strides = array<i32>} : memref<3136xi32, #tpu.memory_space<vmem>>, vector<16xi32>,
    %swap3A_546 = vector.shape_cast %swap3A_545 : vector<16xi32> to vector<16xi32>
    %swap3A_547 = vector.shape_cast %add3A_543 : vector<16xi32> to vector<16xi32>
    tpu.vector_store %arg5[%swap3A_544], %swap3A_547 {strides = array<i32>} : memref<3136xi32, #tpu.memory_space<vmem>>, vector<16xi32>,
    %get3A_548 = arith.constant 1024 : index
    %get3A_549 = tpu.vector_load %arg5[%get3A_548] {strides = array<i32>} : memref<3136xi32, #tpu.memory_space<vmem>>, vector<16xi32>,
    %get3A_550 = vector.shape_cast %get3A_549 : vector<16xi32> to vector<16xi32>
    %add3A_551 = arith.addi %get3A_550, %add3A_37 : vector<16xi32>
    %swap3A_552 = arith.constant 1024 : index
    %swap3A_553 = tpu.vector_load %arg5[%swap3A_552] {strides = array<i32>} : memref<3136xi32, #tpu.memory_space<vmem>>, vector<16xi32>,
    %swap3A_554 = vector.shape_cast %swap3A_553 : vector<16xi32> to vector<16xi32>
    %swap3A_555 = vector.shape_cast %add3A_551 : vector<16xi32> to vector<16xi32>
    tpu.vector_store %arg5[%swap3A_552], %swap3A_555 {strides = array<i32>} : memref<3136xi32, #tpu.memory_space<vmem>>, vector<16xi32>,
    %get3A_556 = arith.constant 1040 : index
    %get3A_557 = tpu.vector_load %arg5[%get3A_556] {strides = array<i32>} : memref<3136xi32, #tpu.memory_space<vmem>>, vector<16xi32>,
    %get3A_558 = vector.shape_cast %get3A_557 : vector<16xi32> to vector<16xi32>
    %add3A_559 = arith.addi %get3A_558, %add3A_37 : vector<16xi32>
    %swap3A_560 = arith.constant 1040 : index
    %swap3A_561 = tpu.vector_load %arg5[%swap3A_560] {strides = array<i32>} : memref<3136xi32, #tpu.memory_space<vmem>>, vector<16xi32>,
    %swap3A_562 = vector.shape_cast %swap3A_561 : vector<16xi32> to vector<16xi32>
    %swap3A_563 = vector.shape_cast %add3A_559 : vector<16xi32> to vector<16xi32>
    tpu.vector_store %arg5[%swap3A_560], %swap3A_563 {strides = array<i32>} : memref<3136xi32, #tpu.memory_space<vmem>>, vector<16xi32>,
    %get3A_564 = arith.constant 1056 : index
    %get3A_565 = tpu.vector_load %arg5[%get3A_564] {strides = array<i32>} : memref<3136xi32, #tpu.memory_space<vmem>>, vector<16xi32>,
    %get3A_566 = vector.shape_cast %get3A_565 : vector<16xi32> to vector<16xi32>
    %add3A_567 = arith.addi %get3A_566, %add3A_37 : vector<16xi32>
    %swap3A_568 = arith.constant 1056 : index
    %swap3A_569 = tpu.vector_load %arg5[%swap3A_568] {strides = array<i32>} : memref<3136xi32, #tpu.memory_space<vmem>>, vector<16xi32>,
    %swap3A_570 = vector.shape_cast %swap3A_569 : vector<16xi32> to vector<16xi32>
    %swap3A_571 = vector.shape_cast %add3A_567 : vector<16xi32> to vector<16xi32>
    tpu.vector_store %arg5[%swap3A_568], %swap3A_571 {strides = array<i32>} : memref<3136xi32, #tpu.memory_space<vmem>>, vector<16xi32>,
    %get3A_572 = arith.constant 1072 : index
    %get3A_573 = tpu.vector_load %arg5[%get3A_572] {strides = array<i32>} : memref<3136xi32, #tpu.memory_space<vmem>>, vector<16xi32>,
    %get3A_574 = vector.shape_cast %get3A_573 : vector<16xi32> to vector<16xi32>
    %add3A_575 = arith.addi %get3A_574, %add3A_37 : vector<16xi32>
    %swap3A_576 = arith.constant 1072 : index
    %swap3A_577 = tpu.vector_load %arg5[%swap3A_576] {strides = array<i32>} : memref<3136xi32, #tpu.memory_space<vmem>>, vector<16xi32>,
    %swap3A_578 = vector.shape_cast %swap3A_577 : vector<16xi32> to vector<16xi32>
    %swap3A_579 = vector.shape_cast %add3A_575 : vector<16xi32> to vector<16xi32>
    tpu.vector_store %arg5[%swap3A_576], %swap3A_579 {strides = array<i32>} : memref<3136xi32, #tpu.memory_space<vmem>>, vector<16xi32>,
    %get3A_580 = arith.constant 1088 : index
    %get3A_581 = tpu.vector_load %arg5[%get3A_580] {strides = array<i32>} : memref<3136xi32, #tpu.memory_space<vmem>>, vector<16xi32>,
    %get3A_582 = vector.shape_cast %get3A_581 : vector<16xi32> to vector<16xi32>
    %add3A_583 = arith.addi %get3A_582, %add3A_37 : vector<16xi32>
    %swap3A_584 = arith.constant 1088 : index
    %swap3A_585 = tpu.vector_load %arg5[%swap3A_584] {strides = array<i32>} : memref<3136xi32, #tpu.memory_space<vmem>>, vector<16xi32>,
    %swap3A_586 = vector.shape_cast %swap3A_585 : vector<16xi32> to vector<16xi32>
    %swap3A_587 = vector.shape_cast %add3A_583 : vector<16xi32> to vector<16xi32>
    tpu.vector_store %arg5[%swap3A_584], %swap3A_587 {strides = array<i32>} : memref<3136xi32, #tpu.memory_space<vmem>>, vector<16xi32>,
    %get3A_588 = arith.constant 1104 : index
    %get3A_589 = tpu.vector_load %arg5[%get3A_588] {strides = array<i32>} : memref<3136xi32, #tpu.memory_space<vmem>>, vector<16xi32>,
    %get3A_590 = vector.shape_cast %get3A_589 : vector<16xi32> to vector<16xi32>
    %add3A_591 = arith.addi %get3A_590, %add3A_37 : vector<16xi32>
    %swap3A_592 = arith.constant 1104 : index
    %swap3A_593 = tpu.vector_load %arg5[%swap3A_592] {strides = array<i32>} : memref<3136xi32, #tpu.memory_space<vmem>>, vector<16xi32>,
    %swap3A_594 = vector.shape_cast %swap3A_593 : vector<16xi32> to vector<16xi32>
    %swap3A_595 = vector.shape_cast %add3A_591 : vector<16xi32> to vector<16xi32>
    tpu.vector_store %arg5[%swap3A_592], %swap3A_595 {strides = array<i32>} : memref<3136xi32, #tpu.memory_space<vmem>>, vector<16xi32>,
    %get3A_596 = arith.constant 1120 : index
    %get3A_597 = tpu.vector_load %arg5[%get3A_596] {strides = array<i32>} : memref<3136xi32, #tpu.memory_space<vmem>>, vector<16xi32>,
    %get3A_598 = vector.shape_cast %get3A_597 : vector<16xi32> to vector<16xi32>
    %add3A_599 = arith.addi %get3A_598, %add3A_37 : vector<16xi32>
    %swap3A_600 = arith.constant 1120 : index
    %swap3A_601 = tpu.vector_load %arg5[%swap3A_600] {strides = array<i32>} : memref<3136xi32, #tpu.memory_space<vmem>>, vector<16xi32>,
    %swap3A_602 = vector.shape_cast %swap3A_601 : vector<16xi32> to vector<16xi32>
    %swap3A_603 = vector.shape_cast %add3A_599 : vector<16xi32> to vector<16xi32>
    tpu.vector_store %arg5[%swap3A_600], %swap3A_603 {strides = array<i32>} : memref<3136xi32, #tpu.memory_space<vmem>>, vector<16xi32>,
    %get3A_604 = arith.constant 1136 : index
    %get3A_605 = tpu.vector_load %arg5[%get3A_604] {strides = array<i32>} : memref<3136xi32, #tpu.memory_space<vmem>>, vector<16xi32>,
    %get3A_606 = vector.shape_cast %get3A_605 : vector<16xi32> to vector<16xi32>
    %add3A_607 = arith.addi %get3A_606, %add3A_37 : vector<16xi32>
    %swap3A_608 = arith.constant 1136 : index
    %swap3A_609 = tpu.vector_load %arg5[%swap3A_608] {strides = array<i32>} : memref<3136xi32, #tpu.memory_space<vmem>>, vector<16xi32>,
    %swap3A_610 = vector.shape_cast %swap3A_609 : vector<16xi32> to vector<16xi32>
    %swap3A_611 = vector.shape_cast %add3A_607 : vector<16xi32> to vector<16xi32>
    tpu.vector_store %arg5[%swap3A_608], %swap3A_611 {strides = array<i32>} : memref<3136xi32, #tpu.memory_space<vmem>>, vector<16xi32>,
    %get3A_612 = arith.constant 1152 : index
    %get3A_613 = tpu.vector_load %arg5[%get3A_612] {strides = array<i32>} : memref<3136xi32, #tpu.memory_space<vmem>>, vector<16xi32>,
    %get3A_614 = vector.shape_cast %get3A_613 : vector<16xi32> to vector<16xi32>
    %add3A_615 = arith.addi %get3A_614, %add3A_37 : vector<16xi32>
    %swap3A_616 = arith.constant 1152 : index
    %swap3A_617 = tpu.vector_load %arg5[%swap3A_616] {strides = array<i32>} : memref<3136xi32, #tpu.memory_space<vmem>>, vector<16xi32>,
    %swap3A_618 = vector.shape_cast %swap3A_617 : vector<16xi32> to vector<16xi32>
    %swap3A_619 = vector.shape_cast %add3A_615 : vector<16xi32> to vector<16xi32>
    tpu.vector_store %arg5[%swap3A_616], %swap3A_619 {strides = array<i32>} : memref<3136xi32, #tpu.memory_space<vmem>>, vector<16xi32>,
    %get3A_620 = arith.constant 1168 : index
    %get3A_621 = tpu.vector_load %arg5[%get3A_620] {strides = array<i32>} : memref<3136xi32, #tpu.memory_space<vmem>>, vector<16xi32>,
    %get3A_622 = vector.shape_cast %get3A_621 : vector<16xi32> to vector<16xi32>
    %add3A_623 = arith.addi %get3A_622, %add3A_37 : vector<16xi32>
    %swap3A_624 = arith.constant 1168 : index
    %swap3A_625 = tpu.vector_load %arg5[%swap3A_624] {strides = array<i32>} : memref<3136xi32, #tpu.memory_space<vmem>>, vector<16xi32>,
    %swap3A_626 = vector.shape_cast %swap3A_625 : vector<16xi32> to vector<16xi32>
    %swap3A_627 = vector.shape_cast %add3A_623 : vector<16xi32> to vector<16xi32>
    tpu.vector_store %arg5[%swap3A_624], %swap3A_627 {strides = array<i32>} : memref<3136xi32, #tpu.memory_space<vmem>>, vector<16xi32>,
    %get3A_628 = arith.constant 1184 : index
    %get3A_629 = tpu.vector_load %arg5[%get3A_628] {strides = array<i32>} : memref<3136xi32, #tpu.memory_space<vmem>>, vector<16xi32>,
    %get3A_630 = vector.shape_cast %get3A_629 : vector<16xi32> to vector<16xi32>
    %add3A_631 = arith.addi %get3A_630, %add3A_37 : vector<16xi32>
    %swap3A_632 = arith.constant 1184 : index
    %swap3A_633 = tpu.vector_load %arg5[%swap3A_632] {strides = array<i32>} : memref<3136xi32, #tpu.memory_space<vmem>>, vector<16xi32>,
    %swap3A_634 = vector.shape_cast %swap3A_633 : vector<16xi32> to vector<16xi32>
    %swap3A_635 = vector.shape_cast %add3A_631 : vector<16xi32> to vector<16xi32>
    tpu.vector_store %arg5[%swap3A_632], %swap3A_635 {strides = array<i32>} : memref<3136xi32, #tpu.memory_space<vmem>>, vector<16xi32>,
    %get3A_636 = arith.constant 1200 : index
    %get3A_637 = tpu.vector_load %arg5[%get3A_636] {strides = array<i32>} : memref<3136xi32, #tpu.memory_space<vmem>>, vector<16xi32>,
    %get3A_638 = vector.shape_cast %get3A_637 : vector<16xi32> to vector<16xi32>
    %add3A_639 = arith.addi %get3A_638, %add3A_37 : vector<16xi32>
    %swap3A_640 = arith.constant 1200 : index
    %swap3A_641 = tpu.vector_load %arg5[%swap3A_640] {strides = array<i32>} : memref<3136xi32, #tpu.memory_space<vmem>>, vector<16xi32>,
    %swap3A_642 = vector.shape_cast %swap3A_641 : vector<16xi32> to vector<16xi32>
    %swap3A_643 = vector.shape_cast %add3A_639 : vector<16xi32> to vector<16xi32>
    tpu.vector_store %arg5[%swap3A_640], %swap3A_643 {strides = array<i32>} : memref<3136xi32, #tpu.memory_space<vmem>>, vector<16xi32>,
    %get3A_644 = arith.constant 1216 : index
    %get3A_645 = tpu.vector_load %arg5[%get3A_644] {strides = array<i32>} : memref<3136xi32, #tpu.memory_space<vmem>>, vector<16xi32>,
    %get3A_646 = vector.shape_cast %get3A_645 : vector<16xi32> to vector<16xi32>
    %add3A_647 = arith.addi %get3A_646, %add3A_37 : vector<16xi32>
    %swap3A_648 = arith.constant 1216 : index
    %swap3A_649 = tpu.vector_load %arg5[%swap3A_648] {strides = array<i32>} : memref<3136xi32, #tpu.memory_space<vmem>>, vector<16xi32>,
    %swap3A_650 = vector.shape_cast %swap3A_649 : vector<16xi32> to vector<16xi32>
    %swap3A_651 = vector.shape_cast %add3A_647 : vector<16xi32> to vector<16xi32>
    tpu.vector_store %arg5[%swap3A_648], %swap3A_651 {strides = array<i32>} : memref<3136xi32, #tpu.memory_space<vmem>>, vector<16xi32>,
    %get3A_652 = arith.constant 1232 : index
    %get3A_653 = tpu.vector_load %arg5[%get3A_652] {strides = array<i32>} : memref<3136xi32, #tpu.memory_space<vmem>>, vector<16xi32>,
    %get3A_654 = vector.shape_cast %get3A_653 : vector<16xi32> to vector<16xi32>
    %add3A_655 = arith.addi %get3A_654, %add3A_37 : vector<16xi32>
    %swap3A_656 = arith.constant 1232 : index
    %swap3A_657 = tpu.vector_load %arg5[%swap3A_656] {strides = array<i32>} : memref<3136xi32, #tpu.memory_space<vmem>>, vector<16xi32>,
    %swap3A_658 = vector.shape_cast %swap3A_657 : vector<16xi32> to vector<16xi32>
    %swap3A_659 = vector.shape_cast %add3A_655 : vector<16xi32> to vector<16xi32>
    tpu.vector_store %arg5[%swap3A_656], %swap3A_659 {strides = array<i32>} : memref<3136xi32, #tpu.memory_space<vmem>>, vector<16xi32>,
    %get3A_660 = arith.constant 1248 : index
    %get3A_661 = tpu.vector_load %arg5[%get3A_660] {strides = array<i32>} : memref<3136xi32, #tpu.memory_space<vmem>>, vector<16xi32>,
    %get3A_662 = vector.shape_cast %get3A_661 : vector<16xi32> to vector<16xi32>
    %add3A_663 = arith.addi %get3A_662, %add3A_37 : vector<16xi32>
    %swap3A_664 = arith.constant 1248 : index
    %swap3A_665 = tpu.vector_load %arg5[%swap3A_664] {strides = array<i32>} : memref<3136xi32, #tpu.memory_space<vmem>>, vector<16xi32>,
    %swap3A_666 = vector.shape_cast %swap3A_665 : vector<16xi32> to vector<16xi32>
    %swap3A_667 = vector.shape_cast %add3A_663 : vector<16xi32> to vector<16xi32>
    tpu.vector_store %arg5[%swap3A_664], %swap3A_667 {strides = array<i32>} : memref<3136xi32, #tpu.memory_space<vmem>>, vector<16xi32>,
    %get3A_668 = arith.constant 1264 : index
    %get3A_669 = tpu.vector_load %arg5[%get3A_668] {strides = array<i32>} : memref<3136xi32, #tpu.memory_space<vmem>>, vector<16xi32>,
    %get3A_670 = vector.shape_cast %get3A_669 : vector<16xi32> to vector<16xi32>
    %add3A_671 = arith.addi %get3A_670, %add3A_37 : vector<16xi32>
    %swap3A_672 = arith.constant 1264 : index
    %swap3A_673 = tpu.vector_load %arg5[%swap3A_672] {strides = array<i32>} : memref<3136xi32, #tpu.memory_space<vmem>>, vector<16xi32>,
    %swap3A_674 = vector.shape_cast %swap3A_673 : vector<16xi32> to vector<16xi32>
    %swap3A_675 = vector.shape_cast %add3A_671 : vector<16xi32> to vector<16xi32>
    tpu.vector_store %arg5[%swap3A_672], %swap3A_675 {strides = array<i32>} : memref<3136xi32, #tpu.memory_space<vmem>>, vector<16xi32>,
    %get3A_676 = arith.constant 1280 : index
    %get3A_677 = tpu.vector_load %arg5[%get3A_676] {strides = array<i32>} : memref<3136xi32, #tpu.memory_space<vmem>>, vector<16xi32>,
    %get3A_678 = vector.shape_cast %get3A_677 : vector<16xi32> to vector<16xi32>
    %add3A_679 = arith.addi %get3A_678, %add3A_37 : vector<16xi32>
    %swap3A_680 = arith.constant 1280 : index
    %swap3A_681 = tpu.vector_load %arg5[%swap3A_680] {strides = array<i32>} : memref<3136xi32, #tpu.memory_space<vmem>>, vector<16xi32>,
    %swap3A_682 = vector.shape_cast %swap3A_681 : vector<16xi32> to vector<16xi32>
    %swap3A_683 = vector.shape_cast %add3A_679 : vector<16xi32> to vector<16xi32>
    tpu.vector_store %arg5[%swap3A_680], %swap3A_683 {strides = array<i32>} : memref<3136xi32, #tpu.memory_space<vmem>>, vector<16xi32>,
    %get3A_684 = arith.constant 1296 : index
    %get3A_685 = tpu.vector_load %arg5[%get3A_684] {strides = array<i32>} : memref<3136xi32, #tpu.memory_space<vmem>>, vector<16xi32>,
    %get3A_686 = vector.shape_cast %get3A_685 : vector<16xi32> to vector<16xi32>
    %add3A_687 = arith.addi %get3A_686, %add3A_37 : vector<16xi32>
    %swap3A_688 = arith.constant 1296 : index
    %swap3A_689 = tpu.vector_load %arg5[%swap3A_688] {strides = array<i32>} : memref<3136xi32, #tpu.memory_space<vmem>>, vector<16xi32>,
    %swap3A_690 = vector.shape_cast %swap3A_689 : vector<16xi32> to vector<16xi32>
    %swap3A_691 = vector.shape_cast %add3A_687 : vector<16xi32> to vector<16xi32>
    tpu.vector_store %arg5[%swap3A_688], %swap3A_691 {strides = array<i32>} : memref<3136xi32, #tpu.memory_space<vmem>>, vector<16xi32>,
    %get3A_692 = arith.constant 1312 : index
    %get3A_693 = tpu.vector_load %arg5[%get3A_692] {strides = array<i32>} : memref<3136xi32, #tpu.memory_space<vmem>>, vector<16xi32>,
    %get3A_694 = vector.shape_cast %get3A_693 : vector<16xi32> to vector<16xi32>
    %add3A_695 = arith.addi %get3A_694, %add3A_37 : vector<16xi32>
    %swap3A_696 = arith.constant 1312 : index
    %swap3A_697 = tpu.vector_load %arg5[%swap3A_696] {strides = array<i32>} : memref<3136xi32, #tpu.memory_space<vmem>>, vector<16xi32>,
    %swap3A_698 = vector.shape_cast %swap3A_697 : vector<16xi32> to vector<16xi32>
    %swap3A_699 = vector.shape_cast %add3A_695 : vector<16xi32> to vector<16xi32>
    tpu.vector_store %arg5[%swap3A_696], %swap3A_699 {strides = array<i32>} : memref<3136xi32, #tpu.memory_space<vmem>>, vector<16xi32>,
    %get3A_700 = arith.constant 1328 : index
    %get3A_701 = tpu.vector_load %arg5[%get3A_700] {strides = array<i32>} : memref<3136xi32, #tpu.memory_space<vmem>>, vector<16xi32>,
    %get3A_702 = vector.shape_cast %get3A_701 : vector<16xi32> to vector<16xi32>
    %add3A_703 = arith.addi %get3A_702, %add3A_37 : vector<16xi32>
    %swap3A_704 = arith.constant 1328 : index
    %swap3A_705 = tpu.vector_load %arg5[%swap3A_704] {strides = array<i32>} : memref<3136xi32, #tpu.memory_space<vmem>>, vector<16xi32>,
    %swap3A_706 = vector.shape_cast %swap3A_705 : vector<16xi32> to vector<16xi32>
    %swap3A_707 = vector.shape_cast %add3A_703 : vector<16xi32> to vector<16xi32>
    tpu.vector_store %arg5[%swap3A_704], %swap3A_707 {strides = array<i32>} : memref<3136xi32, #tpu.memory_space<vmem>>, vector<16xi32>,
    %get3A_708 = arith.constant 1344 : index
    %get3A_709 = tpu.vector_load %arg5[%get3A_708] {strides = array<i32>} : memref<3136xi32, #tpu.memory_space<vmem>>, vector<16xi32>,
    %get3A_710 = vector.shape_cast %get3A_709 : vector<16xi32> to vector<16xi32>
    %add3A_711 = arith.addi %get3A_710, %add3A_37 : vector<16xi32>
    %swap3A_712 = arith.constant 1344 : index
    %swap3A_713 = tpu.vector_load %arg5[%swap3A_712] {strides = array<i32>} : memref<3136xi32, #tpu.memory_space<vmem>>, vector<16xi32>,
    %swap3A_714 = vector.shape_cast %swap3A_713 : vector<16xi32> to vector<16xi32>
    %swap3A_715 = vector.shape_cast %add3A_711 : vector<16xi32> to vector<16xi32>
    tpu.vector_store %arg5[%swap3A_712], %swap3A_715 {strides = array<i32>} : memref<3136xi32, #tpu.memory_space<vmem>>, vector<16xi32>,
    %get3A_716 = arith.constant 1360 : index
    %get3A_717 = tpu.vector_load %arg5[%get3A_716] {strides = array<i32>} : memref<3136xi32, #tpu.memory_space<vmem>>, vector<16xi32>,
    %get3A_718 = vector.shape_cast %get3A_717 : vector<16xi32> to vector<16xi32>
    %add3A_719 = arith.addi %get3A_718, %add3A_37 : vector<16xi32>
    %swap3A_720 = arith.constant 1360 : index
    %swap3A_721 = tpu.vector_load %arg5[%swap3A_720] {strides = array<i32>} : memref<3136xi32, #tpu.memory_space<vmem>>, vector<16xi32>,
    %swap3A_722 = vector.shape_cast %swap3A_721 : vector<16xi32> to vector<16xi32>
    %swap3A_723 = vector.shape_cast %add3A_719 : vector<16xi32> to vector<16xi32>
    tpu.vector_store %arg5[%swap3A_720], %swap3A_723 {strides = array<i32>} : memref<3136xi32, #tpu.memory_space<vmem>>, vector<16xi32>,
    %get3A_724 = arith.constant 1376 : index
    %get3A_725 = tpu.vector_load %arg5[%get3A_724] {strides = array<i32>} : memref<3136xi32, #tpu.memory_space<vmem>>, vector<16xi32>,
    %get3A_726 = vector.shape_cast %get3A_725 : vector<16xi32> to vector<16xi32>
    %add3A_727 = arith.addi %get3A_726, %add3A_37 : vector<16xi32>
    %swap3A_728 = arith.constant 1376 : index
    %swap3A_729 = tpu.vector_load %arg5[%swap3A_728] {strides = array<i32>} : memref<3136xi32, #tpu.memory_space<vmem>>, vector<16xi32>,
    %swap3A_730 = vector.shape_cast %swap3A_729 : vector<16xi32> to vector<16xi32>
    %swap3A_731 = vector.shape_cast %add3A_727 : vector<16xi32> to vector<16xi32>
    tpu.vector_store %arg5[%swap3A_728], %swap3A_731 {strides = array<i32>} : memref<3136xi32, #tpu.memory_space<vmem>>, vector<16xi32>,
    %get3A_732 = arith.constant 1392 : index
    %get3A_733 = tpu.vector_load %arg5[%get3A_732] {strides = array<i32>} : memref<3136xi32, #tpu.memory_space<vmem>>, vector<16xi32>,
    %get3A_734 = vector.shape_cast %get3A_733 : vector<16xi32> to vector<16xi32>
    %add3A_735 = arith.addi %get3A_734, %add3A_37 : vector<16xi32>
    %swap3A_736 = arith.constant 1392 : index
    %swap3A_737 = tpu.vector_load %arg5[%swap3A_736] {strides = array<i32>} : memref<3136xi32, #tpu.memory_space<vmem>>, vector<16xi32>,
    %swap3A_738 = vector.shape_cast %swap3A_737 : vector<16xi32> to vector<16xi32>
    %swap3A_739 = vector.shape_cast %add3A_735 : vector<16xi32> to vector<16xi32>
    tpu.vector_store %arg5[%swap3A_736], %swap3A_739 {strides = array<i32>} : memref<3136xi32, #tpu.memory_space<vmem>>, vector<16xi32>,
    %get3A_740 = arith.constant 1408 : index
    %get3A_741 = tpu.vector_load %arg5[%get3A_740] {strides = array<i32>} : memref<3136xi32, #tpu.memory_space<vmem>>, vector<16xi32>,
    %get3A_742 = vector.shape_cast %get3A_741 : vector<16xi32> to vector<16xi32>
    %add3A_743 = arith.addi %get3A_742, %add3A_37 : vector<16xi32>
    %swap3A_744 = arith.constant 1408 : index
    %swap3A_745 = tpu.vector_load %arg5[%swap3A_744] {strides = array<i32>} : memref<3136xi32, #tpu.memory_space<vmem>>, vector<16xi32>,
    %swap3A_746 = vector.shape_cast %swap3A_745 : vector<16xi32> to vector<16xi32>
    %swap3A_747 = vector.shape_cast %add3A_743 : vector<16xi32> to vector<16xi32>
    tpu.vector_store %arg5[%swap3A_744], %swap3A_747 {strides = array<i32>} : memref<3136xi32, #tpu.memory_space<vmem>>, vector<16xi32>,
    %get3A_748 = arith.constant 1424 : index
    %get3A_749 = tpu.vector_load %arg5[%get3A_748] {strides = array<i32>} : memref<3136xi32, #tpu.memory_space<vmem>>, vector<16xi32>,
    %get3A_750 = vector.shape_cast %get3A_749 : vector<16xi32> to vector<16xi32>
    %add3A_751 = arith.addi %get3A_750, %add3A_37 : vector<16xi32>
    %swap3A_752 = arith.constant 1424 : index
    %swap3A_753 = tpu.vector_load %arg5[%swap3A_752] {strides = array<i32>} : memref<3136xi32, #tpu.memory_space<vmem>>, vector<16xi32>,
    %swap3A_754 = vector.shape_cast %swap3A_753 : vector<16xi32> to vector<16xi32>
    %swap3A_755 = vector.shape_cast %add3A_751 : vector<16xi32> to vector<16xi32>
    tpu.vector_store %arg5[%swap3A_752], %swap3A_755 {strides = array<i32>} : memref<3136xi32, #tpu.memory_space<vmem>>, vector<16xi32>,
    %get3A_756 = arith.constant 1440 : index
    %get3A_757 = tpu.vector_load %arg5[%get3A_756] {strides = array<i32>} : memref<3136xi32, #tpu.memory_space<vmem>>, vector<16xi32>,
    %get3A_758 = vector.shape_cast %get3A_757 : vector<16xi32> to vector<16xi32>
    %add3A_759 = arith.addi %get3A_758, %add3A_37 : vector<16xi32>
    %swap3A_760 = arith.constant 1440 : index
    %swap3A_761 = tpu.vector_load %arg5[%swap3A_760] {strides = array<i32>} : memref<3136xi32, #tpu.memory_space<vmem>>, vector<16xi32>,
    %swap3A_762 = vector.shape_cast %swap3A_761 : vector<16xi32> to vector<16xi32>
    %swap3A_763 = vector.shape_cast %add3A_759 : vector<16xi32> to vector<16xi32>
    tpu.vector_store %arg5[%swap3A_760], %swap3A_763 {strides = array<i32>} : memref<3136xi32, #tpu.memory_space<vmem>>, vector<16xi32>,
    %get3A_764 = arith.constant 1456 : index
    %get3A_765 = tpu.vector_load %arg5[%get3A_764] {strides = array<i32>} : memref<3136xi32, #tpu.memory_space<vmem>>, vector<16xi32>,
    %get3A_766 = vector.shape_cast %get3A_765 : vector<16xi32> to vector<16xi32>
    %add3A_767 = arith.addi %get3A_766, %add3A_37 : vector<16xi32>
    %swap3A_768 = arith.constant 1456 : index
    %swap3A_769 = tpu.vector_load %arg5[%swap3A_768] {strides = array<i32>} : memref<3136xi32, #tpu.memory_space<vmem>>, vector<16xi32>,
    %swap3A_770 = vector.shape_cast %swap3A_769 : vector<16xi32> to vector<16xi32>
    %swap3A_771 = vector.shape_cast %add3A_767 : vector<16xi32> to vector<16xi32>
    tpu.vector_store %arg5[%swap3A_768], %swap3A_771 {strides = array<i32>} : memref<3136xi32, #tpu.memory_space<vmem>>, vector<16xi32>,
    %get3A_772 = arith.constant 1472 : index
    %get3A_773 = tpu.vector_load %arg5[%get3A_772] {strides = array<i32>} : memref<3136xi32, #tpu.memory_space<vmem>>, vector<16xi32>,
    %get3A_774 = vector.shape_cast %get3A_773 : vector<16xi32> to vector<16xi32>
    %add3A_775 = arith.addi %get3A_774, %add3A_37 : vector<16xi32>
    %swap3A_776 = arith.constant 1472 : index
    %swap3A_777 = tpu.vector_load %arg5[%swap3A_776] {strides = array<i32>} : memref<3136xi32, #tpu.memory_space<vmem>>, vector<16xi32>,
    %swap3A_778 = vector.shape_cast %swap3A_777 : vector<16xi32> to vector<16xi32>
    %swap3A_779 = vector.shape_cast %add3A_775 : vector<16xi32> to vector<16xi32>
    tpu.vector_store %arg5[%swap3A_776], %swap3A_779 {strides = array<i32>} : memref<3136xi32, #tpu.memory_space<vmem>>, vector<16xi32>,
    %get3A_780 = arith.constant 1488 : index
    %get3A_781 = tpu.vector_load %arg5[%get3A_780] {strides = array<i32>} : memref<3136xi32, #tpu.memory_space<vmem>>, vector<16xi32>,
    %get3A_782 = vector.shape_cast %get3A_781 : vector<16xi32> to vector<16xi32>
    %add3A_783 = arith.addi %get3A_782, %add3A_37 : vector<16xi32>
    %swap3A_784 = arith.constant 1488 : index
    %swap3A_785 = tpu.vector_load %arg5[%swap3A_784] {strides = array<i32>} : memref<3136xi32, #tpu.memory_space<vmem>>, vector<16xi32>,
    %swap3A_786 = vector.shape_cast %swap3A_785 : vector<16xi32> to vector<16xi32>
    %swap3A_787 = vector.shape_cast %add3A_783 : vector<16xi32> to vector<16xi32>
    tpu.vector_store %arg5[%swap3A_784], %swap3A_787 {strides = array<i32>} : memref<3136xi32, #tpu.memory_space<vmem>>, vector<16xi32>,
    %get3A_788 = arith.constant 1504 : index
    %get3A_789 = tpu.vector_load %arg5[%get3A_788] {strides = array<i32>} : memref<3136xi32, #tpu.memory_space<vmem>>, vector<16xi32>,
    %get3A_790 = vector.shape_cast %get3A_789 : vector<16xi32> to vector<16xi32>
    %add3A_791 = arith.addi %get3A_790, %add3A_37 : vector<16xi32>
    %swap3A_792 = arith.constant 1504 : index
    %swap3A_793 = tpu.vector_load %arg5[%swap3A_792] {strides = array<i32>} : memref<3136xi32, #tpu.memory_space<vmem>>, vector<16xi32>,
    %swap3A_794 = vector.shape_cast %swap3A_793 : vector<16xi32> to vector<16xi32>
    %swap3A_795 = vector.shape_cast %add3A_791 : vector<16xi32> to vector<16xi32>
    tpu.vector_store %arg5[%swap3A_792], %swap3A_795 {strides = array<i32>} : memref<3136xi32, #tpu.memory_space<vmem>>, vector<16xi32>,
    %get3A_796 = arith.constant 1520 : index
    %get3A_797 = tpu.vector_load %arg5[%get3A_796] {strides = array<i32>} : memref<3136xi32, #tpu.memory_space<vmem>>, vector<16xi32>,
    %get3A_798 = vector.shape_cast %get3A_797 : vector<16xi32> to vector<16xi32>
    %add3A_799 = arith.addi %get3A_798, %add3A_37 : vector<16xi32>
    %swap3A_800 = arith.constant 1520 : index
    %swap3A_801 = tpu.vector_load %arg5[%swap3A_800] {strides = array<i32>} : memref<3136xi32, #tpu.memory_space<vmem>>, vector<16xi32>,
    %swap3A_802 = vector.shape_cast %swap3A_801 : vector<16xi32> to vector<16xi32>
    %swap3A_803 = vector.shape_cast %add3A_799 : vector<16xi32> to vector<16xi32>
    tpu.vector_store %arg5[%swap3A_800], %swap3A_803 {strides = array<i32>} : memref<3136xi32, #tpu.memory_space<vmem>>, vector<16xi32>,
    %get3A_804 = arith.constant 1536 : index
    %get3A_805 = tpu.vector_load %arg5[%get3A_804] {strides = array<i32>} : memref<3136xi32, #tpu.memory_space<vmem>>, vector<16xi32>,
    %get3A_806 = vector.shape_cast %get3A_805 : vector<16xi32> to vector<16xi32>
    %add3A_807 = arith.addi %get3A_806, %add3A_37 : vector<16xi32>
    %swap3A_808 = arith.constant 1536 : index
    %swap3A_809 = tpu.vector_load %arg5[%swap3A_808] {strides = array<i32>} : memref<3136xi32, #tpu.memory_space<vmem>>, vector<16xi32>,
    %swap3A_810 = vector.shape_cast %swap3A_809 : vector<16xi32> to vector<16xi32>
    %swap3A_811 = vector.shape_cast %add3A_807 : vector<16xi32> to vector<16xi32>
    tpu.vector_store %arg5[%swap3A_808], %swap3A_811 {strides = array<i32>} : memref<3136xi32, #tpu.memory_space<vmem>>, vector<16xi32>,
    %get3A_812 = arith.constant 1552 : index
    %get3A_813 = tpu.vector_load %arg5[%get3A_812] {strides = array<i32>} : memref<3136xi32, #tpu.memory_space<vmem>>, vector<16xi32>,
    %get3A_814 = vector.shape_cast %get3A_813 : vector<16xi32> to vector<16xi32>
    %add3A_815 = arith.addi %get3A_814, %add3A_37 : vector<16xi32>
    %swap3A_816 = arith.constant 1552 : index
    %swap3A_817 = tpu.vector_load %arg5[%swap3A_816] {strides = array<i32>} : memref<3136xi32, #tpu.memory_space<vmem>>, vector<16xi32>,
    %swap3A_818 = vector.shape_cast %swap3A_817 : vector<16xi32> to vector<16xi32>
    %swap3A_819 = vector.shape_cast %add3A_815 : vector<16xi32> to vector<16xi32>
    tpu.vector_store %arg5[%swap3A_816], %swap3A_819 {strides = array<i32>} : memref<3136xi32, #tpu.memory_space<vmem>>, vector<16xi32>,
    %get3A_820 = arith.constant 1568 : index
    %get3A_821 = tpu.vector_load %arg5[%get3A_820] {strides = array<i32>} : memref<3136xi32, #tpu.memory_space<vmem>>, vector<16xi32>,
    %get3A_822 = vector.shape_cast %get3A_821 : vector<16xi32> to vector<16xi32>
    %add3A_823 = arith.addi %get3A_822, %add3A_37 : vector<16xi32>
    %swap3A_824 = arith.constant 1568 : index
    %swap3A_825 = tpu.vector_load %arg5[%swap3A_824] {strides = array<i32>} : memref<3136xi32, #tpu.memory_space<vmem>>, vector<16xi32>,
    %swap3A_826 = vector.shape_cast %swap3A_825 : vector<16xi32> to vector<16xi32>
    %swap3A_827 = vector.shape_cast %add3A_823 : vector<16xi32> to vector<16xi32>
    tpu.vector_store %arg5[%swap3A_824], %swap3A_827 {strides = array<i32>} : memref<3136xi32, #tpu.memory_space<vmem>>, vector<16xi32>,
    %get3A_828 = arith.constant 1584 : index
    %get3A_829 = tpu.vector_load %arg5[%get3A_828] {strides = array<i32>} : memref<3136xi32, #tpu.memory_space<vmem>>, vector<16xi32>,
    %get3A_830 = vector.shape_cast %get3A_829 : vector<16xi32> to vector<16xi32>
    %add3A_831 = arith.addi %get3A_830, %add3A_37 : vector<16xi32>
    %swap3A_832 = arith.constant 1584 : index
    %swap3A_833 = tpu.vector_load %arg5[%swap3A_832] {strides = array<i32>} : memref<3136xi32, #tpu.memory_space<vmem>>, vector<16xi32>,
    %swap3A_834 = vector.shape_cast %swap3A_833 : vector<16xi32> to vector<16xi32>
    %swap3A_835 = vector.shape_cast %add3A_831 : vector<16xi32> to vector<16xi32>
    tpu.vector_store %arg5[%swap3A_832], %swap3A_835 {strides = array<i32>} : memref<3136xi32, #tpu.memory_space<vmem>>, vector<16xi32>,
    %get3A_836 = arith.constant 1600 : index
    %get3A_837 = tpu.vector_load %arg5[%get3A_836] {strides = array<i32>} : memref<3136xi32, #tpu.memory_space<vmem>>, vector<16xi32>,
    %get3A_838 = vector.shape_cast %get3A_837 : vector<16xi32> to vector<16xi32>
    %add3A_839 = arith.addi %get3A_838, %add3A_37 : vector<16xi32>
    %swap3A_840 = arith.constant 1600 : index
    %swap3A_841 = tpu.vector_load %arg5[%swap3A_840] {strides = array<i32>} : memref<3136xi32, #tpu.memory_space<vmem>>, vector<16xi32>,
    %swap3A_842 = vector.shape_cast %swap3A_841 : vector<16xi32> to vector<16xi32>
    %swap3A_843 = vector.shape_cast %add3A_839 : vector<16xi32> to vector<16xi32>
    tpu.vector_store %arg5[%swap3A_840], %swap3A_843 {strides = array<i32>} : memref<3136xi32, #tpu.memory_space<vmem>>, vector<16xi32>,
    %get3A_844 = arith.constant 1616 : index
    %get3A_845 = tpu.vector_load %arg5[%get3A_844] {strides = array<i32>} : memref<3136xi32, #tpu.memory_space<vmem>>, vector<16xi32>,
    %get3A_846 = vector.shape_cast %get3A_845 : vector<16xi32> to vector<16xi32>
    %add3A_847 = arith.addi %get3A_846, %add3A_37 : vector<16xi32>
    %swap3A_848 = arith.constant 1616 : index
    %swap3A_849 = tpu.vector_load %arg5[%swap3A_848] {strides = array<i32>} : memref<3136xi32, #tpu.memory_space<vmem>>, vector<16xi32>,
    %swap3A_850 = vector.shape_cast %swap3A_849 : vector<16xi32> to vector<16xi32>
    %swap3A_851 = vector.shape_cast %add3A_847 : vector<16xi32> to vector<16xi32>
    tpu.vector_store %arg5[%swap3A_848], %swap3A_851 {strides = array<i32>} : memref<3136xi32, #tpu.memory_space<vmem>>, vector<16xi32>,
    %get3A_852 = arith.constant 1632 : index
    %get3A_853 = tpu.vector_load %arg5[%get3A_852] {strides = array<i32>} : memref<3136xi32, #tpu.memory_space<vmem>>, vector<16xi32>,
    %get3A_854 = vector.shape_cast %get3A_853 : vector<16xi32> to vector<16xi32>
    %add3A_855 = arith.addi %get3A_854, %add3A_37 : vector<16xi32>
    %swap3A_856 = arith.constant 1632 : index
    %swap3A_857 = tpu.vector_load %arg5[%swap3A_856] {strides = array<i32>} : memref<3136xi32, #tpu.memory_space<vmem>>, vector<16xi32>,
    %swap3A_858 = vector.shape_cast %swap3A_857 : vector<16xi32> to vector<16xi32>
    %swap3A_859 = vector.shape_cast %add3A_855 : vector<16xi32> to vector<16xi32>
    tpu.vector_store %arg5[%swap3A_856], %swap3A_859 {strides = array<i32>} : memref<3136xi32, #tpu.memory_space<vmem>>, vector<16xi32>,
    %get3A_860 = arith.constant 1648 : index
    %get3A_861 = tpu.vector_load %arg5[%get3A_860] {strides = array<i32>} : memref<3136xi32, #tpu.memory_space<vmem>>, vector<16xi32>,
    %get3A_862 = vector.shape_cast %get3A_861 : vector<16xi32> to vector<16xi32>
    %add3A_863 = arith.addi %get3A_862, %add3A_37 : vector<16xi32>
    %swap3A_864 = arith.constant 1648 : index
    %swap3A_865 = tpu.vector_load %arg5[%swap3A_864] {strides = array<i32>} : memref<3136xi32, #tpu.memory_space<vmem>>, vector<16xi32>,
    %swap3A_866 = vector.shape_cast %swap3A_865 : vector<16xi32> to vector<16xi32>
    %swap3A_867 = vector.shape_cast %add3A_863 : vector<16xi32> to vector<16xi32>
    tpu.vector_store %arg5[%swap3A_864], %swap3A_867 {strides = array<i32>} : memref<3136xi32, #tpu.memory_space<vmem>>, vector<16xi32>,
    %get3A_868 = arith.constant 1664 : index
    %get3A_869 = tpu.vector_load %arg5[%get3A_868] {strides = array<i32>} : memref<3136xi32, #tpu.memory_space<vmem>>, vector<16xi32>,
    %get3A_870 = vector.shape_cast %get3A_869 : vector<16xi32> to vector<16xi32>
    %add3A_871 = arith.addi %get3A_870, %add3A_37 : vector<16xi32>
    %swap3A_872 = arith.constant 1664 : index
    %swap3A_873 = tpu.vector_load %arg5[%swap3A_872] {strides = array<i32>} : memref<3136xi32, #tpu.memory_space<vmem>>, vector<16xi32>,
    %swap3A_874 = vector.shape_cast %swap3A_873 : vector<16xi32> to vector<16xi32>
    %swap3A_875 = vector.shape_cast %add3A_871 : vector<16xi32> to vector<16xi32>
    tpu.vector_store %arg5[%swap3A_872], %swap3A_875 {strides = array<i32>} : memref<3136xi32, #tpu.memory_space<vmem>>, vector<16xi32>,
    %get3A_876 = arith.constant 1680 : index
    %get3A_877 = tpu.vector_load %arg5[%get3A_876] {strides = array<i32>} : memref<3136xi32, #tpu.memory_space<vmem>>, vector<16xi32>,
    %get3A_878 = vector.shape_cast %get3A_877 : vector<16xi32> to vector<16xi32>
    %add3A_879 = arith.addi %get3A_878, %add3A_37 : vector<16xi32>
    %swap3A_880 = arith.constant 1680 : index
    %swap3A_881 = tpu.vector_load %arg5[%swap3A_880] {strides = array<i32>} : memref<3136xi32, #tpu.memory_space<vmem>>, vector<16xi32>,
    %swap3A_882 = vector.shape_cast %swap3A_881 : vector<16xi32> to vector<16xi32>
    %swap3A_883 = vector.shape_cast %add3A_879 : vector<16xi32> to vector<16xi32>
    tpu.vector_store %arg5[%swap3A_880], %swap3A_883 {strides = array<i32>} : memref<3136xi32, #tpu.memory_space<vmem>>, vector<16xi32>,
    %get3A_884 = arith.constant 1696 : index
    %get3A_885 = tpu.vector_load %arg5[%get3A_884] {strides = array<i32>} : memref<3136xi32, #tpu.memory_space<vmem>>, vector<16xi32>,
    %get3A_886 = vector.shape_cast %get3A_885 : vector<16xi32> to vector<16xi32>
    %add3A_887 = arith.addi %get3A_886, %add3A_37 : vector<16xi32>
    %swap3A_888 = arith.constant 1696 : index
    %swap3A_889 = tpu.vector_load %arg5[%swap3A_888] {strides = array<i32>} : memref<3136xi32, #tpu.memory_space<vmem>>, vector<16xi32>,
    %swap3A_890 = vector.shape_cast %swap3A_889 : vector<16xi32> to vector<16xi32>
    %swap3A_891 = vector.shape_cast %add3A_887 : vector<16xi32> to vector<16xi32>
    tpu.vector_store %arg5[%swap3A_888], %swap3A_891 {strides = array<i32>} : memref<3136xi32, #tpu.memory_space<vmem>>, vector<16xi32>,
    %get3A_892 = arith.constant 1712 : index
    %get3A_893 = tpu.vector_load %arg5[%get3A_892] {strides = array<i32>} : memref<3136xi32, #tpu.memory_space<vmem>>, vector<16xi32>,
    %get3A_894 = vector.shape_cast %get3A_893 : vector<16xi32> to vector<16xi32>
    %add3A_895 = arith.addi %get3A_894, %add3A_37 : vector<16xi32>
    %swap3A_896 = arith.constant 1712 : index
    %swap3A_897 = tpu.vector_load %arg5[%swap3A_896] {strides = array<i32>} : memref<3136xi32, #tpu.memory_space<vmem>>, vector<16xi32>,
    %swap3A_898 = vector.shape_cast %swap3A_897 : vector<16xi32> to vector<16xi32>
    %swap3A_899 = vector.shape_cast %add3A_895 : vector<16xi32> to vector<16xi32>
    tpu.vector_store %arg5[%swap3A_896], %swap3A_899 {strides = array<i32>} : memref<3136xi32, #tpu.memory_space<vmem>>, vector<16xi32>,
    %get3A_900 = arith.constant 1728 : index
    %get3A_901 = tpu.vector_load %arg5[%get3A_900] {strides = array<i32>} : memref<3136xi32, #tpu.memory_space<vmem>>, vector<16xi32>,
    %get3A_902 = vector.shape_cast %get3A_901 : vector<16xi32> to vector<16xi32>
    %add3A_903 = arith.addi %get3A_902, %add3A_37 : vector<16xi32>
    %swap3A_904 = arith.constant 1728 : index
    %swap3A_905 = tpu.vector_load %arg5[%swap3A_904] {strides = array<i32>} : memref<3136xi32, #tpu.memory_space<vmem>>, vector<16xi32>,
    %swap3A_906 = vector.shape_cast %swap3A_905 : vector<16xi32> to vector<16xi32>
    %swap3A_907 = vector.shape_cast %add3A_903 : vector<16xi32> to vector<16xi32>
    tpu.vector_store %arg5[%swap3A_904], %swap3A_907 {strides = array<i32>} : memref<3136xi32, #tpu.memory_space<vmem>>, vector<16xi32>,
    %get3A_908 = arith.constant 1744 : index
    %get3A_909 = tpu.vector_load %arg5[%get3A_908] {strides = array<i32>} : memref<3136xi32, #tpu.memory_space<vmem>>, vector<16xi32>,
    %get3A_910 = vector.shape_cast %get3A_909 : vector<16xi32> to vector<16xi32>
    %add3A_911 = arith.addi %get3A_910, %add3A_37 : vector<16xi32>
    %swap3A_912 = arith.constant 1744 : index
    %swap3A_913 = tpu.vector_load %arg5[%swap3A_912] {strides = array<i32>} : memref<3136xi32, #tpu.memory_space<vmem>>, vector<16xi32>,
    %swap3A_914 = vector.shape_cast %swap3A_913 : vector<16xi32> to vector<16xi32>
    %swap3A_915 = vector.shape_cast %add3A_911 : vector<16xi32> to vector<16xi32>
    tpu.vector_store %arg5[%swap3A_912], %swap3A_915 {strides = array<i32>} : memref<3136xi32, #tpu.memory_space<vmem>>, vector<16xi32>,
    %get3A_916 = arith.constant 1760 : index
    %get3A_917 = tpu.vector_load %arg5[%get3A_916] {strides = array<i32>} : memref<3136xi32, #tpu.memory_space<vmem>>, vector<16xi32>,
    %get3A_918 = vector.shape_cast %get3A_917 : vector<16xi32> to vector<16xi32>
    %add3A_919 = arith.addi %get3A_918, %add3A_37 : vector<16xi32>
    %swap3A_920 = arith.constant 1760 : index
    %swap3A_921 = tpu.vector_load %arg5[%swap3A_920] {strides = array<i32>} : memref<3136xi32, #tpu.memory_space<vmem>>, vector<16xi32>,
    %swap3A_922 = vector.shape_cast %swap3A_921 : vector<16xi32> to vector<16xi32>
    %swap3A_923 = vector.shape_cast %add3A_919 : vector<16xi32> to vector<16xi32>
    tpu.vector_store %arg5[%swap3A_920], %swap3A_923 {strides = array<i32>} : memref<3136xi32, #tpu.memory_space<vmem>>, vector<16xi32>,
    %get3A_924 = arith.constant 1776 : index
    %get3A_925 = tpu.vector_load %arg5[%get3A_924] {strides = array<i32>} : memref<3136xi32, #tpu.memory_space<vmem>>, vector<16xi32>,
    %get3A_926 = vector.shape_cast %get3A_925 : vector<16xi32> to vector<16xi32>
    %add3A_927 = arith.addi %get3A_926, %add3A_37 : vector<16xi32>
    %swap3A_928 = arith.constant 1776 : index
    %swap3A_929 = tpu.vector_load %arg5[%swap3A_928] {strides = array<i32>} : memref<3136xi32, #tpu.memory_space<vmem>>, vector<16xi32>,
    %swap3A_930 = vector.shape_cast %swap3A_929 : vector<16xi32> to vector<16xi32>
    %swap3A_931 = vector.shape_cast %add3A_927 : vector<16xi32> to vector<16xi32>
    tpu.vector_store %arg5[%swap3A_928], %swap3A_931 {strides = array<i32>} : memref<3136xi32, #tpu.memory_space<vmem>>, vector<16xi32>,
    %get3A_932 = arith.constant 1792 : index
    %get3A_933 = tpu.vector_load %arg5[%get3A_932] {strides = array<i32>} : memref<3136xi32, #tpu.memory_space<vmem>>, vector<16xi32>,
    %get3A_934 = vector.shape_cast %get3A_933 : vector<16xi32> to vector<16xi32>
    %add3A_935 = arith.addi %get3A_934, %add3A_37 : vector<16xi32>
    %swap3A_936 = arith.constant 1792 : index
    %swap3A_937 = tpu.vector_load %arg5[%swap3A_936] {strides = array<i32>} : memref<3136xi32, #tpu.memory_space<vmem>>, vector<16xi32>,
    %swap3A_938 = vector.shape_cast %swap3A_937 : vector<16xi32> to vector<16xi32>
    %swap3A_939 = vector.shape_cast %add3A_935 : vector<16xi32> to vector<16xi32>
    tpu.vector_store %arg5[%swap3A_936], %swap3A_939 {strides = array<i32>} : memref<3136xi32, #tpu.memory_space<vmem>>, vector<16xi32>,
    %get3A_940 = arith.constant 1808 : index
    %get3A_941 = tpu.vector_load %arg5[%get3A_940] {strides = array<i32>} : memref<3136xi32, #tpu.memory_space<vmem>>, vector<16xi32>,
    %get3A_942 = vector.shape_cast %get3A_941 : vector<16xi32> to vector<16xi32>
    %add3A_943 = arith.addi %get3A_942, %add3A_37 : vector<16xi32>
    %swap3A_944 = arith.constant 1808 : index
    %swap3A_945 = tpu.vector_load %arg5[%swap3A_944] {strides = array<i32>} : memref<3136xi32, #tpu.memory_space<vmem>>, vector<16xi32>,
    %swap3A_946 = vector.shape_cast %swap3A_945 : vector<16xi32> to vector<16xi32>
    %swap3A_947 = vector.shape_cast %add3A_943 : vector<16xi32> to vector<16xi32>
    tpu.vector_store %arg5[%swap3A_944], %swap3A_947 {strides = array<i32>} : memref<3136xi32, #tpu.memory_space<vmem>>, vector<16xi32>,
    %get3A_948 = arith.constant 1824 : index
    %get3A_949 = tpu.vector_load %arg5[%get3A_948] {strides = array<i32>} : memref<3136xi32, #tpu.memory_space<vmem>>, vector<16xi32>,
    %get3A_950 = vector.shape_cast %get3A_949 : vector<16xi32> to vector<16xi32>
    %add3A_951 = arith.addi %get3A_950, %add3A_37 : vector<16xi32>
    %swap3A_952 = arith.constant 1824 : index
    %swap3A_953 = tpu.vector_load %arg5[%swap3A_952] {strides = array<i32>} : memref<3136xi32, #tpu.memory_space<vmem>>, vector<16xi32>,
    %swap3A_954 = vector.shape_cast %swap3A_953 : vector<16xi32> to vector<16xi32>
    %swap3A_955 = vector.shape_cast %add3A_951 : vector<16xi32> to vector<16xi32>
    tpu.vector_store %arg5[%swap3A_952], %swap3A_955 {strides = array<i32>} : memref<3136xi32, #tpu.memory_space<vmem>>, vector<16xi32>,
    %get3A_956 = arith.constant 1840 : index
    %get3A_957 = tpu.vector_load %arg5[%get3A_956] {strides = array<i32>} : memref<3136xi32, #tpu.memory_space<vmem>>, vector<16xi32>,
    %get3A_958 = vector.shape_cast %get3A_957 : vector<16xi32> to vector<16xi32>
    %add3A_959 = arith.addi %get3A_958, %add3A_37 : vector<16xi32>
    %swap3A_960 = arith.constant 1840 : index
    %swap3A_961 = tpu.vector_load %arg5[%swap3A_960] {strides = array<i32>} : memref<3136xi32, #tpu.memory_space<vmem>>, vector<16xi32>,
    %swap3A_962 = vector.shape_cast %swap3A_961 : vector<16xi32> to vector<16xi32>
    %swap3A_963 = vector.shape_cast %add3A_959 : vector<16xi32> to vector<16xi32>
    tpu.vector_store %arg5[%swap3A_960], %swap3A_963 {strides = array<i32>} : memref<3136xi32, #tpu.memory_space<vmem>>, vector<16xi32>,
    %get3A_964 = arith.constant 1856 : index
    %get3A_965 = tpu.vector_load %arg5[%get3A_964] {strides = array<i32>} : memref<3136xi32, #tpu.memory_space<vmem>>, vector<16xi32>,
    %get3A_966 = vector.shape_cast %get3A_965 : vector<16xi32> to vector<16xi32>
    %add3A_967 = arith.addi %get3A_966, %add3A_37 : vector<16xi32>
    %swap3A_968 = arith.constant 1856 : index
    %swap3A_969 = tpu.vector_load %arg5[%swap3A_968] {strides = array<i32>} : memref<3136xi32, #tpu.memory_space<vmem>>, vector<16xi32>,
    %swap3A_970 = vector.shape_cast %swap3A_969 : vector<16xi32> to vector<16xi32>
    %swap3A_971 = vector.shape_cast %add3A_967 : vector<16xi32> to vector<16xi32>
    tpu.vector_store %arg5[%swap3A_968], %swap3A_971 {strides = array<i32>} : memref<3136xi32, #tpu.memory_space<vmem>>, vector<16xi32>,
    %get3A_972 = arith.constant 1872 : index
    %get3A_973 = tpu.vector_load %arg5[%get3A_972] {strides = array<i32>} : memref<3136xi32, #tpu.memory_space<vmem>>, vector<16xi32>,
    %get3A_974 = vector.shape_cast %get3A_973 : vector<16xi32> to vector<16xi32>
    %add3A_975 = arith.addi %get3A_974, %add3A_37 : vector<16xi32>
    %swap3A_976 = arith.constant 1872 : index
    %swap3A_977 = tpu.vector_load %arg5[%swap3A_976] {strides = array<i32>} : memref<3136xi32, #tpu.memory_space<vmem>>, vector<16xi32>,
    %swap3A_978 = vector.shape_cast %swap3A_977 : vector<16xi32> to vector<16xi32>
    %swap3A_979 = vector.shape_cast %add3A_975 : vector<16xi32> to vector<16xi32>
    tpu.vector_store %arg5[%swap3A_976], %swap3A_979 {strides = array<i32>} : memref<3136xi32, #tpu.memory_space<vmem>>, vector<16xi32>,
    %get3A_980 = arith.constant 1888 : index
    %get3A_981 = tpu.vector_load %arg5[%get3A_980] {strides = array<i32>} : memref<3136xi32, #tpu.memory_space<vmem>>, vector<16xi32>,
    %get3A_982 = vector.shape_cast %get3A_981 : vector<16xi32> to vector<16xi32>
    %add3A_983 = arith.addi %get3A_982, %add3A_37 : vector<16xi32>
    %swap3A_984 = arith.constant 1888 : index
    %swap3A_985 = tpu.vector_load %arg5[%swap3A_984] {strides = array<i32>} : memref<3136xi32, #tpu.memory_space<vmem>>, vector<16xi32>,
    %swap3A_986 = vector.shape_cast %swap3A_985 : vector<16xi32> to vector<16xi32>
    %swap3A_987 = vector.shape_cast %add3A_983 : vector<16xi32> to vector<16xi32>
    tpu.vector_store %arg5[%swap3A_984], %swap3A_987 {strides = array<i32>} : memref<3136xi32, #tpu.memory_space<vmem>>, vector<16xi32>,
    %get3A_988 = arith.constant 1904 : index
    %get3A_989 = tpu.vector_load %arg5[%get3A_988] {strides = array<i32>} : memref<3136xi32, #tpu.memory_space<vmem>>, vector<16xi32>,
    %get3A_990 = vector.shape_cast %get3A_989 : vector<16xi32> to vector<16xi32>
    %add3A_991 = arith.addi %get3A_990, %add3A_37 : vector<16xi32>
    %swap3A_992 = arith.constant 1904 : index
    %swap3A_993 = tpu.vector_load %arg5[%swap3A_992] {strides = array<i32>} : memref<3136xi32, #tpu.memory_space<vmem>>, vector<16xi32>,
    %swap3A_994 = vector.shape_cast %swap3A_993 : vector<16xi32> to vector<16xi32>
    %swap3A_995 = vector.shape_cast %add3A_991 : vector<16xi32> to vector<16xi32>
    tpu.vector_store %arg5[%swap3A_992], %swap3A_995 {strides = array<i32>} : memref<3136xi32, #tpu.memory_space<vmem>>, vector<16xi32>,
    %get3A_996 = arith.constant 1920 : index
    %get3A_997 = tpu.vector_load %arg5[%get3A_996] {strides = array<i32>} : memref<3136xi32, #tpu.memory_space<vmem>>, vector<16xi32>,
    %get3A_998 = vector.shape_cast %get3A_997 : vector<16xi32> to vector<16xi32>
    %add3A_999 = arith.addi %get3A_998, %add3A_37 : vector<16xi32>
    %swap3A_1000 = arith.constant 1920 : index
    %swap3A_1001 = tpu.vector_load %arg5[%swap3A_1000] {strides = array<i32>} : memref<3136xi32, #tpu.memory_space<vmem>>, vector<16xi32>,
    %swap3A_1002 = vector.shape_cast %swap3A_1001 : vector<16xi32> to vector<16xi32>
    %swap3A_1003 = vector.shape_cast %add3A_999 : vector<16xi32> to vector<16xi32>
    tpu.vector_store %arg5[%swap3A_1000], %swap3A_1003 {strides = array<i32>} : memref<3136xi32, #tpu.memory_space<vmem>>, vector<16xi32>,
    %get3A_1004 = arith.constant 1936 : index
    %get3A_1005 = tpu.vector_load %arg5[%get3A_1004] {strides = array<i32>} : memref<3136xi32, #tpu.memory_space<vmem>>, vector<16xi32>,
    %get3A_1006 = vector.shape_cast %get3A_1005 : vector<16xi32> to vector<16xi32>
    %add3A_1007 = arith.addi %get3A_1006, %add3A_37 : vector<16xi32>
    %swap3A_1008 = arith.constant 1936 : index
    %swap3A_1009 = tpu.vector_load %arg5[%swap3A_1008] {strides = array<i32>} : memref<3136xi32, #tpu.memory_space<vmem>>, vector<16xi32>,
    %swap3A_1010 = vector.shape_cast %swap3A_1009 : vector<16xi32> to vector<16xi32>
    %swap3A_1011 = vector.shape_cast %add3A_1007 : vector<16xi32> to vector<16xi32>
    tpu.vector_store %arg5[%swap3A_1008], %swap3A_1011 {strides = array<i32>} : memref<3136xi32, #tpu.memory_space<vmem>>, vector<16xi32>,
    %get3A_1012 = arith.constant 1952 : index
    %get3A_1013 = tpu.vector_load %arg5[%get3A_1012] {strides = array<i32>} : memref<3136xi32, #tpu.memory_space<vmem>>, vector<16xi32>,
    %get3A_1014 = vector.shape_cast %get3A_1013 : vector<16xi32> to vector<16xi32>
    %add3A_1015 = arith.addi %get3A_1014, %add3A_37 : vector<16xi32>
    %swap3A_1016 = arith.constant 1952 : index
    %swap3A_1017 = tpu.vector_load %arg5[%swap3A_1016] {strides = array<i32>} : memref<3136xi32, #tpu.memory_space<vmem>>, vector<16xi32>,
    %swap3A_1018 = vector.shape_cast %swap3A_1017 : vector<16xi32> to vector<16xi32>
    %swap3A_1019 = vector.shape_cast %add3A_1015 : vector<16xi32> to vector<16xi32>
    tpu.vector_store %arg5[%swap3A_1016], %swap3A_1019 {strides = array<i32>} : memref<3136xi32, #tpu.memory_space<vmem>>, vector<16xi32>,
    %get3A_1020 = arith.constant 1968 : index
    %get3A_1021 = tpu.vector_load %arg5[%get3A_1020] {strides = array<i32>} : memref<3136xi32, #tpu.memory_space<vmem>>, vector<16xi32>,
    %get3A_1022 = vector.shape_cast %get3A_1021 : vector<16xi32> to vector<16xi32>
    %add3A_1023 = arith.addi %get3A_1022, %add3A_37 : vector<16xi32>
    %swap3A_1024 = arith.constant 1968 : index
    %swap3A_1025 = tpu.vector_load %arg5[%swap3A_1024] {strides = array<i32>} : memref<3136xi32, #tpu.memory_space<vmem>>, vector<16xi32>,
    %swap3A_1026 = vector.shape_cast %swap3A_1025 : vector<16xi32> to vector<16xi32>
    %swap3A_1027 = vector.shape_cast %add3A_1023 : vector<16xi32> to vector<16xi32>
    tpu.vector_store %arg5[%swap3A_1024], %swap3A_1027 {strides = array<i32>} : memref<3136xi32, #tpu.memory_space<vmem>>, vector<16xi32>,
    %get3A_1028 = arith.constant 1984 : index
    %get3A_1029 = tpu.vector_load %arg5[%get3A_1028] {strides = array<i32>} : memref<3136xi32, #tpu.memory_space<vmem>>, vector<16xi32>,
    %get3A_1030 = vector.shape_cast %get3A_1029 : vector<16xi32> to vector<16xi32>
    %add3A_1031 = arith.addi %get3A_1030, %add3A_37 : vector<16xi32>
    %swap3A_1032 = arith.constant 1984 : index
    %swap3A_1033 = tpu.vector_load %arg5[%swap3A_1032] {strides = array<i32>} : memref<3136xi32, #tpu.memory_space<vmem>>, vector<16xi32>,
    %swap3A_1034 = vector.shape_cast %swap3A_1033 : vector<16xi32> to vector<16xi32>
    %swap3A_1035 = vector.shape_cast %add3A_1031 : vector<16xi32> to vector<16xi32>
    tpu.vector_store %arg5[%swap3A_1032], %swap3A_1035 {strides = array<i32>} : memref<3136xi32, #tpu.memory_space<vmem>>, vector<16xi32>,
    %get3A_1036 = arith.constant 2000 : index
    %get3A_1037 = tpu.vector_load %arg5[%get3A_1036] {strides = array<i32>} : memref<3136xi32, #tpu.memory_space<vmem>>, vector<16xi32>,
    %get3A_1038 = vector.shape_cast %get3A_1037 : vector<16xi32> to vector<16xi32>
    %add3A_1039 = arith.addi %get3A_1038, %add3A_37 : vector<16xi32>
    %swap3A_1040 = arith.constant 2000 : index
    %swap3A_1041 = tpu.vector_load %arg5[%swap3A_1040] {strides = array<i32>} : memref<3136xi32, #tpu.memory_space<vmem>>, vector<16xi32>,
    %swap3A_1042 = vector.shape_cast %swap3A_1041 : vector<16xi32> to vector<16xi32>
    %swap3A_1043 = vector.shape_cast %add3A_1039 : vector<16xi32> to vector<16xi32>
    tpu.vector_store %arg5[%swap3A_1040], %swap3A_1043 {strides = array<i32>} : memref<3136xi32, #tpu.memory_space<vmem>>, vector<16xi32>,
    %get3A_1044 = arith.constant 2016 : index
    %get3A_1045 = tpu.vector_load %arg5[%get3A_1044] {strides = array<i32>} : memref<3136xi32, #tpu.memory_space<vmem>>, vector<16xi32>,
    %get3A_1046 = vector.shape_cast %get3A_1045 : vector<16xi32> to vector<16xi32>
    %add3A_1047 = arith.addi %get3A_1046, %add3A_37 : vector<16xi32>
    %swap3A_1048 = arith.constant 2016 : index
    %swap3A_1049 = tpu.vector_load %arg5[%swap3A_1048] {strides = array<i32>} : memref<3136xi32, #tpu.memory_space<vmem>>, vector<16xi32>,
    %swap3A_1050 = vector.shape_cast %swap3A_1049 : vector<16xi32> to vector<16xi32>
    %swap3A_1051 = vector.shape_cast %add3A_1047 : vector<16xi32> to vector<16xi32>
    tpu.vector_store %arg5[%swap3A_1048], %swap3A_1051 {strides = array<i32>} : memref<3136xi32, #tpu.memory_space<vmem>>, vector<16xi32>,
    %get3A_1052 = arith.constant 2032 : index
    %get3A_1053 = tpu.vector_load %arg5[%get3A_1052] {strides = array<i32>} : memref<3136xi32, #tpu.memory_space<vmem>>, vector<16xi32>,
    %get3A_1054 = vector.shape_cast %get3A_1053 : vector<16xi32> to vector<16xi32>
    %add3A_1055 = arith.addi %get3A_1054, %add3A_37 : vector<16xi32>
    %swap3A_1056 = arith.constant 2032 : index
    %swap3A_1057 = tpu.vector_load %arg5[%swap3A_1056] {strides = array<i32>} : memref<3136xi32, #tpu.memory_space<vmem>>, vector<16xi32>,
    %swap3A_1058 = vector.shape_cast %swap3A_1057 : vector<16xi32> to vector<16xi32>
    %swap3A_1059 = vector.shape_cast %add3A_1055 : vector<16xi32> to vector<16xi32>
    tpu.vector_store %arg5[%swap3A_1056], %swap3A_1059 {strides = array<i32>} : memref<3136xi32, #tpu.memory_space<vmem>>, vector<16xi32>,
    %get3A_1060 = arith.constant 2048 : index
    %get3A_1061 = tpu.vector_load %arg5[%get3A_1060] {strides = array<i32>} : memref<3136xi32, #tpu.memory_space<vmem>>, vector<16xi32>,
    %get3A_1062 = vector.shape_cast %get3A_1061 : vector<16xi32> to vector<16xi32>
    %add3A_1063 = arith.addi %get3A_1062, %add3A_37 : vector<16xi32>
    %swap3A_1064 = arith.constant 2048 : index
    %swap3A_1065 = tpu.vector_load %arg5[%swap3A_1064] {strides = array<i32>} : memref<3136xi32, #tpu.memory_space<vmem>>, vector<16xi32>,
    %swap3A_1066 = vector.shape_cast %swap3A_1065 : vector<16xi32> to vector<16xi32>
    %swap3A_1067 = vector.shape_cast %add3A_1063 : vector<16xi32> to vector<16xi32>
    tpu.vector_store %arg5[%swap3A_1064], %swap3A_1067 {strides = array<i32>} : memref<3136xi32, #tpu.memory_space<vmem>>, vector<16xi32>,
    %get3A_1068 = arith.constant 2064 : index
    %get3A_1069 = tpu.vector_load %arg5[%get3A_1068] {strides = array<i32>} : memref<3136xi32, #tpu.memory_space<vmem>>, vector<16xi32>,
    %get3A_1070 = vector.shape_cast %get3A_1069 : vector<16xi32> to vector<16xi32>
    %add3A_1071 = arith.addi %get3A_1070, %add3A_37 : vector<16xi32>
    %swap3A_1072 = arith.constant 2064 : index
    %swap3A_1073 = tpu.vector_load %arg5[%swap3A_1072] {strides = array<i32>} : memref<3136xi32, #tpu.memory_space<vmem>>, vector<16xi32>,
    %swap3A_1074 = vector.shape_cast %swap3A_1073 : vector<16xi32> to vector<16xi32>
    %swap3A_1075 = vector.shape_cast %add3A_1071 : vector<16xi32> to vector<16xi32>
    tpu.vector_store %arg5[%swap3A_1072], %swap3A_1075 {strides = array<i32>} : memref<3136xi32, #tpu.memory_space<vmem>>, vector<16xi32>,
    %get3A_1076 = arith.constant 2080 : index
    %get3A_1077 = tpu.vector_load %arg5[%get3A_1076] {strides = array<i32>} : memref<3136xi32, #tpu.memory_space<vmem>>, vector<16xi32>,
    %get3A_1078 = vector.shape_cast %get3A_1077 : vector<16xi32> to vector<16xi32>
    %add3A_1079 = arith.addi %get3A_1078, %add3A_37 : vector<16xi32>
    %swap3A_1080 = arith.constant 2080 : index
    %swap3A_1081 = tpu.vector_load %arg5[%swap3A_1080] {strides = array<i32>} : memref<3136xi32, #tpu.memory_space<vmem>>, vector<16xi32>,
    %swap3A_1082 = vector.shape_cast %swap3A_1081 : vector<16xi32> to vector<16xi32>
    %swap3A_1083 = vector.shape_cast %add3A_1079 : vector<16xi32> to vector<16xi32>
    tpu.vector_store %arg5[%swap3A_1080], %swap3A_1083 {strides = array<i32>} : memref<3136xi32, #tpu.memory_space<vmem>>, vector<16xi32>,
    %get3A_1084 = arith.constant 2096 : index
    %get3A_1085 = tpu.vector_load %arg5[%get3A_1084] {strides = array<i32>} : memref<3136xi32, #tpu.memory_space<vmem>>, vector<16xi32>,
    %get3A_1086 = vector.shape_cast %get3A_1085 : vector<16xi32> to vector<16xi32>
    %add3A_1087 = arith.addi %get3A_1086, %add3A_37 : vector<16xi32>
    %swap3A_1088 = arith.constant 2096 : index
    %swap3A_1089 = tpu.vector_load %arg5[%swap3A_1088] {strides = array<i32>} : memref<3136xi32, #tpu.memory_space<vmem>>, vector<16xi32>,
    %swap3A_1090 = vector.shape_cast %swap3A_1089 : vector<16xi32> to vector<16xi32>
    %swap3A_1091 = vector.shape_cast %add3A_1087 : vector<16xi32> to vector<16xi32>
    tpu.vector_store %arg5[%swap3A_1088], %swap3A_1091 {strides = array<i32>} : memref<3136xi32, #tpu.memory_space<vmem>>, vector<16xi32>,
    %get3A_1092 = arith.constant 2112 : index
    %get3A_1093 = tpu.vector_load %arg5[%get3A_1092] {strides = array<i32>} : memref<3136xi32, #tpu.memory_space<vmem>>, vector<16xi32>,
    %get3A_1094 = vector.shape_cast %get3A_1093 : vector<16xi32> to vector<16xi32>
    %add3A_1095 = arith.addi %get3A_1094, %add3A_37 : vector<16xi32>
    %swap3A_1096 = arith.constant 2112 : index
    %swap3A_1097 = tpu.vector_load %arg5[%swap3A_1096] {strides = array<i32>} : memref<3136xi32, #tpu.memory_space<vmem>>, vector<16xi32>,
    %swap3A_1098 = vector.shape_cast %swap3A_1097 : vector<16xi32> to vector<16xi32>
    %swap3A_1099 = vector.shape_cast %add3A_1095 : vector<16xi32> to vector<16xi32>
    tpu.vector_store %arg5[%swap3A_1096], %swap3A_1099 {strides = array<i32>} : memref<3136xi32, #tpu.memory_space<vmem>>, vector<16xi32>,
    %get3A_1100 = arith.constant 2128 : index
    %get3A_1101 = tpu.vector_load %arg5[%get3A_1100] {strides = array<i32>} : memref<3136xi32, #tpu.memory_space<vmem>>, vector<16xi32>,
    %get3A_1102 = vector.shape_cast %get3A_1101 : vector<16xi32> to vector<16xi32>
    %add3A_1103 = arith.addi %get3A_1102, %add3A_37 : vector<16xi32>
    %swap3A_1104 = arith.constant 2128 : index
    %swap3A_1105 = tpu.vector_load %arg5[%swap3A_1104] {strides = array<i32>} : memref<3136xi32, #tpu.memory_space<vmem>>, vector<16xi32>,
    %swap3A_1106 = vector.shape_cast %swap3A_1105 : vector<16xi32> to vector<16xi32>
    %swap3A_1107 = vector.shape_cast %add3A_1103 : vector<16xi32> to vector<16xi32>
    tpu.vector_store %arg5[%swap3A_1104], %swap3A_1107 {strides = array<i32>} : memref<3136xi32, #tpu.memory_space<vmem>>, vector<16xi32>,
    %get3A_1108 = arith.constant 2144 : index
    %get3A_1109 = tpu.vector_load %arg5[%get3A_1108] {strides = array<i32>} : memref<3136xi32, #tpu.memory_space<vmem>>, vector<16xi32>,
    %get3A_1110 = vector.shape_cast %get3A_1109 : vector<16xi32> to vector<16xi32>
    %add3A_1111 = arith.addi %get3A_1110, %add3A_37 : vector<16xi32>
    %swap3A_1112 = arith.constant 2144 : index
    %swap3A_1113 = tpu.vector_load %arg5[%swap3A_1112] {strides = array<i32>} : memref<3136xi32, #tpu.memory_space<vmem>>, vector<16xi32>,
    %swap3A_1114 = vector.shape_cast %swap3A_1113 : vector<16xi32> to vector<16xi32>
    %swap3A_1115 = vector.shape_cast %add3A_1111 : vector<16xi32> to vector<16xi32>
    tpu.vector_store %arg5[%swap3A_1112], %swap3A_1115 {strides = array<i32>} : memref<3136xi32, #tpu.memory_space<vmem>>, vector<16xi32>,
    %get3A_1116 = arith.constant 2160 : index
    %get3A_1117 = tpu.vector_load %arg5[%get3A_1116] {strides = array<i32>} : memref<3136xi32, #tpu.memory_space<vmem>>, vector<16xi32>,
    %get3A_1118 = vector.shape_cast %get3A_1117 : vector<16xi32> to vector<16xi32>
    %add3A_1119 = arith.addi %get3A_1118, %add3A_37 : vector<16xi32>
    %swap3A_1120 = arith.constant 2160 : index
    %swap3A_1121 = tpu.vector_load %arg5[%swap3A_1120] {strides = array<i32>} : memref<3136xi32, #tpu.memory_space<vmem>>, vector<16xi32>,
    %swap3A_1122 = vector.shape_cast %swap3A_1121 : vector<16xi32> to vector<16xi32>
    %swap3A_1123 = vector.shape_cast %add3A_1119 : vector<16xi32> to vector<16xi32>
    tpu.vector_store %arg5[%swap3A_1120], %swap3A_1123 {strides = array<i32>} : memref<3136xi32, #tpu.memory_space<vmem>>, vector<16xi32>,
    %get3A_1124 = arith.constant 2176 : index
    %get3A_1125 = tpu.vector_load %arg5[%get3A_1124] {strides = array<i32>} : memref<3136xi32, #tpu.memory_space<vmem>>, vector<16xi32>,
    %get3A_1126 = vector.shape_cast %get3A_1125 : vector<16xi32> to vector<16xi32>
    %add3A_1127 = arith.addi %get3A_1126, %add3A_37 : vector<16xi32>
    %swap3A_1128 = arith.constant 2176 : index
    %swap3A_1129 = tpu.vector_load %arg5[%swap3A_1128] {strides = array<i32>} : memref<3136xi32, #tpu.memory_space<vmem>>, vector<16xi32>,
    %swap3A_1130 = vector.shape_cast %swap3A_1129 : vector<16xi32> to vector<16xi32>
    %swap3A_1131 = vector.shape_cast %add3A_1127 : vector<16xi32> to vector<16xi32>
    tpu.vector_store %arg5[%swap3A_1128], %swap3A_1131 {strides = array<i32>} : memref<3136xi32, #tpu.memory_space<vmem>>, vector<16xi32>,
    %get3A_1132 = arith.constant 2192 : index
    %get3A_1133 = tpu.vector_load %arg5[%get3A_1132] {strides = array<i32>} : memref<3136xi32, #tpu.memory_space<vmem>>, vector<16xi32>,
    %get3A_1134 = vector.shape_cast %get3A_1133 : vector<16xi32> to vector<16xi32>
    %add3A_1135 = arith.addi %get3A_1134, %add3A_37 : vector<16xi32>
    %swap3A_1136 = arith.constant 2192 : index
    %swap3A_1137 = tpu.vector_load %arg5[%swap3A_1136] {strides = array<i32>} : memref<3136xi32, #tpu.memory_space<vmem>>, vector<16xi32>,
    %swap3A_1138 = vector.shape_cast %swap3A_1137 : vector<16xi32> to vector<16xi32>
    %swap3A_1139 = vector.shape_cast %add3A_1135 : vector<16xi32> to vector<16xi32>
    tpu.vector_store %arg5[%swap3A_1136], %swap3A_1139 {strides = array<i32>} : memref<3136xi32, #tpu.memory_space<vmem>>, vector<16xi32>,
    %get3A_1140 = arith.constant 2208 : index
    %get3A_1141 = tpu.vector_load %arg5[%get3A_1140] {strides = array<i32>} : memref<3136xi32, #tpu.memory_space<vmem>>, vector<16xi32>,
    %get3A_1142 = vector.shape_cast %get3A_1141 : vector<16xi32> to vector<16xi32>
    %add3A_1143 = arith.addi %get3A_1142, %add3A_37 : vector<16xi32>
    %swap3A_1144 = arith.constant 2208 : index
    %swap3A_1145 = tpu.vector_load %arg5[%swap3A_1144] {strides = array<i32>} : memref<3136xi32, #tpu.memory_space<vmem>>, vector<16xi32>,
    %swap3A_1146 = vector.shape_cast %swap3A_1145 : vector<16xi32> to vector<16xi32>
    %swap3A_1147 = vector.shape_cast %add3A_1143 : vector<16xi32> to vector<16xi32>
    tpu.vector_store %arg5[%swap3A_1144], %swap3A_1147 {strides = array<i32>} : memref<3136xi32, #tpu.memory_space<vmem>>, vector<16xi32>,
    %get3A_1148 = arith.constant 2224 : index
    %get3A_1149 = tpu.vector_load %arg5[%get3A_1148] {strides = array<i32>} : memref<3136xi32, #tpu.memory_space<vmem>>, vector<16xi32>,
    %get3A_1150 = vector.shape_cast %get3A_1149 : vector<16xi32> to vector<16xi32>
    %add3A_1151 = arith.addi %get3A_1150, %add3A_37 : vector<16xi32>
    %swap3A_1152 = arith.constant 2224 : index
    %swap3A_1153 = tpu.vector_load %arg5[%swap3A_1152] {strides = array<i32>} : memref<3136xi32, #tpu.memory_space<vmem>>, vector<16xi32>,
    %swap3A_1154 = vector.shape_cast %swap3A_1153 : vector<16xi32> to vector<16xi32>
    %swap3A_1155 = vector.shape_cast %add3A_1151 : vector<16xi32> to vector<16xi32>
    tpu.vector_store %arg5[%swap3A_1152], %swap3A_1155 {strides = array<i32>} : memref<3136xi32, #tpu.memory_space<vmem>>, vector<16xi32>,
    %get3A_1156 = arith.constant 2240 : index
    %get3A_1157 = tpu.vector_load %arg5[%get3A_1156] {strides = array<i32>} : memref<3136xi32, #tpu.memory_space<vmem>>, vector<16xi32>,
    %get3A_1158 = vector.shape_cast %get3A_1157 : vector<16xi32> to vector<16xi32>
    %add3A_1159 = arith.addi %get3A_1158, %add3A_37 : vector<16xi32>
    %swap3A_1160 = arith.constant 2240 : index
    %swap3A_1161 = tpu.vector_load %arg5[%swap3A_1160] {strides = array<i32>} : memref<3136xi32, #tpu.memory_space<vmem>>, vector<16xi32>,
    %swap3A_1162 = vector.shape_cast %swap3A_1161 : vector<16xi32> to vector<16xi32>
    %swap3A_1163 = vector.shape_cast %add3A_1159 : vector<16xi32> to vector<16xi32>
    tpu.vector_store %arg5[%swap3A_1160], %swap3A_1163 {strides = array<i32>} : memref<3136xi32, #tpu.memory_space<vmem>>, vector<16xi32>,
    %get3A_1164 = arith.constant 2256 : index
    %get3A_1165 = tpu.vector_load %arg5[%get3A_1164] {strides = array<i32>} : memref<3136xi32, #tpu.memory_space<vmem>>, vector<16xi32>,
    %get3A_1166 = vector.shape_cast %get3A_1165 : vector<16xi32> to vector<16xi32>
    %add3A_1167 = arith.addi %get3A_1166, %add3A_37 : vector<16xi32>
    %swap3A_1168 = arith.constant 2256 : index
    %swap3A_1169 = tpu.vector_load %arg5[%swap3A_1168] {strides = array<i32>} : memref<3136xi32, #tpu.memory_space<vmem>>, vector<16xi32>,
    %swap3A_1170 = vector.shape_cast %swap3A_1169 : vector<16xi32> to vector<16xi32>
    %swap3A_1171 = vector.shape_cast %add3A_1167 : vector<16xi32> to vector<16xi32>
    tpu.vector_store %arg5[%swap3A_1168], %swap3A_1171 {strides = array<i32>} : memref<3136xi32, #tpu.memory_space<vmem>>, vector<16xi32>,
    %get3A_1172 = arith.constant 2272 : index
    %get3A_1173 = tpu.vector_load %arg5[%get3A_1172] {strides = array<i32>} : memref<3136xi32, #tpu.memory_space<vmem>>, vector<16xi32>,
    %get3A_1174 = vector.shape_cast %get3A_1173 : vector<16xi32> to vector<16xi32>
    %add3A_1175 = arith.addi %get3A_1174, %add3A_37 : vector<16xi32>
    %swap3A_1176 = arith.constant 2272 : index
    %swap3A_1177 = tpu.vector_load %arg5[%swap3A_1176] {strides = array<i32>} : memref<3136xi32, #tpu.memory_space<vmem>>, vector<16xi32>,
    %swap3A_1178 = vector.shape_cast %swap3A_1177 : vector<16xi32> to vector<16xi32>
    %swap3A_1179 = vector.shape_cast %add3A_1175 : vector<16xi32> to vector<16xi32>
    tpu.vector_store %arg5[%swap3A_1176], %swap3A_1179 {strides = array<i32>} : memref<3136xi32, #tpu.memory_space<vmem>>, vector<16xi32>,
    %get3A_1180 = arith.constant 2288 : index
    %get3A_1181 = tpu.vector_load %arg5[%get3A_1180] {strides = array<i32>} : memref<3136xi32, #tpu.memory_space<vmem>>, vector<16xi32>,
    %get3A_1182 = vector.shape_cast %get3A_1181 : vector<16xi32> to vector<16xi32>
    %add3A_1183 = arith.addi %get3A_1182, %add3A_37 : vector<16xi32>
    %swap3A_1184 = arith.constant 2288 : index
    %swap3A_1185 = tpu.vector_load %arg5[%swap3A_1184] {strides = array<i32>} : memref<3136xi32, #tpu.memory_space<vmem>>, vector<16xi32>,
    %swap3A_1186 = vector.shape_cast %swap3A_1185 : vector<16xi32> to vector<16xi32>
    %swap3A_1187 = vector.shape_cast %add3A_1183 : vector<16xi32> to vector<16xi32>
    tpu.vector_store %arg5[%swap3A_1184], %swap3A_1187 {strides = array<i32>} : memref<3136xi32, #tpu.memory_space<vmem>>, vector<16xi32>,
    %get3A_1188 = arith.constant 2304 : index
    %get3A_1189 = tpu.vector_load %arg5[%get3A_1188] {strides = array<i32>} : memref<3136xi32, #tpu.memory_space<vmem>>, vector<16xi32>,
    %get3A_1190 = vector.shape_cast %get3A_1189 : vector<16xi32> to vector<16xi32>
    %add3A_1191 = arith.addi %get3A_1190, %add3A_37 : vector<16xi32>
    %swap3A_1192 = arith.constant 2304 : index
    %swap3A_1193 = tpu.vector_load %arg5[%swap3A_1192] {strides = array<i32>} : memref<3136xi32, #tpu.memory_space<vmem>>, vector<16xi32>,
    %swap3A_1194 = vector.shape_cast %swap3A_1193 : vector<16xi32> to vector<16xi32>
    %swap3A_1195 = vector.shape_cast %add3A_1191 : vector<16xi32> to vector<16xi32>
    tpu.vector_store %arg5[%swap3A_1192], %swap3A_1195 {strides = array<i32>} : memref<3136xi32, #tpu.memory_space<vmem>>, vector<16xi32>,
    %get3A_1196 = arith.constant 2320 : index
    %get3A_1197 = tpu.vector_load %arg5[%get3A_1196] {strides = array<i32>} : memref<3136xi32, #tpu.memory_space<vmem>>, vector<16xi32>,
    %get3A_1198 = vector.shape_cast %get3A_1197 : vector<16xi32> to vector<16xi32>
    %add3A_1199 = arith.addi %get3A_1198, %add3A_37 : vector<16xi32>
    %swap3A_1200 = arith.constant 2320 : index
    %swap3A_1201 = tpu.vector_load %arg5[%swap3A_1200] {strides = array<i32>} : memref<3136xi32, #tpu.memory_space<vmem>>, vector<16xi32>,
    %swap3A_1202 = vector.shape_cast %swap3A_1201 : vector<16xi32> to vector<16xi32>
    %swap3A_1203 = vector.shape_cast %add3A_1199 : vector<16xi32> to vector<16xi32>
    tpu.vector_store %arg5[%swap3A_1200], %swap3A_1203 {strides = array<i32>} : memref<3136xi32, #tpu.memory_space<vmem>>, vector<16xi32>,
    %get3A_1204 = arith.constant 2336 : index
    %get3A_1205 = tpu.vector_load %arg5[%get3A_1204] {strides = array<i32>} : memref<3136xi32, #tpu.memory_space<vmem>>, vector<16xi32>,
    %get3A_1206 = vector.shape_cast %get3A_1205 : vector<16xi32> to vector<16xi32>
    %add3A_1207 = arith.addi %get3A_1206, %add3A_37 : vector<16xi32>
    %swap3A_1208 = arith.constant 2336 : index
    %swap3A_1209 = tpu.vector_load %arg5[%swap3A_1208] {strides = array<i32>} : memref<3136xi32, #tpu.memory_space<vmem>>, vector<16xi32>,
    %swap3A_1210 = vector.shape_cast %swap3A_1209 : vector<16xi32> to vector<16xi32>
    %swap3A_1211 = vector.shape_cast %add3A_1207 : vector<16xi32> to vector<16xi32>
    tpu.vector_store %arg5[%swap3A_1208], %swap3A_1211 {strides = array<i32>} : memref<3136xi32, #tpu.memory_space<vmem>>, vector<16xi32>,
    %get3A_1212 = arith.constant 2352 : index
    %get3A_1213 = tpu.vector_load %arg5[%get3A_1212] {strides = array<i32>} : memref<3136xi32, #tpu.memory_space<vmem>>, vector<16xi32>,
    %get3A_1214 = vector.shape_cast %get3A_1213 : vector<16xi32> to vector<16xi32>
    %add3A_1215 = arith.addi %get3A_1214, %add3A_37 : vector<16xi32>
    %swap3A_1216 = arith.constant 2352 : index
    %swap3A_1217 = tpu.vector_load %arg5[%swap3A_1216] {strides = array<i32>} : memref<3136xi32, #tpu.memory_space<vmem>>, vector<16xi32>,
    %swap3A_1218 = vector.shape_cast %swap3A_1217 : vector<16xi32> to vector<16xi32>
    %swap3A_1219 = vector.shape_cast %add3A_1215 : vector<16xi32> to vector<16xi32>
    tpu.vector_store %arg5[%swap3A_1216], %swap3A_1219 {strides = array<i32>} : memref<3136xi32, #tpu.memory_space<vmem>>, vector<16xi32>,
    %get3A_1220 = arith.constant 2368 : index
    %get3A_1221 = tpu.vector_load %arg5[%get3A_1220] {strides = array<i32>} : memref<3136xi32, #tpu.memory_space<vmem>>, vector<16xi32>,
    %get3A_1222 = vector.shape_cast %get3A_1221 : vector<16xi32> to vector<16xi32>
    %add3A_1223 = arith.addi %get3A_1222, %add3A_37 : vector<16xi32>
    %swap3A_1224 = arith.constant 2368 : index
    %swap3A_1225 = tpu.vector_load %arg5[%swap3A_1224] {strides = array<i32>} : memref<3136xi32, #tpu.memory_space<vmem>>, vector<16xi32>,
    %swap3A_1226 = vector.shape_cast %swap3A_1225 : vector<16xi32> to vector<16xi32>
    %swap3A_1227 = vector.shape_cast %add3A_1223 : vector<16xi32> to vector<16xi32>
    tpu.vector_store %arg5[%swap3A_1224], %swap3A_1227 {strides = array<i32>} : memref<3136xi32, #tpu.memory_space<vmem>>, vector<16xi32>,
    %get3A_1228 = arith.constant 2384 : index
    %get3A_1229 = tpu.vector_load %arg5[%get3A_1228] {strides = array<i32>} : memref<3136xi32, #tpu.memory_space<vmem>>, vector<16xi32>,
    %get3A_1230 = vector.shape_cast %get3A_1229 : vector<16xi32> to vector<16xi32>
    %add3A_1231 = arith.addi %get3A_1230, %add3A_37 : vector<16xi32>
    %swap3A_1232 = arith.constant 2384 : index
    %swap3A_1233 = tpu.vector_load %arg5[%swap3A_1232] {strides = array<i32>} : memref<3136xi32, #tpu.memory_space<vmem>>, vector<16xi32>,
    %swap3A_1234 = vector.shape_cast %swap3A_1233 : vector<16xi32> to vector<16xi32>
    %swap3A_1235 = vector.shape_cast %add3A_1231 : vector<16xi32> to vector<16xi32>
    tpu.vector_store %arg5[%swap3A_1232], %swap3A_1235 {strides = array<i32>} : memref<3136xi32, #tpu.memory_space<vmem>>, vector<16xi32>,
    %get3A_1236 = arith.constant 2400 : index
    %get3A_1237 = tpu.vector_load %arg5[%get3A_1236] {strides = array<i32>} : memref<3136xi32, #tpu.memory_space<vmem>>, vector<16xi32>,
    %get3A_1238 = vector.shape_cast %get3A_1237 : vector<16xi32> to vector<16xi32>
    %add3A_1239 = arith.addi %get3A_1238, %add3A_37 : vector<16xi32>
    %swap3A_1240 = arith.constant 2400 : index
    %swap3A_1241 = tpu.vector_load %arg5[%swap3A_1240] {strides = array<i32>} : memref<3136xi32, #tpu.memory_space<vmem>>, vector<16xi32>,
    %swap3A_1242 = vector.shape_cast %swap3A_1241 : vector<16xi32> to vector<16xi32>
    %swap3A_1243 = vector.shape_cast %add3A_1239 : vector<16xi32> to vector<16xi32>
    tpu.vector_store %arg5[%swap3A_1240], %swap3A_1243 {strides = array<i32>} : memref<3136xi32, #tpu.memory_space<vmem>>, vector<16xi32>,
    %get3A_1244 = arith.constant 2416 : index
    %get3A_1245 = tpu.vector_load %arg5[%get3A_1244] {strides = array<i32>} : memref<3136xi32, #tpu.memory_space<vmem>>, vector<16xi32>,
    %get3A_1246 = vector.shape_cast %get3A_1245 : vector<16xi32> to vector<16xi32>
    %add3A_1247 = arith.addi %get3A_1246, %add3A_37 : vector<16xi32>
    %swap3A_1248 = arith.constant 2416 : index
    %swap3A_1249 = tpu.vector_load %arg5[%swap3A_1248] {strides = array<i32>} : memref<3136xi32, #tpu.memory_space<vmem>>, vector<16xi32>,
    %swap3A_1250 = vector.shape_cast %swap3A_1249 : vector<16xi32> to vector<16xi32>
    %swap3A_1251 = vector.shape_cast %add3A_1247 : vector<16xi32> to vector<16xi32>
    tpu.vector_store %arg5[%swap3A_1248], %swap3A_1251 {strides = array<i32>} : memref<3136xi32, #tpu.memory_space<vmem>>, vector<16xi32>,
    %get3A_1252 = arith.constant 2432 : index
    %get3A_1253 = tpu.vector_load %arg5[%get3A_1252] {strides = array<i32>} : memref<3136xi32, #tpu.memory_space<vmem>>, vector<16xi32>,
    %get3A_1254 = vector.shape_cast %get3A_1253 : vector<16xi32> to vector<16xi32>
    %add3A_1255 = arith.addi %get3A_1254, %add3A_37 : vector<16xi32>
    %swap3A_1256 = arith.constant 2432 : index
    %swap3A_1257 = tpu.vector_load %arg5[%swap3A_1256] {strides = array<i32>} : memref<3136xi32, #tpu.memory_space<vmem>>, vector<16xi32>,
    %swap3A_1258 = vector.shape_cast %swap3A_1257 : vector<16xi32> to vector<16xi32>
    %swap3A_1259 = vector.shape_cast %add3A_1255 : vector<16xi32> to vector<16xi32>
    tpu.vector_store %arg5[%swap3A_1256], %swap3A_1259 {strides = array<i32>} : memref<3136xi32, #tpu.memory_space<vmem>>, vector<16xi32>,
    %get3A_1260 = arith.constant 2448 : index
    %get3A_1261 = tpu.vector_load %arg5[%get3A_1260] {strides = array<i32>} : memref<3136xi32, #tpu.memory_space<vmem>>, vector<16xi32>,
    %get3A_1262 = vector.shape_cast %get3A_1261 : vector<16xi32> to vector<16xi32>
    %add3A_1263 = arith.addi %get3A_1262, %add3A_37 : vector<16xi32>
    %swap3A_1264 = arith.constant 2448 : index
    %swap3A_1265 = tpu.vector_load %arg5[%swap3A_1264] {strides = array<i32>} : memref<3136xi32, #tpu.memory_space<vmem>>, vector<16xi32>,
    %swap3A_1266 = vector.shape_cast %swap3A_1265 : vector<16xi32> to vector<16xi32>
    %swap3A_1267 = vector.shape_cast %add3A_1263 : vector<16xi32> to vector<16xi32>
    tpu.vector_store %arg5[%swap3A_1264], %swap3A_1267 {strides = array<i32>} : memref<3136xi32, #tpu.memory_space<vmem>>, vector<16xi32>,
    %get3A_1268 = arith.constant 2464 : index
    %get3A_1269 = tpu.vector_load %arg5[%get3A_1268] {strides = array<i32>} : memref<3136xi32, #tpu.memory_space<vmem>>, vector<16xi32>,
    %get3A_1270 = vector.shape_cast %get3A_1269 : vector<16xi32> to vector<16xi32>
    %add3A_1271 = arith.addi %get3A_1270, %add3A_37 : vector<16xi32>
    %swap3A_1272 = arith.constant 2464 : index
    %swap3A_1273 = tpu.vector_load %arg5[%swap3A_1272] {strides = array<i32>} : memref<3136xi32, #tpu.memory_space<vmem>>, vector<16xi32>,
    %swap3A_1274 = vector.shape_cast %swap3A_1273 : vector<16xi32> to vector<16xi32>
    %swap3A_1275 = vector.shape_cast %add3A_1271 : vector<16xi32> to vector<16xi32>
    tpu.vector_store %arg5[%swap3A_1272], %swap3A_1275 {strides = array<i32>} : memref<3136xi32, #tpu.memory_space<vmem>>, vector<16xi32>,
    %get3A_1276 = arith.constant 2480 : index
    %get3A_1277 = tpu.vector_load %arg5[%get3A_1276] {strides = array<i32>} : memref<3136xi32, #tpu.memory_space<vmem>>, vector<16xi32>,
    %get3A_1278 = vector.shape_cast %get3A_1277 : vector<16xi32> to vector<16xi32>
    %add3A_1279 = arith.addi %get3A_1278, %add3A_37 : vector<16xi32>
    %swap3A_1280 = arith.constant 2480 : index
    %swap3A_1281 = tpu.vector_load %arg5[%swap3A_1280] {strides = array<i32>} : memref<3136xi32, #tpu.memory_space<vmem>>, vector<16xi32>,
    %swap3A_1282 = vector.shape_cast %swap3A_1281 : vector<16xi32> to vector<16xi32>
    %swap3A_1283 = vector.shape_cast %add3A_1279 : vector<16xi32> to vector<16xi32>
    tpu.vector_store %arg5[%swap3A_1280], %swap3A_1283 {strides = array<i32>} : memref<3136xi32, #tpu.memory_space<vmem>>, vector<16xi32>,
    %get3A_1284 = arith.constant 2496 : index
    %get3A_1285 = tpu.vector_load %arg5[%get3A_1284] {strides = array<i32>} : memref<3136xi32, #tpu.memory_space<vmem>>, vector<16xi32>,
    %get3A_1286 = vector.shape_cast %get3A_1285 : vector<16xi32> to vector<16xi32>
    %add3A_1287 = arith.addi %get3A_1286, %add3A_37 : vector<16xi32>
    %swap3A_1288 = arith.constant 2496 : index
    %swap3A_1289 = tpu.vector_load %arg5[%swap3A_1288] {strides = array<i32>} : memref<3136xi32, #tpu.memory_space<vmem>>, vector<16xi32>,
    %swap3A_1290 = vector.shape_cast %swap3A_1289 : vector<16xi32> to vector<16xi32>
    %swap3A_1291 = vector.shape_cast %add3A_1287 : vector<16xi32> to vector<16xi32>
    tpu.vector_store %arg5[%swap3A_1288], %swap3A_1291 {strides = array<i32>} : memref<3136xi32, #tpu.memory_space<vmem>>, vector<16xi32>,
    %get3A_1292 = arith.constant 2512 : index
    %get3A_1293 = tpu.vector_load %arg5[%get3A_1292] {strides = array<i32>} : memref<3136xi32, #tpu.memory_space<vmem>>, vector<16xi32>,
    %get3A_1294 = vector.shape_cast %get3A_1293 : vector<16xi32> to vector<16xi32>
    %add3A_1295 = arith.addi %get3A_1294, %add3A_37 : vector<16xi32>
    %swap3A_1296 = arith.constant 2512 : index
    %swap3A_1297 = tpu.vector_load %arg5[%swap3A_1296] {strides = array<i32>} : memref<3136xi32, #tpu.memory_space<vmem>>, vector<16xi32>,
    %swap3A_1298 = vector.shape_cast %swap3A_1297 : vector<16xi32> to vector<16xi32>
    %swap3A_1299 = vector.shape_cast %add3A_1295 : vector<16xi32> to vector<16xi32>
    tpu.vector_store %arg5[%swap3A_1296], %swap3A_1299 {strides = array<i32>} : memref<3136xi32, #tpu.memory_space<vmem>>, vector<16xi32>,
    %get3A_1300 = arith.constant 2528 : index
    %get3A_1301 = tpu.vector_load %arg5[%get3A_1300] {strides = array<i32>} : memref<3136xi32, #tpu.memory_space<vmem>>, vector<16xi32>,
    %get3A_1302 = vector.shape_cast %get3A_1301 : vector<16xi32> to vector<16xi32>
    %add3A_1303 = arith.addi %get3A_1302, %add3A_37 : vector<16xi32>
    %swap3A_1304 = arith.constant 2528 : index
    %swap3A_1305 = tpu.vector_load %arg5[%swap3A_1304] {strides = array<i32>} : memref<3136xi32, #tpu.memory_space<vmem>>, vector<16xi32>,
    %swap3A_1306 = vector.shape_cast %swap3A_1305 : vector<16xi32> to vector<16xi32>
    %swap3A_1307 = vector.shape_cast %add3A_1303 : vector<16xi32> to vector<16xi32>
    tpu.vector_store %arg5[%swap3A_1304], %swap3A_1307 {strides = array<i32>} : memref<3136xi32, #tpu.memory_space<vmem>>, vector<16xi32>,
    %get3A_1308 = arith.constant 2544 : index
    %get3A_1309 = tpu.vector_load %arg5[%get3A_1308] {strides = array<i32>} : memref<3136xi32, #tpu.memory_space<vmem>>, vector<16xi32>,
    %get3A_1310 = vector.shape_cast %get3A_1309 : vector<16xi32> to vector<16xi32>
    %add3A_1311 = arith.addi %get3A_1310, %add3A_37 : vector<16xi32>
    %swap3A_1312 = arith.constant 2544 : index
    %swap3A_1313 = tpu.vector_load %arg5[%swap3A_1312] {strides = array<i32>} : memref<3136xi32, #tpu.memory_space<vmem>>, vector<16xi32>,
    %swap3A_1314 = vector.shape_cast %swap3A_1313 : vector<16xi32> to vector<16xi32>
    %swap3A_1315 = vector.shape_cast %add3A_1311 : vector<16xi32> to vector<16xi32>
    tpu.vector_store %arg5[%swap3A_1312], %swap3A_1315 {strides = array<i32>} : memref<3136xi32, #tpu.memory_space<vmem>>, vector<16xi32>,
    %get3A_1316 = arith.constant 2560 : index
    %get3A_1317 = tpu.vector_load %arg5[%get3A_1316] {strides = array<i32>} : memref<3136xi32, #tpu.memory_space<vmem>>, vector<16xi32>,
    %get3A_1318 = vector.shape_cast %get3A_1317 : vector<16xi32> to vector<16xi32>
    %add3A_1319 = arith.addi %get3A_1318, %add3A_37 : vector<16xi32>
    %swap3A_1320 = arith.constant 2560 : index
    %swap3A_1321 = tpu.vector_load %arg5[%swap3A_1320] {strides = array<i32>} : memref<3136xi32, #tpu.memory_space<vmem>>, vector<16xi32>,
    %swap3A_1322 = vector.shape_cast %swap3A_1321 : vector<16xi32> to vector<16xi32>
    %swap3A_1323 = vector.shape_cast %add3A_1319 : vector<16xi32> to vector<16xi32>
    tpu.vector_store %arg5[%swap3A_1320], %swap3A_1323 {strides = array<i32>} : memref<3136xi32, #tpu.memory_space<vmem>>, vector<16xi32>,
    %get3A_1324 = arith.constant 2576 : index
    %get3A_1325 = tpu.vector_load %arg5[%get3A_1324] {strides = array<i32>} : memref<3136xi32, #tpu.memory_space<vmem>>, vector<16xi32>,
    %get3A_1326 = vector.shape_cast %get3A_1325 : vector<16xi32> to vector<16xi32>
    %add3A_1327 = arith.addi %get3A_1326, %add3A_37 : vector<16xi32>
    %swap3A_1328 = arith.constant 2576 : index
    %swap3A_1329 = tpu.vector_load %arg5[%swap3A_1328] {strides = array<i32>} : memref<3136xi32, #tpu.memory_space<vmem>>, vector<16xi32>,
    %swap3A_1330 = vector.shape_cast %swap3A_1329 : vector<16xi32> to vector<16xi32>
    %swap3A_1331 = vector.shape_cast %add3A_1327 : vector<16xi32> to vector<16xi32>
    tpu.vector_store %arg5[%swap3A_1328], %swap3A_1331 {strides = array<i32>} : memref<3136xi32, #tpu.memory_space<vmem>>, vector<16xi32>,
    %get3A_1332 = arith.constant 2592 : index
    %get3A_1333 = tpu.vector_load %arg5[%get3A_1332] {strides = array<i32>} : memref<3136xi32, #tpu.memory_space<vmem>>, vector<16xi32>,
    %get3A_1334 = vector.shape_cast %get3A_1333 : vector<16xi32> to vector<16xi32>
    %add3A_1335 = arith.addi %get3A_1334, %add3A_37 : vector<16xi32>
    %swap3A_1336 = arith.constant 2592 : index
    %swap3A_1337 = tpu.vector_load %arg5[%swap3A_1336] {strides = array<i32>} : memref<3136xi32, #tpu.memory_space<vmem>>, vector<16xi32>,
    %swap3A_1338 = vector.shape_cast %swap3A_1337 : vector<16xi32> to vector<16xi32>
    %swap3A_1339 = vector.shape_cast %add3A_1335 : vector<16xi32> to vector<16xi32>
    tpu.vector_store %arg5[%swap3A_1336], %swap3A_1339 {strides = array<i32>} : memref<3136xi32, #tpu.memory_space<vmem>>, vector<16xi32>,
    %get3A_1340 = arith.constant 2608 : index
    %get3A_1341 = tpu.vector_load %arg5[%get3A_1340] {strides = array<i32>} : memref<3136xi32, #tpu.memory_space<vmem>>, vector<16xi32>,
    %get3A_1342 = vector.shape_cast %get3A_1341 : vector<16xi32> to vector<16xi32>
    %add3A_1343 = arith.addi %get3A_1342, %add3A_37 : vector<16xi32>
    %swap3A_1344 = arith.constant 2608 : index
    %swap3A_1345 = tpu.vector_load %arg5[%swap3A_1344] {strides = array<i32>} : memref<3136xi32, #tpu.memory_space<vmem>>, vector<16xi32>,
    %swap3A_1346 = vector.shape_cast %swap3A_1345 : vector<16xi32> to vector<16xi32>
    %swap3A_1347 = vector.shape_cast %add3A_1343 : vector<16xi32> to vector<16xi32>
    tpu.vector_store %arg5[%swap3A_1344], %swap3A_1347 {strides = array<i32>} : memref<3136xi32, #tpu.memory_space<vmem>>, vector<16xi32>,
    %get3A_1348 = arith.constant 2624 : index
    %get3A_1349 = tpu.vector_load %arg5[%get3A_1348] {strides = array<i32>} : memref<3136xi32, #tpu.memory_space<vmem>>, vector<16xi32>,
    %get3A_1350 = vector.shape_cast %get3A_1349 : vector<16xi32> to vector<16xi32>
    %add3A_1351 = arith.addi %get3A_1350, %add3A_37 : vector<16xi32>
    %swap3A_1352 = arith.constant 2624 : index
    %swap3A_1353 = tpu.vector_load %arg5[%swap3A_1352] {strides = array<i32>} : memref<3136xi32, #tpu.memory_space<vmem>>, vector<16xi32>,
    %swap3A_1354 = vector.shape_cast %swap3A_1353 : vector<16xi32> to vector<16xi32>
    %swap3A_1355 = vector.shape_cast %add3A_1351 : vector<16xi32> to vector<16xi32>
    tpu.vector_store %arg5[%swap3A_1352], %swap3A_1355 {strides = array<i32>} : memref<3136xi32, #tpu.memory_space<vmem>>, vector<16xi32>,
    %get3A_1356 = arith.constant 2640 : index
    %get3A_1357 = tpu.vector_load %arg5[%get3A_1356] {strides = array<i32>} : memref<3136xi32, #tpu.memory_space<vmem>>, vector<16xi32>,
    %get3A_1358 = vector.shape_cast %get3A_1357 : vector<16xi32> to vector<16xi32>
    %add3A_1359 = arith.addi %get3A_1358, %add3A_37 : vector<16xi32>
    %swap3A_1360 = arith.constant 2640 : index
    %swap3A_1361 = tpu.vector_load %arg5[%swap3A_1360] {strides = array<i32>} : memref<3136xi32, #tpu.memory_space<vmem>>, vector<16xi32>,
    %swap3A_1362 = vector.shape_cast %swap3A_1361 : vector<16xi32> to vector<16xi32>
    %swap3A_1363 = vector.shape_cast %add3A_1359 : vector<16xi32> to vector<16xi32>
    tpu.vector_store %arg5[%swap3A_1360], %swap3A_1363 {strides = array<i32>} : memref<3136xi32, #tpu.memory_space<vmem>>, vector<16xi32>,
    %get3A_1364 = arith.constant 2656 : index
    %get3A_1365 = tpu.vector_load %arg5[%get3A_1364] {strides = array<i32>} : memref<3136xi32, #tpu.memory_space<vmem>>, vector<16xi32>,
    %get3A_1366 = vector.shape_cast %get3A_1365 : vector<16xi32> to vector<16xi32>
    %add3A_1367 = arith.addi %get3A_1366, %add3A_37 : vector<16xi32>
    %swap3A_1368 = arith.constant 2656 : index
    %swap3A_1369 = tpu.vector_load %arg5[%swap3A_1368] {strides = array<i32>} : memref<3136xi32, #tpu.memory_space<vmem>>, vector<16xi32>,
    %swap3A_1370 = vector.shape_cast %swap3A_1369 : vector<16xi32> to vector<16xi32>
    %swap3A_1371 = vector.shape_cast %add3A_1367 : vector<16xi32> to vector<16xi32>
    tpu.vector_store %arg5[%swap3A_1368], %swap3A_1371 {strides = array<i32>} : memref<3136xi32, #tpu.memory_space<vmem>>, vector<16xi32>,
    %get3A_1372 = arith.constant 2672 : index
    %get3A_1373 = tpu.vector_load %arg5[%get3A_1372] {strides = array<i32>} : memref<3136xi32, #tpu.memory_space<vmem>>, vector<16xi32>,
    %get3A_1374 = vector.shape_cast %get3A_1373 : vector<16xi32> to vector<16xi32>
    %add3A_1375 = arith.addi %get3A_1374, %add3A_37 : vector<16xi32>
    %swap3A_1376 = arith.constant 2672 : index
    %swap3A_1377 = tpu.vector_load %arg5[%swap3A_1376] {strides = array<i32>} : memref<3136xi32, #tpu.memory_space<vmem>>, vector<16xi32>,
    %swap3A_1378 = vector.shape_cast %swap3A_1377 : vector<16xi32> to vector<16xi32>
    %swap3A_1379 = vector.shape_cast %add3A_1375 : vector<16xi32> to vector<16xi32>
    tpu.vector_store %arg5[%swap3A_1376], %swap3A_1379 {strides = array<i32>} : memref<3136xi32, #tpu.memory_space<vmem>>, vector<16xi32>,
    %get3A_1380 = arith.constant 2688 : index
    %get3A_1381 = tpu.vector_load %arg5[%get3A_1380] {strides = array<i32>} : memref<3136xi32, #tpu.memory_space<vmem>>, vector<16xi32>,
    %get3A_1382 = vector.shape_cast %get3A_1381 : vector<16xi32> to vector<16xi32>
    %add3A_1383 = arith.addi %get3A_1382, %add3A_37 : vector<16xi32>
    %swap3A_1384 = arith.constant 2688 : index
    %swap3A_1385 = tpu.vector_load %arg5[%swap3A_1384] {strides = array<i32>} : memref<3136xi32, #tpu.memory_space<vmem>>, vector<16xi32>,
    %swap3A_1386 = vector.shape_cast %swap3A_1385 : vector<16xi32> to vector<16xi32>
    %swap3A_1387 = vector.shape_cast %add3A_1383 : vector<16xi32> to vector<16xi32>
    tpu.vector_store %arg5[%swap3A_1384], %swap3A_1387 {strides = array<i32>} : memref<3136xi32, #tpu.memory_space<vmem>>, vector<16xi32>,
    %get3A_1388 = arith.constant 2704 : index
    %get3A_1389 = tpu.vector_load %arg5[%get3A_1388] {strides = array<i32>} : memref<3136xi32, #tpu.memory_space<vmem>>, vector<16xi32>,
    %get3A_1390 = vector.shape_cast %get3A_1389 : vector<16xi32> to vector<16xi32>
    %add3A_1391 = arith.addi %get3A_1390, %add3A_37 : vector<16xi32>
    %swap3A_1392 = arith.constant 2704 : index
    %swap3A_1393 = tpu.vector_load %arg5[%swap3A_1392] {strides = array<i32>} : memref<3136xi32, #tpu.memory_space<vmem>>, vector<16xi32>,
    %swap3A_1394 = vector.shape_cast %swap3A_1393 : vector<16xi32> to vector<16xi32>
    %swap3A_1395 = vector.shape_cast %add3A_1391 : vector<16xi32> to vector<16xi32>
    tpu.vector_store %arg5[%swap3A_1392], %swap3A_1395 {strides = array<i32>} : memref<3136xi32, #tpu.memory_space<vmem>>, vector<16xi32>,
    %get3A_1396 = arith.constant 2720 : index
    %get3A_1397 = tpu.vector_load %arg5[%get3A_1396] {strides = array<i32>} : memref<3136xi32, #tpu.memory_space<vmem>>, vector<16xi32>,
    %get3A_1398 = vector.shape_cast %get3A_1397 : vector<16xi32> to vector<16xi32>
    %add3A_1399 = arith.addi %get3A_1398, %add3A_37 : vector<16xi32>
    %swap3A_1400 = arith.constant 2720 : index
    %swap3A_1401 = tpu.vector_load %arg5[%swap3A_1400] {strides = array<i32>} : memref<3136xi32, #tpu.memory_space<vmem>>, vector<16xi32>,
    %swap3A_1402 = vector.shape_cast %swap3A_1401 : vector<16xi32> to vector<16xi32>
    %swap3A_1403 = vector.shape_cast %add3A_1399 : vector<16xi32> to vector<16xi32>
    tpu.vector_store %arg5[%swap3A_1400], %swap3A_1403 {strides = array<i32>} : memref<3136xi32, #tpu.memory_space<vmem>>, vector<16xi32>,
    %get3A_1404 = arith.constant 2736 : index
    %get3A_1405 = tpu.vector_load %arg5[%get3A_1404] {strides = array<i32>} : memref<3136xi32, #tpu.memory_space<vmem>>, vector<16xi32>,
    %get3A_1406 = vector.shape_cast %get3A_1405 : vector<16xi32> to vector<16xi32>
    %add3A_1407 = arith.addi %get3A_1406, %add3A_37 : vector<16xi32>
    %swap3A_1408 = arith.constant 2736 : index
    %swap3A_1409 = tpu.vector_load %arg5[%swap3A_1408] {strides = array<i32>} : memref<3136xi32, #tpu.memory_space<vmem>>, vector<16xi32>,
    %swap3A_1410 = vector.shape_cast %swap3A_1409 : vector<16xi32> to vector<16xi32>
    %swap3A_1411 = vector.shape_cast %add3A_1407 : vector<16xi32> to vector<16xi32>
    tpu.vector_store %arg5[%swap3A_1408], %swap3A_1411 {strides = array<i32>} : memref<3136xi32, #tpu.memory_space<vmem>>, vector<16xi32>,
    %get3A_1412 = arith.constant 2752 : index
    %get3A_1413 = tpu.vector_load %arg5[%get3A_1412] {strides = array<i32>} : memref<3136xi32, #tpu.memory_space<vmem>>, vector<16xi32>,
    %get3A_1414 = vector.shape_cast %get3A_1413 : vector<16xi32> to vector<16xi32>
    %add3A_1415 = arith.addi %get3A_1414, %add3A_37 : vector<16xi32>
    %swap3A_1416 = arith.constant 2752 : index
    %swap3A_1417 = tpu.vector_load %arg5[%swap3A_1416] {strides = array<i32>} : memref<3136xi32, #tpu.memory_space<vmem>>, vector<16xi32>,
    %swap3A_1418 = vector.shape_cast %swap3A_1417 : vector<16xi32> to vector<16xi32>
    %swap3A_1419 = vector.shape_cast %add3A_1415 : vector<16xi32> to vector<16xi32>
    tpu.vector_store %arg5[%swap3A_1416], %swap3A_1419 {strides = array<i32>} : memref<3136xi32, #tpu.memory_space<vmem>>, vector<16xi32>,
    %get3A_1420 = arith.constant 2768 : index
    %get3A_1421 = tpu.vector_load %arg5[%get3A_1420] {strides = array<i32>} : memref<3136xi32, #tpu.memory_space<vmem>>, vector<16xi32>,
    %get3A_1422 = vector.shape_cast %get3A_1421 : vector<16xi32> to vector<16xi32>
    %add3A_1423 = arith.addi %get3A_1422, %add3A_37 : vector<16xi32>
    %swap3A_1424 = arith.constant 2768 : index
    %swap3A_1425 = tpu.vector_load %arg5[%swap3A_1424] {strides = array<i32>} : memref<3136xi32, #tpu.memory_space<vmem>>, vector<16xi32>,
    %swap3A_1426 = vector.shape_cast %swap3A_1425 : vector<16xi32> to vector<16xi32>
    %swap3A_1427 = vector.shape_cast %add3A_1423 : vector<16xi32> to vector<16xi32>
    tpu.vector_store %arg5[%swap3A_1424], %swap3A_1427 {strides = array<i32>} : memref<3136xi32, #tpu.memory_space<vmem>>, vector<16xi32>,
    %get3A_1428 = arith.constant 2784 : index
    %get3A_1429 = tpu.vector_load %arg5[%get3A_1428] {strides = array<i32>} : memref<3136xi32, #tpu.memory_space<vmem>>, vector<16xi32>,
    %get3A_1430 = vector.shape_cast %get3A_1429 : vector<16xi32> to vector<16xi32>
    %add3A_1431 = arith.addi %get3A_1430, %add3A_37 : vector<16xi32>
    %swap3A_1432 = arith.constant 2784 : index
    %swap3A_1433 = tpu.vector_load %arg5[%swap3A_1432] {strides = array<i32>} : memref<3136xi32, #tpu.memory_space<vmem>>, vector<16xi32>,
    %swap3A_1434 = vector.shape_cast %swap3A_1433 : vector<16xi32> to vector<16xi32>
    %swap3A_1435 = vector.shape_cast %add3A_1431 : vector<16xi32> to vector<16xi32>
    tpu.vector_store %arg5[%swap3A_1432], %swap3A_1435 {strides = array<i32>} : memref<3136xi32, #tpu.memory_space<vmem>>, vector<16xi32>,
    %get3A_1436 = arith.constant 2800 : index
    %get3A_1437 = tpu.vector_load %arg5[%get3A_1436] {strides = array<i32>} : memref<3136xi32, #tpu.memory_space<vmem>>, vector<16xi32>,
    %get3A_1438 = vector.shape_cast %get3A_1437 : vector<16xi32> to vector<16xi32>
    %add3A_1439 = arith.addi %get3A_1438, %add3A_37 : vector<16xi32>
    %swap3A_1440 = arith.constant 2800 : index
    %swap3A_1441 = tpu.vector_load %arg5[%swap3A_1440] {strides = array<i32>} : memref<3136xi32, #tpu.memory_space<vmem>>, vector<16xi32>,
    %swap3A_1442 = vector.shape_cast %swap3A_1441 : vector<16xi32> to vector<16xi32>
    %swap3A_1443 = vector.shape_cast %add3A_1439 : vector<16xi32> to vector<16xi32>
    tpu.vector_store %arg5[%swap3A_1440], %swap3A_1443 {strides = array<i32>} : memref<3136xi32, #tpu.memory_space<vmem>>, vector<16xi32>,
    %get3A_1444 = arith.constant 2816 : index
    %get3A_1445 = tpu.vector_load %arg5[%get3A_1444] {strides = array<i32>} : memref<3136xi32, #tpu.memory_space<vmem>>, vector<16xi32>,
    %get3A_1446 = vector.shape_cast %get3A_1445 : vector<16xi32> to vector<16xi32>
    %add3A_1447 = arith.addi %get3A_1446, %add3A_37 : vector<16xi32>
    %swap3A_1448 = arith.constant 2816 : index
    %swap3A_1449 = tpu.vector_load %arg5[%swap3A_1448] {strides = array<i32>} : memref<3136xi32, #tpu.memory_space<vmem>>, vector<16xi32>,
    %swap3A_1450 = vector.shape_cast %swap3A_1449 : vector<16xi32> to vector<16xi32>
    %swap3A_1451 = vector.shape_cast %add3A_1447 : vector<16xi32> to vector<16xi32>
    tpu.vector_store %arg5[%swap3A_1448], %swap3A_1451 {strides = array<i32>} : memref<3136xi32, #tpu.memory_space<vmem>>, vector<16xi32>,
    %get3A_1452 = arith.constant 2832 : index
    %get3A_1453 = tpu.vector_load %arg5[%get3A_1452] {strides = array<i32>} : memref<3136xi32, #tpu.memory_space<vmem>>, vector<16xi32>,
    %get3A_1454 = vector.shape_cast %get3A_1453 : vector<16xi32> to vector<16xi32>
    %add3A_1455 = arith.addi %get3A_1454, %add3A_37 : vector<16xi32>
    %swap3A_1456 = arith.constant 2832 : index
    %swap3A_1457 = tpu.vector_load %arg5[%swap3A_1456] {strides = array<i32>} : memref<3136xi32, #tpu.memory_space<vmem>>, vector<16xi32>,
    %swap3A_1458 = vector.shape_cast %swap3A_1457 : vector<16xi32> to vector<16xi32>
    %swap3A_1459 = vector.shape_cast %add3A_1455 : vector<16xi32> to vector<16xi32>
    tpu.vector_store %arg5[%swap3A_1456], %swap3A_1459 {strides = array<i32>} : memref<3136xi32, #tpu.memory_space<vmem>>, vector<16xi32>,
    %get3A_1460 = arith.constant 2848 : index
    %get3A_1461 = tpu.vector_load %arg5[%get3A_1460] {strides = array<i32>} : memref<3136xi32, #tpu.memory_space<vmem>>, vector<16xi32>,
    %get3A_1462 = vector.shape_cast %get3A_1461 : vector<16xi32> to vector<16xi32>
    %add3A_1463 = arith.addi %get3A_1462, %add3A_37 : vector<16xi32>
    %swap3A_1464 = arith.constant 2848 : index
    %swap3A_1465 = tpu.vector_load %arg5[%swap3A_1464] {strides = array<i32>} : memref<3136xi32, #tpu.memory_space<vmem>>, vector<16xi32>,
    %swap3A_1466 = vector.shape_cast %swap3A_1465 : vector<16xi32> to vector<16xi32>
    %swap3A_1467 = vector.shape_cast %add3A_1463 : vector<16xi32> to vector<16xi32>
    tpu.vector_store %arg5[%swap3A_1464], %swap3A_1467 {strides = array<i32>} : memref<3136xi32, #tpu.memory_space<vmem>>, vector<16xi32>,
    %get3A_1468 = arith.constant 2864 : index
    %get3A_1469 = tpu.vector_load %arg5[%get3A_1468] {strides = array<i32>} : memref<3136xi32, #tpu.memory_space<vmem>>, vector<16xi32>,
    %get3A_1470 = vector.shape_cast %get3A_1469 : vector<16xi32> to vector<16xi32>
    %add3A_1471 = arith.addi %get3A_1470, %add3A_37 : vector<16xi32>
    %swap3A_1472 = arith.constant 2864 : index
    %swap3A_1473 = tpu.vector_load %arg5[%swap3A_1472] {strides = array<i32>} : memref<3136xi32, #tpu.memory_space<vmem>>, vector<16xi32>,
    %swap3A_1474 = vector.shape_cast %swap3A_1473 : vector<16xi32> to vector<16xi32>
    %swap3A_1475 = vector.shape_cast %add3A_1471 : vector<16xi32> to vector<16xi32>
    tpu.vector_store %arg5[%swap3A_1472], %swap3A_1475 {strides = array<i32>} : memref<3136xi32, #tpu.memory_space<vmem>>, vector<16xi32>,
    %get3A_1476 = arith.constant 2880 : index
    %get3A_1477 = tpu.vector_load %arg5[%get3A_1476] {strides = array<i32>} : memref<3136xi32, #tpu.memory_space<vmem>>, vector<16xi32>,
    %get3A_1478 = vector.shape_cast %get3A_1477 : vector<16xi32> to vector<16xi32>
    %add3A_1479 = arith.addi %get3A_1478, %add3A_37 : vector<16xi32>
    %swap3A_1480 = arith.constant 2880 : index
    %swap3A_1481 = tpu.vector_load %arg5[%swap3A_1480] {strides = array<i32>} : memref<3136xi32, #tpu.memory_space<vmem>>, vector<16xi32>,
    %swap3A_1482 = vector.shape_cast %swap3A_1481 : vector<16xi32> to vector<16xi32>
    %swap3A_1483 = vector.shape_cast %add3A_1479 : vector<16xi32> to vector<16xi32>
    tpu.vector_store %arg5[%swap3A_1480], %swap3A_1483 {strides = array<i32>} : memref<3136xi32, #tpu.memory_space<vmem>>, vector<16xi32>,
    %get3A_1484 = arith.constant 2896 : index
    %get3A_1485 = tpu.vector_load %arg5[%get3A_1484] {strides = array<i32>} : memref<3136xi32, #tpu.memory_space<vmem>>, vector<16xi32>,
    %get3A_1486 = vector.shape_cast %get3A_1485 : vector<16xi32> to vector<16xi32>
    %add3A_1487 = arith.addi %get3A_1486, %add3A_37 : vector<16xi32>
    %swap3A_1488 = arith.constant 2896 : index
    %swap3A_1489 = tpu.vector_load %arg5[%swap3A_1488] {strides = array<i32>} : memref<3136xi32, #tpu.memory_space<vmem>>, vector<16xi32>,
    %swap3A_1490 = vector.shape_cast %swap3A_1489 : vector<16xi32> to vector<16xi32>
    %swap3A_1491 = vector.shape_cast %add3A_1487 : vector<16xi32> to vector<16xi32>
    tpu.vector_store %arg5[%swap3A_1488], %swap3A_1491 {strides = array<i32>} : memref<3136xi32, #tpu.memory_space<vmem>>, vector<16xi32>,
    %get3A_1492 = arith.constant 2912 : index
    %get3A_1493 = tpu.vector_load %arg5[%get3A_1492] {strides = array<i32>} : memref<3136xi32, #tpu.memory_space<vmem>>, vector<16xi32>,
    %get3A_1494 = vector.shape_cast %get3A_1493 : vector<16xi32> to vector<16xi32>
    %add3A_1495 = arith.addi %get3A_1494, %add3A_37 : vector<16xi32>
    %swap3A_1496 = arith.constant 2912 : index
    %swap3A_1497 = tpu.vector_load %arg5[%swap3A_1496] {strides = array<i32>} : memref<3136xi32, #tpu.memory_space<vmem>>, vector<16xi32>,
    %swap3A_1498 = vector.shape_cast %swap3A_1497 : vector<16xi32> to vector<16xi32>
    %swap3A_1499 = vector.shape_cast %add3A_1495 : vector<16xi32> to vector<16xi32>
    tpu.vector_store %arg5[%swap3A_1496], %swap3A_1499 {strides = array<i32>} : memref<3136xi32, #tpu.memory_space<vmem>>, vector<16xi32>,
    %get3A_1500 = arith.constant 2928 : index
    %get3A_1501 = tpu.vector_load %arg5[%get3A_1500] {strides = array<i32>} : memref<3136xi32, #tpu.memory_space<vmem>>, vector<16xi32>,
    %get3A_1502 = vector.shape_cast %get3A_1501 : vector<16xi32> to vector<16xi32>
    %add3A_1503 = arith.addi %get3A_1502, %add3A_37 : vector<16xi32>
    %swap3A_1504 = arith.constant 2928 : index
    %swap3A_1505 = tpu.vector_load %arg5[%swap3A_1504] {strides = array<i32>} : memref<3136xi32, #tpu.memory_space<vmem>>, vector<16xi32>,
    %swap3A_1506 = vector.shape_cast %swap3A_1505 : vector<16xi32> to vector<16xi32>
    %swap3A_1507 = vector.shape_cast %add3A_1503 : vector<16xi32> to vector<16xi32>
    tpu.vector_store %arg5[%swap3A_1504], %swap3A_1507 {strides = array<i32>} : memref<3136xi32, #tpu.memory_space<vmem>>, vector<16xi32>,
    %get3A_1508 = arith.constant 2944 : index
    %get3A_1509 = tpu.vector_load %arg5[%get3A_1508] {strides = array<i32>} : memref<3136xi32, #tpu.memory_space<vmem>>, vector<16xi32>,
    %get3A_1510 = vector.shape_cast %get3A_1509 : vector<16xi32> to vector<16xi32>
    %add3A_1511 = arith.addi %get3A_1510, %add3A_37 : vector<16xi32>
    %swap3A_1512 = arith.constant 2944 : index
    %swap3A_1513 = tpu.vector_load %arg5[%swap3A_1512] {strides = array<i32>} : memref<3136xi32, #tpu.memory_space<vmem>>, vector<16xi32>,
    %swap3A_1514 = vector.shape_cast %swap3A_1513 : vector<16xi32> to vector<16xi32>
    %swap3A_1515 = vector.shape_cast %add3A_1511 : vector<16xi32> to vector<16xi32>
    tpu.vector_store %arg5[%swap3A_1512], %swap3A_1515 {strides = array<i32>} : memref<3136xi32, #tpu.memory_space<vmem>>, vector<16xi32>,
    %get3A_1516 = arith.constant 2960 : index
    %get3A_1517 = tpu.vector_load %arg5[%get3A_1516] {strides = array<i32>} : memref<3136xi32, #tpu.memory_space<vmem>>, vector<16xi32>,
    %get3A_1518 = vector.shape_cast %get3A_1517 : vector<16xi32> to vector<16xi32>
    %add3A_1519 = arith.addi %get3A_1518, %add3A_37 : vector<16xi32>
    %swap3A_1520 = arith.constant 2960 : index
    %swap3A_1521 = tpu.vector_load %arg5[%swap3A_1520] {strides = array<i32>} : memref<3136xi32, #tpu.memory_space<vmem>>, vector<16xi32>,
    %swap3A_1522 = vector.shape_cast %swap3A_1521 : vector<16xi32> to vector<16xi32>
    %swap3A_1523 = vector.shape_cast %add3A_1519 : vector<16xi32> to vector<16xi32>
    tpu.vector_store %arg5[%swap3A_1520], %swap3A_1523 {strides = array<i32>} : memref<3136xi32, #tpu.memory_space<vmem>>, vector<16xi32>,
    %get3A_1524 = arith.constant 2976 : index
    %get3A_1525 = tpu.vector_load %arg5[%get3A_1524] {strides = array<i32>} : memref<3136xi32, #tpu.memory_space<vmem>>, vector<16xi32>,
    %get3A_1526 = vector.shape_cast %get3A_1525 : vector<16xi32> to vector<16xi32>
    %add3A_1527 = arith.addi %get3A_1526, %add3A_37 : vector<16xi32>
    %swap3A_1528 = arith.constant 2976 : index
    %swap3A_1529 = tpu.vector_load %arg5[%swap3A_1528] {strides = array<i32>} : memref<3136xi32, #tpu.memory_space<vmem>>, vector<16xi32>,
    %swap3A_1530 = vector.shape_cast %swap3A_1529 : vector<16xi32> to vector<16xi32>
    %swap3A_1531 = vector.shape_cast %add3A_1527 : vector<16xi32> to vector<16xi32>
    tpu.vector_store %arg5[%swap3A_1528], %swap3A_1531 {strides = array<i32>} : memref<3136xi32, #tpu.memory_space<vmem>>, vector<16xi32>,
    %get3A_1532 = arith.constant 2992 : index
    %get3A_1533 = tpu.vector_load %arg5[%get3A_1532] {strides = array<i32>} : memref<3136xi32, #tpu.memory_space<vmem>>, vector<16xi32>,
    %get3A_1534 = vector.shape_cast %get3A_1533 : vector<16xi32> to vector<16xi32>
    %add3A_1535 = arith.addi %get3A_1534, %add3A_37 : vector<16xi32>
    %swap3A_1536 = arith.constant 2992 : index
    %swap3A_1537 = tpu.vector_load %arg5[%swap3A_1536] {strides = array<i32>} : memref<3136xi32, #tpu.memory_space<vmem>>, vector<16xi32>,
    %swap3A_1538 = vector.shape_cast %swap3A_1537 : vector<16xi32> to vector<16xi32>
    %swap3A_1539 = vector.shape_cast %add3A_1535 : vector<16xi32> to vector<16xi32>
    tpu.vector_store %arg5[%swap3A_1536], %swap3A_1539 {strides = array<i32>} : memref<3136xi32, #tpu.memory_space<vmem>>, vector<16xi32>,
    %get3A_1540 = arith.constant 3008 : index
    %get3A_1541 = tpu.vector_load %arg5[%get3A_1540] {strides = array<i32>} : memref<3136xi32, #tpu.memory_space<vmem>>, vector<16xi32>,
    %get3A_1542 = vector.shape_cast %get3A_1541 : vector<16xi32> to vector<16xi32>
    %add3A_1543 = arith.addi %get3A_1542, %add3A_37 : vector<16xi32>
    %swap3A_1544 = arith.constant 3008 : index
    %swap3A_1545 = tpu.vector_load %arg5[%swap3A_1544] {strides = array<i32>} : memref<3136xi32, #tpu.memory_space<vmem>>, vector<16xi32>,
    %swap3A_1546 = vector.shape_cast %swap3A_1545 : vector<16xi32> to vector<16xi32>
    %swap3A_1547 = vector.shape_cast %add3A_1543 : vector<16xi32> to vector<16xi32>
    tpu.vector_store %arg5[%swap3A_1544], %swap3A_1547 {strides = array<i32>} : memref<3136xi32, #tpu.memory_space<vmem>>, vector<16xi32>,
    %get3A_1548 = arith.constant 3024 : index
    %get3A_1549 = tpu.vector_load %arg5[%get3A_1548] {strides = array<i32>} : memref<3136xi32, #tpu.memory_space<vmem>>, vector<16xi32>,
    %get3A_1550 = vector.shape_cast %get3A_1549 : vector<16xi32> to vector<16xi32>
    %add3A_1551 = arith.addi %get3A_1550, %add3A_37 : vector<16xi32>
    %swap3A_1552 = arith.constant 3024 : index
    %swap3A_1553 = tpu.vector_load %arg5[%swap3A_1552] {strides = array<i32>} : memref<3136xi32, #tpu.memory_space<vmem>>, vector<16xi32>,
    %swap3A_1554 = vector.shape_cast %swap3A_1553 : vector<16xi32> to vector<16xi32>
    %swap3A_1555 = vector.shape_cast %add3A_1551 : vector<16xi32> to vector<16xi32>
    tpu.vector_store %arg5[%swap3A_1552], %swap3A_1555 {strides = array<i32>} : memref<3136xi32, #tpu.memory_space<vmem>>, vector<16xi32>,
    %get3A_1556 = arith.constant 3040 : index
    %get3A_1557 = tpu.vector_load %arg5[%get3A_1556] {strides = array<i32>} : memref<3136xi32, #tpu.memory_space<vmem>>, vector<16xi32>,
    %get3A_1558 = vector.shape_cast %get3A_1557 : vector<16xi32> to vector<16xi32>
    %add3A_1559 = arith.addi %get3A_1558, %add3A_37 : vector<16xi32>
    %swap3A_1560 = arith.constant 3040 : index
    %swap3A_1561 = tpu.vector_load %arg5[%swap3A_1560] {strides = array<i32>} : memref<3136xi32, #tpu.memory_space<vmem>>, vector<16xi32>,
    %swap3A_1562 = vector.shape_cast %swap3A_1561 : vector<16xi32> to vector<16xi32>
    %swap3A_1563 = vector.shape_cast %add3A_1559 : vector<16xi32> to vector<16xi32>
    tpu.vector_store %arg5[%swap3A_1560], %swap3A_1563 {strides = array<i32>} : memref<3136xi32, #tpu.memory_space<vmem>>, vector<16xi32>,
    %get3A_1564 = arith.constant 3056 : index
    %get3A_1565 = tpu.vector_load %arg5[%get3A_1564] {strides = array<i32>} : memref<3136xi32, #tpu.memory_space<vmem>>, vector<16xi32>,
    %get3A_1566 = vector.shape_cast %get3A_1565 : vector<16xi32> to vector<16xi32>
    %add3A_1567 = arith.addi %get3A_1566, %add3A_37 : vector<16xi32>
    %swap3A_1568 = arith.constant 3056 : index
    %swap3A_1569 = tpu.vector_load %arg5[%swap3A_1568] {strides = array<i32>} : memref<3136xi32, #tpu.memory_space<vmem>>, vector<16xi32>,
    %swap3A_1570 = vector.shape_cast %swap3A_1569 : vector<16xi32> to vector<16xi32>
    %swap3A_1571 = vector.shape_cast %add3A_1567 : vector<16xi32> to vector<16xi32>
    tpu.vector_store %arg5[%swap3A_1568], %swap3A_1571 {strides = array<i32>} : memref<3136xi32, #tpu.memory_space<vmem>>, vector<16xi32>,
    %get3A_1572 = arith.constant 3072 : index
    %get3A_1573 = tpu.vector_load %arg5[%get3A_1572] {strides = array<i32>} : memref<3136xi32, #tpu.memory_space<vmem>>, vector<16xi32>,
    %get3A_1574 = vector.shape_cast %get3A_1573 : vector<16xi32> to vector<16xi32>
    %add3A_1575 = arith.addi %get3A_1574, %add3A_37 : vector<16xi32>
    %swap3A_1576 = arith.constant 3072 : index
    %swap3A_1577 = tpu.vector_load %arg5[%swap3A_1576] {strides = array<i32>} : memref<3136xi32, #tpu.memory_space<vmem>>, vector<16xi32>,
    %swap3A_1578 = vector.shape_cast %swap3A_1577 : vector<16xi32> to vector<16xi32>
    %swap3A_1579 = vector.shape_cast %add3A_1575 : vector<16xi32> to vector<16xi32>
    tpu.vector_store %arg5[%swap3A_1576], %swap3A_1579 {strides = array<i32>} : memref<3136xi32, #tpu.memory_space<vmem>>, vector<16xi32>,
    %get3A_1580 = arith.constant 3088 : index
    %get3A_1581 = tpu.vector_load %arg5[%get3A_1580] {strides = array<i32>} : memref<3136xi32, #tpu.memory_space<vmem>>, vector<16xi32>,
    %get3A_1582 = vector.shape_cast %get3A_1581 : vector<16xi32> to vector<16xi32>
    %add3A_1583 = arith.addi %get3A_1582, %add3A_37 : vector<16xi32>
    %swap3A_1584 = arith.constant 3088 : index
    %swap3A_1585 = tpu.vector_load %arg5[%swap3A_1584] {strides = array<i32>} : memref<3136xi32, #tpu.memory_space<vmem>>, vector<16xi32>,
    %swap3A_1586 = vector.shape_cast %swap3A_1585 : vector<16xi32> to vector<16xi32>
    %swap3A_1587 = vector.shape_cast %add3A_1583 : vector<16xi32> to vector<16xi32>
    tpu.vector_store %arg5[%swap3A_1584], %swap3A_1587 {strides = array<i32>} : memref<3136xi32, #tpu.memory_space<vmem>>, vector<16xi32>,
    %get3A_1588 = arith.constant 3104 : index
    %get3A_1589 = tpu.vector_load %arg5[%get3A_1588] {strides = array<i32>} : memref<3136xi32, #tpu.memory_space<vmem>>, vector<16xi32>,
    %get3A_1590 = vector.shape_cast %get3A_1589 : vector<16xi32> to vector<16xi32>
    %add3A_1591 = arith.addi %get3A_1590, %add3A_37 : vector<16xi32>
    %swap3A_1592 = arith.constant 3104 : index
    %swap3A_1593 = tpu.vector_load %arg5[%swap3A_1592] {strides = array<i32>} : memref<3136xi32, #tpu.memory_space<vmem>>, vector<16xi32>,
    %swap3A_1594 = vector.shape_cast %swap3A_1593 : vector<16xi32> to vector<16xi32>
    %swap3A_1595 = vector.shape_cast %add3A_1591 : vector<16xi32> to vector<16xi32>
    tpu.vector_store %arg5[%swap3A_1592], %swap3A_1595 {strides = array<i32>} : memref<3136xi32, #tpu.memory_space<vmem>>, vector<16xi32>,
    %get3A_1596 = arith.constant 3120 : index
    %get3A_1597 = tpu.vector_load %arg5[%get3A_1596] {strides = array<i32>} : memref<3136xi32, #tpu.memory_space<vmem>>, vector<16xi32>,
    %get3A_1598 = vector.shape_cast %get3A_1597 : vector<16xi32> to vector<16xi32>
    %add3A_1599 = arith.addi %get3A_1598, %add3A_37 : vector<16xi32>
    %swap3A_1600 = arith.constant 3120 : index
    %swap3A_1601 = tpu.vector_load %arg5[%swap3A_1600] {strides = array<i32>} : memref<3136xi32, #tpu.memory_space<vmem>>, vector<16xi32>,
    %swap3A_1602 = vector.shape_cast %swap3A_1601 : vector<16xi32> to vector<16xi32>
    %swap3A_1603 = vector.shape_cast %add3A_1599 : vector<16xi32> to vector<16xi32>
    tpu.vector_store %arg5[%swap3A_1600], %swap3A_1603 {strides = array<i32>} : memref<3136xi32, #tpu.memory_space<vmem>>, vector<16xi32>,
    %convert_element_type3A_1604 = arith.extui %lt3A_1 : i1 to i32
    %cond3A_1605 = arith.constant 0 : i32
    %cond3A_1606 = arith.cmpi ne, %convert_element_type3A_1604, %cond3A_1605 : i32
    scf.if %cond3A_1606 {
      %dma_start3A = arith.constant 0 : i32
      %dma_start3A_1612 = arith.constant 0 : i32
      %dma_start3A_1613 = tpu.memref_slice %arg9[%dma_start3A, %dma_start3A_1612] : memref<128x128xf32, #tpu.memory_space<vmem>> -> memref<56x128xf32, #tpu.memory_space<vmem>>
      %dma_start3A_1614 = arith.constant 3072 : i32
      %dma_start3A_1615 = tpu.memref_slice %arg5[%dma_start3A_1614] : memref<3136xi32, #tpu.memory_space<vmem>> -> memref<56xi32, #tpu.memory_space<vmem>>
      %dma_start3A_1616 = arith.constant 0 : i32
      %dma_start3A_1617 = arith.constant 0 : i32
      %dma_start3A_1618 = tpu.memref_slice %arg3[%dma_start3A_1616, %dma_start3A_1617] : memref<5376x128xf32, #tpu.memory_space<hbm>> -> memref<5376x128xf32, #tpu.memory_space<hbm>>
      tpu.enqueue_indirect_dma source(%dma_start3A_1618 : memref<5376x128xf32, #tpu.memory_space<hbm>>) target(%dma_start3A_1613 : memref<56x128xf32, #tpu.memory_space<vmem>>) offsets(%dma_start3A_1615 : memref<56xi32, #tpu.memory_space<vmem>>) semaphore(%arg16 : memref<!tpu.dma_semaphore, #tpu.memory_space<semaphore_mem>>)
      %dma_start3A_1619 = arith.constant 0 : i32
      %dma_start3A_1620 = arith.constant 0 : i32
      %dma_start3A_1621 = tpu.memref_slice %arg6[%dma_start3A_1619, %dma_start3A_1620] : memref<256x128xf32, #tpu.memory_space<vmem>> -> memref<128x128xf32, #tpu.memory_space<vmem>>
      %dma_start3A_1622 = arith.constant 0 : i32
      %dma_start3A_1623 = tpu.memref_slice %arg5[%dma_start3A_1622] : memref<3136xi32, #tpu.memory_space<vmem>> -> memref<128xi32, #tpu.memory_space<vmem>>
      %dma_start3A_1624 = arith.constant 0 : i32
      %dma_start3A_1625 = arith.constant 0 : i32
      %dma_start3A_1626 = tpu.memref_slice %arg3[%dma_start3A_1624, %dma_start3A_1625] : memref<5376x128xf32, #tpu.memory_space<hbm>> -> memref<5376x128xf32, #tpu.memory_space<hbm>>
      tpu.enqueue_indirect_dma source(%dma_start3A_1626 : memref<5376x128xf32, #tpu.memory_space<hbm>>) target(%dma_start3A_1621 : memref<128x128xf32, #tpu.memory_space<vmem>>) offsets(%dma_start3A_1623 : memref<128xi32, #tpu.memory_space<vmem>>) semaphore(%arg10 : memref<!tpu.dma_semaphore, #tpu.memory_space<semaphore_mem>>)
      %dma_start3A_1627 = arith.constant 128 : i32
      %dma_start3A_1628 = arith.constant 0 : i32
      %dma_start3A_1629 = tpu.memref_slice %arg6[%dma_start3A_1627, %dma_start3A_1628] : memref<256x128xf32, #tpu.memory_space<vmem>> -> memref<128x128xf32, #tpu.memory_space<vmem>>
      %dma_start3A_1630 = arith.constant 128 : i32
      %dma_start3A_1631 = tpu.memref_slice %arg5[%dma_start3A_1630] : memref<3136xi32, #tpu.memory_space<vmem>> -> memref<128xi32, #tpu.memory_space<vmem>>
      %dma_start3A_1632 = arith.constant 0 : i32
      %dma_start3A_1633 = arith.constant 0 : i32
      %dma_start3A_1634 = tpu.memref_slice %arg3[%dma_start3A_1632, %dma_start3A_1633] : memref<5376x128xf32, #tpu.memory_space<hbm>> -> memref<5376x128xf32, #tpu.memory_space<hbm>>
      tpu.enqueue_indirect_dma source(%dma_start3A_1634 : memref<5376x128xf32, #tpu.memory_space<hbm>>) target(%dma_start3A_1629 : memref<128x128xf32, #tpu.memory_space<vmem>>) offsets(%dma_start3A_1631 : memref<128xi32, #tpu.memory_space<vmem>>) semaphore(%arg10 : memref<!tpu.dma_semaphore, #tpu.memory_space<semaphore_mem>>)
      %dma_start3A_1635 = arith.constant 0 : i32
      %dma_start3A_1636 = arith.constant 0 : i32
      %dma_start3A_1637 = tpu.memref_slice %arg7[%dma_start3A_1635, %dma_start3A_1636] : memref<256x128xf32, #tpu.memory_space<vmem>> -> memref<128x128xf32, #tpu.memory_space<vmem>>
      %dma_start3A_1638 = arith.constant 256 : i32
      %dma_start3A_1639 = tpu.memref_slice %arg5[%dma_start3A_1638] : memref<3136xi32, #tpu.memory_space<vmem>> -> memref<128xi32, #tpu.memory_space<vmem>>
      %dma_start3A_1640 = arith.constant 0 : i32
      %dma_start3A_1641 = arith.constant 0 : i32
      %dma_start3A_1642 = tpu.memref_slice %arg3[%dma_start3A_1640, %dma_start3A_1641] : memref<5376x128xf32, #tpu.memory_space<hbm>> -> memref<5376x128xf32, #tpu.memory_space<hbm>>
      tpu.enqueue_indirect_dma source(%dma_start3A_1642 : memref<5376x128xf32, #tpu.memory_space<hbm>>) target(%dma_start3A_1637 : memref<128x128xf32, #tpu.memory_space<vmem>>) offsets(%dma_start3A_1639 : memref<128xi32, #tpu.memory_space<vmem>>) semaphore(%arg11 : memref<!tpu.dma_semaphore, #tpu.memory_space<semaphore_mem>>)
      %dma_start3A_1643 = arith.constant 128 : i32
      %dma_start3A_1644 = arith.constant 0 : i32
      %dma_start3A_1645 = tpu.memref_slice %arg7[%dma_start3A_1643, %dma_start3A_1644] : memref<256x128xf32, #tpu.memory_space<vmem>> -> memref<128x128xf32, #tpu.memory_space<vmem>>
      %dma_start3A_1646 = arith.constant 384 : i32
      %dma_start3A_1647 = tpu.memref_slice %arg5[%dma_start3A_1646] : memref<3136xi32, #tpu.memory_space<vmem>> -> memref<128xi32, #tpu.memory_space<vmem>>
      %dma_start3A_1648 = arith.constant 0 : i32
      %dma_start3A_1649 = arith.constant 0 : i32
      %dma_start3A_1650 = tpu.memref_slice %arg3[%dma_start3A_1648, %dma_start3A_1649] : memref<5376x128xf32, #tpu.memory_space<hbm>> -> memref<5376x128xf32, #tpu.memory_space<hbm>>
      tpu.enqueue_indirect_dma source(%dma_start3A_1650 : memref<5376x128xf32, #tpu.memory_space<hbm>>) target(%dma_start3A_1645 : memref<128x128xf32, #tpu.memory_space<vmem>>) offsets(%dma_start3A_1647 : memref<128xi32, #tpu.memory_space<vmem>>) semaphore(%arg11 : memref<!tpu.dma_semaphore, #tpu.memory_space<semaphore_mem>>)
      %dma_start3A_1651 = arith.constant 0 : i32
      %dma_start3A_1652 = arith.constant 0 : i32
      %dma_start3A_1653 = tpu.memref_slice %arg8[%dma_start3A_1651, %dma_start3A_1652] : memref<256x128xf32, #tpu.memory_space<vmem>> -> memref<128x128xf32, #tpu.memory_space<vmem>>
      %dma_start3A_1654 = arith.constant 512 : i32
      %dma_start3A_1655 = tpu.memref_slice %arg5[%dma_start3A_1654] : memref<3136xi32, #tpu.memory_space<vmem>> -> memref<128xi32, #tpu.memory_space<vmem>>
      %dma_start3A_1656 = arith.constant 0 : i32
      %dma_start3A_1657 = arith.constant 0 : i32
      %dma_start3A_1658 = tpu.memref_slice %arg3[%dma_start3A_1656, %dma_start3A_1657] : memref<5376x128xf32, #tpu.memory_space<hbm>> -> memref<5376x128xf32, #tpu.memory_space<hbm>>
      tpu.enqueue_indirect_dma source(%dma_start3A_1658 : memref<5376x128xf32, #tpu.memory_space<hbm>>) target(%dma_start3A_1653 : memref<128x128xf32, #tpu.memory_space<vmem>>) offsets(%dma_start3A_1655 : memref<128xi32, #tpu.memory_space<vmem>>) semaphore(%arg12 : memref<!tpu.dma_semaphore, #tpu.memory_space<semaphore_mem>>)
      %dma_start3A_1659 = arith.constant 128 : i32
      %dma_start3A_1660 = arith.constant 0 : i32
      %dma_start3A_1661 = tpu.memref_slice %arg8[%dma_start3A_1659, %dma_start3A_1660] : memref<256x128xf32, #tpu.memory_space<vmem>> -> memref<128x128xf32, #tpu.memory_space<vmem>>
      %dma_start3A_1662 = arith.constant 640 : i32
      %dma_start3A_1663 = tpu.memref_slice %arg5[%dma_start3A_1662] : memref<3136xi32, #tpu.memory_space<vmem>> -> memref<128xi32, #tpu.memory_space<vmem>>
      %dma_start3A_1664 = arith.constant 0 : i32
      %dma_start3A_1665 = arith.constant 0 : i32
      %dma_start3A_1666 = tpu.memref_slice %arg3[%dma_start3A_1664, %dma_start3A_1665] : memref<5376x128xf32, #tpu.memory_space<hbm>> -> memref<5376x128xf32, #tpu.memory_space<hbm>>
      tpu.enqueue_indirect_dma source(%dma_start3A_1666 : memref<5376x128xf32, #tpu.memory_space<hbm>>) target(%dma_start3A_1661 : memref<128x128xf32, #tpu.memory_space<vmem>>) offsets(%dma_start3A_1663 : memref<128xi32, #tpu.memory_space<vmem>>) semaphore(%arg12 : memref<!tpu.dma_semaphore, #tpu.memory_space<semaphore_mem>>)
      %dma_wait3A = arith.constant 0 : i32
      %dma_wait3A_1667 = arith.constant 0 : i32
      %dma_wait3A_1668 = tpu.memref_slice %arg6[%dma_wait3A, %dma_wait3A_1667] : memref<256x128xf32, #tpu.memory_space<vmem>> -> memref<128x128xf32, #tpu.memory_space<vmem>>
      %dma_wait3A_1669 = arith.constant 0 : i32
      %dma_wait3A_1670 = tpu.memref_slice %arg5[%dma_wait3A_1669] : memref<3136xi32, #tpu.memory_space<vmem>> -> memref<128xi32, #tpu.memory_space<vmem>>
      %dma_wait3A_1671 = arith.constant 0 : i32
      %dma_wait3A_1672 = arith.constant 0 : i32
      %dma_wait3A_1673 = tpu.memref_slice %arg3[%dma_wait3A_1671, %dma_wait3A_1672] : memref<5376x128xf32, #tpu.memory_space<hbm>> -> memref<5376x128xf32, #tpu.memory_space<hbm>>
      tpu.wait_indirect_dma semaphore(%arg10 : memref<!tpu.dma_semaphore, #tpu.memory_space<semaphore_mem>>) src(%dma_wait3A_1673 : memref<5376x128xf32, #tpu.memory_space<hbm>>) dst(%dma_wait3A_1668 : memref<128x128xf32, #tpu.memory_space<vmem>>)
      %dma_wait3A_1674 = arith.constant 128 : i32
      %dma_wait3A_1675 = arith.constant 0 : i32
      %dma_wait3A_1676 = tpu.memref_slice %arg6[%dma_wait3A_1674, %dma_wait3A_1675] : memref<256x128xf32, #tpu.memory_space<vmem>> -> memref<128x128xf32, #tpu.memory_space<vmem>>
      %dma_wait3A_1677 = arith.constant 128 : i32
      %dma_wait3A_1678 = tpu.memref_slice %arg5[%dma_wait3A_1677] : memref<3136xi32, #tpu.memory_space<vmem>> -> memref<128xi32, #tpu.memory_space<vmem>>
      %dma_wait3A_1679 = arith.constant 0 : i32
      %dma_wait3A_1680 = arith.constant 0 : i32
      %dma_wait3A_1681 = tpu.memref_slice %arg3[%dma_wait3A_1679, %dma_wait3A_1680] : memref<5376x128xf32, #tpu.memory_space<hbm>> -> memref<5376x128xf32, #tpu.memory_space<hbm>>
      tpu.wait_indirect_dma semaphore(%arg10 : memref<!tpu.dma_semaphore, #tpu.memory_space<semaphore_mem>>) src(%dma_wait3A_1681 : memref<5376x128xf32, #tpu.memory_space<hbm>>) dst(%dma_wait3A_1676 : memref<128x128xf32, #tpu.memory_space<vmem>>)
      %add3A_1682 = arith.constant 0 : i32
      %add3A_1683 = arith.addi %multiple_of3A, %add3A_1682 : i32
      %dma_start3A_1684 = arith.constant 0 : i32
      %dma_start3A_1685 = tpu.memref_slice %arg4[%add3A_1683, %dma_start3A_1684] : memref<100000x128xf32, #tpu.memory_space<hbm>> -> memref<256x128xf32, #tpu.memory_space<hbm>>
      %dma_start3A_1686 = arith.constant 0 : i32
      %dma_start3A_1687 = tpu.memref_slice %arg4[%add3A_1683, %dma_start3A_1686] : memref<100000x128xf32, #tpu.memory_space<hbm>> -> memref<256x128xf32, #tpu.memory_space<hbm>>
      tpu.enqueue_dma source(%arg6 : memref<256x128xf32, #tpu.memory_space<vmem>>) target(%dma_start3A_1687 : memref<256x128xf32, #tpu.memory_space<hbm>>) target_semaphore(%arg13 : memref<!tpu.dma_semaphore, #tpu.memory_space<semaphore_mem>>)
      %dma_wait3A_1688 = arith.constant 0 : i32
      %dma_wait3A_1689 = arith.constant 0 : i32
      %dma_wait3A_1690 = tpu.memref_slice %arg9[%dma_wait3A_1688, %dma_wait3A_1689] : memref<128x128xf32, #tpu.memory_space<vmem>> -> memref<56x128xf32, #tpu.memory_space<vmem>>
      %dma_wait3A_1691 = arith.constant 3072 : i32
      %dma_wait3A_1692 = tpu.memref_slice %arg5[%dma_wait3A_1691] : memref<3136xi32, #tpu.memory_space<vmem>> -> memref<56xi32, #tpu.memory_space<vmem>>
      %dma_wait3A_1693 = arith.constant 0 : i32
      %dma_wait3A_1694 = arith.constant 0 : i32
      %dma_wait3A_1695 = tpu.memref_slice %arg3[%dma_wait3A_1693, %dma_wait3A_1694] : memref<5376x128xf32, #tpu.memory_space<hbm>> -> memref<5376x128xf32, #tpu.memory_space<hbm>>
      tpu.wait_indirect_dma semaphore(%arg16 : memref<!tpu.dma_semaphore, #tpu.memory_space<semaphore_mem>>) src(%dma_wait3A_1695 : memref<5376x128xf32, #tpu.memory_space<hbm>>) dst(%dma_wait3A_1690 : memref<56x128xf32, #tpu.memory_space<vmem>>)
      %add3A_1696 = arith.constant 3072 : i32
      %add3A_1697 = arith.addi %multiple_of3A, %add3A_1696 : i32
      %dma_start3A_1698 = arith.constant 0 : i32
      %dma_start3A_1699 = arith.constant 0 : i32
      %dma_start3A_1700 = tpu.memref_slice %arg9[%dma_start3A_1698, %dma_start3A_1699] : memref<128x128xf32, #tpu.memory_space<vmem>> -> memref<56x128xf32, #tpu.memory_space<vmem>>
      %dma_start3A_1701 = arith.constant 0 : i32
      %dma_start3A_1702 = tpu.memref_slice %arg4[%add3A_1697, %dma_start3A_1701] : memref<100000x128xf32, #tpu.memory_space<hbm>> -> memref<56x128xf32, #tpu.memory_space<hbm>>
      %dma_start3A_1703 = arith.constant 0 : i32
      %dma_start3A_1704 = tpu.memref_slice %arg4[%add3A_1697, %dma_start3A_1703] : memref<100000x128xf32, #tpu.memory_space<hbm>> -> memref<56x128xf32, #tpu.memory_space<hbm>>
      %dma_start3A_1705 = arith.constant 0 : i32
      %dma_start3A_1706 = arith.constant 0 : i32
      %dma_start3A_1707 = tpu.memref_slice %arg9[%dma_start3A_1705, %dma_start3A_1706] : memref<128x128xf32, #tpu.memory_space<vmem>> -> memref<56x128xf32, #tpu.memory_space<vmem>>
      tpu.enqueue_dma source(%dma_start3A_1707 : memref<56x128xf32, #tpu.memory_space<vmem>>) target(%dma_start3A_1704 : memref<56x128xf32, #tpu.memory_space<hbm>>) target_semaphore(%arg17 : memref<!tpu.dma_semaphore, #tpu.memory_space<semaphore_mem>>)
      %dma_wait3A_1708 = arith.constant 0 : i32
      %dma_wait3A_1709 = tpu.memref_slice %arg4[%add3A_1683, %dma_wait3A_1708] : memref<100000x128xf32, #tpu.memory_space<hbm>> -> memref<256x128xf32, #tpu.memory_space<hbm>>
      %dma_wait3A_1710 = arith.constant 0 : i32
      %dma_wait3A_1711 = tpu.memref_slice %arg4[%add3A_1683, %dma_wait3A_1710] : memref<100000x128xf32, #tpu.memory_space<hbm>> -> memref<256x128xf32, #tpu.memory_space<hbm>>
      tpu.wait_dma2 semaphore(%arg13 : memref<!tpu.dma_semaphore, #tpu.memory_space<semaphore_mem>>) src(%arg6 : memref<256x128xf32, #tpu.memory_space<vmem>>) dst(%dma_wait3A_1711 : memref<256x128xf32, #tpu.memory_space<hbm>>)
      %dma_start3A_1712 = arith.constant 0 : i32
      %dma_start3A_1713 = arith.constant 0 : i32
      %dma_start3A_1714 = tpu.memref_slice %arg6[%dma_start3A_1712, %dma_start3A_1713] : memref<256x128xf32, #tpu.memory_space<vmem>> -> memref<128x128xf32, #tpu.memory_space<vmem>>
      %dma_start3A_1715 = arith.constant 768 : i32
      %dma_start3A_1716 = tpu.memref_slice %arg5[%dma_start3A_1715] : memref<3136xi32, #tpu.memory_space<vmem>> -> memref<128xi32, #tpu.memory_space<vmem>>
      %dma_start3A_1717 = arith.constant 0 : i32
      %dma_start3A_1718 = arith.constant 0 : i32
      %dma_start3A_1719 = tpu.memref_slice %arg3[%dma_start3A_1717, %dma_start3A_1718] : memref<5376x128xf32, #tpu.memory_space<hbm>> -> memref<5376x128xf32, #tpu.memory_space<hbm>>
      tpu.enqueue_indirect_dma source(%dma_start3A_1719 : memref<5376x128xf32, #tpu.memory_space<hbm>>) target(%dma_start3A_1714 : memref<128x128xf32, #tpu.memory_space<vmem>>) offsets(%dma_start3A_1716 : memref<128xi32, #tpu.memory_space<vmem>>) semaphore(%arg10 : memref<!tpu.dma_semaphore, #tpu.memory_space<semaphore_mem>>)
      %dma_start3A_1720 = arith.constant 128 : i32
      %dma_start3A_1721 = arith.constant 0 : i32
      %dma_start3A_1722 = tpu.memref_slice %arg6[%dma_start3A_1720, %dma_start3A_1721] : memref<256x128xf32, #tpu.memory_space<vmem>> -> memref<128x128xf32, #tpu.memory_space<vmem>>
      %dma_start3A_1723 = arith.constant 896 : i32
      %dma_start3A_1724 = tpu.memref_slice %arg5[%dma_start3A_1723] : memref<3136xi32, #tpu.memory_space<vmem>> -> memref<128xi32, #tpu.memory_space<vmem>>
      %dma_start3A_1725 = arith.constant 0 : i32
      %dma_start3A_1726 = arith.constant 0 : i32
      %dma_start3A_1727 = tpu.memref_slice %arg3[%dma_start3A_1725, %dma_start3A_1726] : memref<5376x128xf32, #tpu.memory_space<hbm>> -> memref<5376x128xf32, #tpu.memory_space<hbm>>
      tpu.enqueue_indirect_dma source(%dma_start3A_1727 : memref<5376x128xf32, #tpu.memory_space<hbm>>) target(%dma_start3A_1722 : memref<128x128xf32, #tpu.memory_space<vmem>>) offsets(%dma_start3A_1724 : memref<128xi32, #tpu.memory_space<vmem>>) semaphore(%arg10 : memref<!tpu.dma_semaphore, #tpu.memory_space<semaphore_mem>>)
      %dma_wait3A_1728 = arith.constant 0 : i32
      %dma_wait3A_1729 = arith.constant 0 : i32
      %dma_wait3A_1730 = tpu.memref_slice %arg7[%dma_wait3A_1728, %dma_wait3A_1729] : memref<256x128xf32, #tpu.memory_space<vmem>> -> memref<128x128xf32, #tpu.memory_space<vmem>>
      %dma_wait3A_1731 = arith.constant 256 : i32
      %dma_wait3A_1732 = tpu.memref_slice %arg5[%dma_wait3A_1731] : memref<3136xi32, #tpu.memory_space<vmem>> -> memref<128xi32, #tpu.memory_space<vmem>>
      %dma_wait3A_1733 = arith.constant 0 : i32
      %dma_wait3A_1734 = arith.constant 0 : i32
      %dma_wait3A_1735 = tpu.memref_slice %arg3[%dma_wait3A_1733, %dma_wait3A_1734] : memref<5376x128xf32, #tpu.memory_space<hbm>> -> memref<5376x128xf32, #tpu.memory_space<hbm>>
      tpu.wait_indirect_dma semaphore(%arg11 : memref<!tpu.dma_semaphore, #tpu.memory_space<semaphore_mem>>) src(%dma_wait3A_1735 : memref<5376x128xf32, #tpu.memory_space<hbm>>) dst(%dma_wait3A_1730 : memref<128x128xf32, #tpu.memory_space<vmem>>)
      %dma_wait3A_1736 = arith.constant 128 : i32
      %dma_wait3A_1737 = arith.constant 0 : i32
      %dma_wait3A_1738 = tpu.memref_slice %arg7[%dma_wait3A_1736, %dma_wait3A_1737] : memref<256x128xf32, #tpu.memory_space<vmem>> -> memref<128x128xf32, #tpu.memory_space<vmem>>
      %dma_wait3A_1739 = arith.constant 384 : i32
      %dma_wait3A_1740 = tpu.memref_slice %arg5[%dma_wait3A_1739] : memref<3136xi32, #tpu.memory_space<vmem>> -> memref<128xi32, #tpu.memory_space<vmem>>
      %dma_wait3A_1741 = arith.constant 0 : i32
      %dma_wait3A_1742 = arith.constant 0 : i32
      %dma_wait3A_1743 = tpu.memref_slice %arg3[%dma_wait3A_1741, %dma_wait3A_1742] : memref<5376x128xf32, #tpu.memory_space<hbm>> -> memref<5376x128xf32, #tpu.memory_space<hbm>>
      tpu.wait_indirect_dma semaphore(%arg11 : memref<!tpu.dma_semaphore, #tpu.memory_space<semaphore_mem>>) src(%dma_wait3A_1743 : memref<5376x128xf32, #tpu.memory_space<hbm>>) dst(%dma_wait3A_1738 : memref<128x128xf32, #tpu.memory_space<vmem>>)
      %add3A_1744 = arith.constant 256 : i32
      %add3A_1745 = arith.addi %multiple_of3A, %add3A_1744 : i32
      %dma_start3A_1746 = arith.constant 0 : i32
      %dma_start3A_1747 = tpu.memref_slice %arg4[%add3A_1745, %dma_start3A_1746] : memref<100000x128xf32, #tpu.memory_space<hbm>> -> memref<256x128xf32, #tpu.memory_space<hbm>>
      %dma_start3A_1748 = arith.constant 0 : i32
      %dma_start3A_1749 = tpu.memref_slice %arg4[%add3A_1745, %dma_start3A_1748] : memref<100000x128xf32, #tpu.memory_space<hbm>> -> memref<256x128xf32, #tpu.memory_space<hbm>>
      tpu.enqueue_dma source(%arg7 : memref<256x128xf32, #tpu.memory_space<vmem>>) target(%dma_start3A_1749 : memref<256x128xf32, #tpu.memory_space<hbm>>) target_semaphore(%arg14 : memref<!tpu.dma_semaphore, #tpu.memory_space<semaphore_mem>>)
      %dma_wait3A_1750 = arith.constant 0 : i32
      %dma_wait3A_1751 = tpu.memref_slice %arg4[%add3A_1745, %dma_wait3A_1750] : memref<100000x128xf32, #tpu.memory_space<hbm>> -> memref<256x128xf32, #tpu.memory_space<hbm>>
      %dma_wait3A_1752 = arith.constant 0 : i32
      %dma_wait3A_1753 = tpu.memref_slice %arg4[%add3A_1745, %dma_wait3A_1752] : memref<100000x128xf32, #tpu.memory_space<hbm>> -> memref<256x128xf32, #tpu.memory_space<hbm>>
      tpu.wait_dma2 semaphore(%arg14 : memref<!tpu.dma_semaphore, #tpu.memory_space<semaphore_mem>>) src(%arg7 : memref<256x128xf32, #tpu.memory_space<vmem>>) dst(%dma_wait3A_1753 : memref<256x128xf32, #tpu.memory_space<hbm>>)
      %dma_start3A_1754 = arith.constant 0 : i32
      %dma_start3A_1755 = arith.constant 0 : i32
      %dma_start3A_1756 = tpu.memref_slice %arg7[%dma_start3A_1754, %dma_start3A_1755] : memref<256x128xf32, #tpu.memory_space<vmem>> -> memref<128x128xf32, #tpu.memory_space<vmem>>
      %dma_start3A_1757 = arith.constant 1024 : i32
      %dma_start3A_1758 = tpu.memref_slice %arg5[%dma_start3A_1757] : memref<3136xi32, #tpu.memory_space<vmem>> -> memref<128xi32, #tpu.memory_space<vmem>>
      %dma_start3A_1759 = arith.constant 0 : i32
      %dma_start3A_1760 = arith.constant 0 : i32
      %dma_start3A_1761 = tpu.memref_slice %arg3[%dma_start3A_1759, %dma_start3A_1760] : memref<5376x128xf32, #tpu.memory_space<hbm>> -> memref<5376x128xf32, #tpu.memory_space<hbm>>
      tpu.enqueue_indirect_dma source(%dma_start3A_1761 : memref<5376x128xf32, #tpu.memory_space<hbm>>) target(%dma_start3A_1756 : memref<128x128xf32, #tpu.memory_space<vmem>>) offsets(%dma_start3A_1758 : memref<128xi32, #tpu.memory_space<vmem>>) semaphore(%arg11 : memref<!tpu.dma_semaphore, #tpu.memory_space<semaphore_mem>>)
      %dma_start3A_1762 = arith.constant 128 : i32
      %dma_start3A_1763 = arith.constant 0 : i32
      %dma_start3A_1764 = tpu.memref_slice %arg7[%dma_start3A_1762, %dma_start3A_1763] : memref<256x128xf32, #tpu.memory_space<vmem>> -> memref<128x128xf32, #tpu.memory_space<vmem>>
      %dma_start3A_1765 = arith.constant 1152 : i32
      %dma_start3A_1766 = tpu.memref_slice %arg5[%dma_start3A_1765] : memref<3136xi32, #tpu.memory_space<vmem>> -> memref<128xi32, #tpu.memory_space<vmem>>
      %dma_start3A_1767 = arith.constant 0 : i32
      %dma_start3A_1768 = arith.constant 0 : i32
      %dma_start3A_1769 = tpu.memref_slice %arg3[%dma_start3A_1767, %dma_start3A_1768] : memref<5376x128xf32, #tpu.memory_space<hbm>> -> memref<5376x128xf32, #tpu.memory_space<hbm>>
      tpu.enqueue_indirect_dma source(%dma_start3A_1769 : memref<5376x128xf32, #tpu.memory_space<hbm>>) target(%dma_start3A_1764 : memref<128x128xf32, #tpu.memory_space<vmem>>) offsets(%dma_start3A_1766 : memref<128xi32, #tpu.memory_space<vmem>>) semaphore(%arg11 : memref<!tpu.dma_semaphore, #tpu.memory_space<semaphore_mem>>)
      %dma_wait3A_1770 = arith.constant 0 : i32
      %dma_wait3A_1771 = arith.constant 0 : i32
      %dma_wait3A_1772 = tpu.memref_slice %arg8[%dma_wait3A_1770, %dma_wait3A_1771] : memref<256x128xf32, #tpu.memory_space<vmem>> -> memref<128x128xf32, #tpu.memory_space<vmem>>
      %dma_wait3A_1773 = arith.constant 512 : i32
      %dma_wait3A_1774 = tpu.memref_slice %arg5[%dma_wait3A_1773] : memref<3136xi32, #tpu.memory_space<vmem>> -> memref<128xi32, #tpu.memory_space<vmem>>
      %dma_wait3A_1775 = arith.constant 0 : i32
      %dma_wait3A_1776 = arith.constant 0 : i32
      %dma_wait3A_1777 = tpu.memref_slice %arg3[%dma_wait3A_1775, %dma_wait3A_1776] : memref<5376x128xf32, #tpu.memory_space<hbm>> -> memref<5376x128xf32, #tpu.memory_space<hbm>>
      tpu.wait_indirect_dma semaphore(%arg12 : memref<!tpu.dma_semaphore, #tpu.memory_space<semaphore_mem>>) src(%dma_wait3A_1777 : memref<5376x128xf32, #tpu.memory_space<hbm>>) dst(%dma_wait3A_1772 : memref<128x128xf32, #tpu.memory_space<vmem>>)
      %dma_wait3A_1778 = arith.constant 128 : i32
      %dma_wait3A_1779 = arith.constant 0 : i32
      %dma_wait3A_1780 = tpu.memref_slice %arg8[%dma_wait3A_1778, %dma_wait3A_1779] : memref<256x128xf32, #tpu.memory_space<vmem>> -> memref<128x128xf32, #tpu.memory_space<vmem>>
      %dma_wait3A_1781 = arith.constant 640 : i32
      %dma_wait3A_1782 = tpu.memref_slice %arg5[%dma_wait3A_1781] : memref<3136xi32, #tpu.memory_space<vmem>> -> memref<128xi32, #tpu.memory_space<vmem>>
      %dma_wait3A_1783 = arith.constant 0 : i32
      %dma_wait3A_1784 = arith.constant 0 : i32
      %dma_wait3A_1785 = tpu.memref_slice %arg3[%dma_wait3A_1783, %dma_wait3A_1784] : memref<5376x128xf32, #tpu.memory_space<hbm>> -> memref<5376x128xf32, #tpu.memory_space<hbm>>
      tpu.wait_indirect_dma semaphore(%arg12 : memref<!tpu.dma_semaphore, #tpu.memory_space<semaphore_mem>>) src(%dma_wait3A_1785 : memref<5376x128xf32, #tpu.memory_space<hbm>>) dst(%dma_wait3A_1780 : memref<128x128xf32, #tpu.memory_space<vmem>>)
      %add3A_1786 = arith.constant 512 : i32
      %add3A_1787 = arith.addi %multiple_of3A, %add3A_1786 : i32
      %dma_start3A_1788 = arith.constant 0 : i32
      %dma_start3A_1789 = tpu.memref_slice %arg4[%add3A_1787, %dma_start3A_1788] : memref<100000x128xf32, #tpu.memory_space<hbm>> -> memref<256x128xf32, #tpu.memory_space<hbm>>
      %dma_start3A_1790 = arith.constant 0 : i32
      %dma_start3A_1791 = tpu.memref_slice %arg4[%add3A_1787, %dma_start3A_1790] : memref<100000x128xf32, #tpu.memory_space<hbm>> -> memref<256x128xf32, #tpu.memory_space<hbm>>
      tpu.enqueue_dma source(%arg8 : memref<256x128xf32, #tpu.memory_space<vmem>>) target(%dma_start3A_1791 : memref<256x128xf32, #tpu.memory_space<hbm>>) target_semaphore(%arg15 : memref<!tpu.dma_semaphore, #tpu.memory_space<semaphore_mem>>)
      %dma_wait3A_1792 = arith.constant 0 : i32
      %dma_wait3A_1793 = tpu.memref_slice %arg4[%add3A_1787, %dma_wait3A_1792] : memref<100000x128xf32, #tpu.memory_space<hbm>> -> memref<256x128xf32, #tpu.memory_space<hbm>>
      %dma_wait3A_1794 = arith.constant 0 : i32
      %dma_wait3A_1795 = tpu.memref_slice %arg4[%add3A_1787, %dma_wait3A_1794] : memref<100000x128xf32, #tpu.memory_space<hbm>> -> memref<256x128xf32, #tpu.memory_space<hbm>>
      tpu.wait_dma2 semaphore(%arg15 : memref<!tpu.dma_semaphore, #tpu.memory_space<semaphore_mem>>) src(%arg8 : memref<256x128xf32, #tpu.memory_space<vmem>>) dst(%dma_wait3A_1795 : memref<256x128xf32, #tpu.memory_space<hbm>>)
      %dma_start3A_1796 = arith.constant 0 : i32
      %dma_start3A_1797 = arith.constant 0 : i32
      %dma_start3A_1798 = tpu.memref_slice %arg8[%dma_start3A_1796, %dma_start3A_1797] : memref<256x128xf32, #tpu.memory_space<vmem>> -> memref<128x128xf32, #tpu.memory_space<vmem>>
      %dma_start3A_1799 = arith.constant 1280 : i32
      %dma_start3A_1800 = tpu.memref_slice %arg5[%dma_start3A_1799] : memref<3136xi32, #tpu.memory_space<vmem>> -> memref<128xi32, #tpu.memory_space<vmem>>
      %dma_start3A_1801 = arith.constant 0 : i32
      %dma_start3A_1802 = arith.constant 0 : i32
      %dma_start3A_1803 = tpu.memref_slice %arg3[%dma_start3A_1801, %dma_start3A_1802] : memref<5376x128xf32, #tpu.memory_space<hbm>> -> memref<5376x128xf32, #tpu.memory_space<hbm>>
      tpu.enqueue_indirect_dma source(%dma_start3A_1803 : memref<5376x128xf32, #tpu.memory_space<hbm>>) target(%dma_start3A_1798 : memref<128x128xf32, #tpu.memory_space<vmem>>) offsets(%dma_start3A_1800 : memref<128xi32, #tpu.memory_space<vmem>>) semaphore(%arg12 : memref<!tpu.dma_semaphore, #tpu.memory_space<semaphore_mem>>)
      %dma_start3A_1804 = arith.constant 128 : i32
      %dma_start3A_1805 = arith.constant 0 : i32
      %dma_start3A_1806 = tpu.memref_slice %arg8[%dma_start3A_1804, %dma_start3A_1805] : memref<256x128xf32, #tpu.memory_space<vmem>> -> memref<128x128xf32, #tpu.memory_space<vmem>>
      %dma_start3A_1807 = arith.constant 1408 : i32
      %dma_start3A_1808 = tpu.memref_slice %arg5[%dma_start3A_1807] : memref<3136xi32, #tpu.memory_space<vmem>> -> memref<128xi32, #tpu.memory_space<vmem>>
      %dma_start3A_1809 = arith.constant 0 : i32
      %dma_start3A_1810 = arith.constant 0 : i32
      %dma_start3A_1811 = tpu.memref_slice %arg3[%dma_start3A_1809, %dma_start3A_1810] : memref<5376x128xf32, #tpu.memory_space<hbm>> -> memref<5376x128xf32, #tpu.memory_space<hbm>>
      tpu.enqueue_indirect_dma source(%dma_start3A_1811 : memref<5376x128xf32, #tpu.memory_space<hbm>>) target(%dma_start3A_1806 : memref<128x128xf32, #tpu.memory_space<vmem>>) offsets(%dma_start3A_1808 : memref<128xi32, #tpu.memory_space<vmem>>) semaphore(%arg12 : memref<!tpu.dma_semaphore, #tpu.memory_space<semaphore_mem>>)
      %dma_wait3A_1812 = arith.constant 0 : i32
      %dma_wait3A_1813 = arith.constant 0 : i32
      %dma_wait3A_1814 = tpu.memref_slice %arg6[%dma_wait3A_1812, %dma_wait3A_1813] : memref<256x128xf32, #tpu.memory_space<vmem>> -> memref<128x128xf32, #tpu.memory_space<vmem>>
      %dma_wait3A_1815 = arith.constant 768 : i32
      %dma_wait3A_1816 = tpu.memref_slice %arg5[%dma_wait3A_1815] : memref<3136xi32, #tpu.memory_space<vmem>> -> memref<128xi32, #tpu.memory_space<vmem>>
      %dma_wait3A_1817 = arith.constant 0 : i32
      %dma_wait3A_1818 = arith.constant 0 : i32
      %dma_wait3A_1819 = tpu.memref_slice %arg3[%dma_wait3A_1817, %dma_wait3A_1818] : memref<5376x128xf32, #tpu.memory_space<hbm>> -> memref<5376x128xf32, #tpu.memory_space<hbm>>
      tpu.wait_indirect_dma semaphore(%arg10 : memref<!tpu.dma_semaphore, #tpu.memory_space<semaphore_mem>>) src(%dma_wait3A_1819 : memref<5376x128xf32, #tpu.memory_space<hbm>>) dst(%dma_wait3A_1814 : memref<128x128xf32, #tpu.memory_space<vmem>>)
      %dma_wait3A_1820 = arith.constant 128 : i32
      %dma_wait3A_1821 = arith.constant 0 : i32
      %dma_wait3A_1822 = tpu.memref_slice %arg6[%dma_wait3A_1820, %dma_wait3A_1821] : memref<256x128xf32, #tpu.memory_space<vmem>> -> memref<128x128xf32, #tpu.memory_space<vmem>>
      %dma_wait3A_1823 = arith.constant 896 : i32
      %dma_wait3A_1824 = tpu.memref_slice %arg5[%dma_wait3A_1823] : memref<3136xi32, #tpu.memory_space<vmem>> -> memref<128xi32, #tpu.memory_space<vmem>>
      %dma_wait3A_1825 = arith.constant 0 : i32
      %dma_wait3A_1826 = arith.constant 0 : i32
      %dma_wait3A_1827 = tpu.memref_slice %arg3[%dma_wait3A_1825, %dma_wait3A_1826] : memref<5376x128xf32, #tpu.memory_space<hbm>> -> memref<5376x128xf32, #tpu.memory_space<hbm>>
      tpu.wait_indirect_dma semaphore(%arg10 : memref<!tpu.dma_semaphore, #tpu.memory_space<semaphore_mem>>) src(%dma_wait3A_1827 : memref<5376x128xf32, #tpu.memory_space<hbm>>) dst(%dma_wait3A_1822 : memref<128x128xf32, #tpu.memory_space<vmem>>)
      %add3A_1828 = arith.constant 768 : i32
      %add3A_1829 = arith.addi %multiple_of3A, %add3A_1828 : i32
      %dma_start3A_1830 = arith.constant 0 : i32
      %dma_start3A_1831 = tpu.memref_slice %arg4[%add3A_1829, %dma_start3A_1830] : memref<100000x128xf32, #tpu.memory_space<hbm>> -> memref<256x128xf32, #tpu.memory_space<hbm>>
      %dma_start3A_1832 = arith.constant 0 : i32
      %dma_start3A_1833 = tpu.memref_slice %arg4[%add3A_1829, %dma_start3A_1832] : memref<100000x128xf32, #tpu.memory_space<hbm>> -> memref<256x128xf32, #tpu.memory_space<hbm>>
      tpu.enqueue_dma source(%arg6 : memref<256x128xf32, #tpu.memory_space<vmem>>) target(%dma_start3A_1833 : memref<256x128xf32, #tpu.memory_space<hbm>>) target_semaphore(%arg13 : memref<!tpu.dma_semaphore, #tpu.memory_space<semaphore_mem>>)
      %dma_wait3A_1834 = arith.constant 0 : i32
      %dma_wait3A_1835 = tpu.memref_slice %arg4[%add3A_1829, %dma_wait3A_1834] : memref<100000x128xf32, #tpu.memory_space<hbm>> -> memref<256x128xf32, #tpu.memory_space<hbm>>
      %dma_wait3A_1836 = arith.constant 0 : i32
      %dma_wait3A_1837 = tpu.memref_slice %arg4[%add3A_1829, %dma_wait3A_1836] : memref<100000x128xf32, #tpu.memory_space<hbm>> -> memref<256x128xf32, #tpu.memory_space<hbm>>
      tpu.wait_dma2 semaphore(%arg13 : memref<!tpu.dma_semaphore, #tpu.memory_space<semaphore_mem>>) src(%arg6 : memref<256x128xf32, #tpu.memory_space<vmem>>) dst(%dma_wait3A_1837 : memref<256x128xf32, #tpu.memory_space<hbm>>)
      %dma_start3A_1838 = arith.constant 0 : i32
      %dma_start3A_1839 = arith.constant 0 : i32
      %dma_start3A_1840 = tpu.memref_slice %arg6[%dma_start3A_1838, %dma_start3A_1839] : memref<256x128xf32, #tpu.memory_space<vmem>> -> memref<128x128xf32, #tpu.memory_space<vmem>>
      %dma_start3A_1841 = arith.constant 1536 : i32
      %dma_start3A_1842 = tpu.memref_slice %arg5[%dma_start3A_1841] : memref<3136xi32, #tpu.memory_space<vmem>> -> memref<128xi32, #tpu.memory_space<vmem>>
      %dma_start3A_1843 = arith.constant 0 : i32
      %dma_start3A_1844 = arith.constant 0 : i32
      %dma_start3A_1845 = tpu.memref_slice %arg3[%dma_start3A_1843, %dma_start3A_1844] : memref<5376x128xf32, #tpu.memory_space<hbm>> -> memref<5376x128xf32, #tpu.memory_space<hbm>>
      tpu.enqueue_indirect_dma source(%dma_start3A_1845 : memref<5376x128xf32, #tpu.memory_space<hbm>>) target(%dma_start3A_1840 : memref<128x128xf32, #tpu.memory_space<vmem>>) offsets(%dma_start3A_1842 : memref<128xi32, #tpu.memory_space<vmem>>) semaphore(%arg10 : memref<!tpu.dma_semaphore, #tpu.memory_space<semaphore_mem>>)
      %dma_start3A_1846 = arith.constant 128 : i32
      %dma_start3A_1847 = arith.constant 0 : i32
      %dma_start3A_1848 = tpu.memref_slice %arg6[%dma_start3A_1846, %dma_start3A_1847] : memref<256x128xf32, #tpu.memory_space<vmem>> -> memref<128x128xf32, #tpu.memory_space<vmem>>
      %dma_start3A_1849 = arith.constant 1664 : i32
      %dma_start3A_1850 = tpu.memref_slice %arg5[%dma_start3A_1849] : memref<3136xi32, #tpu.memory_space<vmem>> -> memref<128xi32, #tpu.memory_space<vmem>>
      %dma_start3A_1851 = arith.constant 0 : i32
      %dma_start3A_1852 = arith.constant 0 : i32
      %dma_start3A_1853 = tpu.memref_slice %arg3[%dma_start3A_1851, %dma_start3A_1852] : memref<5376x128xf32, #tpu.memory_space<hbm>> -> memref<5376x128xf32, #tpu.memory_space<hbm>>
      tpu.enqueue_indirect_dma source(%dma_start3A_1853 : memref<5376x128xf32, #tpu.memory_space<hbm>>) target(%dma_start3A_1848 : memref<128x128xf32, #tpu.memory_space<vmem>>) offsets(%dma_start3A_1850 : memref<128xi32, #tpu.memory_space<vmem>>) semaphore(%arg10 : memref<!tpu.dma_semaphore, #tpu.memory_space<semaphore_mem>>)
      %dma_wait3A_1854 = arith.constant 0 : i32
      %dma_wait3A_1855 = arith.constant 0 : i32
      %dma_wait3A_1856 = tpu.memref_slice %arg7[%dma_wait3A_1854, %dma_wait3A_1855] : memref<256x128xf32, #tpu.memory_space<vmem>> -> memref<128x128xf32, #tpu.memory_space<vmem>>
      %dma_wait3A_1857 = arith.constant 1024 : i32
      %dma_wait3A_1858 = tpu.memref_slice %arg5[%dma_wait3A_1857] : memref<3136xi32, #tpu.memory_space<vmem>> -> memref<128xi32, #tpu.memory_space<vmem>>
      %dma_wait3A_1859 = arith.constant 0 : i32
      %dma_wait3A_1860 = arith.constant 0 : i32
      %dma_wait3A_1861 = tpu.memref_slice %arg3[%dma_wait3A_1859, %dma_wait3A_1860] : memref<5376x128xf32, #tpu.memory_space<hbm>> -> memref<5376x128xf32, #tpu.memory_space<hbm>>
      tpu.wait_indirect_dma semaphore(%arg11 : memref<!tpu.dma_semaphore, #tpu.memory_space<semaphore_mem>>) src(%dma_wait3A_1861 : memref<5376x128xf32, #tpu.memory_space<hbm>>) dst(%dma_wait3A_1856 : memref<128x128xf32, #tpu.memory_space<vmem>>)
      %dma_wait3A_1862 = arith.constant 128 : i32
      %dma_wait3A_1863 = arith.constant 0 : i32
      %dma_wait3A_1864 = tpu.memref_slice %arg7[%dma_wait3A_1862, %dma_wait3A_1863] : memref<256x128xf32, #tpu.memory_space<vmem>> -> memref<128x128xf32, #tpu.memory_space<vmem>>
      %dma_wait3A_1865 = arith.constant 1152 : i32
      %dma_wait3A_1866 = tpu.memref_slice %arg5[%dma_wait3A_1865] : memref<3136xi32, #tpu.memory_space<vmem>> -> memref<128xi32, #tpu.memory_space<vmem>>
      %dma_wait3A_1867 = arith.constant 0 : i32
      %dma_wait3A_1868 = arith.constant 0 : i32
      %dma_wait3A_1869 = tpu.memref_slice %arg3[%dma_wait3A_1867, %dma_wait3A_1868] : memref<5376x128xf32, #tpu.memory_space<hbm>> -> memref<5376x128xf32, #tpu.memory_space<hbm>>
      tpu.wait_indirect_dma semaphore(%arg11 : memref<!tpu.dma_semaphore, #tpu.memory_space<semaphore_mem>>) src(%dma_wait3A_1869 : memref<5376x128xf32, #tpu.memory_space<hbm>>) dst(%dma_wait3A_1864 : memref<128x128xf32, #tpu.memory_space<vmem>>)
      %add3A_1870 = arith.constant 1024 : i32
      %add3A_1871 = arith.addi %multiple_of3A, %add3A_1870 : i32
      %dma_start3A_1872 = arith.constant 0 : i32
      %dma_start3A_1873 = tpu.memref_slice %arg4[%add3A_1871, %dma_start3A_1872] : memref<100000x128xf32, #tpu.memory_space<hbm>> -> memref<256x128xf32, #tpu.memory_space<hbm>>
      %dma_start3A_1874 = arith.constant 0 : i32
      %dma_start3A_1875 = tpu.memref_slice %arg4[%add3A_1871, %dma_start3A_1874] : memref<100000x128xf32, #tpu.memory_space<hbm>> -> memref<256x128xf32, #tpu.memory_space<hbm>>
      tpu.enqueue_dma source(%arg7 : memref<256x128xf32, #tpu.memory_space<vmem>>) target(%dma_start3A_1875 : memref<256x128xf32, #tpu.memory_space<hbm>>) target_semaphore(%arg14 : memref<!tpu.dma_semaphore, #tpu.memory_space<semaphore_mem>>)
      %dma_wait3A_1876 = arith.constant 0 : i32
      %dma_wait3A_1877 = tpu.memref_slice %arg4[%add3A_1871, %dma_wait3A_1876] : memref<100000x128xf32, #tpu.memory_space<hbm>> -> memref<256x128xf32, #tpu.memory_space<hbm>>
      %dma_wait3A_1878 = arith.constant 0 : i32
      %dma_wait3A_1879 = tpu.memref_slice %arg4[%add3A_1871, %dma_wait3A_1878] : memref<100000x128xf32, #tpu.memory_space<hbm>> -> memref<256x128xf32, #tpu.memory_space<hbm>>
      tpu.wait_dma2 semaphore(%arg14 : memref<!tpu.dma_semaphore, #tpu.memory_space<semaphore_mem>>) src(%arg7 : memref<256x128xf32, #tpu.memory_space<vmem>>) dst(%dma_wait3A_1879 : memref<256x128xf32, #tpu.memory_space<hbm>>)
      %dma_start3A_1880 = arith.constant 0 : i32
      %dma_start3A_1881 = arith.constant 0 : i32
      %dma_start3A_1882 = tpu.memref_slice %arg7[%dma_start3A_1880, %dma_start3A_1881] : memref<256x128xf32, #tpu.memory_space<vmem>> -> memref<128x128xf32, #tpu.memory_space<vmem>>
      %dma_start3A_1883 = arith.constant 1792 : i32
      %dma_start3A_1884 = tpu.memref_slice %arg5[%dma_start3A_1883] : memref<3136xi32, #tpu.memory_space<vmem>> -> memref<128xi32, #tpu.memory_space<vmem>>
      %dma_start3A_1885 = arith.constant 0 : i32
      %dma_start3A_1886 = arith.constant 0 : i32
      %dma_start3A_1887 = tpu.memref_slice %arg3[%dma_start3A_1885, %dma_start3A_1886] : memref<5376x128xf32, #tpu.memory_space<hbm>> -> memref<5376x128xf32, #tpu.memory_space<hbm>>
      tpu.enqueue_indirect_dma source(%dma_start3A_1887 : memref<5376x128xf32, #tpu.memory_space<hbm>>) target(%dma_start3A_1882 : memref<128x128xf32, #tpu.memory_space<vmem>>) offsets(%dma_start3A_1884 : memref<128xi32, #tpu.memory_space<vmem>>) semaphore(%arg11 : memref<!tpu.dma_semaphore, #tpu.memory_space<semaphore_mem>>)
      %dma_start3A_1888 = arith.constant 128 : i32
      %dma_start3A_1889 = arith.constant 0 : i32
      %dma_start3A_1890 = tpu.memref_slice %arg7[%dma_start3A_1888, %dma_start3A_1889] : memref<256x128xf32, #tpu.memory_space<vmem>> -> memref<128x128xf32, #tpu.memory_space<vmem>>
      %dma_start3A_1891 = arith.constant 1920 : i32
      %dma_start3A_1892 = tpu.memref_slice %arg5[%dma_start3A_1891] : memref<3136xi32, #tpu.memory_space<vmem>> -> memref<128xi32, #tpu.memory_space<vmem>>
      %dma_start3A_1893 = arith.constant 0 : i32
      %dma_start3A_1894 = arith.constant 0 : i32
      %dma_start3A_1895 = tpu.memref_slice %arg3[%dma_start3A_1893, %dma_start3A_1894] : memref<5376x128xf32, #tpu.memory_space<hbm>> -> memref<5376x128xf32, #tpu.memory_space<hbm>>
      tpu.enqueue_indirect_dma source(%dma_start3A_1895 : memref<5376x128xf32, #tpu.memory_space<hbm>>) target(%dma_start3A_1890 : memref<128x128xf32, #tpu.memory_space<vmem>>) offsets(%dma_start3A_1892 : memref<128xi32, #tpu.memory_space<vmem>>) semaphore(%arg11 : memref<!tpu.dma_semaphore, #tpu.memory_space<semaphore_mem>>)
      %dma_wait3A_1896 = arith.constant 0 : i32
      %dma_wait3A_1897 = arith.constant 0 : i32
      %dma_wait3A_1898 = tpu.memref_slice %arg8[%dma_wait3A_1896, %dma_wait3A_1897] : memref<256x128xf32, #tpu.memory_space<vmem>> -> memref<128x128xf32, #tpu.memory_space<vmem>>
      %dma_wait3A_1899 = arith.constant 1280 : i32
      %dma_wait3A_1900 = tpu.memref_slice %arg5[%dma_wait3A_1899] : memref<3136xi32, #tpu.memory_space<vmem>> -> memref<128xi32, #tpu.memory_space<vmem>>
      %dma_wait3A_1901 = arith.constant 0 : i32
      %dma_wait3A_1902 = arith.constant 0 : i32
      %dma_wait3A_1903 = tpu.memref_slice %arg3[%dma_wait3A_1901, %dma_wait3A_1902] : memref<5376x128xf32, #tpu.memory_space<hbm>> -> memref<5376x128xf32, #tpu.memory_space<hbm>>
      tpu.wait_indirect_dma semaphore(%arg12 : memref<!tpu.dma_semaphore, #tpu.memory_space<semaphore_mem>>) src(%dma_wait3A_1903 : memref<5376x128xf32, #tpu.memory_space<hbm>>) dst(%dma_wait3A_1898 : memref<128x128xf32, #tpu.memory_space<vmem>>)
      %dma_wait3A_1904 = arith.constant 128 : i32
      %dma_wait3A_1905 = arith.constant 0 : i32
      %dma_wait3A_1906 = tpu.memref_slice %arg8[%dma_wait3A_1904, %dma_wait3A_1905] : memref<256x128xf32, #tpu.memory_space<vmem>> -> memref<128x128xf32, #tpu.memory_space<vmem>>
      %dma_wait3A_1907 = arith.constant 1408 : i32
      %dma_wait3A_1908 = tpu.memref_slice %arg5[%dma_wait3A_1907] : memref<3136xi32, #tpu.memory_space<vmem>> -> memref<128xi32, #tpu.memory_space<vmem>>
      %dma_wait3A_1909 = arith.constant 0 : i32
      %dma_wait3A_1910 = arith.constant 0 : i32
      %dma_wait3A_1911 = tpu.memref_slice %arg3[%dma_wait3A_1909, %dma_wait3A_1910] : memref<5376x128xf32, #tpu.memory_space<hbm>> -> memref<5376x128xf32, #tpu.memory_space<hbm>>
      tpu.wait_indirect_dma semaphore(%arg12 : memref<!tpu.dma_semaphore, #tpu.memory_space<semaphore_mem>>) src(%dma_wait3A_1911 : memref<5376x128xf32, #tpu.memory_space<hbm>>) dst(%dma_wait3A_1906 : memref<128x128xf32, #tpu.memory_space<vmem>>)
      %add3A_1912 = arith.constant 1280 : i32
      %add3A_1913 = arith.addi %multiple_of3A, %add3A_1912 : i32
      %dma_start3A_1914 = arith.constant 0 : i32
      %dma_start3A_1915 = tpu.memref_slice %arg4[%add3A_1913, %dma_start3A_1914] : memref<100000x128xf32, #tpu.memory_space<hbm>> -> memref<256x128xf32, #tpu.memory_space<hbm>>
      %dma_start3A_1916 = arith.constant 0 : i32
      %dma_start3A_1917 = tpu.memref_slice %arg4[%add3A_1913, %dma_start3A_1916] : memref<100000x128xf32, #tpu.memory_space<hbm>> -> memref<256x128xf32, #tpu.memory_space<hbm>>
      tpu.enqueue_dma source(%arg8 : memref<256x128xf32, #tpu.memory_space<vmem>>) target(%dma_start3A_1917 : memref<256x128xf32, #tpu.memory_space<hbm>>) target_semaphore(%arg15 : memref<!tpu.dma_semaphore, #tpu.memory_space<semaphore_mem>>)
      %dma_wait3A_1918 = arith.constant 0 : i32
      %dma_wait3A_1919 = tpu.memref_slice %arg4[%add3A_1913, %dma_wait3A_1918] : memref<100000x128xf32, #tpu.memory_space<hbm>> -> memref<256x128xf32, #tpu.memory_space<hbm>>
      %dma_wait3A_1920 = arith.constant 0 : i32
      %dma_wait3A_1921 = tpu.memref_slice %arg4[%add3A_1913, %dma_wait3A_1920] : memref<100000x128xf32, #tpu.memory_space<hbm>> -> memref<256x128xf32, #tpu.memory_space<hbm>>
      tpu.wait_dma2 semaphore(%arg15 : memref<!tpu.dma_semaphore, #tpu.memory_space<semaphore_mem>>) src(%arg8 : memref<256x128xf32, #tpu.memory_space<vmem>>) dst(%dma_wait3A_1921 : memref<256x128xf32, #tpu.memory_space<hbm>>)
      %dma_start3A_1922 = arith.constant 0 : i32
      %dma_start3A_1923 = arith.constant 0 : i32
      %dma_start3A_1924 = tpu.memref_slice %arg8[%dma_start3A_1922, %dma_start3A_1923] : memref<256x128xf32, #tpu.memory_space<vmem>> -> memref<128x128xf32, #tpu.memory_space<vmem>>
      %dma_start3A_1925 = arith.constant 2048 : i32
      %dma_start3A_1926 = tpu.memref_slice %arg5[%dma_start3A_1925] : memref<3136xi32, #tpu.memory_space<vmem>> -> memref<128xi32, #tpu.memory_space<vmem>>
      %dma_start3A_1927 = arith.constant 0 : i32
      %dma_start3A_1928 = arith.constant 0 : i32
      %dma_start3A_1929 = tpu.memref_slice %arg3[%dma_start3A_1927, %dma_start3A_1928] : memref<5376x128xf32, #tpu.memory_space<hbm>> -> memref<5376x128xf32, #tpu.memory_space<hbm>>
      tpu.enqueue_indirect_dma source(%dma_start3A_1929 : memref<5376x128xf32, #tpu.memory_space<hbm>>) target(%dma_start3A_1924 : memref<128x128xf32, #tpu.memory_space<vmem>>) offsets(%dma_start3A_1926 : memref<128xi32, #tpu.memory_space<vmem>>) semaphore(%arg12 : memref<!tpu.dma_semaphore, #tpu.memory_space<semaphore_mem>>)
      %dma_start3A_1930 = arith.constant 128 : i32
      %dma_start3A_1931 = arith.constant 0 : i32
      %dma_start3A_1932 = tpu.memref_slice %arg8[%dma_start3A_1930, %dma_start3A_1931] : memref<256x128xf32, #tpu.memory_space<vmem>> -> memref<128x128xf32, #tpu.memory_space<vmem>>
      %dma_start3A_1933 = arith.constant 2176 : i32
      %dma_start3A_1934 = tpu.memref_slice %arg5[%dma_start3A_1933] : memref<3136xi32, #tpu.memory_space<vmem>> -> memref<128xi32, #tpu.memory_space<vmem>>
      %dma_start3A_1935 = arith.constant 0 : i32
      %dma_start3A_1936 = arith.constant 0 : i32
      %dma_start3A_1937 = tpu.memref_slice %arg3[%dma_start3A_1935, %dma_start3A_1936] : memref<5376x128xf32, #tpu.memory_space<hbm>> -> memref<5376x128xf32, #tpu.memory_space<hbm>>
      tpu.enqueue_indirect_dma source(%dma_start3A_1937 : memref<5376x128xf32, #tpu.memory_space<hbm>>) target(%dma_start3A_1932 : memref<128x128xf32, #tpu.memory_space<vmem>>) offsets(%dma_start3A_1934 : memref<128xi32, #tpu.memory_space<vmem>>) semaphore(%arg12 : memref<!tpu.dma_semaphore, #tpu.memory_space<semaphore_mem>>)
      %dma_wait3A_1938 = arith.constant 0 : i32
      %dma_wait3A_1939 = arith.constant 0 : i32
      %dma_wait3A_1940 = tpu.memref_slice %arg6[%dma_wait3A_1938, %dma_wait3A_1939] : memref<256x128xf32, #tpu.memory_space<vmem>> -> memref<128x128xf32, #tpu.memory_space<vmem>>
      %dma_wait3A_1941 = arith.constant 1536 : i32
      %dma_wait3A_1942 = tpu.memref_slice %arg5[%dma_wait3A_1941] : memref<3136xi32, #tpu.memory_space<vmem>> -> memref<128xi32, #tpu.memory_space<vmem>>
      %dma_wait3A_1943 = arith.constant 0 : i32
      %dma_wait3A_1944 = arith.constant 0 : i32
      %dma_wait3A_1945 = tpu.memref_slice %arg3[%dma_wait3A_1943, %dma_wait3A_1944] : memref<5376x128xf32, #tpu.memory_space<hbm>> -> memref<5376x128xf32, #tpu.memory_space<hbm>>
      tpu.wait_indirect_dma semaphore(%arg10 : memref<!tpu.dma_semaphore, #tpu.memory_space<semaphore_mem>>) src(%dma_wait3A_1945 : memref<5376x128xf32, #tpu.memory_space<hbm>>) dst(%dma_wait3A_1940 : memref<128x128xf32, #tpu.memory_space<vmem>>)
      %dma_wait3A_1946 = arith.constant 128 : i32
      %dma_wait3A_1947 = arith.constant 0 : i32
      %dma_wait3A_1948 = tpu.memref_slice %arg6[%dma_wait3A_1946, %dma_wait3A_1947] : memref<256x128xf32, #tpu.memory_space<vmem>> -> memref<128x128xf32, #tpu.memory_space<vmem>>
      %dma_wait3A_1949 = arith.constant 1664 : i32
      %dma_wait3A_1950 = tpu.memref_slice %arg5[%dma_wait3A_1949] : memref<3136xi32, #tpu.memory_space<vmem>> -> memref<128xi32, #tpu.memory_space<vmem>>
      %dma_wait3A_1951 = arith.constant 0 : i32
      %dma_wait3A_1952 = arith.constant 0 : i32
      %dma_wait3A_1953 = tpu.memref_slice %arg3[%dma_wait3A_1951, %dma_wait3A_1952] : memref<5376x128xf32, #tpu.memory_space<hbm>> -> memref<5376x128xf32, #tpu.memory_space<hbm>>
      tpu.wait_indirect_dma semaphore(%arg10 : memref<!tpu.dma_semaphore, #tpu.memory_space<semaphore_mem>>) src(%dma_wait3A_1953 : memref<5376x128xf32, #tpu.memory_space<hbm>>) dst(%dma_wait3A_1948 : memref<128x128xf32, #tpu.memory_space<vmem>>)
      %add3A_1954 = arith.constant 1536 : i32
      %add3A_1955 = arith.addi %multiple_of3A, %add3A_1954 : i32
      %dma_start3A_1956 = arith.constant 0 : i32
      %dma_start3A_1957 = tpu.memref_slice %arg4[%add3A_1955, %dma_start3A_1956] : memref<100000x128xf32, #tpu.memory_space<hbm>> -> memref<256x128xf32, #tpu.memory_space<hbm>>
      %dma_start3A_1958 = arith.constant 0 : i32
      %dma_start3A_1959 = tpu.memref_slice %arg4[%add3A_1955, %dma_start3A_1958] : memref<100000x128xf32, #tpu.memory_space<hbm>> -> memref<256x128xf32, #tpu.memory_space<hbm>>
      tpu.enqueue_dma source(%arg6 : memref<256x128xf32, #tpu.memory_space<vmem>>) target(%dma_start3A_1959 : memref<256x128xf32, #tpu.memory_space<hbm>>) target_semaphore(%arg13 : memref<!tpu.dma_semaphore, #tpu.memory_space<semaphore_mem>>)
      %dma_wait3A_1960 = arith.constant 0 : i32
      %dma_wait3A_1961 = tpu.memref_slice %arg4[%add3A_1955, %dma_wait3A_1960] : memref<100000x128xf32, #tpu.memory_space<hbm>> -> memref<256x128xf32, #tpu.memory_space<hbm>>
      %dma_wait3A_1962 = arith.constant 0 : i32
      %dma_wait3A_1963 = tpu.memref_slice %arg4[%add3A_1955, %dma_wait3A_1962] : memref<100000x128xf32, #tpu.memory_space<hbm>> -> memref<256x128xf32, #tpu.memory_space<hbm>>
      tpu.wait_dma2 semaphore(%arg13 : memref<!tpu.dma_semaphore, #tpu.memory_space<semaphore_mem>>) src(%arg6 : memref<256x128xf32, #tpu.memory_space<vmem>>) dst(%dma_wait3A_1963 : memref<256x128xf32, #tpu.memory_space<hbm>>)
      %dma_start3A_1964 = arith.constant 0 : i32
      %dma_start3A_1965 = arith.constant 0 : i32
      %dma_start3A_1966 = tpu.memref_slice %arg6[%dma_start3A_1964, %dma_start3A_1965] : memref<256x128xf32, #tpu.memory_space<vmem>> -> memref<128x128xf32, #tpu.memory_space<vmem>>
      %dma_start3A_1967 = arith.constant 2304 : i32
      %dma_start3A_1968 = tpu.memref_slice %arg5[%dma_start3A_1967] : memref<3136xi32, #tpu.memory_space<vmem>> -> memref<128xi32, #tpu.memory_space<vmem>>
      %dma_start3A_1969 = arith.constant 0 : i32
      %dma_start3A_1970 = arith.constant 0 : i32
      %dma_start3A_1971 = tpu.memref_slice %arg3[%dma_start3A_1969, %dma_start3A_1970] : memref<5376x128xf32, #tpu.memory_space<hbm>> -> memref<5376x128xf32, #tpu.memory_space<hbm>>
      tpu.enqueue_indirect_dma source(%dma_start3A_1971 : memref<5376x128xf32, #tpu.memory_space<hbm>>) target(%dma_start3A_1966 : memref<128x128xf32, #tpu.memory_space<vmem>>) offsets(%dma_start3A_1968 : memref<128xi32, #tpu.memory_space<vmem>>) semaphore(%arg10 : memref<!tpu.dma_semaphore, #tpu.memory_space<semaphore_mem>>)
      %dma_start3A_1972 = arith.constant 128 : i32
      %dma_start3A_1973 = arith.constant 0 : i32
      %dma_start3A_1974 = tpu.memref_slice %arg6[%dma_start3A_1972, %dma_start3A_1973] : memref<256x128xf32, #tpu.memory_space<vmem>> -> memref<128x128xf32, #tpu.memory_space<vmem>>
      %dma_start3A_1975 = arith.constant 2432 : i32
      %dma_start3A_1976 = tpu.memref_slice %arg5[%dma_start3A_1975] : memref<3136xi32, #tpu.memory_space<vmem>> -> memref<128xi32, #tpu.memory_space<vmem>>
      %dma_start3A_1977 = arith.constant 0 : i32
      %dma_start3A_1978 = arith.constant 0 : i32
      %dma_start3A_1979 = tpu.memref_slice %arg3[%dma_start3A_1977, %dma_start3A_1978] : memref<5376x128xf32, #tpu.memory_space<hbm>> -> memref<5376x128xf32, #tpu.memory_space<hbm>>
      tpu.enqueue_indirect_dma source(%dma_start3A_1979 : memref<5376x128xf32, #tpu.memory_space<hbm>>) target(%dma_start3A_1974 : memref<128x128xf32, #tpu.memory_space<vmem>>) offsets(%dma_start3A_1976 : memref<128xi32, #tpu.memory_space<vmem>>) semaphore(%arg10 : memref<!tpu.dma_semaphore, #tpu.memory_space<semaphore_mem>>)
      %dma_wait3A_1980 = arith.constant 0 : i32
      %dma_wait3A_1981 = arith.constant 0 : i32
      %dma_wait3A_1982 = tpu.memref_slice %arg7[%dma_wait3A_1980, %dma_wait3A_1981] : memref<256x128xf32, #tpu.memory_space<vmem>> -> memref<128x128xf32, #tpu.memory_space<vmem>>
      %dma_wait3A_1983 = arith.constant 1792 : i32
      %dma_wait3A_1984 = tpu.memref_slice %arg5[%dma_wait3A_1983] : memref<3136xi32, #tpu.memory_space<vmem>> -> memref<128xi32, #tpu.memory_space<vmem>>
      %dma_wait3A_1985 = arith.constant 0 : i32
      %dma_wait3A_1986 = arith.constant 0 : i32
      %dma_wait3A_1987 = tpu.memref_slice %arg3[%dma_wait3A_1985, %dma_wait3A_1986] : memref<5376x128xf32, #tpu.memory_space<hbm>> -> memref<5376x128xf32, #tpu.memory_space<hbm>>
      tpu.wait_indirect_dma semaphore(%arg11 : memref<!tpu.dma_semaphore, #tpu.memory_space<semaphore_mem>>) src(%dma_wait3A_1987 : memref<5376x128xf32, #tpu.memory_space<hbm>>) dst(%dma_wait3A_1982 : memref<128x128xf32, #tpu.memory_space<vmem>>)
      %dma_wait3A_1988 = arith.constant 128 : i32
      %dma_wait3A_1989 = arith.constant 0 : i32
      %dma_wait3A_1990 = tpu.memref_slice %arg7[%dma_wait3A_1988, %dma_wait3A_1989] : memref<256x128xf32, #tpu.memory_space<vmem>> -> memref<128x128xf32, #tpu.memory_space<vmem>>
      %dma_wait3A_1991 = arith.constant 1920 : i32
      %dma_wait3A_1992 = tpu.memref_slice %arg5[%dma_wait3A_1991] : memref<3136xi32, #tpu.memory_space<vmem>> -> memref<128xi32, #tpu.memory_space<vmem>>
      %dma_wait3A_1993 = arith.constant 0 : i32
      %dma_wait3A_1994 = arith.constant 0 : i32
      %dma_wait3A_1995 = tpu.memref_slice %arg3[%dma_wait3A_1993, %dma_wait3A_1994] : memref<5376x128xf32, #tpu.memory_space<hbm>> -> memref<5376x128xf32, #tpu.memory_space<hbm>>
      tpu.wait_indirect_dma semaphore(%arg11 : memref<!tpu.dma_semaphore, #tpu.memory_space<semaphore_mem>>) src(%dma_wait3A_1995 : memref<5376x128xf32, #tpu.memory_space<hbm>>) dst(%dma_wait3A_1990 : memref<128x128xf32, #tpu.memory_space<vmem>>)
      %add3A_1996 = arith.constant 1792 : i32
      %add3A_1997 = arith.addi %multiple_of3A, %add3A_1996 : i32
      %dma_start3A_1998 = arith.constant 0 : i32
      %dma_start3A_1999 = tpu.memref_slice %arg4[%add3A_1997, %dma_start3A_1998] : memref<100000x128xf32, #tpu.memory_space<hbm>> -> memref<256x128xf32, #tpu.memory_space<hbm>>
      %dma_start3A_2000 = arith.constant 0 : i32
      %dma_start3A_2001 = tpu.memref_slice %arg4[%add3A_1997, %dma_start3A_2000] : memref<100000x128xf32, #tpu.memory_space<hbm>> -> memref<256x128xf32, #tpu.memory_space<hbm>>
      tpu.enqueue_dma source(%arg7 : memref<256x128xf32, #tpu.memory_space<vmem>>) target(%dma_start3A_2001 : memref<256x128xf32, #tpu.memory_space<hbm>>) target_semaphore(%arg14 : memref<!tpu.dma_semaphore, #tpu.memory_space<semaphore_mem>>)
      %dma_wait3A_2002 = arith.constant 0 : i32
      %dma_wait3A_2003 = tpu.memref_slice %arg4[%add3A_1997, %dma_wait3A_2002] : memref<100000x128xf32, #tpu.memory_space<hbm>> -> memref<256x128xf32, #tpu.memory_space<hbm>>
      %dma_wait3A_2004 = arith.constant 0 : i32
      %dma_wait3A_2005 = tpu.memref_slice %arg4[%add3A_1997, %dma_wait3A_2004] : memref<100000x128xf32, #tpu.memory_space<hbm>> -> memref<256x128xf32, #tpu.memory_space<hbm>>
      tpu.wait_dma2 semaphore(%arg14 : memref<!tpu.dma_semaphore, #tpu.memory_space<semaphore_mem>>) src(%arg7 : memref<256x128xf32, #tpu.memory_space<vmem>>) dst(%dma_wait3A_2005 : memref<256x128xf32, #tpu.memory_space<hbm>>)
      %dma_start3A_2006 = arith.constant 0 : i32
      %dma_start3A_2007 = arith.constant 0 : i32
      %dma_start3A_2008 = tpu.memref_slice %arg7[%dma_start3A_2006, %dma_start3A_2007] : memref<256x128xf32, #tpu.memory_space<vmem>> -> memref<128x128xf32, #tpu.memory_space<vmem>>
      %dma_start3A_2009 = arith.constant 2560 : i32
      %dma_start3A_2010 = tpu.memref_slice %arg5[%dma_start3A_2009] : memref<3136xi32, #tpu.memory_space<vmem>> -> memref<128xi32, #tpu.memory_space<vmem>>
      %dma_start3A_2011 = arith.constant 0 : i32
      %dma_start3A_2012 = arith.constant 0 : i32
      %dma_start3A_2013 = tpu.memref_slice %arg3[%dma_start3A_2011, %dma_start3A_2012] : memref<5376x128xf32, #tpu.memory_space<hbm>> -> memref<5376x128xf32, #tpu.memory_space<hbm>>
      tpu.enqueue_indirect_dma source(%dma_start3A_2013 : memref<5376x128xf32, #tpu.memory_space<hbm>>) target(%dma_start3A_2008 : memref<128x128xf32, #tpu.memory_space<vmem>>) offsets(%dma_start3A_2010 : memref<128xi32, #tpu.memory_space<vmem>>) semaphore(%arg11 : memref<!tpu.dma_semaphore, #tpu.memory_space<semaphore_mem>>)
      %dma_start3A_2014 = arith.constant 128 : i32
      %dma_start3A_2015 = arith.constant 0 : i32
      %dma_start3A_2016 = tpu.memref_slice %arg7[%dma_start3A_2014, %dma_start3A_2015] : memref<256x128xf32, #tpu.memory_space<vmem>> -> memref<128x128xf32, #tpu.memory_space<vmem>>
      %dma_start3A_2017 = arith.constant 2688 : i32
      %dma_start3A_2018 = tpu.memref_slice %arg5[%dma_start3A_2017] : memref<3136xi32, #tpu.memory_space<vmem>> -> memref<128xi32, #tpu.memory_space<vmem>>
      %dma_start3A_2019 = arith.constant 0 : i32
      %dma_start3A_2020 = arith.constant 0 : i32
      %dma_start3A_2021 = tpu.memref_slice %arg3[%dma_start3A_2019, %dma_start3A_2020] : memref<5376x128xf32, #tpu.memory_space<hbm>> -> memref<5376x128xf32, #tpu.memory_space<hbm>>
      tpu.enqueue_indirect_dma source(%dma_start3A_2021 : memref<5376x128xf32, #tpu.memory_space<hbm>>) target(%dma_start3A_2016 : memref<128x128xf32, #tpu.memory_space<vmem>>) offsets(%dma_start3A_2018 : memref<128xi32, #tpu.memory_space<vmem>>) semaphore(%arg11 : memref<!tpu.dma_semaphore, #tpu.memory_space<semaphore_mem>>)
      %dma_wait3A_2022 = arith.constant 0 : i32
      %dma_wait3A_2023 = arith.constant 0 : i32
      %dma_wait3A_2024 = tpu.memref_slice %arg8[%dma_wait3A_2022, %dma_wait3A_2023] : memref<256x128xf32, #tpu.memory_space<vmem>> -> memref<128x128xf32, #tpu.memory_space<vmem>>
      %dma_wait3A_2025 = arith.constant 2048 : i32
      %dma_wait3A_2026 = tpu.memref_slice %arg5[%dma_wait3A_2025] : memref<3136xi32, #tpu.memory_space<vmem>> -> memref<128xi32, #tpu.memory_space<vmem>>
      %dma_wait3A_2027 = arith.constant 0 : i32
      %dma_wait3A_2028 = arith.constant 0 : i32
      %dma_wait3A_2029 = tpu.memref_slice %arg3[%dma_wait3A_2027, %dma_wait3A_2028] : memref<5376x128xf32, #tpu.memory_space<hbm>> -> memref<5376x128xf32, #tpu.memory_space<hbm>>
      tpu.wait_indirect_dma semaphore(%arg12 : memref<!tpu.dma_semaphore, #tpu.memory_space<semaphore_mem>>) src(%dma_wait3A_2029 : memref<5376x128xf32, #tpu.memory_space<hbm>>) dst(%dma_wait3A_2024 : memref<128x128xf32, #tpu.memory_space<vmem>>)
      %dma_wait3A_2030 = arith.constant 128 : i32
      %dma_wait3A_2031 = arith.constant 0 : i32
      %dma_wait3A_2032 = tpu.memref_slice %arg8[%dma_wait3A_2030, %dma_wait3A_2031] : memref<256x128xf32, #tpu.memory_space<vmem>> -> memref<128x128xf32, #tpu.memory_space<vmem>>
      %dma_wait3A_2033 = arith.constant 2176 : i32
      %dma_wait3A_2034 = tpu.memref_slice %arg5[%dma_wait3A_2033] : memref<3136xi32, #tpu.memory_space<vmem>> -> memref<128xi32, #tpu.memory_space<vmem>>
      %dma_wait3A_2035 = arith.constant 0 : i32
      %dma_wait3A_2036 = arith.constant 0 : i32
      %dma_wait3A_2037 = tpu.memref_slice %arg3[%dma_wait3A_2035, %dma_wait3A_2036] : memref<5376x128xf32, #tpu.memory_space<hbm>> -> memref<5376x128xf32, #tpu.memory_space<hbm>>
      tpu.wait_indirect_dma semaphore(%arg12 : memref<!tpu.dma_semaphore, #tpu.memory_space<semaphore_mem>>) src(%dma_wait3A_2037 : memref<5376x128xf32, #tpu.memory_space<hbm>>) dst(%dma_wait3A_2032 : memref<128x128xf32, #tpu.memory_space<vmem>>)
      %add3A_2038 = arith.constant 2048 : i32
      %add3A_2039 = arith.addi %multiple_of3A, %add3A_2038 : i32
      %dma_start3A_2040 = arith.constant 0 : i32
      %dma_start3A_2041 = tpu.memref_slice %arg4[%add3A_2039, %dma_start3A_2040] : memref<100000x128xf32, #tpu.memory_space<hbm>> -> memref<256x128xf32, #tpu.memory_space<hbm>>
      %dma_start3A_2042 = arith.constant 0 : i32
      %dma_start3A_2043 = tpu.memref_slice %arg4[%add3A_2039, %dma_start3A_2042] : memref<100000x128xf32, #tpu.memory_space<hbm>> -> memref<256x128xf32, #tpu.memory_space<hbm>>
      tpu.enqueue_dma source(%arg8 : memref<256x128xf32, #tpu.memory_space<vmem>>) target(%dma_start3A_2043 : memref<256x128xf32, #tpu.memory_space<hbm>>) target_semaphore(%arg15 : memref<!tpu.dma_semaphore, #tpu.memory_space<semaphore_mem>>)
      %dma_wait3A_2044 = arith.constant 0 : i32
      %dma_wait3A_2045 = tpu.memref_slice %arg4[%add3A_2039, %dma_wait3A_2044] : memref<100000x128xf32, #tpu.memory_space<hbm>> -> memref<256x128xf32, #tpu.memory_space<hbm>>
      %dma_wait3A_2046 = arith.constant 0 : i32
      %dma_wait3A_2047 = tpu.memref_slice %arg4[%add3A_2039, %dma_wait3A_2046] : memref<100000x128xf32, #tpu.memory_space<hbm>> -> memref<256x128xf32, #tpu.memory_space<hbm>>
      tpu.wait_dma2 semaphore(%arg15 : memref<!tpu.dma_semaphore, #tpu.memory_space<semaphore_mem>>) src(%arg8 : memref<256x128xf32, #tpu.memory_space<vmem>>) dst(%dma_wait3A_2047 : memref<256x128xf32, #tpu.memory_space<hbm>>)
      %dma_start3A_2048 = arith.constant 0 : i32
      %dma_start3A_2049 = arith.constant 0 : i32
      %dma_start3A_2050 = tpu.memref_slice %arg8[%dma_start3A_2048, %dma_start3A_2049] : memref<256x128xf32, #tpu.memory_space<vmem>> -> memref<128x128xf32, #tpu.memory_space<vmem>>
      %dma_start3A_2051 = arith.constant 2816 : i32
      %dma_start3A_2052 = tpu.memref_slice %arg5[%dma_start3A_2051] : memref<3136xi32, #tpu.memory_space<vmem>> -> memref<128xi32, #tpu.memory_space<vmem>>
      %dma_start3A_2053 = arith.constant 0 : i32
      %dma_start3A_2054 = arith.constant 0 : i32
      %dma_start3A_2055 = tpu.memref_slice %arg3[%dma_start3A_2053, %dma_start3A_2054] : memref<5376x128xf32, #tpu.memory_space<hbm>> -> memref<5376x128xf32, #tpu.memory_space<hbm>>
      tpu.enqueue_indirect_dma source(%dma_start3A_2055 : memref<5376x128xf32, #tpu.memory_space<hbm>>) target(%dma_start3A_2050 : memref<128x128xf32, #tpu.memory_space<vmem>>) offsets(%dma_start3A_2052 : memref<128xi32, #tpu.memory_space<vmem>>) semaphore(%arg12 : memref<!tpu.dma_semaphore, #tpu.memory_space<semaphore_mem>>)
      %dma_start3A_2056 = arith.constant 128 : i32
      %dma_start3A_2057 = arith.constant 0 : i32
      %dma_start3A_2058 = tpu.memref_slice %arg8[%dma_start3A_2056, %dma_start3A_2057] : memref<256x128xf32, #tpu.memory_space<vmem>> -> memref<128x128xf32, #tpu.memory_space<vmem>>
      %dma_start3A_2059 = arith.constant 2944 : i32
      %dma_start3A_2060 = tpu.memref_slice %arg5[%dma_start3A_2059] : memref<3136xi32, #tpu.memory_space<vmem>> -> memref<128xi32, #tpu.memory_space<vmem>>
      %dma_start3A_2061 = arith.constant 0 : i32
      %dma_start3A_2062 = arith.constant 0 : i32
      %dma_start3A_2063 = tpu.memref_slice %arg3[%dma_start3A_2061, %dma_start3A_2062] : memref<5376x128xf32, #tpu.memory_space<hbm>> -> memref<5376x128xf32, #tpu.memory_space<hbm>>
      tpu.enqueue_indirect_dma source(%dma_start3A_2063 : memref<5376x128xf32, #tpu.memory_space<hbm>>) target(%dma_start3A_2058 : memref<128x128xf32, #tpu.memory_space<vmem>>) offsets(%dma_start3A_2060 : memref<128xi32, #tpu.memory_space<vmem>>) semaphore(%arg12 : memref<!tpu.dma_semaphore, #tpu.memory_space<semaphore_mem>>)
      %dma_wait3A_2064 = arith.constant 0 : i32
      %dma_wait3A_2065 = arith.constant 0 : i32
      %dma_wait3A_2066 = tpu.memref_slice %arg6[%dma_wait3A_2064, %dma_wait3A_2065] : memref<256x128xf32, #tpu.memory_space<vmem>> -> memref<128x128xf32, #tpu.memory_space<vmem>>
      %dma_wait3A_2067 = arith.constant 2304 : i32
      %dma_wait3A_2068 = tpu.memref_slice %arg5[%dma_wait3A_2067] : memref<3136xi32, #tpu.memory_space<vmem>> -> memref<128xi32, #tpu.memory_space<vmem>>
      %dma_wait3A_2069 = arith.constant 0 : i32
      %dma_wait3A_2070 = arith.constant 0 : i32
      %dma_wait3A_2071 = tpu.memref_slice %arg3[%dma_wait3A_2069, %dma_wait3A_2070] : memref<5376x128xf32, #tpu.memory_space<hbm>> -> memref<5376x128xf32, #tpu.memory_space<hbm>>
      tpu.wait_indirect_dma semaphore(%arg10 : memref<!tpu.dma_semaphore, #tpu.memory_space<semaphore_mem>>) src(%dma_wait3A_2071 : memref<5376x128xf32, #tpu.memory_space<hbm>>) dst(%dma_wait3A_2066 : memref<128x128xf32, #tpu.memory_space<vmem>>)
      %dma_wait3A_2072 = arith.constant 128 : i32
      %dma_wait3A_2073 = arith.constant 0 : i32
      %dma_wait3A_2074 = tpu.memref_slice %arg6[%dma_wait3A_2072, %dma_wait3A_2073] : memref<256x128xf32, #tpu.memory_space<vmem>> -> memref<128x128xf32, #tpu.memory_space<vmem>>
      %dma_wait3A_2075 = arith.constant 2432 : i32
      %dma_wait3A_2076 = tpu.memref_slice %arg5[%dma_wait3A_2075] : memref<3136xi32, #tpu.memory_space<vmem>> -> memref<128xi32, #tpu.memory_space<vmem>>
      %dma_wait3A_2077 = arith.constant 0 : i32
      %dma_wait3A_2078 = arith.constant 0 : i32
      %dma_wait3A_2079 = tpu.memref_slice %arg3[%dma_wait3A_2077, %dma_wait3A_2078] : memref<5376x128xf32, #tpu.memory_space<hbm>> -> memref<5376x128xf32, #tpu.memory_space<hbm>>
      tpu.wait_indirect_dma semaphore(%arg10 : memref<!tpu.dma_semaphore, #tpu.memory_space<semaphore_mem>>) src(%dma_wait3A_2079 : memref<5376x128xf32, #tpu.memory_space<hbm>>) dst(%dma_wait3A_2074 : memref<128x128xf32, #tpu.memory_space<vmem>>)
      %add3A_2080 = arith.constant 2304 : i32
      %add3A_2081 = arith.addi %multiple_of3A, %add3A_2080 : i32
      %dma_start3A_2082 = arith.constant 0 : i32
      %dma_start3A_2083 = tpu.memref_slice %arg4[%add3A_2081, %dma_start3A_2082] : memref<100000x128xf32, #tpu.memory_space<hbm>> -> memref<256x128xf32, #tpu.memory_space<hbm>>
      %dma_start3A_2084 = arith.constant 0 : i32
      %dma_start3A_2085 = tpu.memref_slice %arg4[%add3A_2081, %dma_start3A_2084] : memref<100000x128xf32, #tpu.memory_space<hbm>> -> memref<256x128xf32, #tpu.memory_space<hbm>>
      tpu.enqueue_dma source(%arg6 : memref<256x128xf32, #tpu.memory_space<vmem>>) target(%dma_start3A_2085 : memref<256x128xf32, #tpu.memory_space<hbm>>) target_semaphore(%arg13 : memref<!tpu.dma_semaphore, #tpu.memory_space<semaphore_mem>>)
      %dma_wait3A_2086 = arith.constant 0 : i32
      %dma_wait3A_2087 = arith.constant 0 : i32
      %dma_wait3A_2088 = tpu.memref_slice %arg7[%dma_wait3A_2086, %dma_wait3A_2087] : memref<256x128xf32, #tpu.memory_space<vmem>> -> memref<128x128xf32, #tpu.memory_space<vmem>>
      %dma_wait3A_2089 = arith.constant 2560 : i32
      %dma_wait3A_2090 = tpu.memref_slice %arg5[%dma_wait3A_2089] : memref<3136xi32, #tpu.memory_space<vmem>> -> memref<128xi32, #tpu.memory_space<vmem>>
      %dma_wait3A_2091 = arith.constant 0 : i32
      %dma_wait3A_2092 = arith.constant 0 : i32
      %dma_wait3A_2093 = tpu.memref_slice %arg3[%dma_wait3A_2091, %dma_wait3A_2092] : memref<5376x128xf32, #tpu.memory_space<hbm>> -> memref<5376x128xf32, #tpu.memory_space<hbm>>
      tpu.wait_indirect_dma semaphore(%arg11 : memref<!tpu.dma_semaphore, #tpu.memory_space<semaphore_mem>>) src(%dma_wait3A_2093 : memref<5376x128xf32, #tpu.memory_space<hbm>>) dst(%dma_wait3A_2088 : memref<128x128xf32, #tpu.memory_space<vmem>>)
      %dma_wait3A_2094 = arith.constant 128 : i32
      %dma_wait3A_2095 = arith.constant 0 : i32
      %dma_wait3A_2096 = tpu.memref_slice %arg7[%dma_wait3A_2094, %dma_wait3A_2095] : memref<256x128xf32, #tpu.memory_space<vmem>> -> memref<128x128xf32, #tpu.memory_space<vmem>>
      %dma_wait3A_2097 = arith.constant 2688 : i32
      %dma_wait3A_2098 = tpu.memref_slice %arg5[%dma_wait3A_2097] : memref<3136xi32, #tpu.memory_space<vmem>> -> memref<128xi32, #tpu.memory_space<vmem>>
      %dma_wait3A_2099 = arith.constant 0 : i32
      %dma_wait3A_2100 = arith.constant 0 : i32
      %dma_wait3A_2101 = tpu.memref_slice %arg3[%dma_wait3A_2099, %dma_wait3A_2100] : memref<5376x128xf32, #tpu.memory_space<hbm>> -> memref<5376x128xf32, #tpu.memory_space<hbm>>
      tpu.wait_indirect_dma semaphore(%arg11 : memref<!tpu.dma_semaphore, #tpu.memory_space<semaphore_mem>>) src(%dma_wait3A_2101 : memref<5376x128xf32, #tpu.memory_space<hbm>>) dst(%dma_wait3A_2096 : memref<128x128xf32, #tpu.memory_space<vmem>>)
      %add3A_2102 = arith.constant 2560 : i32
      %add3A_2103 = arith.addi %multiple_of3A, %add3A_2102 : i32
      %dma_start3A_2104 = arith.constant 0 : i32
      %dma_start3A_2105 = tpu.memref_slice %arg4[%add3A_2103, %dma_start3A_2104] : memref<100000x128xf32, #tpu.memory_space<hbm>> -> memref<256x128xf32, #tpu.memory_space<hbm>>
      %dma_start3A_2106 = arith.constant 0 : i32
      %dma_start3A_2107 = tpu.memref_slice %arg4[%add3A_2103, %dma_start3A_2106] : memref<100000x128xf32, #tpu.memory_space<hbm>> -> memref<256x128xf32, #tpu.memory_space<hbm>>
      tpu.enqueue_dma source(%arg7 : memref<256x128xf32, #tpu.memory_space<vmem>>) target(%dma_start3A_2107 : memref<256x128xf32, #tpu.memory_space<hbm>>) target_semaphore(%arg14 : memref<!tpu.dma_semaphore, #tpu.memory_space<semaphore_mem>>)
      %dma_wait3A_2108 = arith.constant 0 : i32
      %dma_wait3A_2109 = arith.constant 0 : i32
      %dma_wait3A_2110 = tpu.memref_slice %arg8[%dma_wait3A_2108, %dma_wait3A_2109] : memref<256x128xf32, #tpu.memory_space<vmem>> -> memref<128x128xf32, #tpu.memory_space<vmem>>
      %dma_wait3A_2111 = arith.constant 2816 : i32
      %dma_wait3A_2112 = tpu.memref_slice %arg5[%dma_wait3A_2111] : memref<3136xi32, #tpu.memory_space<vmem>> -> memref<128xi32, #tpu.memory_space<vmem>>
      %dma_wait3A_2113 = arith.constant 0 : i32
      %dma_wait3A_2114 = arith.constant 0 : i32
      %dma_wait3A_2115 = tpu.memref_slice %arg3[%dma_wait3A_2113, %dma_wait3A_2114] : memref<5376x128xf32, #tpu.memory_space<hbm>> -> memref<5376x128xf32, #tpu.memory_space<hbm>>
      tpu.wait_indirect_dma semaphore(%arg12 : memref<!tpu.dma_semaphore, #tpu.memory_space<semaphore_mem>>) src(%dma_wait3A_2115 : memref<5376x128xf32, #tpu.memory_space<hbm>>) dst(%dma_wait3A_2110 : memref<128x128xf32, #tpu.memory_space<vmem>>)
      %dma_wait3A_2116 = arith.constant 128 : i32
      %dma_wait3A_2117 = arith.constant 0 : i32
      %dma_wait3A_2118 = tpu.memref_slice %arg8[%dma_wait3A_2116, %dma_wait3A_2117] : memref<256x128xf32, #tpu.memory_space<vmem>> -> memref<128x128xf32, #tpu.memory_space<vmem>>
      %dma_wait3A_2119 = arith.constant 2944 : i32
      %dma_wait3A_2120 = tpu.memref_slice %arg5[%dma_wait3A_2119] : memref<3136xi32, #tpu.memory_space<vmem>> -> memref<128xi32, #tpu.memory_space<vmem>>
      %dma_wait3A_2121 = arith.constant 0 : i32
      %dma_wait3A_2122 = arith.constant 0 : i32
      %dma_wait3A_2123 = tpu.memref_slice %arg3[%dma_wait3A_2121, %dma_wait3A_2122] : memref<5376x128xf32, #tpu.memory_space<hbm>> -> memref<5376x128xf32, #tpu.memory_space<hbm>>
      tpu.wait_indirect_dma semaphore(%arg12 : memref<!tpu.dma_semaphore, #tpu.memory_space<semaphore_mem>>) src(%dma_wait3A_2123 : memref<5376x128xf32, #tpu.memory_space<hbm>>) dst(%dma_wait3A_2118 : memref<128x128xf32, #tpu.memory_space<vmem>>)
      %add3A_2124 = arith.constant 2816 : i32
      %add3A_2125 = arith.addi %multiple_of3A, %add3A_2124 : i32
      %dma_start3A_2126 = arith.constant 0 : i32
      %dma_start3A_2127 = tpu.memref_slice %arg4[%add3A_2125, %dma_start3A_2126] : memref<100000x128xf32, #tpu.memory_space<hbm>> -> memref<256x128xf32, #tpu.memory_space<hbm>>
      %dma_start3A_2128 = arith.constant 0 : i32
      %dma_start3A_2129 = tpu.memref_slice %arg4[%add3A_2125, %dma_start3A_2128] : memref<100000x128xf32, #tpu.memory_space<hbm>> -> memref<256x128xf32, #tpu.memory_space<hbm>>
      tpu.enqueue_dma source(%arg8 : memref<256x128xf32, #tpu.memory_space<vmem>>) target(%dma_start3A_2129 : memref<256x128xf32, #tpu.memory_space<hbm>>) target_semaphore(%arg15 : memref<!tpu.dma_semaphore, #tpu.memory_space<semaphore_mem>>)
      %dma_wait3A_2130 = arith.constant 0 : i32
      %dma_wait3A_2131 = tpu.memref_slice %arg4[%add3A_2081, %dma_wait3A_2130] : memref<100000x128xf32, #tpu.memory_space<hbm>> -> memref<256x128xf32, #tpu.memory_space<hbm>>
      %dma_wait3A_2132 = arith.constant 0 : i32
      %dma_wait3A_2133 = tpu.memref_slice %arg4[%add3A_2081, %dma_wait3A_2132] : memref<100000x128xf32, #tpu.memory_space<hbm>> -> memref<256x128xf32, #tpu.memory_space<hbm>>
      tpu.wait_dma2 semaphore(%arg13 : memref<!tpu.dma_semaphore, #tpu.memory_space<semaphore_mem>>) src(%arg6 : memref<256x128xf32, #tpu.memory_space<vmem>>) dst(%dma_wait3A_2133 : memref<256x128xf32, #tpu.memory_space<hbm>>)
      %dma_wait3A_2134 = arith.constant 0 : i32
      %dma_wait3A_2135 = tpu.memref_slice %arg4[%add3A_2103, %dma_wait3A_2134] : memref<100000x128xf32, #tpu.memory_space<hbm>> -> memref<256x128xf32, #tpu.memory_space<hbm>>
      %dma_wait3A_2136 = arith.constant 0 : i32
      %dma_wait3A_2137 = tpu.memref_slice %arg4[%add3A_2103, %dma_wait3A_2136] : memref<100000x128xf32, #tpu.memory_space<hbm>> -> memref<256x128xf32, #tpu.memory_space<hbm>>
      tpu.wait_dma2 semaphore(%arg14 : memref<!tpu.dma_semaphore, #tpu.memory_space<semaphore_mem>>) src(%arg7 : memref<256x128xf32, #tpu.memory_space<vmem>>) dst(%dma_wait3A_2137 : memref<256x128xf32, #tpu.memory_space<hbm>>)
      %dma_wait3A_2138 = arith.constant 0 : i32
      %dma_wait3A_2139 = tpu.memref_slice %arg4[%add3A_2125, %dma_wait3A_2138] : memref<100000x128xf32, #tpu.memory_space<hbm>> -> memref<256x128xf32, #tpu.memory_space<hbm>>
      %dma_wait3A_2140 = arith.constant 0 : i32
      %dma_wait3A_2141 = tpu.memref_slice %arg4[%add3A_2125, %dma_wait3A_2140] : memref<100000x128xf32, #tpu.memory_space<hbm>> -> memref<256x128xf32, #tpu.memory_space<hbm>>
      tpu.wait_dma2 semaphore(%arg15 : memref<!tpu.dma_semaphore, #tpu.memory_space<semaphore_mem>>) src(%arg8 : memref<256x128xf32, #tpu.memory_space<vmem>>) dst(%dma_wait3A_2141 : memref<256x128xf32, #tpu.memory_space<hbm>>)
      %dma_wait3A_2142 = arith.constant 0 : i32
      %dma_wait3A_2143 = arith.constant 0 : i32
      %dma_wait3A_2144 = tpu.memref_slice %arg9[%dma_wait3A_2142, %dma_wait3A_2143] : memref<128x128xf32, #tpu.memory_space<vmem>> -> memref<56x128xf32, #tpu.memory_space<vmem>>
      %dma_wait3A_2145 = arith.constant 0 : i32
      %dma_wait3A_2146 = tpu.memref_slice %arg4[%add3A_1697, %dma_wait3A_2145] : memref<100000x128xf32, #tpu.memory_space<hbm>> -> memref<56x128xf32, #tpu.memory_space<hbm>>
      %dma_wait3A_2147 = arith.constant 0 : i32
      %dma_wait3A_2148 = tpu.memref_slice %arg4[%add3A_1697, %dma_wait3A_2147] : memref<100000x128xf32, #tpu.memory_space<hbm>> -> memref<56x128xf32, #tpu.memory_space<hbm>>
      %dma_wait3A_2149 = arith.constant 0 : i32
      %dma_wait3A_2150 = arith.constant 0 : i32
      %dma_wait3A_2151 = tpu.memref_slice %arg9[%dma_wait3A_2149, %dma_wait3A_2150] : memref<128x128xf32, #tpu.memory_space<vmem>> -> memref<56x128xf32, #tpu.memory_space<vmem>>
      tpu.wait_dma2 semaphore(%arg17 : memref<!tpu.dma_semaphore, #tpu.memory_space<semaphore_mem>>) src(%dma_wait3A_2151 : memref<56x128xf32, #tpu.memory_space<vmem>>) dst(%dma_wait3A_2148 : memref<56x128xf32, #tpu.memory_space<hbm>>)
    } else {
    }
    %not3A_1607 = arith.constant true
    %not3A_1608 = arith.xori %lt3A_1, %not3A_1607 : i1
    %convert_element_type3A_1609 = arith.extui %not3A_1608 : i1 to i32
    %cond3A_1610 = arith.constant 0 : i32
    %cond3A_1611 = arith.cmpi ne, %convert_element_type3A_1609, %cond3A_1610 : i32
    scf.if %cond3A_1611 {
      %dma_start3A = arith.constant 0 : i32
      %dma_start3A_1612 = arith.constant 0 : i32
      %dma_start3A_1613 = tpu.memref_slice %arg9[%dma_start3A, %dma_start3A_1612] : memref<128x128xf32, #tpu.memory_space<vmem>> -> memref<48x128xf32, #tpu.memory_space<vmem>>
      %dma_start3A_1614 = arith.constant 3072 : i32
      %dma_start3A_1615 = tpu.memref_slice %arg5[%dma_start3A_1614] : memref<3136xi32, #tpu.memory_space<vmem>> -> memref<48xi32, #tpu.memory_space<vmem>>
      %dma_start3A_1616 = arith.constant 0 : i32
      %dma_start3A_1617 = arith.constant 0 : i32
      %dma_start3A_1618 = tpu.memref_slice %arg3[%dma_start3A_1616, %dma_start3A_1617] : memref<5376x128xf32, #tpu.memory_space<hbm>> -> memref<5376x128xf32, #tpu.memory_space<hbm>>
      tpu.enqueue_indirect_dma source(%dma_start3A_1618 : memref<5376x128xf32, #tpu.memory_space<hbm>>) target(%dma_start3A_1613 : memref<48x128xf32, #tpu.memory_space<vmem>>) offsets(%dma_start3A_1615 : memref<48xi32, #tpu.memory_space<vmem>>) semaphore(%arg16 : memref<!tpu.dma_semaphore, #tpu.memory_space<semaphore_mem>>)
      %dma_start3A_1619 = arith.constant 0 : i32
      %dma_start3A_1620 = arith.constant 0 : i32
      %dma_start3A_1621 = tpu.memref_slice %arg6[%dma_start3A_1619, %dma_start3A_1620] : memref<256x128xf32, #tpu.memory_space<vmem>> -> memref<128x128xf32, #tpu.memory_space<vmem>>
      %dma_start3A_1622 = arith.constant 0 : i32
      %dma_start3A_1623 = tpu.memref_slice %arg5[%dma_start3A_1622] : memref<3136xi32, #tpu.memory_space<vmem>> -> memref<128xi32, #tpu.memory_space<vmem>>
      %dma_start3A_1624 = arith.constant 0 : i32
      %dma_start3A_1625 = arith.constant 0 : i32
      %dma_start3A_1626 = tpu.memref_slice %arg3[%dma_start3A_1624, %dma_start3A_1625] : memref<5376x128xf32, #tpu.memory_space<hbm>> -> memref<5376x128xf32, #tpu.memory_space<hbm>>
      tpu.enqueue_indirect_dma source(%dma_start3A_1626 : memref<5376x128xf32, #tpu.memory_space<hbm>>) target(%dma_start3A_1621 : memref<128x128xf32, #tpu.memory_space<vmem>>) offsets(%dma_start3A_1623 : memref<128xi32, #tpu.memory_space<vmem>>) semaphore(%arg10 : memref<!tpu.dma_semaphore, #tpu.memory_space<semaphore_mem>>)
      %dma_start3A_1627 = arith.constant 128 : i32
      %dma_start3A_1628 = arith.constant 0 : i32
      %dma_start3A_1629 = tpu.memref_slice %arg6[%dma_start3A_1627, %dma_start3A_1628] : memref<256x128xf32, #tpu.memory_space<vmem>> -> memref<128x128xf32, #tpu.memory_space<vmem>>
      %dma_start3A_1630 = arith.constant 128 : i32
      %dma_start3A_1631 = tpu.memref_slice %arg5[%dma_start3A_1630] : memref<3136xi32, #tpu.memory_space<vmem>> -> memref<128xi32, #tpu.memory_space<vmem>>
      %dma_start3A_1632 = arith.constant 0 : i32
      %dma_start3A_1633 = arith.constant 0 : i32
      %dma_start3A_1634 = tpu.memref_slice %arg3[%dma_start3A_1632, %dma_start3A_1633] : memref<5376x128xf32, #tpu.memory_space<hbm>> -> memref<5376x128xf32, #tpu.memory_space<hbm>>
      tpu.enqueue_indirect_dma source(%dma_start3A_1634 : memref<5376x128xf32, #tpu.memory_space<hbm>>) target(%dma_start3A_1629 : memref<128x128xf32, #tpu.memory_space<vmem>>) offsets(%dma_start3A_1631 : memref<128xi32, #tpu.memory_space<vmem>>) semaphore(%arg10 : memref<!tpu.dma_semaphore, #tpu.memory_space<semaphore_mem>>)
      %dma_start3A_1635 = arith.constant 0 : i32
      %dma_start3A_1636 = arith.constant 0 : i32
      %dma_start3A_1637 = tpu.memref_slice %arg7[%dma_start3A_1635, %dma_start3A_1636] : memref<256x128xf32, #tpu.memory_space<vmem>> -> memref<128x128xf32, #tpu.memory_space<vmem>>
      %dma_start3A_1638 = arith.constant 256 : i32
      %dma_start3A_1639 = tpu.memref_slice %arg5[%dma_start3A_1638] : memref<3136xi32, #tpu.memory_space<vmem>> -> memref<128xi32, #tpu.memory_space<vmem>>
      %dma_start3A_1640 = arith.constant 0 : i32
      %dma_start3A_1641 = arith.constant 0 : i32
      %dma_start3A_1642 = tpu.memref_slice %arg3[%dma_start3A_1640, %dma_start3A_1641] : memref<5376x128xf32, #tpu.memory_space<hbm>> -> memref<5376x128xf32, #tpu.memory_space<hbm>>
      tpu.enqueue_indirect_dma source(%dma_start3A_1642 : memref<5376x128xf32, #tpu.memory_space<hbm>>) target(%dma_start3A_1637 : memref<128x128xf32, #tpu.memory_space<vmem>>) offsets(%dma_start3A_1639 : memref<128xi32, #tpu.memory_space<vmem>>) semaphore(%arg11 : memref<!tpu.dma_semaphore, #tpu.memory_space<semaphore_mem>>)
      %dma_start3A_1643 = arith.constant 128 : i32
      %dma_start3A_1644 = arith.constant 0 : i32
      %dma_start3A_1645 = tpu.memref_slice %arg7[%dma_start3A_1643, %dma_start3A_1644] : memref<256x128xf32, #tpu.memory_space<vmem>> -> memref<128x128xf32, #tpu.memory_space<vmem>>
      %dma_start3A_1646 = arith.constant 384 : i32
      %dma_start3A_1647 = tpu.memref_slice %arg5[%dma_start3A_1646] : memref<3136xi32, #tpu.memory_space<vmem>> -> memref<128xi32, #tpu.memory_space<vmem>>
      %dma_start3A_1648 = arith.constant 0 : i32
      %dma_start3A_1649 = arith.constant 0 : i32
      %dma_start3A_1650 = tpu.memref_slice %arg3[%dma_start3A_1648, %dma_start3A_1649] : memref<5376x128xf32, #tpu.memory_space<hbm>> -> memref<5376x128xf32, #tpu.memory_space<hbm>>
      tpu.enqueue_indirect_dma source(%dma_start3A_1650 : memref<5376x128xf32, #tpu.memory_space<hbm>>) target(%dma_start3A_1645 : memref<128x128xf32, #tpu.memory_space<vmem>>) offsets(%dma_start3A_1647 : memref<128xi32, #tpu.memory_space<vmem>>) semaphore(%arg11 : memref<!tpu.dma_semaphore, #tpu.memory_space<semaphore_mem>>)
      %dma_start3A_1651 = arith.constant 0 : i32
      %dma_start3A_1652 = arith.constant 0 : i32
      %dma_start3A_1653 = tpu.memref_slice %arg8[%dma_start3A_1651, %dma_start3A_1652] : memref<256x128xf32, #tpu.memory_space<vmem>> -> memref<128x128xf32, #tpu.memory_space<vmem>>
      %dma_start3A_1654 = arith.constant 512 : i32
      %dma_start3A_1655 = tpu.memref_slice %arg5[%dma_start3A_1654] : memref<3136xi32, #tpu.memory_space<vmem>> -> memref<128xi32, #tpu.memory_space<vmem>>
      %dma_start3A_1656 = arith.constant 0 : i32
      %dma_start3A_1657 = arith.constant 0 : i32
      %dma_start3A_1658 = tpu.memref_slice %arg3[%dma_start3A_1656, %dma_start3A_1657] : memref<5376x128xf32, #tpu.memory_space<hbm>> -> memref<5376x128xf32, #tpu.memory_space<hbm>>
      tpu.enqueue_indirect_dma source(%dma_start3A_1658 : memref<5376x128xf32, #tpu.memory_space<hbm>>) target(%dma_start3A_1653 : memref<128x128xf32, #tpu.memory_space<vmem>>) offsets(%dma_start3A_1655 : memref<128xi32, #tpu.memory_space<vmem>>) semaphore(%arg12 : memref<!tpu.dma_semaphore, #tpu.memory_space<semaphore_mem>>)
      %dma_start3A_1659 = arith.constant 128 : i32
      %dma_start3A_1660 = arith.constant 0 : i32
      %dma_start3A_1661 = tpu.memref_slice %arg8[%dma_start3A_1659, %dma_start3A_1660] : memref<256x128xf32, #tpu.memory_space<vmem>> -> memref<128x128xf32, #tpu.memory_space<vmem>>
      %dma_start3A_1662 = arith.constant 640 : i32
      %dma_start3A_1663 = tpu.memref_slice %arg5[%dma_start3A_1662] : memref<3136xi32, #tpu.memory_space<vmem>> -> memref<128xi32, #tpu.memory_space<vmem>>
      %dma_start3A_1664 = arith.constant 0 : i32
      %dma_start3A_1665 = arith.constant 0 : i32
      %dma_start3A_1666 = tpu.memref_slice %arg3[%dma_start3A_1664, %dma_start3A_1665] : memref<5376x128xf32, #tpu.memory_space<hbm>> -> memref<5376x128xf32, #tpu.memory_space<hbm>>
      tpu.enqueue_indirect_dma source(%dma_start3A_1666 : memref<5376x128xf32, #tpu.memory_space<hbm>>) target(%dma_start3A_1661 : memref<128x128xf32, #tpu.memory_space<vmem>>) offsets(%dma_start3A_1663 : memref<128xi32, #tpu.memory_space<vmem>>) semaphore(%arg12 : memref<!tpu.dma_semaphore, #tpu.memory_space<semaphore_mem>>)
      %dma_wait3A = arith.constant 0 : i32
      %dma_wait3A_1667 = arith.constant 0 : i32
      %dma_wait3A_1668 = tpu.memref_slice %arg6[%dma_wait3A, %dma_wait3A_1667] : memref<256x128xf32, #tpu.memory_space<vmem>> -> memref<128x128xf32, #tpu.memory_space<vmem>>
      %dma_wait3A_1669 = arith.constant 0 : i32
      %dma_wait3A_1670 = tpu.memref_slice %arg5[%dma_wait3A_1669] : memref<3136xi32, #tpu.memory_space<vmem>> -> memref<128xi32, #tpu.memory_space<vmem>>
      %dma_wait3A_1671 = arith.constant 0 : i32
      %dma_wait3A_1672 = arith.constant 0 : i32
      %dma_wait3A_1673 = tpu.memref_slice %arg3[%dma_wait3A_1671, %dma_wait3A_1672] : memref<5376x128xf32, #tpu.memory_space<hbm>> -> memref<5376x128xf32, #tpu.memory_space<hbm>>
      tpu.wait_indirect_dma semaphore(%arg10 : memref<!tpu.dma_semaphore, #tpu.memory_space<semaphore_mem>>) src(%dma_wait3A_1673 : memref<5376x128xf32, #tpu.memory_space<hbm>>) dst(%dma_wait3A_1668 : memref<128x128xf32, #tpu.memory_space<vmem>>)
      %dma_wait3A_1674 = arith.constant 128 : i32
      %dma_wait3A_1675 = arith.constant 0 : i32
      %dma_wait3A_1676 = tpu.memref_slice %arg6[%dma_wait3A_1674, %dma_wait3A_1675] : memref<256x128xf32, #tpu.memory_space<vmem>> -> memref<128x128xf32, #tpu.memory_space<vmem>>
      %dma_wait3A_1677 = arith.constant 128 : i32
      %dma_wait3A_1678 = tpu.memref_slice %arg5[%dma_wait3A_1677] : memref<3136xi32, #tpu.memory_space<vmem>> -> memref<128xi32, #tpu.memory_space<vmem>>
      %dma_wait3A_1679 = arith.constant 0 : i32
      %dma_wait3A_1680 = arith.constant 0 : i32
      %dma_wait3A_1681 = tpu.memref_slice %arg3[%dma_wait3A_1679, %dma_wait3A_1680] : memref<5376x128xf32, #tpu.memory_space<hbm>> -> memref<5376x128xf32, #tpu.memory_space<hbm>>
      tpu.wait_indirect_dma semaphore(%arg10 : memref<!tpu.dma_semaphore, #tpu.memory_space<semaphore_mem>>) src(%dma_wait3A_1681 : memref<5376x128xf32, #tpu.memory_space<hbm>>) dst(%dma_wait3A_1676 : memref<128x128xf32, #tpu.memory_space<vmem>>)
      %add3A_1682 = arith.constant 0 : i32
      %add3A_1683 = arith.addi %multiple_of3A, %add3A_1682 : i32
      %dma_start3A_1684 = arith.constant 0 : i32
      %dma_start3A_1685 = tpu.memref_slice %arg4[%add3A_1683, %dma_start3A_1684] : memref<100000x128xf32, #tpu.memory_space<hbm>> -> memref<256x128xf32, #tpu.memory_space<hbm>>
      %dma_start3A_1686 = arith.constant 0 : i32
      %dma_start3A_1687 = tpu.memref_slice %arg4[%add3A_1683, %dma_start3A_1686] : memref<100000x128xf32, #tpu.memory_space<hbm>> -> memref<256x128xf32, #tpu.memory_space<hbm>>
      tpu.enqueue_dma source(%arg6 : memref<256x128xf32, #tpu.memory_space<vmem>>) target(%dma_start3A_1687 : memref<256x128xf32, #tpu.memory_space<hbm>>) target_semaphore(%arg13 : memref<!tpu.dma_semaphore, #tpu.memory_space<semaphore_mem>>)
      %dma_wait3A_1688 = arith.constant 0 : i32
      %dma_wait3A_1689 = arith.constant 0 : i32
      %dma_wait3A_1690 = tpu.memref_slice %arg9[%dma_wait3A_1688, %dma_wait3A_1689] : memref<128x128xf32, #tpu.memory_space<vmem>> -> memref<48x128xf32, #tpu.memory_space<vmem>>
      %dma_wait3A_1691 = arith.constant 3072 : i32
      %dma_wait3A_1692 = tpu.memref_slice %arg5[%dma_wait3A_1691] : memref<3136xi32, #tpu.memory_space<vmem>> -> memref<48xi32, #tpu.memory_space<vmem>>
      %dma_wait3A_1693 = arith.constant 0 : i32
      %dma_wait3A_1694 = arith.constant 0 : i32
      %dma_wait3A_1695 = tpu.memref_slice %arg3[%dma_wait3A_1693, %dma_wait3A_1694] : memref<5376x128xf32, #tpu.memory_space<hbm>> -> memref<5376x128xf32, #tpu.memory_space<hbm>>
      tpu.wait_indirect_dma semaphore(%arg16 : memref<!tpu.dma_semaphore, #tpu.memory_space<semaphore_mem>>) src(%dma_wait3A_1695 : memref<5376x128xf32, #tpu.memory_space<hbm>>) dst(%dma_wait3A_1690 : memref<48x128xf32, #tpu.memory_space<vmem>>)
      %add3A_1696 = arith.constant 3072 : i32
      %add3A_1697 = arith.addi %multiple_of3A, %add3A_1696 : i32
      %dma_start3A_1698 = arith.constant 0 : i32
      %dma_start3A_1699 = arith.constant 0 : i32
      %dma_start3A_1700 = tpu.memref_slice %arg9[%dma_start3A_1698, %dma_start3A_1699] : memref<128x128xf32, #tpu.memory_space<vmem>> -> memref<48x128xf32, #tpu.memory_space<vmem>>
      %dma_start3A_1701 = arith.constant 0 : i32
      %dma_start3A_1702 = tpu.memref_slice %arg4[%add3A_1697, %dma_start3A_1701] : memref<100000x128xf32, #tpu.memory_space<hbm>> -> memref<48x128xf32, #tpu.memory_space<hbm>>
      %dma_start3A_1703 = arith.constant 0 : i32
      %dma_start3A_1704 = tpu.memref_slice %arg4[%add3A_1697, %dma_start3A_1703] : memref<100000x128xf32, #tpu.memory_space<hbm>> -> memref<48x128xf32, #tpu.memory_space<hbm>>
      %dma_start3A_1705 = arith.constant 0 : i32
      %dma_start3A_1706 = arith.constant 0 : i32
      %dma_start3A_1707 = tpu.memref_slice %arg9[%dma_start3A_1705, %dma_start3A_1706] : memref<128x128xf32, #tpu.memory_space<vmem>> -> memref<48x128xf32, #tpu.memory_space<vmem>>
      tpu.enqueue_dma source(%dma_start3A_1707 : memref<48x128xf32, #tpu.memory_space<vmem>>) target(%dma_start3A_1704 : memref<48x128xf32, #tpu.memory_space<hbm>>) target_semaphore(%arg17 : memref<!tpu.dma_semaphore, #tpu.memory_space<semaphore_mem>>)
      %dma_wait3A_1708 = arith.constant 0 : i32
      %dma_wait3A_1709 = tpu.memref_slice %arg4[%add3A_1683, %dma_wait3A_1708] : memref<100000x128xf32, #tpu.memory_space<hbm>> -> memref<256x128xf32, #tpu.memory_space<hbm>>
      %dma_wait3A_1710 = arith.constant 0 : i32
      %dma_wait3A_1711 = tpu.memref_slice %arg4[%add3A_1683, %dma_wait3A_1710] : memref<100000x128xf32, #tpu.memory_space<hbm>> -> memref<256x128xf32, #tpu.memory_space<hbm>>
      tpu.wait_dma2 semaphore(%arg13 : memref<!tpu.dma_semaphore, #tpu.memory_space<semaphore_mem>>) src(%arg6 : memref<256x128xf32, #tpu.memory_space<vmem>>) dst(%dma_wait3A_1711 : memref<256x128xf32, #tpu.memory_space<hbm>>)
      %dma_start3A_1712 = arith.constant 0 : i32
      %dma_start3A_1713 = arith.constant 0 : i32
      %dma_start3A_1714 = tpu.memref_slice %arg6[%dma_start3A_1712, %dma_start3A_1713] : memref<256x128xf32, #tpu.memory_space<vmem>> -> memref<128x128xf32, #tpu.memory_space<vmem>>
      %dma_start3A_1715 = arith.constant 768 : i32
      %dma_start3A_1716 = tpu.memref_slice %arg5[%dma_start3A_1715] : memref<3136xi32, #tpu.memory_space<vmem>> -> memref<128xi32, #tpu.memory_space<vmem>>
      %dma_start3A_1717 = arith.constant 0 : i32
      %dma_start3A_1718 = arith.constant 0 : i32
      %dma_start3A_1719 = tpu.memref_slice %arg3[%dma_start3A_1717, %dma_start3A_1718] : memref<5376x128xf32, #tpu.memory_space<hbm>> -> memref<5376x128xf32, #tpu.memory_space<hbm>>
      tpu.enqueue_indirect_dma source(%dma_start3A_1719 : memref<5376x128xf32, #tpu.memory_space<hbm>>) target(%dma_start3A_1714 : memref<128x128xf32, #tpu.memory_space<vmem>>) offsets(%dma_start3A_1716 : memref<128xi32, #tpu.memory_space<vmem>>) semaphore(%arg10 : memref<!tpu.dma_semaphore, #tpu.memory_space<semaphore_mem>>)
      %dma_start3A_1720 = arith.constant 128 : i32
      %dma_start3A_1721 = arith.constant 0 : i32
      %dma_start3A_1722 = tpu.memref_slice %arg6[%dma_start3A_1720, %dma_start3A_1721] : memref<256x128xf32, #tpu.memory_space<vmem>> -> memref<128x128xf32, #tpu.memory_space<vmem>>
      %dma_start3A_1723 = arith.constant 896 : i32
      %dma_start3A_1724 = tpu.memref_slice %arg5[%dma_start3A_1723] : memref<3136xi32, #tpu.memory_space<vmem>> -> memref<128xi32, #tpu.memory_space<vmem>>
      %dma_start3A_1725 = arith.constant 0 : i32
      %dma_start3A_1726 = arith.constant 0 : i32
      %dma_start3A_1727 = tpu.memref_slice %arg3[%dma_start3A_1725, %dma_start3A_1726] : memref<5376x128xf32, #tpu.memory_space<hbm>> -> memref<5376x128xf32, #tpu.memory_space<hbm>>
      tpu.enqueue_indirect_dma source(%dma_start3A_1727 : memref<5376x128xf32, #tpu.memory_space<hbm>>) target(%dma_start3A_1722 : memref<128x128xf32, #tpu.memory_space<vmem>>) offsets(%dma_start3A_1724 : memref<128xi32, #tpu.memory_space<vmem>>) semaphore(%arg10 : memref<!tpu.dma_semaphore, #tpu.memory_space<semaphore_mem>>)
      %dma_wait3A_1728 = arith.constant 0 : i32
      %dma_wait3A_1729 = arith.constant 0 : i32
      %dma_wait3A_1730 = tpu.memref_slice %arg7[%dma_wait3A_1728, %dma_wait3A_1729] : memref<256x128xf32, #tpu.memory_space<vmem>> -> memref<128x128xf32, #tpu.memory_space<vmem>>
      %dma_wait3A_1731 = arith.constant 256 : i32
      %dma_wait3A_1732 = tpu.memref_slice %arg5[%dma_wait3A_1731] : memref<3136xi32, #tpu.memory_space<vmem>> -> memref<128xi32, #tpu.memory_space<vmem>>
      %dma_wait3A_1733 = arith.constant 0 : i32
      %dma_wait3A_1734 = arith.constant 0 : i32
      %dma_wait3A_1735 = tpu.memref_slice %arg3[%dma_wait3A_1733, %dma_wait3A_1734] : memref<5376x128xf32, #tpu.memory_space<hbm>> -> memref<5376x128xf32, #tpu.memory_space<hbm>>
      tpu.wait_indirect_dma semaphore(%arg11 : memref<!tpu.dma_semaphore, #tpu.memory_space<semaphore_mem>>) src(%dma_wait3A_1735 : memref<5376x128xf32, #tpu.memory_space<hbm>>) dst(%dma_wait3A_1730 : memref<128x128xf32, #tpu.memory_space<vmem>>)
      %dma_wait3A_1736 = arith.constant 128 : i32
      %dma_wait3A_1737 = arith.constant 0 : i32
      %dma_wait3A_1738 = tpu.memref_slice %arg7[%dma_wait3A_1736, %dma_wait3A_1737] : memref<256x128xf32, #tpu.memory_space<vmem>> -> memref<128x128xf32, #tpu.memory_space<vmem>>
      %dma_wait3A_1739 = arith.constant 384 : i32
      %dma_wait3A_1740 = tpu.memref_slice %arg5[%dma_wait3A_1739] : memref<3136xi32, #tpu.memory_space<vmem>> -> memref<128xi32, #tpu.memory_space<vmem>>
      %dma_wait3A_1741 = arith.constant 0 : i32
      %dma_wait3A_1742 = arith.constant 0 : i32
      %dma_wait3A_1743 = tpu.memref_slice %arg3[%dma_wait3A_1741, %dma_wait3A_1742] : memref<5376x128xf32, #tpu.memory_space<hbm>> -> memref<5376x128xf32, #tpu.memory_space<hbm>>
      tpu.wait_indirect_dma semaphore(%arg11 : memref<!tpu.dma_semaphore, #tpu.memory_space<semaphore_mem>>) src(%dma_wait3A_1743 : memref<5376x128xf32, #tpu.memory_space<hbm>>) dst(%dma_wait3A_1738 : memref<128x128xf32, #tpu.memory_space<vmem>>)
      %add3A_1744 = arith.constant 256 : i32
      %add3A_1745 = arith.addi %multiple_of3A, %add3A_1744 : i32
      %dma_start3A_1746 = arith.constant 0 : i32
      %dma_start3A_1747 = tpu.memref_slice %arg4[%add3A_1745, %dma_start3A_1746] : memref<100000x128xf32, #tpu.memory_space<hbm>> -> memref<256x128xf32, #tpu.memory_space<hbm>>
      %dma_start3A_1748 = arith.constant 0 : i32
      %dma_start3A_1749 = tpu.memref_slice %arg4[%add3A_1745, %dma_start3A_1748] : memref<100000x128xf32, #tpu.memory_space<hbm>> -> memref<256x128xf32, #tpu.memory_space<hbm>>
      tpu.enqueue_dma source(%arg7 : memref<256x128xf32, #tpu.memory_space<vmem>>) target(%dma_start3A_1749 : memref<256x128xf32, #tpu.memory_space<hbm>>) target_semaphore(%arg14 : memref<!tpu.dma_semaphore, #tpu.memory_space<semaphore_mem>>)
      %dma_wait3A_1750 = arith.constant 0 : i32
      %dma_wait3A_1751 = tpu.memref_slice %arg4[%add3A_1745, %dma_wait3A_1750] : memref<100000x128xf32, #tpu.memory_space<hbm>> -> memref<256x128xf32, #tpu.memory_space<hbm>>
      %dma_wait3A_1752 = arith.constant 0 : i32
      %dma_wait3A_1753 = tpu.memref_slice %arg4[%add3A_1745, %dma_wait3A_1752] : memref<100000x128xf32, #tpu.memory_space<hbm>> -> memref<256x128xf32, #tpu.memory_space<hbm>>
      tpu.wait_dma2 semaphore(%arg14 : memref<!tpu.dma_semaphore, #tpu.memory_space<semaphore_mem>>) src(%arg7 : memref<256x128xf32, #tpu.memory_space<vmem>>) dst(%dma_wait3A_1753 : memref<256x128xf32, #tpu.memory_space<hbm>>)
      %dma_start3A_1754 = arith.constant 0 : i32
      %dma_start3A_1755 = arith.constant 0 : i32
      %dma_start3A_1756 = tpu.memref_slice %arg7[%dma_start3A_1754, %dma_start3A_1755] : memref<256x128xf32, #tpu.memory_space<vmem>> -> memref<128x128xf32, #tpu.memory_space<vmem>>
      %dma_start3A_1757 = arith.constant 1024 : i32
      %dma_start3A_1758 = tpu.memref_slice %arg5[%dma_start3A_1757] : memref<3136xi32, #tpu.memory_space<vmem>> -> memref<128xi32, #tpu.memory_space<vmem>>
      %dma_start3A_1759 = arith.constant 0 : i32
      %dma_start3A_1760 = arith.constant 0 : i32
      %dma_start3A_1761 = tpu.memref_slice %arg3[%dma_start3A_1759, %dma_start3A_1760] : memref<5376x128xf32, #tpu.memory_space<hbm>> -> memref<5376x128xf32, #tpu.memory_space<hbm>>
      tpu.enqueue_indirect_dma source(%dma_start3A_1761 : memref<5376x128xf32, #tpu.memory_space<hbm>>) target(%dma_start3A_1756 : memref<128x128xf32, #tpu.memory_space<vmem>>) offsets(%dma_start3A_1758 : memref<128xi32, #tpu.memory_space<vmem>>) semaphore(%arg11 : memref<!tpu.dma_semaphore, #tpu.memory_space<semaphore_mem>>)
      %dma_start3A_1762 = arith.constant 128 : i32
      %dma_start3A_1763 = arith.constant 0 : i32
      %dma_start3A_1764 = tpu.memref_slice %arg7[%dma_start3A_1762, %dma_start3A_1763] : memref<256x128xf32, #tpu.memory_space<vmem>> -> memref<128x128xf32, #tpu.memory_space<vmem>>
      %dma_start3A_1765 = arith.constant 1152 : i32
      %dma_start3A_1766 = tpu.memref_slice %arg5[%dma_start3A_1765] : memref<3136xi32, #tpu.memory_space<vmem>> -> memref<128xi32, #tpu.memory_space<vmem>>
      %dma_start3A_1767 = arith.constant 0 : i32
      %dma_start3A_1768 = arith.constant 0 : i32
      %dma_start3A_1769 = tpu.memref_slice %arg3[%dma_start3A_1767, %dma_start3A_1768] : memref<5376x128xf32, #tpu.memory_space<hbm>> -> memref<5376x128xf32, #tpu.memory_space<hbm>>
      tpu.enqueue_indirect_dma source(%dma_start3A_1769 : memref<5376x128xf32, #tpu.memory_space<hbm>>) target(%dma_start3A_1764 : memref<128x128xf32, #tpu.memory_space<vmem>>) offsets(%dma_start3A_1766 : memref<128xi32, #tpu.memory_space<vmem>>) semaphore(%arg11 : memref<!tpu.dma_semaphore, #tpu.memory_space<semaphore_mem>>)
      %dma_wait3A_1770 = arith.constant 0 : i32
      %dma_wait3A_1771 = arith.constant 0 : i32
      %dma_wait3A_1772 = tpu.memref_slice %arg8[%dma_wait3A_1770, %dma_wait3A_1771] : memref<256x128xf32, #tpu.memory_space<vmem>> -> memref<128x128xf32, #tpu.memory_space<vmem>>
      %dma_wait3A_1773 = arith.constant 512 : i32
      %dma_wait3A_1774 = tpu.memref_slice %arg5[%dma_wait3A_1773] : memref<3136xi32, #tpu.memory_space<vmem>> -> memref<128xi32, #tpu.memory_space<vmem>>
      %dma_wait3A_1775 = arith.constant 0 : i32
      %dma_wait3A_1776 = arith.constant 0 : i32
      %dma_wait3A_1777 = tpu.memref_slice %arg3[%dma_wait3A_1775, %dma_wait3A_1776] : memref<5376x128xf32, #tpu.memory_space<hbm>> -> memref<5376x128xf32, #tpu.memory_space<hbm>>
      tpu.wait_indirect_dma semaphore(%arg12 : memref<!tpu.dma_semaphore, #tpu.memory_space<semaphore_mem>>) src(%dma_wait3A_1777 : memref<5376x128xf32, #tpu.memory_space<hbm>>) dst(%dma_wait3A_1772 : memref<128x128xf32, #tpu.memory_space<vmem>>)
      %dma_wait3A_1778 = arith.constant 128 : i32
      %dma_wait3A_1779 = arith.constant 0 : i32
      %dma_wait3A_1780 = tpu.memref_slice %arg8[%dma_wait3A_1778, %dma_wait3A_1779] : memref<256x128xf32, #tpu.memory_space<vmem>> -> memref<128x128xf32, #tpu.memory_space<vmem>>
      %dma_wait3A_1781 = arith.constant 640 : i32
      %dma_wait3A_1782 = tpu.memref_slice %arg5[%dma_wait3A_1781] : memref<3136xi32, #tpu.memory_space<vmem>> -> memref<128xi32, #tpu.memory_space<vmem>>
      %dma_wait3A_1783 = arith.constant 0 : i32
      %dma_wait3A_1784 = arith.constant 0 : i32
      %dma_wait3A_1785 = tpu.memref_slice %arg3[%dma_wait3A_1783, %dma_wait3A_1784] : memref<5376x128xf32, #tpu.memory_space<hbm>> -> memref<5376x128xf32, #tpu.memory_space<hbm>>
      tpu.wait_indirect_dma semaphore(%arg12 : memref<!tpu.dma_semaphore, #tpu.memory_space<semaphore_mem>>) src(%dma_wait3A_1785 : memref<5376x128xf32, #tpu.memory_space<hbm>>) dst(%dma_wait3A_1780 : memref<128x128xf32, #tpu.memory_space<vmem>>)
      %add3A_1786 = arith.constant 512 : i32
      %add3A_1787 = arith.addi %multiple_of3A, %add3A_1786 : i32
      %dma_start3A_1788 = arith.constant 0 : i32
      %dma_start3A_1789 = tpu.memref_slice %arg4[%add3A_1787, %dma_start3A_1788] : memref<100000x128xf32, #tpu.memory_space<hbm>> -> memref<256x128xf32, #tpu.memory_space<hbm>>
      %dma_start3A_1790 = arith.constant 0 : i32
      %dma_start3A_1791 = tpu.memref_slice %arg4[%add3A_1787, %dma_start3A_1790] : memref<100000x128xf32, #tpu.memory_space<hbm>> -> memref<256x128xf32, #tpu.memory_space<hbm>>
      tpu.enqueue_dma source(%arg8 : memref<256x128xf32, #tpu.memory_space<vmem>>) target(%dma_start3A_1791 : memref<256x128xf32, #tpu.memory_space<hbm>>) target_semaphore(%arg15 : memref<!tpu.dma_semaphore, #tpu.memory_space<semaphore_mem>>)
      %dma_wait3A_1792 = arith.constant 0 : i32
      %dma_wait3A_1793 = tpu.memref_slice %arg4[%add3A_1787, %dma_wait3A_1792] : memref<100000x128xf32, #tpu.memory_space<hbm>> -> memref<256x128xf32, #tpu.memory_space<hbm>>
      %dma_wait3A_1794 = arith.constant 0 : i32
      %dma_wait3A_1795 = tpu.memref_slice %arg4[%add3A_1787, %dma_wait3A_1794] : memref<100000x128xf32, #tpu.memory_space<hbm>> -> memref<256x128xf32, #tpu.memory_space<hbm>>
      tpu.wait_dma2 semaphore(%arg15 : memref<!tpu.dma_semaphore, #tpu.memory_space<semaphore_mem>>) src(%arg8 : memref<256x128xf32, #tpu.memory_space<vmem>>) dst(%dma_wait3A_1795 : memref<256x128xf32, #tpu.memory_space<hbm>>)
      %dma_start3A_1796 = arith.constant 0 : i32
      %dma_start3A_1797 = arith.constant 0 : i32
      %dma_start3A_1798 = tpu.memref_slice %arg8[%dma_start3A_1796, %dma_start3A_1797] : memref<256x128xf32, #tpu.memory_space<vmem>> -> memref<128x128xf32, #tpu.memory_space<vmem>>
      %dma_start3A_1799 = arith.constant 1280 : i32
      %dma_start3A_1800 = tpu.memref_slice %arg5[%dma_start3A_1799] : memref<3136xi32, #tpu.memory_space<vmem>> -> memref<128xi32, #tpu.memory_space<vmem>>
      %dma_start3A_1801 = arith.constant 0 : i32
      %dma_start3A_1802 = arith.constant 0 : i32
      %dma_start3A_1803 = tpu.memref_slice %arg3[%dma_start3A_1801, %dma_start3A_1802] : memref<5376x128xf32, #tpu.memory_space<hbm>> -> memref<5376x128xf32, #tpu.memory_space<hbm>>
      tpu.enqueue_indirect_dma source(%dma_start3A_1803 : memref<5376x128xf32, #tpu.memory_space<hbm>>) target(%dma_start3A_1798 : memref<128x128xf32, #tpu.memory_space<vmem>>) offsets(%dma_start3A_1800 : memref<128xi32, #tpu.memory_space<vmem>>) semaphore(%arg12 : memref<!tpu.dma_semaphore, #tpu.memory_space<semaphore_mem>>)
      %dma_start3A_1804 = arith.constant 128 : i32
      %dma_start3A_1805 = arith.constant 0 : i32
      %dma_start3A_1806 = tpu.memref_slice %arg8[%dma_start3A_1804, %dma_start3A_1805] : memref<256x128xf32, #tpu.memory_space<vmem>> -> memref<128x128xf32, #tpu.memory_space<vmem>>
      %dma_start3A_1807 = arith.constant 1408 : i32
      %dma_start3A_1808 = tpu.memref_slice %arg5[%dma_start3A_1807] : memref<3136xi32, #tpu.memory_space<vmem>> -> memref<128xi32, #tpu.memory_space<vmem>>
      %dma_start3A_1809 = arith.constant 0 : i32
      %dma_start3A_1810 = arith.constant 0 : i32
      %dma_start3A_1811 = tpu.memref_slice %arg3[%dma_start3A_1809, %dma_start3A_1810] : memref<5376x128xf32, #tpu.memory_space<hbm>> -> memref<5376x128xf32, #tpu.memory_space<hbm>>
      tpu.enqueue_indirect_dma source(%dma_start3A_1811 : memref<5376x128xf32, #tpu.memory_space<hbm>>) target(%dma_start3A_1806 : memref<128x128xf32, #tpu.memory_space<vmem>>) offsets(%dma_start3A_1808 : memref<128xi32, #tpu.memory_space<vmem>>) semaphore(%arg12 : memref<!tpu.dma_semaphore, #tpu.memory_space<semaphore_mem>>)
      %dma_wait3A_1812 = arith.constant 0 : i32
      %dma_wait3A_1813 = arith.constant 0 : i32
      %dma_wait3A_1814 = tpu.memref_slice %arg6[%dma_wait3A_1812, %dma_wait3A_1813] : memref<256x128xf32, #tpu.memory_space<vmem>> -> memref<128x128xf32, #tpu.memory_space<vmem>>
      %dma_wait3A_1815 = arith.constant 768 : i32
      %dma_wait3A_1816 = tpu.memref_slice %arg5[%dma_wait3A_1815] : memref<3136xi32, #tpu.memory_space<vmem>> -> memref<128xi32, #tpu.memory_space<vmem>>
      %dma_wait3A_1817 = arith.constant 0 : i32
      %dma_wait3A_1818 = arith.constant 0 : i32
      %dma_wait3A_1819 = tpu.memref_slice %arg3[%dma_wait3A_1817, %dma_wait3A_1818] : memref<5376x128xf32, #tpu.memory_space<hbm>> -> memref<5376x128xf32, #tpu.memory_space<hbm>>
      tpu.wait_indirect_dma semaphore(%arg10 : memref<!tpu.dma_semaphore, #tpu.memory_space<semaphore_mem>>) src(%dma_wait3A_1819 : memref<5376x128xf32, #tpu.memory_space<hbm>>) dst(%dma_wait3A_1814 : memref<128x128xf32, #tpu.memory_space<vmem>>)
      %dma_wait3A_1820 = arith.constant 128 : i32
      %dma_wait3A_1821 = arith.constant 0 : i32
      %dma_wait3A_1822 = tpu.memref_slice %arg6[%dma_wait3A_1820, %dma_wait3A_1821] : memref<256x128xf32, #tpu.memory_space<vmem>> -> memref<128x128xf32, #tpu.memory_space<vmem>>
      %dma_wait3A_1823 = arith.constant 896 : i32
      %dma_wait3A_1824 = tpu.memref_slice %arg5[%dma_wait3A_1823] : memref<3136xi32, #tpu.memory_space<vmem>> -> memref<128xi32, #tpu.memory_space<vmem>>
      %dma_wait3A_1825 = arith.constant 0 : i32
      %dma_wait3A_1826 = arith.constant 0 : i32
      %dma_wait3A_1827 = tpu.memref_slice %arg3[%dma_wait3A_1825, %dma_wait3A_1826] : memref<5376x128xf32, #tpu.memory_space<hbm>> -> memref<5376x128xf32, #tpu.memory_space<hbm>>
      tpu.wait_indirect_dma semaphore(%arg10 : memref<!tpu.dma_semaphore, #tpu.memory_space<semaphore_mem>>) src(%dma_wait3A_1827 : memref<5376x128xf32, #tpu.memory_space<hbm>>) dst(%dma_wait3A_1822 : memref<128x128xf32, #tpu.memory_space<vmem>>)
      %add3A_1828 = arith.constant 768 : i32
      %add3A_1829 = arith.addi %multiple_of3A, %add3A_1828 : i32
      %dma_start3A_1830 = arith.constant 0 : i32
      %dma_start3A_1831 = tpu.memref_slice %arg4[%add3A_1829, %dma_start3A_1830] : memref<100000x128xf32, #tpu.memory_space<hbm>> -> memref<256x128xf32, #tpu.memory_space<hbm>>
      %dma_start3A_1832 = arith.constant 0 : i32
      %dma_start3A_1833 = tpu.memref_slice %arg4[%add3A_1829, %dma_start3A_1832] : memref<100000x128xf32, #tpu.memory_space<hbm>> -> memref<256x128xf32, #tpu.memory_space<hbm>>
      tpu.enqueue_dma source(%arg6 : memref<256x128xf32, #tpu.memory_space<vmem>>) target(%dma_start3A_1833 : memref<256x128xf32, #tpu.memory_space<hbm>>) target_semaphore(%arg13 : memref<!tpu.dma_semaphore, #tpu.memory_space<semaphore_mem>>)
      %dma_wait3A_1834 = arith.constant 0 : i32
      %dma_wait3A_1835 = tpu.memref_slice %arg4[%add3A_1829, %dma_wait3A_1834] : memref<100000x128xf32, #tpu.memory_space<hbm>> -> memref<256x128xf32, #tpu.memory_space<hbm>>
      %dma_wait3A_1836 = arith.constant 0 : i32
      %dma_wait3A_1837 = tpu.memref_slice %arg4[%add3A_1829, %dma_wait3A_1836] : memref<100000x128xf32, #tpu.memory_space<hbm>> -> memref<256x128xf32, #tpu.memory_space<hbm>>
      tpu.wait_dma2 semaphore(%arg13 : memref<!tpu.dma_semaphore, #tpu.memory_space<semaphore_mem>>) src(%arg6 : memref<256x128xf32, #tpu.memory_space<vmem>>) dst(%dma_wait3A_1837 : memref<256x128xf32, #tpu.memory_space<hbm>>)
      %dma_start3A_1838 = arith.constant 0 : i32
      %dma_start3A_1839 = arith.constant 0 : i32
      %dma_start3A_1840 = tpu.memref_slice %arg6[%dma_start3A_1838, %dma_start3A_1839] : memref<256x128xf32, #tpu.memory_space<vmem>> -> memref<128x128xf32, #tpu.memory_space<vmem>>
      %dma_start3A_1841 = arith.constant 1536 : i32
      %dma_start3A_1842 = tpu.memref_slice %arg5[%dma_start3A_1841] : memref<3136xi32, #tpu.memory_space<vmem>> -> memref<128xi32, #tpu.memory_space<vmem>>
      %dma_start3A_1843 = arith.constant 0 : i32
      %dma_start3A_1844 = arith.constant 0 : i32
      %dma_start3A_1845 = tpu.memref_slice %arg3[%dma_start3A_1843, %dma_start3A_1844] : memref<5376x128xf32, #tpu.memory_space<hbm>> -> memref<5376x128xf32, #tpu.memory_space<hbm>>
      tpu.enqueue_indirect_dma source(%dma_start3A_1845 : memref<5376x128xf32, #tpu.memory_space<hbm>>) target(%dma_start3A_1840 : memref<128x128xf32, #tpu.memory_space<vmem>>) offsets(%dma_start3A_1842 : memref<128xi32, #tpu.memory_space<vmem>>) semaphore(%arg10 : memref<!tpu.dma_semaphore, #tpu.memory_space<semaphore_mem>>)
      %dma_start3A_1846 = arith.constant 128 : i32
      %dma_start3A_1847 = arith.constant 0 : i32
      %dma_start3A_1848 = tpu.memref_slice %arg6[%dma_start3A_1846, %dma_start3A_1847] : memref<256x128xf32, #tpu.memory_space<vmem>> -> memref<128x128xf32, #tpu.memory_space<vmem>>
      %dma_start3A_1849 = arith.constant 1664 : i32
      %dma_start3A_1850 = tpu.memref_slice %arg5[%dma_start3A_1849] : memref<3136xi32, #tpu.memory_space<vmem>> -> memref<128xi32, #tpu.memory_space<vmem>>
      %dma_start3A_1851 = arith.constant 0 : i32
      %dma_start3A_1852 = arith.constant 0 : i32
      %dma_start3A_1853 = tpu.memref_slice %arg3[%dma_start3A_1851, %dma_start3A_1852] : memref<5376x128xf32, #tpu.memory_space<hbm>> -> memref<5376x128xf32, #tpu.memory_space<hbm>>
      tpu.enqueue_indirect_dma source(%dma_start3A_1853 : memref<5376x128xf32, #tpu.memory_space<hbm>>) target(%dma_start3A_1848 : memref<128x128xf32, #tpu.memory_space<vmem>>) offsets(%dma_start3A_1850 : memref<128xi32, #tpu.memory_space<vmem>>) semaphore(%arg10 : memref<!tpu.dma_semaphore, #tpu.memory_space<semaphore_mem>>)
      %dma_wait3A_1854 = arith.constant 0 : i32
      %dma_wait3A_1855 = arith.constant 0 : i32
      %dma_wait3A_1856 = tpu.memref_slice %arg7[%dma_wait3A_1854, %dma_wait3A_1855] : memref<256x128xf32, #tpu.memory_space<vmem>> -> memref<128x128xf32, #tpu.memory_space<vmem>>
      %dma_wait3A_1857 = arith.constant 1024 : i32
      %dma_wait3A_1858 = tpu.memref_slice %arg5[%dma_wait3A_1857] : memref<3136xi32, #tpu.memory_space<vmem>> -> memref<128xi32, #tpu.memory_space<vmem>>
      %dma_wait3A_1859 = arith.constant 0 : i32
      %dma_wait3A_1860 = arith.constant 0 : i32
      %dma_wait3A_1861 = tpu.memref_slice %arg3[%dma_wait3A_1859, %dma_wait3A_1860] : memref<5376x128xf32, #tpu.memory_space<hbm>> -> memref<5376x128xf32, #tpu.memory_space<hbm>>
      tpu.wait_indirect_dma semaphore(%arg11 : memref<!tpu.dma_semaphore, #tpu.memory_space<semaphore_mem>>) src(%dma_wait3A_1861 : memref<5376x128xf32, #tpu.memory_space<hbm>>) dst(%dma_wait3A_1856 : memref<128x128xf32, #tpu.memory_space<vmem>>)
      %dma_wait3A_1862 = arith.constant 128 : i32
      %dma_wait3A_1863 = arith.constant 0 : i32
      %dma_wait3A_1864 = tpu.memref_slice %arg7[%dma_wait3A_1862, %dma_wait3A_1863] : memref<256x128xf32, #tpu.memory_space<vmem>> -> memref<128x128xf32, #tpu.memory_space<vmem>>
      %dma_wait3A_1865 = arith.constant 1152 : i32
      %dma_wait3A_1866 = tpu.memref_slice %arg5[%dma_wait3A_1865] : memref<3136xi32, #tpu.memory_space<vmem>> -> memref<128xi32, #tpu.memory_space<vmem>>
      %dma_wait3A_1867 = arith.constant 0 : i32
      %dma_wait3A_1868 = arith.constant 0 : i32
      %dma_wait3A_1869 = tpu.memref_slice %arg3[%dma_wait3A_1867, %dma_wait3A_1868] : memref<5376x128xf32, #tpu.memory_space<hbm>> -> memref<5376x128xf32, #tpu.memory_space<hbm>>
      tpu.wait_indirect_dma semaphore(%arg11 : memref<!tpu.dma_semaphore, #tpu.memory_space<semaphore_mem>>) src(%dma_wait3A_1869 : memref<5376x128xf32, #tpu.memory_space<hbm>>) dst(%dma_wait3A_1864 : memref<128x128xf32, #tpu.memory_space<vmem>>)
      %add3A_1870 = arith.constant 1024 : i32
      %add3A_1871 = arith.addi %multiple_of3A, %add3A_1870 : i32
      %dma_start3A_1872 = arith.constant 0 : i32
      %dma_start3A_1873 = tpu.memref_slice %arg4[%add3A_1871, %dma_start3A_1872] : memref<100000x128xf32, #tpu.memory_space<hbm>> -> memref<256x128xf32, #tpu.memory_space<hbm>>
      %dma_start3A_1874 = arith.constant 0 : i32
      %dma_start3A_1875 = tpu.memref_slice %arg4[%add3A_1871, %dma_start3A_1874] : memref<100000x128xf32, #tpu.memory_space<hbm>> -> memref<256x128xf32, #tpu.memory_space<hbm>>
      tpu.enqueue_dma source(%arg7 : memref<256x128xf32, #tpu.memory_space<vmem>>) target(%dma_start3A_1875 : memref<256x128xf32, #tpu.memory_space<hbm>>) target_semaphore(%arg14 : memref<!tpu.dma_semaphore, #tpu.memory_space<semaphore_mem>>)
      %dma_wait3A_1876 = arith.constant 0 : i32
      %dma_wait3A_1877 = tpu.memref_slice %arg4[%add3A_1871, %dma_wait3A_1876] : memref<100000x128xf32, #tpu.memory_space<hbm>> -> memref<256x128xf32, #tpu.memory_space<hbm>>
      %dma_wait3A_1878 = arith.constant 0 : i32
      %dma_wait3A_1879 = tpu.memref_slice %arg4[%add3A_1871, %dma_wait3A_1878] : memref<100000x128xf32, #tpu.memory_space<hbm>> -> memref<256x128xf32, #tpu.memory_space<hbm>>
      tpu.wait_dma2 semaphore(%arg14 : memref<!tpu.dma_semaphore, #tpu.memory_space<semaphore_mem>>) src(%arg7 : memref<256x128xf32, #tpu.memory_space<vmem>>) dst(%dma_wait3A_1879 : memref<256x128xf32, #tpu.memory_space<hbm>>)
      %dma_start3A_1880 = arith.constant 0 : i32
      %dma_start3A_1881 = arith.constant 0 : i32
      %dma_start3A_1882 = tpu.memref_slice %arg7[%dma_start3A_1880, %dma_start3A_1881] : memref<256x128xf32, #tpu.memory_space<vmem>> -> memref<128x128xf32, #tpu.memory_space<vmem>>
      %dma_start3A_1883 = arith.constant 1792 : i32
      %dma_start3A_1884 = tpu.memref_slice %arg5[%dma_start3A_1883] : memref<3136xi32, #tpu.memory_space<vmem>> -> memref<128xi32, #tpu.memory_space<vmem>>
      %dma_start3A_1885 = arith.constant 0 : i32
      %dma_start3A_1886 = arith.constant 0 : i32
      %dma_start3A_1887 = tpu.memref_slice %arg3[%dma_start3A_1885, %dma_start3A_1886] : memref<5376x128xf32, #tpu.memory_space<hbm>> -> memref<5376x128xf32, #tpu.memory_space<hbm>>
      tpu.enqueue_indirect_dma source(%dma_start3A_1887 : memref<5376x128xf32, #tpu.memory_space<hbm>>) target(%dma_start3A_1882 : memref<128x128xf32, #tpu.memory_space<vmem>>) offsets(%dma_start3A_1884 : memref<128xi32, #tpu.memory_space<vmem>>) semaphore(%arg11 : memref<!tpu.dma_semaphore, #tpu.memory_space<semaphore_mem>>)
      %dma_start3A_1888 = arith.constant 128 : i32
      %dma_start3A_1889 = arith.constant 0 : i32
      %dma_start3A_1890 = tpu.memref_slice %arg7[%dma_start3A_1888, %dma_start3A_1889] : memref<256x128xf32, #tpu.memory_space<vmem>> -> memref<128x128xf32, #tpu.memory_space<vmem>>
      %dma_start3A_1891 = arith.constant 1920 : i32
      %dma_start3A_1892 = tpu.memref_slice %arg5[%dma_start3A_1891] : memref<3136xi32, #tpu.memory_space<vmem>> -> memref<128xi32, #tpu.memory_space<vmem>>
      %dma_start3A_1893 = arith.constant 0 : i32
      %dma_start3A_1894 = arith.constant 0 : i32
      %dma_start3A_1895 = tpu.memref_slice %arg3[%dma_start3A_1893, %dma_start3A_1894] : memref<5376x128xf32, #tpu.memory_space<hbm>> -> memref<5376x128xf32, #tpu.memory_space<hbm>>
      tpu.enqueue_indirect_dma source(%dma_start3A_1895 : memref<5376x128xf32, #tpu.memory_space<hbm>>) target(%dma_start3A_1890 : memref<128x128xf32, #tpu.memory_space<vmem>>) offsets(%dma_start3A_1892 : memref<128xi32, #tpu.memory_space<vmem>>) semaphore(%arg11 : memref<!tpu.dma_semaphore, #tpu.memory_space<semaphore_mem>>)
      %dma_wait3A_1896 = arith.constant 0 : i32
      %dma_wait3A_1897 = arith.constant 0 : i32
      %dma_wait3A_1898 = tpu.memref_slice %arg8[%dma_wait3A_1896, %dma_wait3A_1897] : memref<256x128xf32, #tpu.memory_space<vmem>> -> memref<128x128xf32, #tpu.memory_space<vmem>>
      %dma_wait3A_1899 = arith.constant 1280 : i32
      %dma_wait3A_1900 = tpu.memref_slice %arg5[%dma_wait3A_1899] : memref<3136xi32, #tpu.memory_space<vmem>> -> memref<128xi32, #tpu.memory_space<vmem>>
      %dma_wait3A_1901 = arith.constant 0 : i32
      %dma_wait3A_1902 = arith.constant 0 : i32
      %dma_wait3A_1903 = tpu.memref_slice %arg3[%dma_wait3A_1901, %dma_wait3A_1902] : memref<5376x128xf32, #tpu.memory_space<hbm>> -> memref<5376x128xf32, #tpu.memory_space<hbm>>
      tpu.wait_indirect_dma semaphore(%arg12 : memref<!tpu.dma_semaphore, #tpu.memory_space<semaphore_mem>>) src(%dma_wait3A_1903 : memref<5376x128xf32, #tpu.memory_space<hbm>>) dst(%dma_wait3A_1898 : memref<128x128xf32, #tpu.memory_space<vmem>>)
      %dma_wait3A_1904 = arith.constant 128 : i32
      %dma_wait3A_1905 = arith.constant 0 : i32
      %dma_wait3A_1906 = tpu.memref_slice %arg8[%dma_wait3A_1904, %dma_wait3A_1905] : memref<256x128xf32, #tpu.memory_space<vmem>> -> memref<128x128xf32, #tpu.memory_space<vmem>>
      %dma_wait3A_1907 = arith.constant 1408 : i32
      %dma_wait3A_1908 = tpu.memref_slice %arg5[%dma_wait3A_1907] : memref<3136xi32, #tpu.memory_space<vmem>> -> memref<128xi32, #tpu.memory_space<vmem>>
      %dma_wait3A_1909 = arith.constant 0 : i32
      %dma_wait3A_1910 = arith.constant 0 : i32
      %dma_wait3A_1911 = tpu.memref_slice %arg3[%dma_wait3A_1909, %dma_wait3A_1910] : memref<5376x128xf32, #tpu.memory_space<hbm>> -> memref<5376x128xf32, #tpu.memory_space<hbm>>
      tpu.wait_indirect_dma semaphore(%arg12 : memref<!tpu.dma_semaphore, #tpu.memory_space<semaphore_mem>>) src(%dma_wait3A_1911 : memref<5376x128xf32, #tpu.memory_space<hbm>>) dst(%dma_wait3A_1906 : memref<128x128xf32, #tpu.memory_space<vmem>>)
      %add3A_1912 = arith.constant 1280 : i32
      %add3A_1913 = arith.addi %multiple_of3A, %add3A_1912 : i32
      %dma_start3A_1914 = arith.constant 0 : i32
      %dma_start3A_1915 = tpu.memref_slice %arg4[%add3A_1913, %dma_start3A_1914] : memref<100000x128xf32, #tpu.memory_space<hbm>> -> memref<256x128xf32, #tpu.memory_space<hbm>>
      %dma_start3A_1916 = arith.constant 0 : i32
      %dma_start3A_1917 = tpu.memref_slice %arg4[%add3A_1913, %dma_start3A_1916] : memref<100000x128xf32, #tpu.memory_space<hbm>> -> memref<256x128xf32, #tpu.memory_space<hbm>>
      tpu.enqueue_dma source(%arg8 : memref<256x128xf32, #tpu.memory_space<vmem>>) target(%dma_start3A_1917 : memref<256x128xf32, #tpu.memory_space<hbm>>) target_semaphore(%arg15 : memref<!tpu.dma_semaphore, #tpu.memory_space<semaphore_mem>>)
      %dma_wait3A_1918 = arith.constant 0 : i32
      %dma_wait3A_1919 = tpu.memref_slice %arg4[%add3A_1913, %dma_wait3A_1918] : memref<100000x128xf32, #tpu.memory_space<hbm>> -> memref<256x128xf32, #tpu.memory_space<hbm>>
      %dma_wait3A_1920 = arith.constant 0 : i32
      %dma_wait3A_1921 = tpu.memref_slice %arg4[%add3A_1913, %dma_wait3A_1920] : memref<100000x128xf32, #tpu.memory_space<hbm>> -> memref<256x128xf32, #tpu.memory_space<hbm>>
      tpu.wait_dma2 semaphore(%arg15 : memref<!tpu.dma_semaphore, #tpu.memory_space<semaphore_mem>>) src(%arg8 : memref<256x128xf32, #tpu.memory_space<vmem>>) dst(%dma_wait3A_1921 : memref<256x128xf32, #tpu.memory_space<hbm>>)
      %dma_start3A_1922 = arith.constant 0 : i32
      %dma_start3A_1923 = arith.constant 0 : i32
      %dma_start3A_1924 = tpu.memref_slice %arg8[%dma_start3A_1922, %dma_start3A_1923] : memref<256x128xf32, #tpu.memory_space<vmem>> -> memref<128x128xf32, #tpu.memory_space<vmem>>
      %dma_start3A_1925 = arith.constant 2048 : i32
      %dma_start3A_1926 = tpu.memref_slice %arg5[%dma_start3A_1925] : memref<3136xi32, #tpu.memory_space<vmem>> -> memref<128xi32, #tpu.memory_space<vmem>>
      %dma_start3A_1927 = arith.constant 0 : i32
      %dma_start3A_1928 = arith.constant 0 : i32
      %dma_start3A_1929 = tpu.memref_slice %arg3[%dma_start3A_1927, %dma_start3A_1928] : memref<5376x128xf32, #tpu.memory_space<hbm>> -> memref<5376x128xf32, #tpu.memory_space<hbm>>
      tpu.enqueue_indirect_dma source(%dma_start3A_1929 : memref<5376x128xf32, #tpu.memory_space<hbm>>) target(%dma_start3A_1924 : memref<128x128xf32, #tpu.memory_space<vmem>>) offsets(%dma_start3A_1926 : memref<128xi32, #tpu.memory_space<vmem>>) semaphore(%arg12 : memref<!tpu.dma_semaphore, #tpu.memory_space<semaphore_mem>>)
      %dma_start3A_1930 = arith.constant 128 : i32
      %dma_start3A_1931 = arith.constant 0 : i32
      %dma_start3A_1932 = tpu.memref_slice %arg8[%dma_start3A_1930, %dma_start3A_1931] : memref<256x128xf32, #tpu.memory_space<vmem>> -> memref<128x128xf32, #tpu.memory_space<vmem>>
      %dma_start3A_1933 = arith.constant 2176 : i32
      %dma_start3A_1934 = tpu.memref_slice %arg5[%dma_start3A_1933] : memref<3136xi32, #tpu.memory_space<vmem>> -> memref<128xi32, #tpu.memory_space<vmem>>
      %dma_start3A_1935 = arith.constant 0 : i32
      %dma_start3A_1936 = arith.constant 0 : i32
      %dma_start3A_1937 = tpu.memref_slice %arg3[%dma_start3A_1935, %dma_start3A_1936] : memref<5376x128xf32, #tpu.memory_space<hbm>> -> memref<5376x128xf32, #tpu.memory_space<hbm>>
      tpu.enqueue_indirect_dma source(%dma_start3A_1937 : memref<5376x128xf32, #tpu.memory_space<hbm>>) target(%dma_start3A_1932 : memref<128x128xf32, #tpu.memory_space<vmem>>) offsets(%dma_start3A_1934 : memref<128xi32, #tpu.memory_space<vmem>>) semaphore(%arg12 : memref<!tpu.dma_semaphore, #tpu.memory_space<semaphore_mem>>)
      %dma_wait3A_1938 = arith.constant 0 : i32
      %dma_wait3A_1939 = arith.constant 0 : i32
      %dma_wait3A_1940 = tpu.memref_slice %arg6[%dma_wait3A_1938, %dma_wait3A_1939] : memref<256x128xf32, #tpu.memory_space<vmem>> -> memref<128x128xf32, #tpu.memory_space<vmem>>
      %dma_wait3A_1941 = arith.constant 1536 : i32
      %dma_wait3A_1942 = tpu.memref_slice %arg5[%dma_wait3A_1941] : memref<3136xi32, #tpu.memory_space<vmem>> -> memref<128xi32, #tpu.memory_space<vmem>>
      %dma_wait3A_1943 = arith.constant 0 : i32
      %dma_wait3A_1944 = arith.constant 0 : i32
      %dma_wait3A_1945 = tpu.memref_slice %arg3[%dma_wait3A_1943, %dma_wait3A_1944] : memref<5376x128xf32, #tpu.memory_space<hbm>> -> memref<5376x128xf32, #tpu.memory_space<hbm>>
      tpu.wait_indirect_dma semaphore(%arg10 : memref<!tpu.dma_semaphore, #tpu.memory_space<semaphore_mem>>) src(%dma_wait3A_1945 : memref<5376x128xf32, #tpu.memory_space<hbm>>) dst(%dma_wait3A_1940 : memref<128x128xf32, #tpu.memory_space<vmem>>)
      %dma_wait3A_1946 = arith.constant 128 : i32
      %dma_wait3A_1947 = arith.constant 0 : i32
      %dma_wait3A_1948 = tpu.memref_slice %arg6[%dma_wait3A_1946, %dma_wait3A_1947] : memref<256x128xf32, #tpu.memory_space<vmem>> -> memref<128x128xf32, #tpu.memory_space<vmem>>
      %dma_wait3A_1949 = arith.constant 1664 : i32
      %dma_wait3A_1950 = tpu.memref_slice %arg5[%dma_wait3A_1949] : memref<3136xi32, #tpu.memory_space<vmem>> -> memref<128xi32, #tpu.memory_space<vmem>>
      %dma_wait3A_1951 = arith.constant 0 : i32
      %dma_wait3A_1952 = arith.constant 0 : i32
      %dma_wait3A_1953 = tpu.memref_slice %arg3[%dma_wait3A_1951, %dma_wait3A_1952] : memref<5376x128xf32, #tpu.memory_space<hbm>> -> memref<5376x128xf32, #tpu.memory_space<hbm>>
      tpu.wait_indirect_dma semaphore(%arg10 : memref<!tpu.dma_semaphore, #tpu.memory_space<semaphore_mem>>) src(%dma_wait3A_1953 : memref<5376x128xf32, #tpu.memory_space<hbm>>) dst(%dma_wait3A_1948 : memref<128x128xf32, #tpu.memory_space<vmem>>)
      %add3A_1954 = arith.constant 1536 : i32
      %add3A_1955 = arith.addi %multiple_of3A, %add3A_1954 : i32
      %dma_start3A_1956 = arith.constant 0 : i32
      %dma_start3A_1957 = tpu.memref_slice %arg4[%add3A_1955, %dma_start3A_1956] : memref<100000x128xf32, #tpu.memory_space<hbm>> -> memref<256x128xf32, #tpu.memory_space<hbm>>
      %dma_start3A_1958 = arith.constant 0 : i32
      %dma_start3A_1959 = tpu.memref_slice %arg4[%add3A_1955, %dma_start3A_1958] : memref<100000x128xf32, #tpu.memory_space<hbm>> -> memref<256x128xf32, #tpu.memory_space<hbm>>
      tpu.enqueue_dma source(%arg6 : memref<256x128xf32, #tpu.memory_space<vmem>>) target(%dma_start3A_1959 : memref<256x128xf32, #tpu.memory_space<hbm>>) target_semaphore(%arg13 : memref<!tpu.dma_semaphore, #tpu.memory_space<semaphore_mem>>)
      %dma_wait3A_1960 = arith.constant 0 : i32
      %dma_wait3A_1961 = tpu.memref_slice %arg4[%add3A_1955, %dma_wait3A_1960] : memref<100000x128xf32, #tpu.memory_space<hbm>> -> memref<256x128xf32, #tpu.memory_space<hbm>>
      %dma_wait3A_1962 = arith.constant 0 : i32
      %dma_wait3A_1963 = tpu.memref_slice %arg4[%add3A_1955, %dma_wait3A_1962] : memref<100000x128xf32, #tpu.memory_space<hbm>> -> memref<256x128xf32, #tpu.memory_space<hbm>>
      tpu.wait_dma2 semaphore(%arg13 : memref<!tpu.dma_semaphore, #tpu.memory_space<semaphore_mem>>) src(%arg6 : memref<256x128xf32, #tpu.memory_space<vmem>>) dst(%dma_wait3A_1963 : memref<256x128xf32, #tpu.memory_space<hbm>>)
      %dma_start3A_1964 = arith.constant 0 : i32
      %dma_start3A_1965 = arith.constant 0 : i32
      %dma_start3A_1966 = tpu.memref_slice %arg6[%dma_start3A_1964, %dma_start3A_1965] : memref<256x128xf32, #tpu.memory_space<vmem>> -> memref<128x128xf32, #tpu.memory_space<vmem>>
      %dma_start3A_1967 = arith.constant 2304 : i32
      %dma_start3A_1968 = tpu.memref_slice %arg5[%dma_start3A_1967] : memref<3136xi32, #tpu.memory_space<vmem>> -> memref<128xi32, #tpu.memory_space<vmem>>
      %dma_start3A_1969 = arith.constant 0 : i32
      %dma_start3A_1970 = arith.constant 0 : i32
      %dma_start3A_1971 = tpu.memref_slice %arg3[%dma_start3A_1969, %dma_start3A_1970] : memref<5376x128xf32, #tpu.memory_space<hbm>> -> memref<5376x128xf32, #tpu.memory_space<hbm>>
      tpu.enqueue_indirect_dma source(%dma_start3A_1971 : memref<5376x128xf32, #tpu.memory_space<hbm>>) target(%dma_start3A_1966 : memref<128x128xf32, #tpu.memory_space<vmem>>) offsets(%dma_start3A_1968 : memref<128xi32, #tpu.memory_space<vmem>>) semaphore(%arg10 : memref<!tpu.dma_semaphore, #tpu.memory_space<semaphore_mem>>)
      %dma_start3A_1972 = arith.constant 128 : i32
      %dma_start3A_1973 = arith.constant 0 : i32
      %dma_start3A_1974 = tpu.memref_slice %arg6[%dma_start3A_1972, %dma_start3A_1973] : memref<256x128xf32, #tpu.memory_space<vmem>> -> memref<128x128xf32, #tpu.memory_space<vmem>>
      %dma_start3A_1975 = arith.constant 2432 : i32
      %dma_start3A_1976 = tpu.memref_slice %arg5[%dma_start3A_1975] : memref<3136xi32, #tpu.memory_space<vmem>> -> memref<128xi32, #tpu.memory_space<vmem>>
      %dma_start3A_1977 = arith.constant 0 : i32
      %dma_start3A_1978 = arith.constant 0 : i32
      %dma_start3A_1979 = tpu.memref_slice %arg3[%dma_start3A_1977, %dma_start3A_1978] : memref<5376x128xf32, #tpu.memory_space<hbm>> -> memref<5376x128xf32, #tpu.memory_space<hbm>>
      tpu.enqueue_indirect_dma source(%dma_start3A_1979 : memref<5376x128xf32, #tpu.memory_space<hbm>>) target(%dma_start3A_1974 : memref<128x128xf32, #tpu.memory_space<vmem>>) offsets(%dma_start3A_1976 : memref<128xi32, #tpu.memory_space<vmem>>) semaphore(%arg10 : memref<!tpu.dma_semaphore, #tpu.memory_space<semaphore_mem>>)
      %dma_wait3A_1980 = arith.constant 0 : i32
      %dma_wait3A_1981 = arith.constant 0 : i32
      %dma_wait3A_1982 = tpu.memref_slice %arg7[%dma_wait3A_1980, %dma_wait3A_1981] : memref<256x128xf32, #tpu.memory_space<vmem>> -> memref<128x128xf32, #tpu.memory_space<vmem>>
      %dma_wait3A_1983 = arith.constant 1792 : i32
      %dma_wait3A_1984 = tpu.memref_slice %arg5[%dma_wait3A_1983] : memref<3136xi32, #tpu.memory_space<vmem>> -> memref<128xi32, #tpu.memory_space<vmem>>
      %dma_wait3A_1985 = arith.constant 0 : i32
      %dma_wait3A_1986 = arith.constant 0 : i32
      %dma_wait3A_1987 = tpu.memref_slice %arg3[%dma_wait3A_1985, %dma_wait3A_1986] : memref<5376x128xf32, #tpu.memory_space<hbm>> -> memref<5376x128xf32, #tpu.memory_space<hbm>>
      tpu.wait_indirect_dma semaphore(%arg11 : memref<!tpu.dma_semaphore, #tpu.memory_space<semaphore_mem>>) src(%dma_wait3A_1987 : memref<5376x128xf32, #tpu.memory_space<hbm>>) dst(%dma_wait3A_1982 : memref<128x128xf32, #tpu.memory_space<vmem>>)
      %dma_wait3A_1988 = arith.constant 128 : i32
      %dma_wait3A_1989 = arith.constant 0 : i32
      %dma_wait3A_1990 = tpu.memref_slice %arg7[%dma_wait3A_1988, %dma_wait3A_1989] : memref<256x128xf32, #tpu.memory_space<vmem>> -> memref<128x128xf32, #tpu.memory_space<vmem>>
      %dma_wait3A_1991 = arith.constant 1920 : i32
      %dma_wait3A_1992 = tpu.memref_slice %arg5[%dma_wait3A_1991] : memref<3136xi32, #tpu.memory_space<vmem>> -> memref<128xi32, #tpu.memory_space<vmem>>
      %dma_wait3A_1993 = arith.constant 0 : i32
      %dma_wait3A_1994 = arith.constant 0 : i32
      %dma_wait3A_1995 = tpu.memref_slice %arg3[%dma_wait3A_1993, %dma_wait3A_1994] : memref<5376x128xf32, #tpu.memory_space<hbm>> -> memref<5376x128xf32, #tpu.memory_space<hbm>>
      tpu.wait_indirect_dma semaphore(%arg11 : memref<!tpu.dma_semaphore, #tpu.memory_space<semaphore_mem>>) src(%dma_wait3A_1995 : memref<5376x128xf32, #tpu.memory_space<hbm>>) dst(%dma_wait3A_1990 : memref<128x128xf32, #tpu.memory_space<vmem>>)
      %add3A_1996 = arith.constant 1792 : i32
      %add3A_1997 = arith.addi %multiple_of3A, %add3A_1996 : i32
      %dma_start3A_1998 = arith.constant 0 : i32
      %dma_start3A_1999 = tpu.memref_slice %arg4[%add3A_1997, %dma_start3A_1998] : memref<100000x128xf32, #tpu.memory_space<hbm>> -> memref<256x128xf32, #tpu.memory_space<hbm>>
      %dma_start3A_2000 = arith.constant 0 : i32
      %dma_start3A_2001 = tpu.memref_slice %arg4[%add3A_1997, %dma_start3A_2000] : memref<100000x128xf32, #tpu.memory_space<hbm>> -> memref<256x128xf32, #tpu.memory_space<hbm>>
      tpu.enqueue_dma source(%arg7 : memref<256x128xf32, #tpu.memory_space<vmem>>) target(%dma_start3A_2001 : memref<256x128xf32, #tpu.memory_space<hbm>>) target_semaphore(%arg14 : memref<!tpu.dma_semaphore, #tpu.memory_space<semaphore_mem>>)
      %dma_wait3A_2002 = arith.constant 0 : i32
      %dma_wait3A_2003 = tpu.memref_slice %arg4[%add3A_1997, %dma_wait3A_2002] : memref<100000x128xf32, #tpu.memory_space<hbm>> -> memref<256x128xf32, #tpu.memory_space<hbm>>
      %dma_wait3A_2004 = arith.constant 0 : i32
      %dma_wait3A_2005 = tpu.memref_slice %arg4[%add3A_1997, %dma_wait3A_2004] : memref<100000x128xf32, #tpu.memory_space<hbm>> -> memref<256x128xf32, #tpu.memory_space<hbm>>
      tpu.wait_dma2 semaphore(%arg14 : memref<!tpu.dma_semaphore, #tpu.memory_space<semaphore_mem>>) src(%arg7 : memref<256x128xf32, #tpu.memory_space<vmem>>) dst(%dma_wait3A_2005 : memref<256x128xf32, #tpu.memory_space<hbm>>)
      %dma_start3A_2006 = arith.constant 0 : i32
      %dma_start3A_2007 = arith.constant 0 : i32
      %dma_start3A_2008 = tpu.memref_slice %arg7[%dma_start3A_2006, %dma_start3A_2007] : memref<256x128xf32, #tpu.memory_space<vmem>> -> memref<128x128xf32, #tpu.memory_space<vmem>>
      %dma_start3A_2009 = arith.constant 2560 : i32
      %dma_start3A_2010 = tpu.memref_slice %arg5[%dma_start3A_2009] : memref<3136xi32, #tpu.memory_space<vmem>> -> memref<128xi32, #tpu.memory_space<vmem>>
      %dma_start3A_2011 = arith.constant 0 : i32
      %dma_start3A_2012 = arith.constant 0 : i32
      %dma_start3A_2013 = tpu.memref_slice %arg3[%dma_start3A_2011, %dma_start3A_2012] : memref<5376x128xf32, #tpu.memory_space<hbm>> -> memref<5376x128xf32, #tpu.memory_space<hbm>>
      tpu.enqueue_indirect_dma source(%dma_start3A_2013 : memref<5376x128xf32, #tpu.memory_space<hbm>>) target(%dma_start3A_2008 : memref<128x128xf32, #tpu.memory_space<vmem>>) offsets(%dma_start3A_2010 : memref<128xi32, #tpu.memory_space<vmem>>) semaphore(%arg11 : memref<!tpu.dma_semaphore, #tpu.memory_space<semaphore_mem>>)
      %dma_start3A_2014 = arith.constant 128 : i32
      %dma_start3A_2015 = arith.constant 0 : i32
      %dma_start3A_2016 = tpu.memref_slice %arg7[%dma_start3A_2014, %dma_start3A_2015] : memref<256x128xf32, #tpu.memory_space<vmem>> -> memref<128x128xf32, #tpu.memory_space<vmem>>
      %dma_start3A_2017 = arith.constant 2688 : i32
      %dma_start3A_2018 = tpu.memref_slice %arg5[%dma_start3A_2017] : memref<3136xi32, #tpu.memory_space<vmem>> -> memref<128xi32, #tpu.memory_space<vmem>>
      %dma_start3A_2019 = arith.constant 0 : i32
      %dma_start3A_2020 = arith.constant 0 : i32
      %dma_start3A_2021 = tpu.memref_slice %arg3[%dma_start3A_2019, %dma_start3A_2020] : memref<5376x128xf32, #tpu.memory_space<hbm>> -> memref<5376x128xf32, #tpu.memory_space<hbm>>
      tpu.enqueue_indirect_dma source(%dma_start3A_2021 : memref<5376x128xf32, #tpu.memory_space<hbm>>) target(%dma_start3A_2016 : memref<128x128xf32, #tpu.memory_space<vmem>>) offsets(%dma_start3A_2018 : memref<128xi32, #tpu.memory_space<vmem>>) semaphore(%arg11 : memref<!tpu.dma_semaphore, #tpu.memory_space<semaphore_mem>>)
      %dma_wait3A_2022 = arith.constant 0 : i32
      %dma_wait3A_2023 = arith.constant 0 : i32
      %dma_wait3A_2024 = tpu.memref_slice %arg8[%dma_wait3A_2022, %dma_wait3A_2023] : memref<256x128xf32, #tpu.memory_space<vmem>> -> memref<128x128xf32, #tpu.memory_space<vmem>>
      %dma_wait3A_2025 = arith.constant 2048 : i32
      %dma_wait3A_2026 = tpu.memref_slice %arg5[%dma_wait3A_2025] : memref<3136xi32, #tpu.memory_space<vmem>> -> memref<128xi32, #tpu.memory_space<vmem>>
      %dma_wait3A_2027 = arith.constant 0 : i32
      %dma_wait3A_2028 = arith.constant 0 : i32
      %dma_wait3A_2029 = tpu.memref_slice %arg3[%dma_wait3A_2027, %dma_wait3A_2028] : memref<5376x128xf32, #tpu.memory_space<hbm>> -> memref<5376x128xf32, #tpu.memory_space<hbm>>
      tpu.wait_indirect_dma semaphore(%arg12 : memref<!tpu.dma_semaphore, #tpu.memory_space<semaphore_mem>>) src(%dma_wait3A_2029 : memref<5376x128xf32, #tpu.memory_space<hbm>>) dst(%dma_wait3A_2024 : memref<128x128xf32, #tpu.memory_space<vmem>>)
      %dma_wait3A_2030 = arith.constant 128 : i32
      %dma_wait3A_2031 = arith.constant 0 : i32
      %dma_wait3A_2032 = tpu.memref_slice %arg8[%dma_wait3A_2030, %dma_wait3A_2031] : memref<256x128xf32, #tpu.memory_space<vmem>> -> memref<128x128xf32, #tpu.memory_space<vmem>>
      %dma_wait3A_2033 = arith.constant 2176 : i32
      %dma_wait3A_2034 = tpu.memref_slice %arg5[%dma_wait3A_2033] : memref<3136xi32, #tpu.memory_space<vmem>> -> memref<128xi32, #tpu.memory_space<vmem>>
      %dma_wait3A_2035 = arith.constant 0 : i32
      %dma_wait3A_2036 = arith.constant 0 : i32
      %dma_wait3A_2037 = tpu.memref_slice %arg3[%dma_wait3A_2035, %dma_wait3A_2036] : memref<5376x128xf32, #tpu.memory_space<hbm>> -> memref<5376x128xf32, #tpu.memory_space<hbm>>
      tpu.wait_indirect_dma semaphore(%arg12 : memref<!tpu.dma_semaphore, #tpu.memory_space<semaphore_mem>>) src(%dma_wait3A_2037 : memref<5376x128xf32, #tpu.memory_space<hbm>>) dst(%dma_wait3A_2032 : memref<128x128xf32, #tpu.memory_space<vmem>>)
      %add3A_2038 = arith.constant 2048 : i32
      %add3A_2039 = arith.addi %multiple_of3A, %add3A_2038 : i32
      %dma_start3A_2040 = arith.constant 0 : i32
      %dma_start3A_2041 = tpu.memref_slice %arg4[%add3A_2039, %dma_start3A_2040] : memref<100000x128xf32, #tpu.memory_space<hbm>> -> memref<256x128xf32, #tpu.memory_space<hbm>>
      %dma_start3A_2042 = arith.constant 0 : i32
      %dma_start3A_2043 = tpu.memref_slice %arg4[%add3A_2039, %dma_start3A_2042] : memref<100000x128xf32, #tpu.memory_space<hbm>> -> memref<256x128xf32, #tpu.memory_space<hbm>>
      tpu.enqueue_dma source(%arg8 : memref<256x128xf32, #tpu.memory_space<vmem>>) target(%dma_start3A_2043 : memref<256x128xf32, #tpu.memory_space<hbm>>) target_semaphore(%arg15 : memref<!tpu.dma_semaphore, #tpu.memory_space<semaphore_mem>>)
      %dma_wait3A_2044 = arith.constant 0 : i32
      %dma_wait3A_2045 = tpu.memref_slice %arg4[%add3A_2039, %dma_wait3A_2044] : memref<100000x128xf32, #tpu.memory_space<hbm>> -> memref<256x128xf32, #tpu.memory_space<hbm>>
      %dma_wait3A_2046 = arith.constant 0 : i32
      %dma_wait3A_2047 = tpu.memref_slice %arg4[%add3A_2039, %dma_wait3A_2046] : memref<100000x128xf32, #tpu.memory_space<hbm>> -> memref<256x128xf32, #tpu.memory_space<hbm>>
      tpu.wait_dma2 semaphore(%arg15 : memref<!tpu.dma_semaphore, #tpu.memory_space<semaphore_mem>>) src(%arg8 : memref<256x128xf32, #tpu.memory_space<vmem>>) dst(%dma_wait3A_2047 : memref<256x128xf32, #tpu.memory_space<hbm>>)
      %dma_start3A_2048 = arith.constant 0 : i32
      %dma_start3A_2049 = arith.constant 0 : i32
      %dma_start3A_2050 = tpu.memref_slice %arg8[%dma_start3A_2048, %dma_start3A_2049] : memref<256x128xf32, #tpu.memory_space<vmem>> -> memref<128x128xf32, #tpu.memory_space<vmem>>
      %dma_start3A_2051 = arith.constant 2816 : i32
      %dma_start3A_2052 = tpu.memref_slice %arg5[%dma_start3A_2051] : memref<3136xi32, #tpu.memory_space<vmem>> -> memref<128xi32, #tpu.memory_space<vmem>>
      %dma_start3A_2053 = arith.constant 0 : i32
      %dma_start3A_2054 = arith.constant 0 : i32
      %dma_start3A_2055 = tpu.memref_slice %arg3[%dma_start3A_2053, %dma_start3A_2054] : memref<5376x128xf32, #tpu.memory_space<hbm>> -> memref<5376x128xf32, #tpu.memory_space<hbm>>
      tpu.enqueue_indirect_dma source(%dma_start3A_2055 : memref<5376x128xf32, #tpu.memory_space<hbm>>) target(%dma_start3A_2050 : memref<128x128xf32, #tpu.memory_space<vmem>>) offsets(%dma_start3A_2052 : memref<128xi32, #tpu.memory_space<vmem>>) semaphore(%arg12 : memref<!tpu.dma_semaphore, #tpu.memory_space<semaphore_mem>>)
      %dma_start3A_2056 = arith.constant 128 : i32
      %dma_start3A_2057 = arith.constant 0 : i32
      %dma_start3A_2058 = tpu.memref_slice %arg8[%dma_start3A_2056, %dma_start3A_2057] : memref<256x128xf32, #tpu.memory_space<vmem>> -> memref<128x128xf32, #tpu.memory_space<vmem>>
      %dma_start3A_2059 = arith.constant 2944 : i32
      %dma_start3A_2060 = tpu.memref_slice %arg5[%dma_start3A_2059] : memref<3136xi32, #tpu.memory_space<vmem>> -> memref<128xi32, #tpu.memory_space<vmem>>
      %dma_start3A_2061 = arith.constant 0 : i32
      %dma_start3A_2062 = arith.constant 0 : i32
      %dma_start3A_2063 = tpu.memref_slice %arg3[%dma_start3A_2061, %dma_start3A_2062] : memref<5376x128xf32, #tpu.memory_space<hbm>> -> memref<5376x128xf32, #tpu.memory_space<hbm>>
      tpu.enqueue_indirect_dma source(%dma_start3A_2063 : memref<5376x128xf32, #tpu.memory_space<hbm>>) target(%dma_start3A_2058 : memref<128x128xf32, #tpu.memory_space<vmem>>) offsets(%dma_start3A_2060 : memref<128xi32, #tpu.memory_space<vmem>>) semaphore(%arg12 : memref<!tpu.dma_semaphore, #tpu.memory_space<semaphore_mem>>)
      %dma_wait3A_2064 = arith.constant 0 : i32
      %dma_wait3A_2065 = arith.constant 0 : i32
      %dma_wait3A_2066 = tpu.memref_slice %arg6[%dma_wait3A_2064, %dma_wait3A_2065] : memref<256x128xf32, #tpu.memory_space<vmem>> -> memref<128x128xf32, #tpu.memory_space<vmem>>
      %dma_wait3A_2067 = arith.constant 2304 : i32
      %dma_wait3A_2068 = tpu.memref_slice %arg5[%dma_wait3A_2067] : memref<3136xi32, #tpu.memory_space<vmem>> -> memref<128xi32, #tpu.memory_space<vmem>>
      %dma_wait3A_2069 = arith.constant 0 : i32
      %dma_wait3A_2070 = arith.constant 0 : i32
      %dma_wait3A_2071 = tpu.memref_slice %arg3[%dma_wait3A_2069, %dma_wait3A_2070] : memref<5376x128xf32, #tpu.memory_space<hbm>> -> memref<5376x128xf32, #tpu.memory_space<hbm>>
      tpu.wait_indirect_dma semaphore(%arg10 : memref<!tpu.dma_semaphore, #tpu.memory_space<semaphore_mem>>) src(%dma_wait3A_2071 : memref<5376x128xf32, #tpu.memory_space<hbm>>) dst(%dma_wait3A_2066 : memref<128x128xf32, #tpu.memory_space<vmem>>)
      %dma_wait3A_2072 = arith.constant 128 : i32
      %dma_wait3A_2073 = arith.constant 0 : i32
      %dma_wait3A_2074 = tpu.memref_slice %arg6[%dma_wait3A_2072, %dma_wait3A_2073] : memref<256x128xf32, #tpu.memory_space<vmem>> -> memref<128x128xf32, #tpu.memory_space<vmem>>
      %dma_wait3A_2075 = arith.constant 2432 : i32
      %dma_wait3A_2076 = tpu.memref_slice %arg5[%dma_wait3A_2075] : memref<3136xi32, #tpu.memory_space<vmem>> -> memref<128xi32, #tpu.memory_space<vmem>>
      %dma_wait3A_2077 = arith.constant 0 : i32
      %dma_wait3A_2078 = arith.constant 0 : i32
      %dma_wait3A_2079 = tpu.memref_slice %arg3[%dma_wait3A_2077, %dma_wait3A_2078] : memref<5376x128xf32, #tpu.memory_space<hbm>> -> memref<5376x128xf32, #tpu.memory_space<hbm>>
      tpu.wait_indirect_dma semaphore(%arg10 : memref<!tpu.dma_semaphore, #tpu.memory_space<semaphore_mem>>) src(%dma_wait3A_2079 : memref<5376x128xf32, #tpu.memory_space<hbm>>) dst(%dma_wait3A_2074 : memref<128x128xf32, #tpu.memory_space<vmem>>)
      %add3A_2080 = arith.constant 2304 : i32
      %add3A_2081 = arith.addi %multiple_of3A, %add3A_2080 : i32
      %dma_start3A_2082 = arith.constant 0 : i32
      %dma_start3A_2083 = tpu.memref_slice %arg4[%add3A_2081, %dma_start3A_2082] : memref<100000x128xf32, #tpu.memory_space<hbm>> -> memref<256x128xf32, #tpu.memory_space<hbm>>
      %dma_start3A_2084 = arith.constant 0 : i32
      %dma_start3A_2085 = tpu.memref_slice %arg4[%add3A_2081, %dma_start3A_2084] : memref<100000x128xf32, #tpu.memory_space<hbm>> -> memref<256x128xf32, #tpu.memory_space<hbm>>
      tpu.enqueue_dma source(%arg6 : memref<256x128xf32, #tpu.memory_space<vmem>>) target(%dma_start3A_2085 : memref<256x128xf32, #tpu.memory_space<hbm>>) target_semaphore(%arg13 : memref<!tpu.dma_semaphore, #tpu.memory_space<semaphore_mem>>)
      %dma_wait3A_2086 = arith.constant 0 : i32
      %dma_wait3A_2087 = arith.constant 0 : i32
      %dma_wait3A_2088 = tpu.memref_slice %arg7[%dma_wait3A_2086, %dma_wait3A_2087] : memref<256x128xf32, #tpu.memory_space<vmem>> -> memref<128x128xf32, #tpu.memory_space<vmem>>
      %dma_wait3A_2089 = arith.constant 2560 : i32
      %dma_wait3A_2090 = tpu.memref_slice %arg5[%dma_wait3A_2089] : memref<3136xi32, #tpu.memory_space<vmem>> -> memref<128xi32, #tpu.memory_space<vmem>>
      %dma_wait3A_2091 = arith.constant 0 : i32
      %dma_wait3A_2092 = arith.constant 0 : i32
      %dma_wait3A_2093 = tpu.memref_slice %arg3[%dma_wait3A_2091, %dma_wait3A_2092] : memref<5376x128xf32, #tpu.memory_space<hbm>> -> memref<5376x128xf32, #tpu.memory_space<hbm>>
      tpu.wait_indirect_dma semaphore(%arg11 : memref<!tpu.dma_semaphore, #tpu.memory_space<semaphore_mem>>) src(%dma_wait3A_2093 : memref<5376x128xf32, #tpu.memory_space<hbm>>) dst(%dma_wait3A_2088 : memref<128x128xf32, #tpu.memory_space<vmem>>)
      %dma_wait3A_2094 = arith.constant 128 : i32
      %dma_wait3A_2095 = arith.constant 0 : i32
      %dma_wait3A_2096 = tpu.memref_slice %arg7[%dma_wait3A_2094, %dma_wait3A_2095] : memref<256x128xf32, #tpu.memory_space<vmem>> -> memref<128x128xf32, #tpu.memory_space<vmem>>
      %dma_wait3A_2097 = arith.constant 2688 : i32
      %dma_wait3A_2098 = tpu.memref_slice %arg5[%dma_wait3A_2097] : memref<3136xi32, #tpu.memory_space<vmem>> -> memref<128xi32, #tpu.memory_space<vmem>>
      %dma_wait3A_2099 = arith.constant 0 : i32
      %dma_wait3A_2100 = arith.constant 0 : i32
      %dma_wait3A_2101 = tpu.memref_slice %arg3[%dma_wait3A_2099, %dma_wait3A_2100] : memref<5376x128xf32, #tpu.memory_space<hbm>> -> memref<5376x128xf32, #tpu.memory_space<hbm>>
      tpu.wait_indirect_dma semaphore(%arg11 : memref<!tpu.dma_semaphore, #tpu.memory_space<semaphore_mem>>) src(%dma_wait3A_2101 : memref<5376x128xf32, #tpu.memory_space<hbm>>) dst(%dma_wait3A_2096 : memref<128x128xf32, #tpu.memory_space<vmem>>)
      %add3A_2102 = arith.constant 2560 : i32
      %add3A_2103 = arith.addi %multiple_of3A, %add3A_2102 : i32
      %dma_start3A_2104 = arith.constant 0 : i32
      %dma_start3A_2105 = tpu.memref_slice %arg4[%add3A_2103, %dma_start3A_2104] : memref<100000x128xf32, #tpu.memory_space<hbm>> -> memref<256x128xf32, #tpu.memory_space<hbm>>
      %dma_start3A_2106 = arith.constant 0 : i32
      %dma_start3A_2107 = tpu.memref_slice %arg4[%add3A_2103, %dma_start3A_2106] : memref<100000x128xf32, #tpu.memory_space<hbm>> -> memref<256x128xf32, #tpu.memory_space<hbm>>
      tpu.enqueue_dma source(%arg7 : memref<256x128xf32, #tpu.memory_space<vmem>>) target(%dma_start3A_2107 : memref<256x128xf32, #tpu.memory_space<hbm>>) target_semaphore(%arg14 : memref<!tpu.dma_semaphore, #tpu.memory_space<semaphore_mem>>)
      %dma_wait3A_2108 = arith.constant 0 : i32
      %dma_wait3A_2109 = arith.constant 0 : i32
      %dma_wait3A_2110 = tpu.memref_slice %arg8[%dma_wait3A_2108, %dma_wait3A_2109] : memref<256x128xf32, #tpu.memory_space<vmem>> -> memref<128x128xf32, #tpu.memory_space<vmem>>
      %dma_wait3A_2111 = arith.constant 2816 : i32
      %dma_wait3A_2112 = tpu.memref_slice %arg5[%dma_wait3A_2111] : memref<3136xi32, #tpu.memory_space<vmem>> -> memref<128xi32, #tpu.memory_space<vmem>>
      %dma_wait3A_2113 = arith.constant 0 : i32
      %dma_wait3A_2114 = arith.constant 0 : i32
      %dma_wait3A_2115 = tpu.memref_slice %arg3[%dma_wait3A_2113, %dma_wait3A_2114] : memref<5376x128xf32, #tpu.memory_space<hbm>> -> memref<5376x128xf32, #tpu.memory_space<hbm>>
      tpu.wait_indirect_dma semaphore(%arg12 : memref<!tpu.dma_semaphore, #tpu.memory_space<semaphore_mem>>) src(%dma_wait3A_2115 : memref<5376x128xf32, #tpu.memory_space<hbm>>) dst(%dma_wait3A_2110 : memref<128x128xf32, #tpu.memory_space<vmem>>)
      %dma_wait3A_2116 = arith.constant 128 : i32
      %dma_wait3A_2117 = arith.constant 0 : i32
      %dma_wait3A_2118 = tpu.memref_slice %arg8[%dma_wait3A_2116, %dma_wait3A_2117] : memref<256x128xf32, #tpu.memory_space<vmem>> -> memref<128x128xf32, #tpu.memory_space<vmem>>
      %dma_wait3A_2119 = arith.constant 2944 : i32
      %dma_wait3A_2120 = tpu.memref_slice %arg5[%dma_wait3A_2119] : memref<3136xi32, #tpu.memory_space<vmem>> -> memref<128xi32, #tpu.memory_space<vmem>>
      %dma_wait3A_2121 = arith.constant 0 : i32
      %dma_wait3A_2122 = arith.constant 0 : i32
      %dma_wait3A_2123 = tpu.memref_slice %arg3[%dma_wait3A_2121, %dma_wait3A_2122] : memref<5376x128xf32, #tpu.memory_space<hbm>> -> memref<5376x128xf32, #tpu.memory_space<hbm>>
      tpu.wait_indirect_dma semaphore(%arg12 : memref<!tpu.dma_semaphore, #tpu.memory_space<semaphore_mem>>) src(%dma_wait3A_2123 : memref<5376x128xf32, #tpu.memory_space<hbm>>) dst(%dma_wait3A_2118 : memref<128x128xf32, #tpu.memory_space<vmem>>)
      %add3A_2124 = arith.constant 2816 : i32
      %add3A_2125 = arith.addi %multiple_of3A, %add3A_2124 : i32
      %dma_start3A_2126 = arith.constant 0 : i32
      %dma_start3A_2127 = tpu.memref_slice %arg4[%add3A_2125, %dma_start3A_2126] : memref<100000x128xf32, #tpu.memory_space<hbm>> -> memref<256x128xf32, #tpu.memory_space<hbm>>
      %dma_start3A_2128 = arith.constant 0 : i32
      %dma_start3A_2129 = tpu.memref_slice %arg4[%add3A_2125, %dma_start3A_2128] : memref<100000x128xf32, #tpu.memory_space<hbm>> -> memref<256x128xf32, #tpu.memory_space<hbm>>
      tpu.enqueue_dma source(%arg8 : memref<256x128xf32, #tpu.memory_space<vmem>>) target(%dma_start3A_2129 : memref<256x128xf32, #tpu.memory_space<hbm>>) target_semaphore(%arg15 : memref<!tpu.dma_semaphore, #tpu.memory_space<semaphore_mem>>)
      %dma_wait3A_2130 = arith.constant 0 : i32
      %dma_wait3A_2131 = tpu.memref_slice %arg4[%add3A_2081, %dma_wait3A_2130] : memref<100000x128xf32, #tpu.memory_space<hbm>> -> memref<256x128xf32, #tpu.memory_space<hbm>>
      %dma_wait3A_2132 = arith.constant 0 : i32
      %dma_wait3A_2133 = tpu.memref_slice %arg4[%add3A_2081, %dma_wait3A_2132] : memref<100000x128xf32, #tpu.memory_space<hbm>> -> memref<256x128xf32, #tpu.memory_space<hbm>>
      tpu.wait_dma2 semaphore(%arg13 : memref<!tpu.dma_semaphore, #tpu.memory_space<semaphore_mem>>) src(%arg6 : memref<256x128xf32, #tpu.memory_space<vmem>>) dst(%dma_wait3A_2133 : memref<256x128xf32, #tpu.memory_space<hbm>>)
      %dma_wait3A_2134 = arith.constant 0 : i32
      %dma_wait3A_2135 = tpu.memref_slice %arg4[%add3A_2103, %dma_wait3A_2134] : memref<100000x128xf32, #tpu.memory_space<hbm>> -> memref<256x128xf32, #tpu.memory_space<hbm>>
      %dma_wait3A_2136 = arith.constant 0 : i32
      %dma_wait3A_2137 = tpu.memref_slice %arg4[%add3A_2103, %dma_wait3A_2136] : memref<100000x128xf32, #tpu.memory_space<hbm>> -> memref<256x128xf32, #tpu.memory_space<hbm>>
      tpu.wait_dma2 semaphore(%arg14 : memref<!tpu.dma_semaphore, #tpu.memory_space<semaphore_mem>>) src(%arg7 : memref<256x128xf32, #tpu.memory_space<vmem>>) dst(%dma_wait3A_2137 : memref<256x128xf32, #tpu.memory_space<hbm>>)
      %dma_wait3A_2138 = arith.constant 0 : i32
      %dma_wait3A_2139 = tpu.memref_slice %arg4[%add3A_2125, %dma_wait3A_2138] : memref<100000x128xf32, #tpu.memory_space<hbm>> -> memref<256x128xf32, #tpu.memory_space<hbm>>
      %dma_wait3A_2140 = arith.constant 0 : i32
      %dma_wait3A_2141 = tpu.memref_slice %arg4[%add3A_2125, %dma_wait3A_2140] : memref<100000x128xf32, #tpu.memory_space<hbm>> -> memref<256x128xf32, #tpu.memory_space<hbm>>
      tpu.wait_dma2 semaphore(%arg15 : memref<!tpu.dma_semaphore, #tpu.memory_space<semaphore_mem>>) src(%arg8 : memref<256x128xf32, #tpu.memory_space<vmem>>) dst(%dma_wait3A_2141 : memref<256x128xf32, #tpu.memory_space<hbm>>)
      %dma_wait3A_2142 = arith.constant 0 : i32
      %dma_wait3A_2143 = arith.constant 0 : i32
      %dma_wait3A_2144 = tpu.memref_slice %arg9[%dma_wait3A_2142, %dma_wait3A_2143] : memref<128x128xf32, #tpu.memory_space<vmem>> -> memref<48x128xf32, #tpu.memory_space<vmem>>
      %dma_wait3A_2145 = arith.constant 0 : i32
      %dma_wait3A_2146 = tpu.memref_slice %arg4[%add3A_1697, %dma_wait3A_2145] : memref<100000x128xf32, #tpu.memory_space<hbm>> -> memref<48x128xf32, #tpu.memory_space<hbm>>
      %dma_wait3A_2147 = arith.constant 0 : i32
      %dma_wait3A_2148 = tpu.memref_slice %arg4[%add3A_1697, %dma_wait3A_2147] : memref<100000x128xf32, #tpu.memory_space<hbm>> -> memref<48x128xf32, #tpu.memory_space<hbm>>
      %dma_wait3A_2149 = arith.constant 0 : i32
      %dma_wait3A_2150 = arith.constant 0 : i32
      %dma_wait3A_2151 = tpu.memref_slice %arg9[%dma_wait3A_2149, %dma_wait3A_2150] : memref<128x128xf32, #tpu.memory_space<vmem>> -> memref<48x128xf32, #tpu.memory_space<vmem>>
      tpu.wait_dma2 semaphore(%arg17 : memref<!tpu.dma_semaphore, #tpu.memory_space<semaphore_mem>>) src(%dma_wait3A_2151 : memref<48x128xf32, #tpu.memory_space<vmem>>) dst(%dma_wait3A_2148 : memref<48x128xf32, #tpu.memory_space<hbm>>)
    } else {
    }
    return
  }
}

</mosaic_0001>

<sc_bundles>
// kernel: _lookup.3.cloned.1.call-start
scs
__scs_entry_jumppad:
0x0: {  	(pc) =	sbr.rel $0x88, $3  }
0x1: {  	(tag) =	ssettag $0x0;
	lr =	simm.s32 $0x1  }
0x2: {  	[smem:$0x3F9F] =	sst lr;
	_ =	strace $0xD0000000  }
0x3: {  	_ = 	snop  }
0x4: {  	_ = 	snop  }
0x5: {  	_ = 	snop  }
0x6: {  	_ = 	snop  }
0x7: {  	_ = 	snop  }
__scs_overlays_trampoline_lowered:
0x8: {  	[smem:$0x3FAE] =	sst s0  }
0x9: {  	[smem:$0x3FAF] =	sst s1  }
0xa: {  	[smem:$0x3FB0] =	sst s2  }
0xb: {  	[smem:$0x3FB1] =	sst s3  }
0xc: {  	[smem:$0x3FB2] =	sst s4  }
0xd: {  	[smem:$0x3FB3] =	sst s5  }
0xe: {  	[smem:$0x3FB4] =	sst s6  }
0xf: {  	[smem:$0x3FB5] =	sst s7  }
0x10: {  	[smem:$0x3FB6] =	sst s8  }
0x11: {  	[smem:$0x3FB7] =	sst s9;
	s0 =	simm.s32 @!p0 $0x0  }
0x12: {  	s1 =	sld [smem:$0x3F9D];
	s0 =	simm.s32 @p0 $0x1  }
0x13: {  	[smem:$0x3FB8] =	sst s0;
	s0 =	simm.s32 @!p1 $0x0  }
0x14: {  	s2 =	sld [smem:$0x3F9C];
	s0 =	simm.s32 @p1 $0x1  }
0x15: {  	[smem:$0x3FB9] =	sst s0;
	s0 =	simm.s32 @!p2 $0x0  }
0x16: {  	s3 =	sld [smem:$0x3FDB];
	s0 =	simm.s32 @p2 $0x1  }
0x17: {  	s4 =	simm.s32 $0x1BF5;
	[smem:$0x3FBB] =	sst s0  }
0x18: {  	s0 =	sld [smem:$0x3F9E];
	_ =	swait.ge [sflag:s4], $0x0  }
0x19: {  	s7 =	sld [smem:$0x3F9F]  }
0x1a: {  	s8 =	sadd.s32 $0xFFFFE003, lr  }
0x1b: {  	s9 =	sadd.s32 $0xFFFFFEF7, lr;
	s5 =	simm.s32 $0xFFFFFFFF;
	p2 =	slt.u32 s8, $0xFFFFF086  }
0x1c: {  	p1 =	slt.u32 s9, $0xF7A;
	s5 =	simm.s32 @!p2 $0x0  }
0x1d: {  	s5 =	simm.s32 @p1 $0x1;
	p0 =	seq.s32 s7, s2  }
0x1e: {  	s7 =	smul.u32 @!p0 $0xF7A, s2;
	p2 =	seq.s32 @!p0 s5, $0x0  }
0x1f: {  	s9 =	smul.u32 $0xF7A, s1;
	s8 =	simm.s32 @!p0 $0x1BF5;
	p2 =	por !p2, p0  }
0x20: {  	[sflag:s8] =	ssyncset.s32 @!p0 $0xFFFFF086;
	s6 =	sadd.s32 @!p0 s3, s7;
	s7 =	simm.s32 @!p0 $0x108  }
0x21: {  	s3 =	sadd.s32 s3, s9;
	s6 =	sadd.s32 @!p0 $0x88, s6;
	s7 =	simm.s32 @p2 $0x1082  }
0x22: {  	[simem:s7], [sflag:s8] =	dma.local @!p0 [hbm:s6], $0xF7A  }
0x23: {  	s9 =	sor.u32 $0xD0000000, s2;
	s6 =	simm.s32 $0x108;
	_ =	swait.ge @!p0 [sflag:s8], $0x0  }
0x24: {  	s3 =	sadd.s32 $0x88, s3;
	s6 =	simm.s32 @!p1 $0x1082;
	[sflag:s4] =	ssyncset.s32 $0xFFFFF086  }
0x25: {  	[simem:s6], [sflag:s4] =	dma.local [hbm:s3], $0xF7A  }
0x26: {  	[smem:$0x3F9F] =	sst s1;
	(tag) =	ssettag s2;
	_ =	strace s9  }
0x27: {  	s1 =	sld [smem:$0x3FAF]  }
0x28: {  	s2 =	sld [smem:$0x3FB0]  }
0x29: {  	s4 =	sld [smem:$0x3FB2]  }
0x2a: {  	p0 =	seq.s32 s5, $0x0;
	s5 =	sld [smem:$0x3FB3]  }
0x2b: {  	s6 =	sld [smem:$0x3FB4]  }
0x2c: {  	s7 =	sld [smem:$0x3FB5]  }
0x2d: {  	s3 =	simm.s32 $0x108;
	s8 =	sld [smem:$0x3FB6]  }
0x2e: {  	s3 =	simm.s32 @!p0 $0x1082;
	s9 =	sld [smem:$0x3FB7]  }
0x2f: {  	lr =	sadd.s32 s0, s3;
	s0 =	sld [smem:$0x3FAE]  }
0x30: {  	s3 =	sld [smem:$0x3FB1]  }
0x31: {  	[smem:$0x3FBA] =	sst s10  }
0x32: {  	s10 =	sld [smem:$0x3FB8];
	_ =	sdelay $0x3  }
0x33: {  	p0 =	seq.s32 s10, $0x1;
	s10 =	sld [smem:$0x3FBA];
	_ =	sdelay $0x3  }
0x34: {  	[smem:$0x3FBA] =	sst s10  }
0x35: {  	s10 =	sld [smem:$0x3FB9];
	_ =	sdelay $0x3  }
0x36: {  	p1 =	seq.s32 s10, $0x1;
	s10 =	sld [smem:$0x3FBA];
	_ =	sdelay $0x3  }
0x37: {  	[smem:$0x3FBA] =	sst s10  }
0x38: {  	s10 =	sld [smem:$0x3FBB]  }
0x39: {  	_ = 	snop;
	(pc) =	sbr.ind lr, $3  }
0x3a: {  	_ = 	snop  }
0x3b: {  	_ = 	snop  }
0x3c: {  	p2 =	seq.s32 s10, $0x1;
	s10 =	sld [smem:$0x3FBA]  }
0x3d: {  	_ =	shalt  }
0x3e: {  	_ =	shalt  }
0x3f: {  	_ =	shalt  }
0x40: {  	_ =	shalt  }
0x41: {  	_ =	shalt  }
0x42: {  	_ =	shalt  }
0x43: {  	_ =	shalt  }
0x44: {  	_ =	shalt  }
0x45: {  	_ =	shalt  }
0x46: {  	_ =	shalt  }
0x47: {  	_ =	shalt  }
0x48: {  	_ =	shalt  }
0x49: {  	_ =	shalt  }
0x4a: {  	_ =	shalt  }
0x4b: {  	_ =	shalt  }
0x4c: {  	_ =	shalt  }
0x4d: {  	_ =	shalt  }
0x4e: {  	_ =	shalt  }
0x4f: {  	_ =	shalt  }
0x50: {  	_ =	shalt  }
0x51: {  	_ =	shalt  }
0x52: {  	_ =	shalt  }
0x53: {  	_ =	shalt  }
0x54: {  	_ =	shalt  }
0x55: {  	_ =	shalt  }
0x56: {  	_ =	shalt  }
0x57: {  	_ =	shalt  }
0x58: {  	_ =	shalt  }
0x59: {  	_ =	shalt  }
0x5a: {  	_ =	shalt  }
0x5b: {  	_ =	shalt  }
0x5c: {  	_ =	shalt  }
0x5d: {  	_ =	shalt  }
0x5e: {  	_ =	shalt  }
0x5f: {  	_ =	shalt  }
0x60: {  	_ =	shalt  }
0x61: {  	_ =	shalt  }
0x62: {  	_ =	shalt  }
0x63: {  	_ =	shalt  }
0x64: {  	_ =	shalt  }
0x65: {  	_ =	shalt  }
0x66: {  	_ =	shalt  }
0x67: {  	_ =	shalt  }
0x68: {  	_ =	shalt  }
0x69: {  	_ =	shalt  }
0x6a: {  	_ =	shalt  }
0x6b: {  	_ =	shalt  }
0x6c: {  	_ =	shalt  }
0x6d: {  	_ =	shalt  }
0x6e: {  	_ =	shalt  }
0x6f: {  	_ =	shalt  }
0x70: {  	_ =	shalt  }
0x71: {  	_ =	shalt  }
0x72: {  	_ =	shalt  }
0x73: {  	_ =	shalt  }
0x74: {  	_ =	shalt  }
0x75: {  	_ =	shalt  }
0x76: {  	_ =	shalt  }
0x77: {  	_ =	shalt  }
0x78: {  	_ =	shalt  }
0x79: {  	_ =	shalt  }
0x7a: {  	_ =	shalt  }
0x7b: {  	_ =	shalt  }
0x7c: {  	_ =	shalt  }
0x7d: {  	_ =	shalt  }
0x7e: {  	_ =	shalt  }
0x7f: {  	_ =	shalt  }
0x80: {  	_ =	shalt  }
0x81: {  	_ =	shalt  }
0x82: {  	_ =	shalt  }
0x83: {  	_ =	shalt  }
0x84: {  	_ =	shalt  }
0x85: {  	_ =	shalt  }
0x86: {  	_ =	shalt  }
0x87: {  	_ =	shalt  }
.Lfunc_end0:
.L_simem_size_0:
called_computation_lowered:
.L_overlay_start_0:
0x88: {  	s2 =	sld [smem:$0x3FD9]  }
0x89: {  	s3 =	sld [smem:$0x3FFE];
	_ =	sdelay $0x1  }
0x8a: {  	s1 =	srdreg.scid  }
0x8b: {  	s0 =	sand.u32 $0x1, s1  }
0x8c: {  	s18 =	sshll.u32 s0, $0xA;
	s2 =	sadd.s32 s3, s2  }
0x8d: {  	s2 =	sadd.s32 s2, s18  }
0x8e: {  	[smem:$0x3FC6] =	sst s2  }
0x8f: {  	_ = 	snop  }
0x90: {  	s2 =	sld [smem:$0x3FC9]  }
0x91: {  	s19 =	sld [smem:$0x3FC8]  }
0x92: {  	s4 =	sld [smem:$0x3FD0];
	(tm) =	ssettm $0x1  }
0x93: {  	s5 =	sld [smem:$0x3FFB];
	_ =	sdelay $0x3  }
0x94: {  	_ =	strace s5  }
0x95: {  	s5 =	sld [smem:$0x3FFC];
	_ =	sdelay $0x3  }
0x96: {  	_ =	strace s5  }
0x97: {  	s5 =	sld [smem:$0x3FFD];
	_ =	sdelay $0x3  }
0x98: {  	_ =	strace s5  }
0x99: {  	_ =	strace $0x8FFFFFFF  }
0x9a: {  	s20 =	sld [smem:$0x3FDB];
	_ =	sdelay $0x1  }
0x9b: {  	s6 =	simm.s32 $_scs_section_size  }
0x9c: {  	s7 =	simm.s32 $_size__tile_overlayer_lowered;
	s8 =	simm.s32 $_tile_overlayer_lowered  }
0x9d: {  	s23 =	simm.s32 $0x1BFF;
	s22 =	sshll.u32 s8, $0x1;
	s5 =	sadd.s32 s6, s20  }
0x9e: {  	s9 =	simm.s32 $0x0;
	s21 =	sshll.u32 s7, $0x1;
	s7 =	sadd.s32 s22, s5  }
0x9f: {  	[timem:s9], [sflag:s23] =	dma.local [hbm:s7], s21  }
0xa0: {  	_ =	swait.ge [sflag:s23], s21  }
0xa1: {  	s6 =	ssub.s32 $0x0, s21;
	[sflag:s23] =	ssyncset.done $0x0  }
0xa2: {  	[sflag:s23] =	ssyncadd.s32 s6;
	_ =	sdelay $0x1  }
0xa3: {  	s24 =	simm.s32 $0x1B8B  }
0xa4: {  	_ =	swait.ge [sflag:s24], $0x1  }
0xa5: {  	[sflag:s24] =	ssyncset.done $0x0  }
0xa6: {  	s25 =	simm.s32 $0x1B8E;
	[sflag:s24] =	ssyncadd.s32 $0xFFFFFFFF  }
0xa7: {  	s26 =	simm.s32 $execute0_lowered;
	[smem:$0x3FD2] =	sst s25  }
0xa8: {  	s6 =	sshll.u32 s26, $0x1;
	_ =	strace $0x80000046;
	[dreg:$0x1] =	wrdreg $0xFFFFFFFF  }
0xa9: {  	s28 =	simm.s32 $_size_execute0_lowered;
	s5 =	sadd.s32 s5, s6;
	[dreg:$0x0] =	wrdreg $0x0  }
0xaa: {  	s6 =	sshll.u32 s28, $0x1;
	[dreg:$0x2] =	wrdreg s5  }
0xab: {  	[dreg:$0x3] =	wrdreg s6  }
0xac: {  	[dreg:$0x4] =	wrdreg $0xC0  }
0xad: {  	_ =	task [dreg:s9], $0x5FFFF  }
0xae: {  	[dreg:$0x1] =	wrdreg $0xFFFFFFFF  }
0xaf: {  	[dreg:$0x0] =	wrdreg $0x60  }
0xb0: {  	[dreg:$0x2] =	wrdreg s2  }
0xb1: {  	[dreg:$0x3] =	wrdreg s19  }
0xb2: {  	[dreg:$0x4] =	wrdreg s4  }
0xb3: {  	[dreg:$0x5] =	wrdreg $0x9  }
0xb4: {  	_ =	task.clear_ibuf [dreg:s9], $0x6FFFF;
	_ =	strace $0x90000046  }
0xb5: {  	s29 =	simm.s32 $0x9;
	_ =	strace $0x80000048  }
0xb6: {  	_ =	swait.ge [sflag:s29], $0x1  }
0xb7: {  	[sflag:s29] =	ssyncadd.s32 $0xFFFFFFFF  }
0xb8: {  	_ =	strace $0x90000048  }
0xb9: {  	_ =	sfence  }
0xba: {  	s30 =	sld [smem:$0x0];
	_ =	sdelay $0x2  }
0xbb: {  	s31 =	sshll.u32 s1, $0xD;
	s1 =	sshrl.u32 s1, $0x2  }
0xbc: {  	s3 =	sand.u32 $0x4000, s31;
	s1 =	sadd.s32 s1, s30  }
0xbd: {  	s0 =	sor.u32 s3, s0;
	s1 =	sshll.u32 s1, $0x11  }
0xbe: {  	s0 =	sor.u32 s1, s0  }
0xbf: {  	s0 =	sadd.s32 $0x8F2B, s0  }
0xc0: {  	[sflag:s0] =	ssyncadd.remote.s32 $0x1  }
0xc1: {  	_ =	sfence.sel $0xFFFF  }
0xc2: {  	[dreg:$0x0] =	wrdreg $0xFFFFFFFF;
	(pc) =	sbr.abs _section_cstart, $3  }
0xc3: {  	[dreg:$0x1] =	wrdreg $0xFFFFFFFF  }
0xc4: {  	_ =	task.clear_ibuf [dreg:s9], $0x2FFFF;
	_ =	strace $0x9FFFFFFF  }
0xc5: {  	(tm) =	ssettm $0x7FFFFFFF  }
tec
execute0_lowered:
.L_overlay_start_1:
0x0: {  	(tag) =	ssettag $0x1  }
0x1: {  	s0 =	rddreg [dreg:$0x0]  }
0x2: {  	s1 =	srdreg.scid;
	s9 =	stileid.u32  }
0x3: {  	s2 =	rddreg [dreg:$0x1];
	s1 =	sand.u32 $0x1, s1;
	s3 =	sshll.u32 s9, $0x1  }
0x4: {  	s6 =	rddreg [dreg:$0x2];
	s7 =	sor.u32 s1, s3  }
0x5: {  	s28 =	simm.s32 $0x800;
	s29 =	simm.s32 $0x880;
	s10 =	smul.u32 $0x61C00, s7  }
0x6: {  	p0 =	sgt.u32 s9, $0x9;
	s3 =	simm.s32 $0x0;
	s11 =	smul.u32 $0xC380, s7  }
0x7: {  	s1 =	ssub.s32 $0x2, s1;
	s8 =	smul.u32 $0xC38, s7;
	s10 =	sshrl.u32 s10, $0x3  }
0x8: {  	[smem:$0x7FF] =	sst s3;
	s18 =	sadd.s32 s6, s11;
	s17 =	sadd.s32 s6, s10  }
0x9: {  	_ =	strace $0x80000047;
	[dreg:$0x4] =	wrdreg s18;
	s19 =	sadd.s32 $0xC000, s17  }
0xa: {  	s4 =	smul.u32 $0xC30, s7;
	s20 =	sadd.s32 $0x1000, s17;
	[dreg:$0x5] =	wrdreg s19  }
0xb: {  	s5 =	sshrl.u32 s1, $0x1;
	s21 =	sadd.s32 $0x2000, s17;
	[dreg:$0x6] =	wrdreg s20  }
0xc: {  	s1 =	ssub.s32 s1, s5;
	s22 =	sadd.s32 $0x3000, s17;
	[dreg:$0x7] =	wrdreg s21  }
0xd: {  	s4 =	sadd.s32 $0xA0, s4;
	s23 =	sadd.s32 $0x4000, s17;
	[dreg:$0x8] =	wrdreg s22  }
0xe: {  	s15 =	sshrl.u32 s8, $0x3;
	s24 =	sadd.s32 $0x5000, s17;
	[dreg:$0x9] =	wrdreg s23  }
0xf: {  	s8 =	smov.u32 @p0 s4;
	s25 =	sadd.s32 $0x6000, s17;
	[dreg:$0xa] =	wrdreg s24  }
0x10: {  	s16 =	sshrl.u32 s4, $0x3;
	s26 =	sadd.s32 $0x7000, s17;
	[dreg:$0xb] =	wrdreg s25  }
0x11: {  	s4 =	sadd.s32 s0, s15;
	s9 =	sadd.s32 $0x8000, s17;
	[dreg:$0xc] =	wrdreg s26  }
0x12: {  	s5 =	sadd.s32 s0, s16;
	s11 =	sadd.s32 $0x9000, s17;
	[dreg:$0xd] =	wrdreg s9  }
0x13: {  	s10 =	sshll.u32 s8, $0x4;
	s13 =	sadd.s32 $0xA000, s17;
	[dreg:$0xe] =	wrdreg s11  }
0x14: {  	s0 =	sadd.s32 $0xB000, s17;
	[dreg:$0xf] =	wrdreg s13;
	s14 =	sand.u32 $0x1FFFFF80, s10  }
0x15: {  	[dreg:$0x10] =	wrdreg s0;
	s15 =	sadd.s32 s6, s10;
	s16 =	sadd.s32 s6, s14  }
0x16: {  	v0 =	vlaneseq.u32;
	s30 =	simm.s32 $0x980;
	[dreg:$0x11] =	wrdreg s15;
	s6 =	sadd.s32 $0xC000, s16  }
0x17: {  	s31 =	simm.s32 $0xA00;
	v0 =	vand.u32 $0x7, v0;
	s17 =	sadd.s32 $0x1000, s16;
	[dreg:$0x12] =	wrdreg s6  }
0x18: {  	v0 =	vmul.u32 $0x15, v0;
	s12 =	smul.u32 $0xA8, s7;
	s18 =	sadd.s32 $0x2000, s16;
	[dreg:$0x13] =	wrdreg s17  }
0x19: {  	s7 =	simm.s32 $0x18C80;
	s19 =	sadd.s32 $0x3000, s16;
	[dreg:$0x14] =	wrdreg s18  }
0x1a: {  	v0 =	vadd.s32 s12, v0;
	s12 =	simm.s32 $0xB80;
	s20 =	sadd.s32 $0x4000, s16;
	[dreg:$0x15] =	wrdreg s19  }
0x1b: {  	s8 =	simm.s32 $0xC80;
	s21 =	sadd.s32 $0x5000, s16;
	[dreg:$0x16] =	wrdreg s20  }
0x1c: {  	s9 =	simm.s32 $0x4C80;
	s22 =	sadd.s32 $0x6000, s16;
	[dreg:$0x17] =	wrdreg s21  }
0x1d: {  	s11 =	simm.s32 $0x8C80;
	s23 =	sadd.s32 $0x7000, s16;
	[dreg:$0x18] =	wrdreg s22  }
0x1e: {  	s10 =	simm.s32 $0xCC80;
	s24 =	sadd.s32 $0x8000, s16;
	[dreg:$0x19] =	wrdreg s23  }
0x1f: {  	s13 =	simm.s32 $0x1;
	s25 =	sadd.s32 $0x9000, s16;
	[dreg:$0x1a] =	wrdreg s24  }
0x20: {  	s14 =	simm.s32 $0x10C80;
	s26 =	sadd.s32 $0xA000, s16;
	[dreg:$0x1b] =	wrdreg s25  }
0x21: {  	s15 =	simm.s32 $0x14C80;
	s0 =	sadd.s32 $0xB000, s16;
	[dreg:$0x1c] =	wrdreg s26  }
.Ltmp0:
0x22: {  	s16 =	simm.s32 $0x7;
	[dreg:$0x1d] =	wrdreg s0;
	(pc) =	sbr.rel .LBB2_1-.Ltmp0, $4  }
0x23: {  	s0 =	smax.u32 s1, $0x1;
	s6 =	simm.s32 $0x80;
	s26 =	simm.s32 $0x100  }
0x24: {  	s17 =	simm.s32 $0x4;
	s19 =	simm.s32 $0x2;
	s20 =	simm.s32 $0x5  }
0x25: {  	s18 =	simm.s32 $0x3;
	s22 =	simm.s32 $0x6;
	s23 =	simm.s32 $0x900  }
0x26: {  	s24 =	simm.s32 $0xA80;
	s1 =	simm.s32 $0xB00;
	s25 =	simm.s32 $0x8  }
.LBB2_3:
0x27: {  	s21 =	simm.s32 $0x30;
	s26 =	simm.s32 $0xC00  }
0x28: {  	[tilespmem:s7], [sflag:$0x7] =	stream.indirect.gather [hbm4b:s2+s21], $0x80, s26, s21, $0xb8;
	[tilespmem:$0x1CC80] =	vst v63  }
0x29: {  	_ = 	snop  }
0x2a: {  	[tilespmem:s8], [sflag:$0x1] =	stream.indirect.gather [hbm4b:s2+s6], $0x80, s3, s6, $0xb8;
	[tilespmem:$0x1CC80] =	vst v63  }
0x2b: {  	_ = 	snop  }
0x2c: {  	[tilespmem:s9], [sflag:$0x1] =	stream.indirect.gather [hbm4b:s2+s6], $0x80, s6, s6, $0xb8;
	[tilespmem:$0x1CC80] =	vst v63  }
0x2d: {  	s26 =	simm.s32 $0x100  }
0x2e: {  	[tilespmem:s11], [sflag:$0x2] =	stream.indirect.gather [hbm4b:s2+s6], $0x80, s26, s6, $0xb8;
	[tilespmem:$0x1CC80] =	vst v63  }
0x2f: {  	s21 =	simm.s32 $0x180  }
0x30: {  	[tilespmem:s10], [sflag:$0x2] =	stream.indirect.gather [hbm4b:s2+s6], $0x80, s21, s6, $0xb8;
	[tilespmem:$0x1CC80] =	vst v63  }
0x31: {  	s21 =	simm.s32 $0x200  }
0x32: {  	[tilespmem:s14], [sflag:$0x3] =	stream.indirect.gather [hbm4b:s2+s6], $0x80, s21, s6, $0xb8;
	[tilespmem:$0x1CC80] =	vst v63  }
0x33: {  	s21 =	simm.s32 $0x280  }
0x34: {  	[tilespmem:s15], [sflag:$0x3] =	stream.indirect.gather [hbm4b:s2+s6], $0x80, s21, s6, $0xb8;
	[tilespmem:$0x1CC80] =	vst v63  }
0x35: {  	_ =	swait.ge [sflag:s13], $0x4000  }
0x36: {  	[sflag:s13] =	ssyncset.done $0x0  }
0x37: {  	[sflag:s13] =	ssyncadd.s32 $0xFFFFC000  }
0x38: {  	_ =	swait.ge [sflag:s13], $0x4000  }
0x39: {  	[sflag:s13] =	ssyncset.done $0x0  }
0x3a: {  	s21 =	rddreg [dreg:$0x11];
	[sflag:s13] =	ssyncadd.s32 $0xFFFFC000  }
0x3b: {  	[hbm4b:s21+s3] =	stream.linear.scatter [tilespmem:s8], [sflag:$0x4], $0x8000, $0x38;
	[tilespmem:$0x1CC80] =	vst v63  }
0x3c: {  	_ =	swait.ge [sflag:s16], $0x1800  }
0x3d: {  	[sflag:s16] =	ssyncset.done $0x0  }
0x3e: {  	s21 =	rddreg [dreg:$0x12];
	[sflag:s16] =	ssyncadd.s32 $0xFFFFE800  }
0x3f: {  	[hbm4b:s21+s3] =	stream.linear.scatter [tilespmem:s7], [sflag:$0x8], $0x1800, $0x38;
	[tilespmem:$0x1CC80] =	vst v63  }
0x40: {  	_ =	swait.ge [sflag:s17], $0x8000  }
0x41: {  	[sflag:s17] =	ssyncset.done $0x0  }
0x42: {  	s21 =	simm.s32 $0x300;
	[sflag:s17] =	ssyncadd.s32 $0xFFFF8000  }
0x43: {  	[tilespmem:s8], [sflag:$0x1] =	stream.indirect.gather [hbm4b:s2+s6], $0x80, s21, s6, $0xb8;
	[tilespmem:$0x1CC80] =	vst v63  }
0x44: {  	s21 =	simm.s32 $0x380  }
0x45: {  	[tilespmem:s9], [sflag:$0x1] =	stream.indirect.gather [hbm4b:s2+s6], $0x80, s21, s6, $0xb8;
	[tilespmem:$0x1CC80] =	vst v63  }
0x46: {  	_ =	swait.ge [sflag:s19], $0x4000  }
0x47: {  	[sflag:s19] =	ssyncset.done $0x0  }
0x48: {  	[sflag:s19] =	ssyncadd.s32 $0xFFFFC000  }
0x49: {  	_ =	swait.ge [sflag:s19], $0x4000  }
0x4a: {  	[sflag:s19] =	ssyncset.done $0x0  }
0x4b: {  	s21 =	rddreg [dreg:$0x13];
	[sflag:s19] =	ssyncadd.s32 $0xFFFFC000  }
0x4c: {  	[hbm4b:s21+s3] =	stream.linear.scatter [tilespmem:s11], [sflag:$0x5], $0x8000, $0x38;
	[tilespmem:$0x1CC80] =	vst v63  }
0x4d: {  	_ =	swait.ge [sflag:s20], $0x8000  }
0x4e: {  	[sflag:s20] =	ssyncset.done $0x0  }
0x4f: {  	s21 =	simm.s32 $0x400;
	[sflag:s20] =	ssyncadd.s32 $0xFFFF8000  }
0x50: {  	[tilespmem:s11], [sflag:$0x2] =	stream.indirect.gather [hbm4b:s2+s6], $0x80, s21, s6, $0xb8;
	[tilespmem:$0x1CC80] =	vst v63  }
0x51: {  	s21 =	simm.s32 $0x480  }
0x52: {  	[tilespmem:s10], [sflag:$0x2] =	stream.indirect.gather [hbm4b:s2+s6], $0x80, s21, s6, $0xb8;
	[tilespmem:$0x1CC80] =	vst v63  }
0x53: {  	_ =	swait.ge [sflag:s18], $0x4000  }
0x54: {  	[sflag:s18] =	ssyncset.done $0x0  }
0x55: {  	[sflag:s18] =	ssyncadd.s32 $0xFFFFC000  }
0x56: {  	_ =	swait.ge [sflag:s18], $0x4000  }
0x57: {  	[sflag:s18] =	ssyncset.done $0x0  }
0x58: {  	s21 =	rddreg [dreg:$0x14];
	[sflag:s18] =	ssyncadd.s32 $0xFFFFC000  }
0x59: {  	[hbm4b:s21+s3] =	stream.linear.scatter [tilespmem:s14], [sflag:$0x6], $0x8000, $0x38;
	[tilespmem:$0x1CC80] =	vst v63  }
0x5a: {  	_ =	swait.ge [sflag:s22], $0x8000  }
0x5b: {  	[sflag:s22] =	ssyncset.done $0x0  }
0x5c: {  	s21 =	simm.s32 $0x500;
	[sflag:s22] =	ssyncadd.s32 $0xFFFF8000  }
0x5d: {  	[tilespmem:s14], [sflag:$0x3] =	stream.indirect.gather [hbm4b:s2+s6], $0x80, s21, s6, $0xb8;
	[tilespmem:$0x1CC80] =	vst v63  }
0x5e: {  	s21 =	simm.s32 $0x580  }
0x5f: {  	[tilespmem:s15], [sflag:$0x3] =	stream.indirect.gather [hbm4b:s2+s6], $0x80, s21, s6, $0xb8;
	[tilespmem:$0x1CC80] =	vst v63  }
0x60: {  	_ =	swait.ge [sflag:s13], $0x4000  }
0x61: {  	[sflag:s13] =	ssyncset.done $0x0  }
0x62: {  	[sflag:s13] =	ssyncadd.s32 $0xFFFFC000  }
0x63: {  	_ =	swait.ge [sflag:s13], $0x4000  }
0x64: {  	[sflag:s13] =	ssyncset.done $0x0  }
0x65: {  	s21 =	rddreg [dreg:$0x15];
	[sflag:s13] =	ssyncadd.s32 $0xFFFFC000  }
0x66: {  	[hbm4b:s21+s3] =	stream.linear.scatter [tilespmem:s8], [sflag:$0x4], $0x8000, $0x38;
	[tilespmem:$0x1CC80] =	vst v63  }
0x67: {  	_ =	swait.ge [sflag:s17], $0x8000  }
0x68: {  	[sflag:s17] =	ssyncset.done $0x0  }
0x69: {  	s21 =	simm.s32 $0x600;
	[sflag:s17] =	ssyncadd.s32 $0xFFFF8000  }
0x6a: {  	[tilespmem:s8], [sflag:$0x1] =	stream.indirect.gather [hbm4b:s2+s6], $0x80, s21, s6, $0xb8;
	[tilespmem:$0x1CC80] =	vst v63  }
0x6b: {  	s21 =	simm.s32 $0x680  }
0x6c: {  	[tilespmem:s9], [sflag:$0x1] =	stream.indirect.gather [hbm4b:s2+s6], $0x80, s21, s6, $0xb8;
	[tilespmem:$0x1CC80] =	vst v63  }
0x6d: {  	_ =	swait.ge [sflag:s19], $0x4000  }
0x6e: {  	[sflag:s19] =	ssyncset.done $0x0  }
0x6f: {  	[sflag:s19] =	ssyncadd.s32 $0xFFFFC000  }
0x70: {  	_ =	swait.ge [sflag:s19], $0x4000  }
0x71: {  	[sflag:s19] =	ssyncset.done $0x0  }
0x72: {  	s21 =	rddreg [dreg:$0x16];
	[sflag:s19] =	ssyncadd.s32 $0xFFFFC000  }
0x73: {  	[hbm4b:s21+s3] =	stream.linear.scatter [tilespmem:s11], [sflag:$0x5], $0x8000, $0x38;
	[tilespmem:$0x1CC80] =	vst v63  }
0x74: {  	_ =	swait.ge [sflag:s20], $0x8000  }
0x75: {  	[sflag:s20] =	ssyncset.done $0x0  }
0x76: {  	s21 =	simm.s32 $0x700;
	[sflag:s20] =	ssyncadd.s32 $0xFFFF8000  }
0x77: {  	[tilespmem:s11], [sflag:$0x2] =	stream.indirect.gather [hbm4b:s2+s6], $0x80, s21, s6, $0xb8;
	[tilespmem:$0x1CC80] =	vst v63  }
0x78: {  	s21 =	simm.s32 $0x780  }
0x79: {  	[tilespmem:s10], [sflag:$0x2] =	stream.indirect.gather [hbm4b:s2+s6], $0x80, s21, s6, $0xb8;
	[tilespmem:$0x1CC80] =	vst v63  }
0x7a: {  	_ =	swait.ge [sflag:s18], $0x4000  }
0x7b: {  	[sflag:s18] =	ssyncset.done $0x0  }
0x7c: {  	[sflag:s18] =	ssyncadd.s32 $0xFFFFC000  }
0x7d: {  	_ =	swait.ge [sflag:s18], $0x4000  }
0x7e: {  	[sflag:s18] =	ssyncset.done $0x0  }
0x7f: {  	s21 =	rddreg [dreg:$0x17];
	[sflag:s18] =	ssyncadd.s32 $0xFFFFC000  }
0x80: {  	[hbm4b:s21+s3] =	stream.linear.scatter [tilespmem:s14], [sflag:$0x6], $0x8000, $0x38;
	[tilespmem:$0x1CC80] =	vst v63  }
0x81: {  	_ =	swait.ge [sflag:s22], $0x8000  }
0x82: {  	[sflag:s22] =	ssyncset.done $0x0  }
0x83: {  	[sflag:s22] =	ssyncadd.s32 $0xFFFF8000  }
0x84: {  	[tilespmem:s14], [sflag:$0x3] =	stream.indirect.gather [hbm4b:s2+s6], $0x80, s28, s6, $0xb8;
	[tilespmem:$0x1CC80] =	vst v63  }
0x85: {  	_ = 	snop  }
0x86: {  	[tilespmem:s15], [sflag:$0x3] =	stream.indirect.gather [hbm4b:s2+s6], $0x80, s29, s6, $0xb8;
	[tilespmem:$0x1CC80] =	vst v63  }
0x87: {  	_ =	swait.ge [sflag:s13], $0x4000  }
0x88: {  	[sflag:s13] =	ssyncset.done $0x0  }
0x89: {  	[sflag:s13] =	ssyncadd.s32 $0xFFFFC000  }
0x8a: {  	_ =	swait.ge [sflag:s13], $0x4000  }
0x8b: {  	[sflag:s13] =	ssyncset.done $0x0  }
0x8c: {  	s21 =	rddreg [dreg:$0x18];
	[sflag:s13] =	ssyncadd.s32 $0xFFFFC000  }
0x8d: {  	[hbm4b:s21+s3] =	stream.linear.scatter [tilespmem:s8], [sflag:$0x4], $0x8000, $0x38;
	[tilespmem:$0x1CC80] =	vst v63  }
0x8e: {  	_ =	swait.ge [sflag:s17], $0x8000  }
0x8f: {  	[sflag:s17] =	ssyncset.done $0x0  }
0x90: {  	[sflag:s17] =	ssyncadd.s32 $0xFFFF8000  }
0x91: {  	[tilespmem:s8], [sflag:$0x1] =	stream.indirect.gather [hbm4b:s2+s6], $0x80, s23, s6, $0xb8;
	[tilespmem:$0x1CC80] =	vst v63  }
0x92: {  	_ = 	snop  }
0x93: {  	[tilespmem:s9], [sflag:$0x1] =	stream.indirect.gather [hbm4b:s2+s6], $0x80, s30, s6, $0xb8;
	[tilespmem:$0x1CC80] =	vst v63  }
0x94: {  	_ =	swait.ge [sflag:s19], $0x4000  }
0x95: {  	[sflag:s19] =	ssyncset.done $0x0  }
0x96: {  	[sflag:s19] =	ssyncadd.s32 $0xFFFFC000  }
0x97: {  	_ =	swait.ge [sflag:s19], $0x4000  }
0x98: {  	[sflag:s19] =	ssyncset.done $0x0  }
0x99: {  	s21 =	rddreg [dreg:$0x19];
	[sflag:s19] =	ssyncadd.s32 $0xFFFFC000  }
0x9a: {  	[hbm4b:s21+s3] =	stream.linear.scatter [tilespmem:s11], [sflag:$0x5], $0x8000, $0x38;
	[tilespmem:$0x1CC80] =	vst v63  }
0x9b: {  	_ =	swait.ge [sflag:s20], $0x8000  }
0x9c: {  	[sflag:s20] =	ssyncset.done $0x0  }
0x9d: {  	[sflag:s20] =	ssyncadd.s32 $0xFFFF8000  }
0x9e: {  	[tilespmem:s11], [sflag:$0x2] =	stream.indirect.gather [hbm4b:s2+s6], $0x80, s31, s6, $0xb8;
	[tilespmem:$0x1CC80] =	vst v63  }
0x9f: {  	_ = 	snop  }
0xa0: {  	[tilespmem:s10], [sflag:$0x2] =	stream.indirect.gather [hbm4b:s2+s6], $0x80, s24, s6, $0xb8;
	[tilespmem:$0x1CC80] =	vst v63  }
0xa1: {  	_ =	swait.ge [sflag:s18], $0x4000  }
0xa2: {  	[sflag:s18] =	ssyncset.done $0x0  }
0xa3: {  	[sflag:s18] =	ssyncadd.s32 $0xFFFFC000  }
0xa4: {  	_ =	swait.ge [sflag:s18], $0x4000  }
0xa5: {  	[sflag:s18] =	ssyncset.done $0x0  }
0xa6: {  	s21 =	rddreg [dreg:$0x1a];
	[sflag:s18] =	ssyncadd.s32 $0xFFFFC000  }
0xa7: {  	[hbm4b:s21+s3] =	stream.linear.scatter [tilespmem:s14], [sflag:$0x6], $0x8000, $0x38;
	[tilespmem:$0x1CC80] =	vst v63  }
0xa8: {  	_ =	swait.ge [sflag:s22], $0x8000  }
0xa9: {  	[sflag:s22] =	ssyncset.done $0x0  }
0xaa: {  	[sflag:s22] =	ssyncadd.s32 $0xFFFF8000  }
0xab: {  	[tilespmem:s14], [sflag:$0x3] =	stream.indirect.gather [hbm4b:s2+s6], $0x80, s1, s6, $0xb8;
	[tilespmem:$0x1CC80] =	vst v63  }
0xac: {  	_ = 	snop  }
0xad: {  	[tilespmem:s15], [sflag:$0x3] =	stream.indirect.gather [hbm4b:s2+s6], $0x80, s12, s6, $0xb8;
	[tilespmem:$0x1CC80] =	vst v63  }
0xae: {  	_ =	swait.ge [sflag:s13], $0x4000  }
0xaf: {  	[sflag:s13] =	ssyncset.done $0x0  }
0xb0: {  	[sflag:s13] =	ssyncadd.s32 $0xFFFFC000  }
0xb1: {  	_ =	swait.ge [sflag:s13], $0x4000  }
0xb2: {  	[sflag:s13] =	ssyncset.done $0x0  }
0xb3: {  	s21 =	rddreg [dreg:$0x1b];
	[sflag:s13] =	ssyncadd.s32 $0xFFFFC000  }
0xb4: {  	[hbm4b:s21+s3] =	stream.linear.scatter [tilespmem:s8], [sflag:$0x4], $0x8000, $0x38;
	[tilespmem:$0x1CC80] =	vst v63  }
0xb5: {  	_ =	swait.ge [sflag:s19], $0x4000  }
0xb6: {  	[sflag:s19] =	ssyncset.done $0x0  }
0xb7: {  	[sflag:s19] =	ssyncadd.s32 $0xFFFFC000  }
0xb8: {  	_ =	swait.ge [sflag:s19], $0x4000  }
0xb9: {  	[sflag:s19] =	ssyncset.done $0x0  }
0xba: {  	s21 =	rddreg [dreg:$0x1c];
	[sflag:s19] =	ssyncadd.s32 $0xFFFFC000  }
0xbb: {  	[hbm4b:s21+s3] =	stream.linear.scatter [tilespmem:s11], [sflag:$0x5], $0x8000, $0x38;
	[tilespmem:$0x1CC80] =	vst v63  }
0xbc: {  	_ =	swait.ge [sflag:s18], $0x4000  }
0xbd: {  	[sflag:s18] =	ssyncset.done $0x0  }
0xbe: {  	[sflag:s18] =	ssyncadd.s32 $0xFFFFC000  }
0xbf: {  	_ =	swait.ge [sflag:s18], $0x4000  }
0xc0: {  	[sflag:s18] =	ssyncset.done $0x0  }
0xc1: {  	s21 =	rddreg [dreg:$0x1d];
	[sflag:s18] =	ssyncadd.s32 $0xFFFFC000  }
0xc2: {  	[hbm4b:s21+s3] =	stream.linear.scatter [tilespmem:s14], [sflag:$0x6], $0x8000, $0x38;
	[tilespmem:$0x1CC80] =	vst v63  }
0xc3: {  	_ =	swait.ge [sflag:s17], $0x8000  }
0xc4: {  	[sflag:s17] =	ssyncset.done $0x0  }
0xc5: {  	[sflag:s17] =	ssyncadd.s32 $0xFFFF8000  }
0xc6: {  	_ =	swait.ge [sflag:s20], $0x8000  }
0xc7: {  	[sflag:s20] =	ssyncset.done $0x0  }
0xc8: {  	[sflag:s20] =	ssyncadd.s32 $0xFFFF8000  }
0xc9: {  	_ =	swait.ge [sflag:s22], $0x8000  }
0xca: {  	[sflag:s22] =	ssyncset.done $0x0  }
0xcb: {  	[sflag:s22] =	ssyncadd.s32 $0xFFFF8000  }
0xcc: {  	_ =	swait.ge [sflag:s25], $0x1800  }
0xcd: {  	[sflag:s25] =	ssyncset.done $0x0  }
0xce: {  	[sflag:s25] =	ssyncadd.s32 $0xFFFFE800  }
.LBB2_4:
0xcf: {  	s0 =	sadd.s32 $0xFFFFFFFF, s0  }
0xd0: {  	p1 =	sne.s32 s0, $0x0  }
.Ltmp1:
0xd1: {  	_ = 	snop;
	(pc) =	sbr.rel @!p1 .LBB2_5-.Ltmp1, $1  }
0xd2: {  	_ =	sdelay $0x3  }
.LBB2_1:
0xd3: {  	s21 =	simm.s32 @p0 $0x0  }
0xd4: {  	[tilespmem:s21], [sflag:$0x9] =	stream.linear.gather @p0 [hbm4b:s5+s21], $0xC30, $0x38;
	[tilespmem:$0x1CC80] =	vst v63  }
0xd5: {  	s21 =	simm.s32 @p0 $0x9  }
0xd6: {  	_ =	swait.ge @p0 [sflag:s21], $0xC30  }
0xd7: {  	[sflag:s21] =	ssyncset.done @p0 $0x0  }
0xd8: {  	[sflag:s21] =	ssyncadd.s32 @p0 $0xFFFFF3D0;
	s21 =	simm.s32 @!p0 $0x0  }
0xd9: {  	[tilespmem:s21], [sflag:$0x9] =	stream.linear.gather @!p0 [hbm4b:s4+s21], $0xC38, $0x38;
	[tilespmem:$0x1CC80] =	vst v63  }
0xda: {  	s21 =	simm.s32 @!p0 $0x9  }
0xdb: {  	_ =	swait.ge @!p0 [sflag:s21], $0xC38  }
0xdc: {  	[sflag:s21] =	ssyncset.done @!p0 $0x0  }
0xdd: {  	[sflag:s21] =	ssyncadd.s32 @!p0 $0xFFFFF3C8  }
0xde: {  	v1 =	vld [tilespmem:$0x0]  }
0xdf: {  	v2 =	vld [tilespmem:$0x10]  }
0xe0: {  	v3 =	vld [tilespmem:$0x20]  }
0xe1: {  	v4 =	vld [tilespmem:$0x30]  }
0xe2: {  	v5 =	vld [tilespmem:$0x40]  }
0xe3: {  	v6 =	vld [tilespmem:$0x50];
	v1 =	vadd.s32 v0, v1  }
0xe4: {  	[tilespmem:$0x0] =	vst v1;
	v1 =	vadd.s32 v0, v2;
	v2 =	vld [tilespmem:$0x60]  }
0xe5: {  	[tilespmem:$0x10] =	vst v1;
	v1 =	vadd.s32 v0, v3;
	v3 =	vld [tilespmem:$0x70]  }
0xe6: {  	v60 =	vld [tilespmem:$0x80];
	[tilespmem:$0x20] =	vst v1;
	v1 =	vadd.s32 v0, v4  }
0xe7: {  	v61 =	vld [tilespmem:$0x90];
	[tilespmem:$0x30] =	vst v1;
	v1 =	vadd.s32 v0, v5  }
0xe8: {  	v62 =	vld [tilespmem:$0xA0];
	[tilespmem:$0x40] =	vst v1;
	v1 =	vadd.s32 v0, v6  }
0xe9: {  	[tilespmem:$0x50] =	vst v1;
	v1 =	vadd.s32 v0, v2;
	v2 =	vld [tilespmem:$0xB0]  }
0xea: {  	[tilespmem:$0x60] =	vst v1;
	v1 =	vadd.s32 v0, v3;
	v3 =	vld [tilespmem:$0xC0]  }
0xeb: {  	v63 =	vld [tilespmem:$0xD0];
	[tilespmem:$0x70] =	vst v1;
	v1 =	vadd.s32 v0, v60  }
0xec: {  	v9 =	vld [tilespmem:$0xE0];
	[tilespmem:$0x80] =	vst v1;
	v1 =	vadd.s32 v0, v61  }
0xed: {  	v10 =	vld [tilespmem:$0xF0];
	[tilespmem:$0x90] =	vst v1;
	v1 =	vadd.s32 v0, v62  }
0xee: {  	[tilespmem:$0xA0] =	vst v1;
	v1 =	vadd.s32 v0, v2;
	v2 =	vld [tilespmem:$0x100]  }
0xef: {  	[tilespmem:$0xB0] =	vst v1;
	v1 =	vadd.s32 v0, v3;
	v3 =	vld [tilespmem:$0x110]  }
0xf0: {  	v11 =	vld [tilespmem:$0x120];
	[tilespmem:$0xC0] =	vst v1;
	v1 =	vadd.s32 v0, v63  }
0xf1: {  	v12 =	vld [tilespmem:$0x130];
	[tilespmem:$0xD0] =	vst v1;
	v1 =	vadd.s32 v0, v9  }
0xf2: {  	v13 =	vld [tilespmem:$0x140];
	[tilespmem:$0xE0] =	vst v1;
	v1 =	vadd.s32 v0, v10  }
0xf3: {  	[tilespmem:$0xF0] =	vst v1;
	v1 =	vadd.s32 v0, v2;
	v2 =	vld [tilespmem:$0x150]  }
0xf4: {  	[tilespmem:$0x100] =	vst v1;
	v1 =	vadd.s32 v0, v3;
	v3 =	vld [tilespmem:$0x160]  }
0xf5: {  	v14 =	vld [tilespmem:$0x170];
	[tilespmem:$0x110] =	vst v1;
	v1 =	vadd.s32 v0, v11  }
0xf6: {  	v15 =	vld [tilespmem:$0x180];
	[tilespmem:$0x120] =	vst v1;
	v1 =	vadd.s32 v0, v12  }
0xf7: {  	v16 =	vld [tilespmem:$0x190];
	[tilespmem:$0x130] =	vst v1;
	v1 =	vadd.s32 v0, v13  }
0xf8: {  	[tilespmem:$0x140] =	vst v1;
	v1 =	vadd.s32 v0, v2;
	v2 =	vld [tilespmem:$0x1A0]  }
0xf9: {  	[tilespmem:$0x150] =	vst v1;
	v1 =	vadd.s32 v0, v3;
	v3 =	vld [tilespmem:$0x1B0]  }
0xfa: {  	v17 =	vld [tilespmem:$0x1C0];
	[tilespmem:$0x160] =	vst v1;
	v1 =	vadd.s32 v0, v14  }
0xfb: {  	v18 =	vld [tilespmem:$0x1D0];
	[tilespmem:$0x170] =	vst v1;
	v1 =	vadd.s32 v0, v15  }
0xfc: {  	v19 =	vld [tilespmem:$0x1E0];
	[tilespmem:$0x180] =	vst v1;
	v1 =	vadd.s32 v0, v16  }
0xfd: {  	[tilespmem:$0x190] =	vst v1;
	v1 =	vadd.s32 v0, v2;
	v2 =	vld [tilespmem:$0x1F0]  }
0xfe: {  	[tilespmem:$0x1A0] =	vst v1;
	v1 =	vadd.s32 v0, v3;
	v3 =	vld [tilespmem:$0x200]  }
0xff: {  	v20 =	vld [tilespmem:$0x210];
	[tilespmem:$0x1B0] =	vst v1;
	v1 =	vadd.s32 v0, v17  }
0x100: {  	v21 =	vld [tilespmem:$0x220];
	[tilespmem:$0x1C0] =	vst v1;
	v1 =	vadd.s32 v0, v18  }
0x101: {  	v22 =	vld [tilespmem:$0x230];
	[tilespmem:$0x1D0] =	vst v1;
	v1 =	vadd.s32 v0, v19  }
0x102: {  	[tilespmem:$0x1E0] =	vst v1;
	v1 =	vadd.s32 v0, v2;
	v2 =	vld [tilespmem:$0x240]  }
0x103: {  	[tilespmem:$0x1F0] =	vst v1;
	v1 =	vadd.s32 v0, v3;
	v3 =	vld [tilespmem:$0x250]  }
0x104: {  	v23 =	vld [tilespmem:$0x260];
	[tilespmem:$0x200] =	vst v1;
	v1 =	vadd.s32 v0, v20  }
0x105: {  	v24 =	vld [tilespmem:$0x270];
	[tilespmem:$0x210] =	vst v1;
	v1 =	vadd.s32 v0, v21  }
0x106: {  	v25 =	vld [tilespmem:$0x280];
	[tilespmem:$0x220] =	vst v1;
	v1 =	vadd.s32 v0, v22  }
0x107: {  	[tilespmem:$0x230] =	vst v1;
	v1 =	vadd.s32 v0, v2;
	v2 =	vld [tilespmem:$0x290]  }
0x108: {  	[tilespmem:$0x240] =	vst v1;
	v1 =	vadd.s32 v0, v3;
	v3 =	vld [tilespmem:$0x2A0]  }
0x109: {  	v26 =	vld [tilespmem:$0x2B0];
	[tilespmem:$0x250] =	vst v1;
	v1 =	vadd.s32 v0, v23  }
0x10a: {  	v27 =	vld [tilespmem:$0x2C0];
	[tilespmem:$0x260] =	vst v1;
	v1 =	vadd.s32 v0, v24  }
0x10b: {  	v28 =	vld [tilespmem:$0x2D0];
	[tilespmem:$0x270] =	vst v1;
	v1 =	vadd.s32 v0, v25  }
0x10c: {  	[tilespmem:$0x280] =	vst v1;
	v1 =	vadd.s32 v0, v2;
	v2 =	vld [tilespmem:$0x2E0]  }
0x10d: {  	[tilespmem:$0x290] =	vst v1;
	v1 =	vadd.s32 v0, v3;
	v3 =	vld [tilespmem:$0x2F0]  }
0x10e: {  	v29 =	vld [tilespmem:$0x300];
	[tilespmem:$0x2A0] =	vst v1;
	v1 =	vadd.s32 v0, v26  }
0x10f: {  	v30 =	vld [tilespmem:$0x310];
	[tilespmem:$0x2B0] =	vst v1;
	v1 =	vadd.s32 v0, v27  }
0x110: {  	v31 =	vld [tilespmem:$0x320];
	[tilespmem:$0x2C0] =	vst v1;
	v1 =	vadd.s32 v0, v28  }
0x111: {  	[tilespmem:$0x2D0] =	vst v1;
	v1 =	vadd.s32 v0, v2;
	v2 =	vld [tilespmem:$0x330]  }
0x112: {  	[tilespmem:$0x2E0] =	vst v1;
	v1 =	vadd.s32 v0, v3;
	v3 =	vld [tilespmem:$0x340]  }
0x113: {  	v32 =	vld [tilespmem:$0x350];
	[tilespmem:$0x2F0] =	vst v1;
	v1 =	vadd.s32 v0, v29  }
0x114: {  	v33 =	vld [tilespmem:$0x360];
	[tilespmem:$0x300] =	vst v1;
	v1 =	vadd.s32 v0, v30  }
0x115: {  	v34 =	vld [tilespmem:$0x370];
	[tilespmem:$0x310] =	vst v1;
	v1 =	vadd.s32 v0, v31  }
0x116: {  	[tilespmem:$0x320] =	vst v1;
	v1 =	vadd.s32 v0, v2;
	v2 =	vld [tilespmem:$0x380]  }
0x117: {  	[tilespmem:$0x330] =	vst v1;
	v1 =	vadd.s32 v0, v3;
	v3 =	vld [tilespmem:$0x390]  }
0x118: {  	v35 =	vld [tilespmem:$0x3A0];
	[tilespmem:$0x340] =	vst v1;
	v1 =	vadd.s32 v0, v32  }
0x119: {  	v36 =	vld [tilespmem:$0x3B0];
	[tilespmem:$0x350] =	vst v1;
	v1 =	vadd.s32 v0, v33  }
0x11a: {  	v37 =	vld [tilespmem:$0x3C0];
	[tilespmem:$0x360] =	vst v1;
	v1 =	vadd.s32 v0, v34  }
0x11b: {  	[tilespmem:$0x370] =	vst v1;
	v1 =	vadd.s32 v0, v2;
	v2 =	vld [tilespmem:$0x3D0]  }
0x11c: {  	[tilespmem:$0x380] =	vst v1;
	v1 =	vadd.s32 v0, v3;
	v3 =	vld [tilespmem:$0x3E0]  }
0x11d: {  	v38 =	vld [tilespmem:$0x3F0];
	[tilespmem:$0x390] =	vst v1;
	v1 =	vadd.s32 v0, v35  }
0x11e: {  	v39 =	vld [tilespmem:$0x400];
	[tilespmem:$0x3A0] =	vst v1;
	v1 =	vadd.s32 v0, v36  }
0x11f: {  	v40 =	vld [tilespmem:$0x410];
	[tilespmem:$0x3B0] =	vst v1;
	v1 =	vadd.s32 v0, v37  }
0x120: {  	[tilespmem:$0x3C0] =	vst v1;
	v1 =	vadd.s32 v0, v2;
	v2 =	vld [tilespmem:$0x420]  }
0x121: {  	[tilespmem:$0x3D0] =	vst v1;
	v1 =	vadd.s32 v0, v3;
	v3 =	vld [tilespmem:$0x430]  }
0x122: {  	v41 =	vld [tilespmem:$0x440];
	[tilespmem:$0x3E0] =	vst v1;
	v1 =	vadd.s32 v0, v38  }
0x123: {  	v42 =	vld [tilespmem:$0x450];
	[tilespmem:$0x3F0] =	vst v1;
	v1 =	vadd.s32 v0, v39  }
0x124: {  	v43 =	vld [tilespmem:$0x460];
	[tilespmem:$0x400] =	vst v1;
	v1 =	vadd.s32 v0, v40  }
0x125: {  	[tilespmem:$0x410] =	vst v1;
	v1 =	vadd.s32 v0, v2;
	v2 =	vld [tilespmem:$0x470]  }
0x126: {  	[tilespmem:$0x420] =	vst v1;
	v1 =	vadd.s32 v0, v3;
	v3 =	vld [tilespmem:$0x480]  }
0x127: {  	v44 =	vld [tilespmem:$0x490];
	[tilespmem:$0x430] =	vst v1;
	v1 =	vadd.s32 v0, v41  }
0x128: {  	v45 =	vld [tilespmem:$0x4A0];
	[tilespmem:$0x440] =	vst v1;
	v1 =	vadd.s32 v0, v42  }
0x129: {  	v46 =	vld [tilespmem:$0x4B0];
	[tilespmem:$0x450] =	vst v1;
	v1 =	vadd.s32 v0, v43  }
0x12a: {  	[tilespmem:$0x460] =	vst v1;
	v1 =	vadd.s32 v0, v2;
	v2 =	vld [tilespmem:$0x4C0]  }
0x12b: {  	[tilespmem:$0x470] =	vst v1;
	v1 =	vadd.s32 v0, v3;
	v3 =	vld [tilespmem:$0x4D0]  }
0x12c: {  	v47 =	vld [tilespmem:$0x4E0];
	[tilespmem:$0x480] =	vst v1;
	v1 =	vadd.s32 v0, v44  }
0x12d: {  	v48 =	vld [tilespmem:$0x4F0];
	[tilespmem:$0x490] =	vst v1;
	v1 =	vadd.s32 v0, v45  }
0x12e: {  	v49 =	vld [tilespmem:$0x500];
	[tilespmem:$0x4A0] =	vst v1;
	v1 =	vadd.s32 v0, v46  }
0x12f: {  	[tilespmem:$0x4B0] =	vst v1;
	v1 =	vadd.s32 v0, v2;
	v2 =	vld [tilespmem:$0x510]  }
0x130: {  	[tilespmem:$0x4C0] =	vst v1;
	v1 =	vadd.s32 v0, v3;
	v3 =	vld [tilespmem:$0x520]  }
0x131: {  	v50 =	vld [tilespmem:$0x530];
	[tilespmem:$0x4D0] =	vst v1;
	v1 =	vadd.s32 v0, v47  }
0x132: {  	v51 =	vld [tilespmem:$0x540];
	[tilespmem:$0x4E0] =	vst v1;
	v1 =	vadd.s32 v0, v48  }
0x133: {  	v52 =	vld [tilespmem:$0x550];
	[tilespmem:$0x4F0] =	vst v1;
	v1 =	vadd.s32 v0, v49  }
0x134: {  	[tilespmem:$0x500] =	vst v1;
	v1 =	vadd.s32 v0, v2;
	v2 =	vld [tilespmem:$0x560]  }
0x135: {  	[tilespmem:$0x510] =	vst v1;
	v1 =	vadd.s32 v0, v3;
	v3 =	vld [tilespmem:$0x570]  }
0x136: {  	v53 =	vld [tilespmem:$0x580];
	[tilespmem:$0x520] =	vst v1;
	v1 =	vadd.s32 v0, v50  }
0x137: {  	v54 =	vld [tilespmem:$0x590];
	[tilespmem:$0x530] =	vst v1;
	v1 =	vadd.s32 v0, v51  }
0x138: {  	v55 =	vld [tilespmem:$0x5A0];
	[tilespmem:$0x540] =	vst v1;
	v1 =	vadd.s32 v0, v52  }
0x139: {  	[tilespmem:$0x550] =	vst v1;
	v1 =	vadd.s32 v0, v2;
	v2 =	vld [tilespmem:$0x5B0]  }
0x13a: {  	[tilespmem:$0x560] =	vst v1;
	v1 =	vadd.s32 v0, v3;
	v3 =	vld [tilespmem:$0x5C0]  }
0x13b: {  	v56 =	vld [tilespmem:$0x5D0];
	[tilespmem:$0x570] =	vst v1;
	v1 =	vadd.s32 v0, v53  }
0x13c: {  	v57 =	vld [tilespmem:$0x5E0];
	[tilespmem:$0x580] =	vst v1;
	v1 =	vadd.s32 v0, v54  }
0x13d: {  	v58 =	vld [tilespmem:$0x5F0];
	[tilespmem:$0x590] =	vst v1;
	v1 =	vadd.s32 v0, v55  }
0x13e: {  	[tilespmem:$0x5A0] =	vst v1;
	v1 =	vadd.s32 v0, v2;
	v2 =	vld [tilespmem:$0x600]  }
0x13f: {  	[tilespmem:$0x5B0] =	vst v1;
	v1 =	vadd.s32 v0, v3;
	v3 =	vld [tilespmem:$0x610]  }
0x140: {  	v59 =	vld [tilespmem:$0x620];
	[tilespmem:$0x5C0] =	vst v1;
	v1 =	vadd.s32 v0, v56  }
0x141: {  	v60 =	vld [tilespmem:$0x630];
	[tilespmem:$0x5D0] =	vst v1;
	v1 =	vadd.s32 v0, v57  }
0x142: {  	v61 =	vld [tilespmem:$0x640];
	[tilespmem:$0x5E0] =	vst v1;
	v1 =	vadd.s32 v0, v58  }
0x143: {  	[tilespmem:$0x5F0] =	vst v1;
	v1 =	vadd.s32 v0, v2;
	v2 =	vld [tilespmem:$0x650]  }
0x144: {  	[tilespmem:$0x600] =	vst v1;
	v1 =	vadd.s32 v0, v3;
	v3 =	vld [tilespmem:$0x660]  }
0x145: {  	v62 =	vld [tilespmem:$0x670];
	[tilespmem:$0x610] =	vst v1;
	v1 =	vadd.s32 v0, v59  }
0x146: {  	v63 =	vld [tilespmem:$0x680];
	[tilespmem:$0x620] =	vst v1;
	v1 =	vadd.s32 v0, v60  }
0x147: {  	v9 =	vld [tilespmem:$0x690];
	[tilespmem:$0x630] =	vst v1;
	v1 =	vadd.s32 v0, v61  }
0x148: {  	[tilespmem:$0x640] =	vst v1;
	v1 =	vadd.s32 v0, v2;
	v2 =	vld [tilespmem:$0x6A0]  }
0x149: {  	[tilespmem:$0x650] =	vst v1;
	v1 =	vadd.s32 v0, v3;
	v3 =	vld [tilespmem:$0x6B0]  }
0x14a: {  	v10 =	vld [tilespmem:$0x6C0];
	[tilespmem:$0x660] =	vst v1;
	v1 =	vadd.s32 v0, v62  }
0x14b: {  	v11 =	vld [tilespmem:$0x6D0];
	[tilespmem:$0x670] =	vst v1;
	v1 =	vadd.s32 v0, v63  }
0x14c: {  	v12 =	vld [tilespmem:$0x6E0];
	[tilespmem:$0x680] =	vst v1;
	v1 =	vadd.s32 v0, v9  }
0x14d: {  	[tilespmem:$0x690] =	vst v1;
	v1 =	vadd.s32 v0, v2;
	v2 =	vld [tilespmem:$0x6F0]  }
0x14e: {  	[tilespmem:$0x6A0] =	vst v1;
	v1 =	vadd.s32 v0, v3;
	v3 =	vld [tilespmem:$0x700]  }
0x14f: {  	v13 =	vld [tilespmem:$0x710];
	[tilespmem:$0x6B0] =	vst v1;
	v1 =	vadd.s32 v0, v10  }
0x150: {  	v14 =	vld [tilespmem:$0x720];
	[tilespmem:$0x6C0] =	vst v1;
	v1 =	vadd.s32 v0, v11  }
0x151: {  	v15 =	vld [tilespmem:$0x730];
	[tilespmem:$0x6D0] =	vst v1;
	v1 =	vadd.s32 v0, v12  }
0x152: {  	[tilespmem:$0x6E0] =	vst v1;
	v1 =	vadd.s32 v0, v2;
	v2 =	vld [tilespmem:$0x740]  }
0x153: {  	[tilespmem:$0x6F0] =	vst v1;
	v1 =	vadd.s32 v0, v3;
	v3 =	vld [tilespmem:$0x750]  }
0x154: {  	v16 =	vld [tilespmem:$0x760];
	[tilespmem:$0x700] =	vst v1;
	v1 =	vadd.s32 v0, v13  }
0x155: {  	v17 =	vld [tilespmem:$0x770];
	[tilespmem:$0x710] =	vst v1;
	v1 =	vadd.s32 v0, v14  }
0x156: {  	v18 =	vld [tilespmem:$0x780];
	[tilespmem:$0x720] =	vst v1;
	v1 =	vadd.s32 v0, v15  }
0x157: {  	[tilespmem:$0x730] =	vst v1;
	v1 =	vadd.s32 v0, v2;
	v2 =	vld [tilespmem:$0x790]  }
0x158: {  	[tilespmem:$0x740] =	vst v1;
	v1 =	vadd.s32 v0, v3;
	v3 =	vld [tilespmem:$0x7A0]  }
0x159: {  	v19 =	vld [tilespmem:$0x7B0];
	[tilespmem:$0x750] =	vst v1;
	v1 =	vadd.s32 v0, v16  }
0x15a: {  	v20 =	vld [tilespmem:$0x7C0];
	[tilespmem:$0x760] =	vst v1;
	v1 =	vadd.s32 v0, v17  }
0x15b: {  	v21 =	vld [tilespmem:$0x7D0];
	[tilespmem:$0x770] =	vst v1;
	v1 =	vadd.s32 v0, v18  }
0x15c: {  	[tilespmem:$0x780] =	vst v1;
	v1 =	vadd.s32 v0, v2;
	v2 =	vld [tilespmem:$0x7E0]  }
0x15d: {  	[tilespmem:$0x790] =	vst v1;
	v1 =	vadd.s32 v0, v3;
	v3 =	vld [tilespmem:$0x7F0]  }
0x15e: {  	v22 =	vld [tilespmem:$0x800];
	[tilespmem:$0x7A0] =	vst v1;
	v1 =	vadd.s32 v0, v19  }
0x15f: {  	v23 =	vld [tilespmem:$0x810];
	[tilespmem:$0x7B0] =	vst v1;
	v1 =	vadd.s32 v0, v20  }
0x160: {  	v24 =	vld [tilespmem:$0x820];
	[tilespmem:$0x7C0] =	vst v1;
	v1 =	vadd.s32 v0, v21  }
0x161: {  	[tilespmem:$0x7D0] =	vst v1;
	v1 =	vadd.s32 v0, v2;
	v2 =	vld [tilespmem:$0x830]  }
0x162: {  	[tilespmem:$0x7E0] =	vst v1;
	v1 =	vadd.s32 v0, v3;
	v3 =	vld [tilespmem:$0x840]  }
0x163: {  	v25 =	vld [tilespmem:$0x850];
	[tilespmem:$0x7F0] =	vst v1;
	v1 =	vadd.s32 v0, v22  }
0x164: {  	v26 =	vld [tilespmem:$0x860];
	[tilespmem:$0x800] =	vst v1;
	v1 =	vadd.s32 v0, v23  }
0x165: {  	v27 =	vld [tilespmem:$0x870];
	[tilespmem:$0x810] =	vst v1;
	v1 =	vadd.s32 v0, v24  }
0x166: {  	[tilespmem:$0x820] =	vst v1;
	v1 =	vadd.s32 v0, v2;
	v2 =	vld [tilespmem:$0x880]  }
0x167: {  	[tilespmem:$0x830] =	vst v1;
	v1 =	vadd.s32 v0, v3;
	v3 =	vld [tilespmem:$0x890]  }
0x168: {  	v28 =	vld [tilespmem:$0x8A0];
	[tilespmem:$0x840] =	vst v1;
	v1 =	vadd.s32 v0, v25  }
0x169: {  	v29 =	vld [tilespmem:$0x8B0];
	[tilespmem:$0x850] =	vst v1;
	v1 =	vadd.s32 v0, v26  }
0x16a: {  	v30 =	vld [tilespmem:$0x8C0];
	[tilespmem:$0x860] =	vst v1;
	v1 =	vadd.s32 v0, v27  }
0x16b: {  	[tilespmem:$0x870] =	vst v1;
	v1 =	vadd.s32 v0, v2;
	v2 =	vld [tilespmem:$0x8D0]  }
0x16c: {  	[tilespmem:$0x880] =	vst v1;
	v1 =	vadd.s32 v0, v3;
	v3 =	vld [tilespmem:$0x8E0]  }
0x16d: {  	v31 =	vld [tilespmem:$0x8F0];
	[tilespmem:$0x890] =	vst v1;
	v1 =	vadd.s32 v0, v28  }
0x16e: {  	v32 =	vld [tilespmem:$0x900];
	[tilespmem:$0x8A0] =	vst v1;
	v1 =	vadd.s32 v0, v29  }
0x16f: {  	v33 =	vld [tilespmem:$0x910];
	[tilespmem:$0x8B0] =	vst v1;
	v1 =	vadd.s32 v0, v30  }
0x170: {  	[tilespmem:$0x8C0] =	vst v1;
	v1 =	vadd.s32 v0, v2;
	v2 =	vld [tilespmem:$0x920]  }
0x171: {  	[tilespmem:$0x8D0] =	vst v1;
	v1 =	vadd.s32 v0, v3;
	v3 =	vld [tilespmem:$0x930]  }
0x172: {  	v34 =	vld [tilespmem:$0x940];
	[tilespmem:$0x8E0] =	vst v1;
	v1 =	vadd.s32 v0, v31  }
0x173: {  	v35 =	vld [tilespmem:$0x950];
	[tilespmem:$0x8F0] =	vst v1;
	v1 =	vadd.s32 v0, v32  }
0x174: {  	v36 =	vld [tilespmem:$0x960];
	[tilespmem:$0x900] =	vst v1;
	v1 =	vadd.s32 v0, v33  }
0x175: {  	[tilespmem:$0x910] =	vst v1;
	v1 =	vadd.s32 v0, v2;
	v2 =	vld [tilespmem:$0x970]  }
0x176: {  	[tilespmem:$0x920] =	vst v1;
	v1 =	vadd.s32 v0, v3;
	v3 =	vld [tilespmem:$0x980]  }
0x177: {  	v37 =	vld [tilespmem:$0x990];
	[tilespmem:$0x930] =	vst v1;
	v1 =	vadd.s32 v0, v34  }
0x178: {  	v38 =	vld [tilespmem:$0x9A0];
	[tilespmem:$0x940] =	vst v1;
	v1 =	vadd.s32 v0, v35  }
0x179: {  	v39 =	vld [tilespmem:$0x9B0];
	[tilespmem:$0x950] =	vst v1;
	v1 =	vadd.s32 v0, v36  }
0x17a: {  	[tilespmem:$0x960] =	vst v1;
	v1 =	vadd.s32 v0, v2;
	v2 =	vld [tilespmem:$0x9C0]  }
0x17b: {  	[tilespmem:$0x970] =	vst v1;
	v1 =	vadd.s32 v0, v3;
	v3 =	vld [tilespmem:$0x9D0]  }
0x17c: {  	v40 =	vld [tilespmem:$0x9E0];
	[tilespmem:$0x980] =	vst v1;
	v1 =	vadd.s32 v0, v37  }
0x17d: {  	v41 =	vld [tilespmem:$0x9F0];
	[tilespmem:$0x990] =	vst v1;
	v1 =	vadd.s32 v0, v38  }
0x17e: {  	v42 =	vld [tilespmem:$0xA00];
	[tilespmem:$0x9A0] =	vst v1;
	v1 =	vadd.s32 v0, v39  }
0x17f: {  	[tilespmem:$0x9B0] =	vst v1;
	v1 =	vadd.s32 v0, v2;
	v2 =	vld [tilespmem:$0xA10]  }
0x180: {  	[tilespmem:$0x9C0] =	vst v1;
	v1 =	vadd.s32 v0, v3;
	v3 =	vld [tilespmem:$0xA20]  }
0x181: {  	v43 =	vld [tilespmem:$0xA30];
	[tilespmem:$0x9D0] =	vst v1;
	v1 =	vadd.s32 v0, v40  }
0x182: {  	v44 =	vld [tilespmem:$0xA40];
	[tilespmem:$0x9E0] =	vst v1;
	v1 =	vadd.s32 v0, v41  }
0x183: {  	v45 =	vld [tilespmem:$0xA50];
	[tilespmem:$0x9F0] =	vst v1;
	v1 =	vadd.s32 v0, v42  }
0x184: {  	[tilespmem:$0xA00] =	vst v1;
	v1 =	vadd.s32 v0, v2;
	v2 =	vld [tilespmem:$0xA60]  }
0x185: {  	[tilespmem:$0xA10] =	vst v1;
	v1 =	vadd.s32 v0, v3;
	v3 =	vld [tilespmem:$0xA70]  }
0x186: {  	v46 =	vld [tilespmem:$0xA80];
	[tilespmem:$0xA20] =	vst v1;
	v1 =	vadd.s32 v0, v43  }
0x187: {  	v47 =	vld [tilespmem:$0xA90];
	[tilespmem:$0xA30] =	vst v1;
	v1 =	vadd.s32 v0, v44  }
0x188: {  	v48 =	vld [tilespmem:$0xAA0];
	[tilespmem:$0xA40] =	vst v1;
	v1 =	vadd.s32 v0, v45  }
0x189: {  	[tilespmem:$0xA50] =	vst v1;
	v1 =	vadd.s32 v0, v2;
	v2 =	vld [tilespmem:$0xAB0]  }
0x18a: {  	[tilespmem:$0xA60] =	vst v1;
	v1 =	vadd.s32 v0, v3;
	v3 =	vld [tilespmem:$0xAC0]  }
0x18b: {  	v49 =	vld [tilespmem:$0xAD0];
	[tilespmem:$0xA70] =	vst v1;
	v1 =	vadd.s32 v0, v46  }
0x18c: {  	v50 =	vld [tilespmem:$0xAE0];
	[tilespmem:$0xA80] =	vst v1;
	v1 =	vadd.s32 v0, v47  }
0x18d: {  	v51 =	vld [tilespmem:$0xAF0];
	[tilespmem:$0xA90] =	vst v1;
	v1 =	vadd.s32 v0, v48  }
0x18e: {  	[tilespmem:$0xAA0] =	vst v1;
	v1 =	vadd.s32 v0, v2;
	v2 =	vld [tilespmem:$0xB00]  }
0x18f: {  	[tilespmem:$0xAB0] =	vst v1;
	v1 =	vadd.s32 v0, v3;
	v3 =	vld [tilespmem:$0xB10]  }
0x190: {  	v52 =	vld [tilespmem:$0xB20];
	[tilespmem:$0xAC0] =	vst v1;
	v1 =	vadd.s32 v0, v49  }
0x191: {  	v53 =	vld [tilespmem:$0xB30];
	[tilespmem:$0xAD0] =	vst v1;
	v1 =	vadd.s32 v0, v50  }
0x192: {  	v54 =	vld [tilespmem:$0xB40];
	[tilespmem:$0xAE0] =	vst v1;
	v1 =	vadd.s32 v0, v51  }
0x193: {  	[tilespmem:$0xAF0] =	vst v1;
	v1 =	vadd.s32 v0, v2;
	v2 =	vld [tilespmem:$0xB50]  }
0x194: {  	[tilespmem:$0xB00] =	vst v1;
	v1 =	vadd.s32 v0, v3;
	v3 =	vld [tilespmem:$0xB60]  }
0x195: {  	v55 =	vld [tilespmem:$0xB70];
	[tilespmem:$0xB10] =	vst v1;
	v1 =	vadd.s32 v0, v52  }
0x196: {  	v56 =	vld [tilespmem:$0xB80];
	[tilespmem:$0xB20] =	vst v1;
	v1 =	vadd.s32 v0, v53  }
0x197: {  	v57 =	vld [tilespmem:$0xB90];
	[tilespmem:$0xB30] =	vst v1;
	v1 =	vadd.s32 v0, v54  }
0x198: {  	[tilespmem:$0xB40] =	vst v1;
	v1 =	vadd.s32 v0, v2;
	v2 =	vld [tilespmem:$0xBA0]  }
0x199: {  	[tilespmem:$0xB50] =	vst v1;
	v1 =	vadd.s32 v0, v3;
	v3 =	vld [tilespmem:$0xBB0]  }
0x19a: {  	v58 =	vld [tilespmem:$0xBC0];
	[tilespmem:$0xB60] =	vst v1;
	v1 =	vadd.s32 v0, v55  }
0x19b: {  	v59 =	vld [tilespmem:$0xBD0];
	[tilespmem:$0xB70] =	vst v1;
	v1 =	vadd.s32 v0, v56  }
0x19c: {  	v60 =	vld [tilespmem:$0xBE0];
	[tilespmem:$0xB80] =	vst v1;
	v1 =	vadd.s32 v0, v57  }
0x19d: {  	[tilespmem:$0xB90] =	vst v1;
	v1 =	vadd.s32 v0, v2;
	v2 =	vld [tilespmem:$0xBF0]  }
0x19e: {  	[tilespmem:$0xBA0] =	vst v1;
	v1 =	vadd.s32 v0, v3;
	v3 =	vld [tilespmem:$0xC00]  }
0x19f: {  	v61 =	vld [tilespmem:$0xC10];
	[tilespmem:$0xBB0] =	vst v1;
	v1 =	vadd.s32 v0, v58  }
0x1a0: {  	v62 =	vld [tilespmem:$0xC20];
	[tilespmem:$0xBC0] =	vst v1;
	v1 =	vadd.s32 v0, v59  }
0x1a1: {  	v63 =	vld [tilespmem:$0xC30];
	[tilespmem:$0xBD0] =	vst v1;
	v1 =	vadd.s32 v0, v60  }
0x1a2: {  	[tilespmem:$0xBE0] =	vst v1;
	v1 =	vadd.s32 v0, v2  }
.Ltmp2:
0x1a3: {  	[tilespmem:$0xBF0] =	vst v1;
	v1 =	vadd.s32 v0, v3;
	(pc) =	sbr.rel @p0 .LBB2_3-.Ltmp2, $4  }
0x1a4: {  	[tilespmem:$0xC00] =	vst v1;
	v1 =	vadd.s32 v0, v61  }
0x1a5: {  	[tilespmem:$0xC10] =	vst v1;
	v1 =	vadd.s32 v0, v62  }
0x1a6: {  	[tilespmem:$0xC20] =	vst v1;
	v1 =	vadd.s32 v0, v63  }
0x1a7: {  	[tilespmem:$0xC30] =	vst v1  }
0x1a8: {  	s21 =	simm.s32 $0xC00;
	s28 =	simm.s32 $0x38  }
0x1a9: {  	[tilespmem:s7], [sflag:$0x7] =	stream.indirect.gather [hbm4b:s2+s28], $0x80, s21, s28, $0xb8;
	[tilespmem:$0x1CC80] =	vst v63  }
0x1aa: {  	_ = 	snop  }
0x1ab: {  	[tilespmem:s8], [sflag:$0x1] =	stream.indirect.gather [hbm4b:s2+s6], $0x80, s3, s6, $0xb8;
	[tilespmem:$0x1CC80] =	vst v63  }
0x1ac: {  	_ = 	snop  }
0x1ad: {  	[tilespmem:s9], [sflag:$0x1] =	stream.indirect.gather [hbm4b:s2+s6], $0x80, s6, s6, $0xb8;
	[tilespmem:$0x1CC80] =	vst v63  }
0x1ae: {  	_ = 	snop  }
0x1af: {  	[tilespmem:s11], [sflag:$0x2] =	stream.indirect.gather [hbm4b:s2+s6], $0x80, s26, s6, $0xb8;
	[tilespmem:$0x1CC80] =	vst v63  }
0x1b0: {  	s21 =	simm.s32 $0x180  }
0x1b1: {  	[tilespmem:s10], [sflag:$0x2] =	stream.indirect.gather [hbm4b:s2+s6], $0x80, s21, s6, $0xb8;
	[tilespmem:$0x1CC80] =	vst v63  }
0x1b2: {  	s21 =	simm.s32 $0x200  }
0x1b3: {  	[tilespmem:s14], [sflag:$0x3] =	stream.indirect.gather [hbm4b:s2+s6], $0x80, s21, s6, $0xb8;
	[tilespmem:$0x1CC80] =	vst v63  }
0x1b4: {  	s21 =	simm.s32 $0x280  }
0x1b5: {  	[tilespmem:s15], [sflag:$0x3] =	stream.indirect.gather [hbm4b:s2+s6], $0x80, s21, s6, $0xb8;
	[tilespmem:$0x1CC80] =	vst v63  }
0x1b6: {  	_ =	swait.ge [sflag:s13], $0x4000  }
0x1b7: {  	[sflag:s13] =	ssyncset.done $0x0  }
0x1b8: {  	[sflag:s13] =	ssyncadd.s32 $0xFFFFC000  }
0x1b9: {  	_ =	swait.ge [sflag:s13], $0x4000  }
0x1ba: {  	[sflag:s13] =	ssyncset.done $0x0  }
0x1bb: {  	s21 =	rddreg [dreg:$0x4];
	[sflag:s13] =	ssyncadd.s32 $0xFFFFC000  }
0x1bc: {  	[hbm4b:s21+s3] =	stream.linear.scatter [tilespmem:s8], [sflag:$0x4], $0x8000, $0x38;
	[tilespmem:$0x1CC80] =	vst v63  }
0x1bd: {  	_ =	swait.ge [sflag:s16], $0x1C00  }
0x1be: {  	[sflag:s16] =	ssyncset.done $0x0  }
0x1bf: {  	s21 =	rddreg [dreg:$0x5];
	[sflag:s16] =	ssyncadd.s32 $0xFFFFE400  }
0x1c0: {  	[hbm4b:s21+s3] =	stream.linear.scatter [tilespmem:s7], [sflag:$0x8], $0x1C00, $0x38;
	[tilespmem:$0x1CC80] =	vst v63  }
0x1c1: {  	_ =	swait.ge [sflag:s17], $0x8000  }
0x1c2: {  	[sflag:s17] =	ssyncset.done $0x0  }
0x1c3: {  	s21 =	simm.s32 $0x300;
	[sflag:s17] =	ssyncadd.s32 $0xFFFF8000  }
0x1c4: {  	[tilespmem:s8], [sflag:$0x1] =	stream.indirect.gather [hbm4b:s2+s6], $0x80, s21, s6, $0xb8;
	[tilespmem:$0x1CC80] =	vst v63  }
0x1c5: {  	s21 =	simm.s32 $0x380  }
0x1c6: {  	[tilespmem:s9], [sflag:$0x1] =	stream.indirect.gather [hbm4b:s2+s6], $0x80, s21, s6, $0xb8;
	[tilespmem:$0x1CC80] =	vst v63  }
0x1c7: {  	_ =	swait.ge [sflag:s19], $0x4000  }
0x1c8: {  	[sflag:s19] =	ssyncset.done $0x0  }
0x1c9: {  	[sflag:s19] =	ssyncadd.s32 $0xFFFFC000  }
0x1ca: {  	_ =	swait.ge [sflag:s19], $0x4000  }
0x1cb: {  	[sflag:s19] =	ssyncset.done $0x0  }
0x1cc: {  	s21 =	rddreg [dreg:$0x6];
	[sflag:s19] =	ssyncadd.s32 $0xFFFFC000  }
0x1cd: {  	[hbm4b:s21+s3] =	stream.linear.scatter [tilespmem:s11], [sflag:$0x5], $0x8000, $0x38;
	[tilespmem:$0x1CC80] =	vst v63  }
0x1ce: {  	_ =	swait.ge [sflag:s20], $0x8000  }
0x1cf: {  	[sflag:s20] =	ssyncset.done $0x0  }
0x1d0: {  	s21 =	simm.s32 $0x400;
	[sflag:s20] =	ssyncadd.s32 $0xFFFF8000  }
0x1d1: {  	[tilespmem:s11], [sflag:$0x2] =	stream.indirect.gather [hbm4b:s2+s6], $0x80, s21, s6, $0xb8;
	[tilespmem:$0x1CC80] =	vst v63  }
0x1d2: {  	s21 =	simm.s32 $0x480  }
0x1d3: {  	[tilespmem:s10], [sflag:$0x2] =	stream.indirect.gather [hbm4b:s2+s6], $0x80, s21, s6, $0xb8;
	[tilespmem:$0x1CC80] =	vst v63  }
0x1d4: {  	_ =	swait.ge [sflag:s18], $0x4000  }
0x1d5: {  	[sflag:s18] =	ssyncset.done $0x0  }
0x1d6: {  	[sflag:s18] =	ssyncadd.s32 $0xFFFFC000  }
0x1d7: {  	_ =	swait.ge [sflag:s18], $0x4000  }
0x1d8: {  	[sflag:s18] =	ssyncset.done $0x0  }
0x1d9: {  	s21 =	rddreg [dreg:$0x7];
	[sflag:s18] =	ssyncadd.s32 $0xFFFFC000  }
0x1da: {  	[hbm4b:s21+s3] =	stream.linear.scatter [tilespmem:s14], [sflag:$0x6], $0x8000, $0x38;
	[tilespmem:$0x1CC80] =	vst v63  }
0x1db: {  	_ =	swait.ge [sflag:s22], $0x8000  }
0x1dc: {  	[sflag:s22] =	ssyncset.done $0x0  }
0x1dd: {  	s21 =	simm.s32 $0x500;
	[sflag:s22] =	ssyncadd.s32 $0xFFFF8000  }
0x1de: {  	[tilespmem:s14], [sflag:$0x3] =	stream.indirect.gather [hbm4b:s2+s6], $0x80, s21, s6, $0xb8;
	[tilespmem:$0x1CC80] =	vst v63  }
0x1df: {  	s21 =	simm.s32 $0x580  }
0x1e0: {  	[tilespmem:s15], [sflag:$0x3] =	stream.indirect.gather [hbm4b:s2+s6], $0x80, s21, s6, $0xb8;
	[tilespmem:$0x1CC80] =	vst v63  }
0x1e1: {  	_ =	swait.ge [sflag:s13], $0x4000  }
0x1e2: {  	[sflag:s13] =	ssyncset.done $0x0  }
0x1e3: {  	[sflag:s13] =	ssyncadd.s32 $0xFFFFC000  }
0x1e4: {  	_ =	swait.ge [sflag:s13], $0x4000  }
0x1e5: {  	[sflag:s13] =	ssyncset.done $0x0  }
0x1e6: {  	s21 =	rddreg [dreg:$0x8];
	[sflag:s13] =	ssyncadd.s32 $0xFFFFC000  }
0x1e7: {  	[hbm4b:s21+s3] =	stream.linear.scatter [tilespmem:s8], [sflag:$0x4], $0x8000, $0x38;
	[tilespmem:$0x1CC80] =	vst v63  }
0x1e8: {  	_ =	swait.ge [sflag:s17], $0x8000  }
0x1e9: {  	[sflag:s17] =	ssyncset.done $0x0  }
0x1ea: {  	s21 =	simm.s32 $0x600;
	[sflag:s17] =	ssyncadd.s32 $0xFFFF8000  }
0x1eb: {  	[tilespmem:s8], [sflag:$0x1] =	stream.indirect.gather [hbm4b:s2+s6], $0x80, s21, s6, $0xb8;
	[tilespmem:$0x1CC80] =	vst v63  }
0x1ec: {  	s21 =	simm.s32 $0x680  }
0x1ed: {  	[tilespmem:s9], [sflag:$0x1] =	stream.indirect.gather [hbm4b:s2+s6], $0x80, s21, s6, $0xb8;
	[tilespmem:$0x1CC80] =	vst v63  }
0x1ee: {  	_ =	swait.ge [sflag:s19], $0x4000  }
0x1ef: {  	[sflag:s19] =	ssyncset.done $0x0  }
0x1f0: {  	[sflag:s19] =	ssyncadd.s32 $0xFFFFC000  }
0x1f1: {  	_ =	swait.ge [sflag:s19], $0x4000  }
0x1f2: {  	[sflag:s19] =	ssyncset.done $0x0  }
0x1f3: {  	s21 =	rddreg [dreg:$0x9];
	[sflag:s19] =	ssyncadd.s32 $0xFFFFC000  }
0x1f4: {  	[hbm4b:s21+s3] =	stream.linear.scatter [tilespmem:s11], [sflag:$0x5], $0x8000, $0x38;
	[tilespmem:$0x1CC80] =	vst v63  }
0x1f5: {  	_ =	swait.ge [sflag:s20], $0x8000  }
0x1f6: {  	[sflag:s20] =	ssyncset.done $0x0  }
0x1f7: {  	s21 =	simm.s32 $0x700;
	[sflag:s20] =	ssyncadd.s32 $0xFFFF8000  }
0x1f8: {  	[tilespmem:s11], [sflag:$0x2] =	stream.indirect.gather [hbm4b:s2+s6], $0x80, s21, s6, $0xb8;
	[tilespmem:$0x1CC80] =	vst v63  }
0x1f9: {  	s21 =	simm.s32 $0x780  }
0x1fa: {  	[tilespmem:s10], [sflag:$0x2] =	stream.indirect.gather [hbm4b:s2+s6], $0x80, s21, s6, $0xb8;
	[tilespmem:$0x1CC80] =	vst v63  }
0x1fb: {  	_ =	swait.ge [sflag:s18], $0x4000  }
0x1fc: {  	[sflag:s18] =	ssyncset.done $0x0  }
0x1fd: {  	[sflag:s18] =	ssyncadd.s32 $0xFFFFC000  }
0x1fe: {  	_ =	swait.ge [sflag:s18], $0x4000  }
0x1ff: {  	[sflag:s18] =	ssyncset.done $0x0  }
0x200: {  	s21 =	rddreg [dreg:$0xa];
	[sflag:s18] =	ssyncadd.s32 $0xFFFFC000  }
0x201: {  	[hbm4b:s21+s3] =	stream.linear.scatter [tilespmem:s14], [sflag:$0x6], $0x8000, $0x38;
	[tilespmem:$0x1CC80] =	vst v63  }
0x202: {  	_ =	swait.ge [sflag:s22], $0x8000  }
0x203: {  	[sflag:s22] =	ssyncset.done $0x0  }
0x204: {  	s28 =	simm.s32 $0x800;
	[sflag:s22] =	ssyncadd.s32 $0xFFFF8000  }
0x205: {  	[tilespmem:s14], [sflag:$0x3] =	stream.indirect.gather [hbm4b:s2+s6], $0x80, s28, s6, $0xb8;
	[tilespmem:$0x1CC80] =	vst v63  }
0x206: {  	_ = 	snop  }
0x207: {  	[tilespmem:s15], [sflag:$0x3] =	stream.indirect.gather [hbm4b:s2+s6], $0x80, s29, s6, $0xb8;
	[tilespmem:$0x1CC80] =	vst v63  }
0x208: {  	_ =	swait.ge [sflag:s13], $0x4000  }
0x209: {  	[sflag:s13] =	ssyncset.done $0x0  }
0x20a: {  	[sflag:s13] =	ssyncadd.s32 $0xFFFFC000  }
0x20b: {  	_ =	swait.ge [sflag:s13], $0x4000  }
0x20c: {  	[sflag:s13] =	ssyncset.done $0x0  }
0x20d: {  	s21 =	rddreg [dreg:$0xb];
	[sflag:s13] =	ssyncadd.s32 $0xFFFFC000  }
0x20e: {  	[hbm4b:s21+s3] =	stream.linear.scatter [tilespmem:s8], [sflag:$0x4], $0x8000, $0x38;
	[tilespmem:$0x1CC80] =	vst v63  }
0x20f: {  	_ =	swait.ge [sflag:s17], $0x8000  }
0x210: {  	[sflag:s17] =	ssyncset.done $0x0  }
0x211: {  	[sflag:s17] =	ssyncadd.s32 $0xFFFF8000  }
0x212: {  	[tilespmem:s8], [sflag:$0x1] =	stream.indirect.gather [hbm4b:s2+s6], $0x80, s23, s6, $0xb8;
	[tilespmem:$0x1CC80] =	vst v63  }
0x213: {  	_ = 	snop  }
0x214: {  	[tilespmem:s9], [sflag:$0x1] =	stream.indirect.gather [hbm4b:s2+s6], $0x80, s30, s6, $0xb8;
	[tilespmem:$0x1CC80] =	vst v63  }
0x215: {  	_ =	swait.ge [sflag:s19], $0x4000  }
0x216: {  	[sflag:s19] =	ssyncset.done $0x0  }
0x217: {  	[sflag:s19] =	ssyncadd.s32 $0xFFFFC000  }
0x218: {  	_ =	swait.ge [sflag:s19], $0x4000  }
0x219: {  	[sflag:s19] =	ssyncset.done $0x0  }
0x21a: {  	s21 =	rddreg [dreg:$0xc];
	[sflag:s19] =	ssyncadd.s32 $0xFFFFC000  }
0x21b: {  	[hbm4b:s21+s3] =	stream.linear.scatter [tilespmem:s11], [sflag:$0x5], $0x8000, $0x38;
	[tilespmem:$0x1CC80] =	vst v63  }
0x21c: {  	_ =	swait.ge [sflag:s20], $0x8000  }
0x21d: {  	[sflag:s20] =	ssyncset.done $0x0  }
0x21e: {  	[sflag:s20] =	ssyncadd.s32 $0xFFFF8000  }
0x21f: {  	[tilespmem:s11], [sflag:$0x2] =	stream.indirect.gather [hbm4b:s2+s6], $0x80, s31, s6, $0xb8;
	[tilespmem:$0x1CC80] =	vst v63  }
0x220: {  	_ = 	snop  }
0x221: {  	[tilespmem:s10], [sflag:$0x2] =	stream.indirect.gather [hbm4b:s2+s6], $0x80, s24, s6, $0xb8;
	[tilespmem:$0x1CC80] =	vst v63  }
0x222: {  	_ =	swait.ge [sflag:s18], $0x4000  }
0x223: {  	[sflag:s18] =	ssyncset.done $0x0  }
0x224: {  	[sflag:s18] =	ssyncadd.s32 $0xFFFFC000  }
0x225: {  	_ =	swait.ge [sflag:s18], $0x4000  }
0x226: {  	[sflag:s18] =	ssyncset.done $0x0  }
0x227: {  	s21 =	rddreg [dreg:$0xd];
	[sflag:s18] =	ssyncadd.s32 $0xFFFFC000  }
0x228: {  	[hbm4b:s21+s3] =	stream.linear.scatter [tilespmem:s14], [sflag:$0x6], $0x8000, $0x38;
	[tilespmem:$0x1CC80] =	vst v63  }
0x229: {  	_ =	swait.ge [sflag:s22], $0x8000  }
0x22a: {  	[sflag:s22] =	ssyncset.done $0x0  }
0x22b: {  	[sflag:s22] =	ssyncadd.s32 $0xFFFF8000  }
0x22c: {  	[tilespmem:s14], [sflag:$0x3] =	stream.indirect.gather [hbm4b:s2+s6], $0x80, s1, s6, $0xb8;
	[tilespmem:$0x1CC80] =	vst v63  }
0x22d: {  	_ = 	snop  }
0x22e: {  	[tilespmem:s15], [sflag:$0x3] =	stream.indirect.gather [hbm4b:s2+s6], $0x80, s12, s6, $0xb8;
	[tilespmem:$0x1CC80] =	vst v63  }
0x22f: {  	_ =	swait.ge [sflag:s13], $0x4000  }
0x230: {  	[sflag:s13] =	ssyncset.done $0x0  }
0x231: {  	[sflag:s13] =	ssyncadd.s32 $0xFFFFC000  }
0x232: {  	_ =	swait.ge [sflag:s13], $0x4000  }
0x233: {  	[sflag:s13] =	ssyncset.done $0x0  }
0x234: {  	s21 =	rddreg [dreg:$0xe];
	[sflag:s13] =	ssyncadd.s32 $0xFFFFC000  }
0x235: {  	[hbm4b:s21+s3] =	stream.linear.scatter [tilespmem:s8], [sflag:$0x4], $0x8000, $0x38;
	[tilespmem:$0x1CC80] =	vst v63  }
0x236: {  	_ =	swait.ge [sflag:s19], $0x4000  }
0x237: {  	[sflag:s19] =	ssyncset.done $0x0  }
0x238: {  	[sflag:s19] =	ssyncadd.s32 $0xFFFFC000  }
0x239: {  	_ =	swait.ge [sflag:s19], $0x4000  }
0x23a: {  	[sflag:s19] =	ssyncset.done $0x0  }
0x23b: {  	s21 =	rddreg [dreg:$0xf];
	[sflag:s19] =	ssyncadd.s32 $0xFFFFC000  }
0x23c: {  	[hbm4b:s21+s3] =	stream.linear.scatter [tilespmem:s11], [sflag:$0x5], $0x8000, $0x38;
	[tilespmem:$0x1CC80] =	vst v63  }
0x23d: {  	_ =	swait.ge [sflag:s18], $0x4000  }
0x23e: {  	[sflag:s18] =	ssyncset.done $0x0  }
0x23f: {  	[sflag:s18] =	ssyncadd.s32 $0xFFFFC000  }
0x240: {  	_ =	swait.ge [sflag:s18], $0x4000  }
0x241: {  	[sflag:s18] =	ssyncset.done $0x0  }
0x242: {  	s21 =	rddreg [dreg:$0x10];
	[sflag:s18] =	ssyncadd.s32 $0xFFFFC000  }
0x243: {  	[hbm4b:s21+s3] =	stream.linear.scatter [tilespmem:s14], [sflag:$0x6], $0x8000, $0x38;
	[tilespmem:$0x1CC80] =	vst v63  }
0x244: {  	_ =	swait.ge [sflag:s17], $0x8000  }
0x245: {  	[sflag:s17] =	ssyncset.done $0x0  }
0x246: {  	[sflag:s17] =	ssyncadd.s32 $0xFFFF8000  }
0x247: {  	_ =	swait.ge [sflag:s20], $0x8000  }
0x248: {  	[sflag:s20] =	ssyncset.done $0x0  }
0x249: {  	[sflag:s20] =	ssyncadd.s32 $0xFFFF8000  }
0x24a: {  	_ =	swait.ge [sflag:s22], $0x8000  }
.Ltmp3:
0x24b: {  	[sflag:s22] =	ssyncset.done $0x0;
	(pc) =	sbr.rel .LBB2_4-.Ltmp3, $4  }
0x24c: {  	[sflag:s22] =	ssyncadd.s32 $0xFFFF8000  }
0x24d: {  	_ =	swait.ge [sflag:s25], $0x1C00  }
0x24e: {  	[sflag:s25] =	ssyncset.done $0x0  }
0x24f: {  	[sflag:s25] =	ssyncadd.s32 $0xFFFFE400  }
.LBB2_5:
0x250: {  	_ =	sfence.sel $0x180000  }
0x251: {  	[bflag:$0x0] =	sbarrier.arrive $0xFFFF  }
0x252: {  	_ =	strace $0x90000047  }
0x253: {  	s0 =	stileid.u32;
	[bflag:$0x2] =	sbarrier.arrive $0xFFFF  }
0x254: {  	p0 =	sne.s32 s0, $0x0;
	s0 =	rddreg [dreg:$0x3]  }
0x255: {  	s0 =	sadd.s32 @!p0 $0x100000, s0  }
0x256: {  	[sflag:s0] =	ssyncadd.tile.s32 @!p0 $0x1;
	_ =	shalt  }
.Lfunc_end2:
_tile_overlayer_lowered:
.L_overlay_start_2:
0x257: {  	(tag) =	ssettag $0x2  }
0x258: {  	s0 =	rddreg [dreg:$0x0];
	s2 =	stileid.u32  }
0x259: {  	s1 =	rddreg [dreg:$0x1];
	p0 =	sne.s32 s2, $0x0  }
0x25a: {  	s3 =	rddreg [dreg:$0x2];
	[bflag:$0x3] =	sbarrier.arrive $0xFFFF;
	s2 =	simm.s32 @!p0 $0x1C09  }
0x25b: {  	[timem:s3], [sflag:s2] =	dma.local @!p0 [hbm:s0], s1  }
0x25c: {  	s0 =	simm.s32 @!p0 $0x9  }
0x25d: {  	_ =	swait.ge @!p0 [sflag:s0], s1  }
0x25e: {  	s1 =	ssub.s32 @!p0 $0x0, s1;
	[sflag:s0] =	ssyncset.done @!p0 $0x0  }
0x25f: {  	[sflag:s0] =	ssyncadd.s32 @!p0 s1  }
0x260: {  	[bflag:$0x3] =	sbarrier.arrive $0xFFFF  }
0x261: {  	_ =	shalt  }

</sc_bundles>
